<compile_context>
chip_gen: v7x
topology: tpu7x:2x2x1
jax: 0.10.2.dev20260603
libtpu: 0.0.44.dev20260713+nightly
codegen_flags: <defaults>
</compile_context>

<pallas_src>
import functools
import math

import jax
import jax.numpy as jnp
from jax import lax
from jax.experimental import pallas as pl
from jax.experimental.pallas import tpu as pltpu
from jax.experimental.pallas import tpu_sc as plsc

B, S, D, H, E, K = 1, 2048, 768, 1536, 8, 2
T = B * S
P = T * K
MB = 256
NBLK = P // MB + E
NBLK_PAD = 48
PPAD = NBLK * MB

NW = 32
PW = P // NW
TW = T // NW
TCH = 64

MG = 256
TBG = T // MG

_MESH = plsc.VectorSubcoreMesh(core_axis_name="c", subcore_axis_name="s")
_SC_PARAMS = pltpu.CompilerParams(needs_layout_passes=False)


def _wid():
    return lax.axis_index("s") * 2 + lax.axis_index("c")


def _lanes():
    return lax.broadcasted_iota(jnp.int32, (16,), 0)



def _gate_body(x_ref, wg_ref, bg_ref, idx_ref, w_ref):
    xb = x_ref[...]
    s = jnp.dot(xb.astype(jnp.bfloat16), wg_ref[...].astype(jnp.bfloat16),
                preferred_element_type=jnp.float32) + bg_ref[...]
    m_, e_ = s.shape
    col = jax.lax.broadcasted_iota(jnp.int32, (m_, e_), 1)
    m1 = jnp.max(s, axis=1, keepdims=True)
    i1 = jnp.min(jnp.where(s >= m1, col, e_), axis=1, keepdims=True)
    s2 = jnp.where(col == i1, -jnp.inf, s)
    m2 = jnp.max(s2, axis=1, keepdims=True)
    i2 = jnp.min(jnp.where(s2 >= m2, col, e_), axis=1, keepdims=True)
    b = jnp.exp(m2 - m1)
    w1 = 1.0 / (1.0 + b)
    idx_ref[...] = jnp.concatenate([i1, i2], axis=1)
    w_ref[...] = jnp.concatenate([w1, 1.0 - w1], axis=1)


def _gate(x_flat, Wg, bg):
    return pl.pallas_call(
        _gate_body,
        grid=(TBG,),
        in_specs=[
            pl.BlockSpec((MG, D), lambda tb: (tb, 0)),
            pl.BlockSpec((D, E), lambda tb: (0, 0)),
            pl.BlockSpec((1, E), lambda tb: (0, 0)),
        ],
        out_specs=[
            pl.BlockSpec((MG, K), lambda tb: (tb, 0)),
            pl.BlockSpec((MG, K), lambda tb: (tb, 0)),
        ],
        out_shape=[
            jax.ShapeDtypeStruct((T, K), jnp.int32),
            jax.ShapeDtypeStruct((T, K), jnp.float32),
        ],
    )(x_flat, Wg, bg.reshape(1, E))



@functools.partial(
    pl.kernel, mesh=_MESH, compiler_params=_SC_PARAMS,
    out_type=jax.ShapeDtypeStruct((NW, 16), jnp.int32),
    scratch_types=[
        pltpu.VMEM((PW,), jnp.int32),
        pltpu.VMEM((16,), jnp.int32),
    ],
)
def _hist_kernel(e_hbm, counts_hbm, ids_v, hist_v):
    w = _wid()
    pltpu.sync_copy(e_hbm.at[pl.ds(w * PW, PW)], ids_v)
    lanes = _lanes()
    zeros16 = jnp.zeros((16,), jnp.int32)
    ones16 = jnp.ones((16,), jnp.int32)
    cnt = [zeros16] * E
    for j in range(PW // 16):
        ids = ids_v[pl.ds(j * 16, 16)]
        for e in range(E):
            m = ids == jnp.full((16,), e, jnp.int32)
            cnt[e] = cnt[e] + plsc.all_reduce_population_count(m)
    hist = zeros16
    for e in range(E):
        hist = jnp.where(lanes == jnp.full((16,), e, jnp.int32),
                         cnt[e], hist)
    hist_v[...] = hist
    pltpu.sync_copy(hist_v, counts_hbm.at[w])



@functools.partial(
    pl.kernel, mesh=_MESH, compiler_params=_SC_PARAMS,
    out_type=[
        jax.ShapeDtypeStruct((PPAD, D), jnp.float32),
        jax.ShapeDtypeStruct((PPAD,), jnp.float32),
        jax.ShapeDtypeStruct((P,), jnp.int32),
        jax.ShapeDtypeStruct((NBLK_PAD,), jnp.int32),
    ],
    scratch_types=[
        pltpu.VMEM((NW, 16), jnp.int32),
        pltpu.VMEM((PW,), jnp.int32),
        pltpu.VMEM((PW,), jnp.float32),
        pltpu.VMEM((PW,), jnp.int32),
        pltpu.VMEM((PW, D), jnp.float32),
        pltpu.VMEM((NBLK_PAD,), jnp.int32),
        pltpu.SemaphoreType.DMA,
        pltpu.SemaphoreType.DMA,
        pltpu.SemaphoreType.DMA,
        pltpu.SemaphoreType.DMA,
    ],
)
def _place_kernel(e_hbm, pw_hbm, counts_hbm, x_hbm,
                  xs_hbm, wsort_hbm, pairpos_hbm, bexp_hbm,
                  counts_v, ids_v, wv_v, pos_v, xrows_v, be_v,
                  sem, sem2, sem3, sem4):
    w = _wid()
    tbase = pl.multiple_of((w * PW) & (T - 1), PW)
    xcp = pltpu.async_copy(x_hbm.at[pl.ds(tbase, PW)], xrows_v, sem)
    ccp = pltpu.async_copy(counts_hbm, counts_v, sem2)
    icp = pltpu.async_copy(e_hbm.at[pl.ds(w * PW, PW)], ids_v, sem3)
    wcp = pltpu.async_copy(pw_hbm.at[pl.ds(w * PW, PW)], wv_v, sem4)
    ccp.wait()
    icp.wait()
    wcp.wait()

    def bcast(s):
        return jnp.full((16,), s, jnp.int32)

    zeros16 = jnp.zeros((16,), jnp.int32)
    ones16 = jnp.ones((16,), jnp.int32)
    lanes = _lanes()
    wv16 = bcast(w)

    totals = zeros16
    prefix = zeros16
    for wp in range(NW):
        row = counts_v[wp, :]
        totals = totals + row
        prefix = prefix + jnp.where(bcast(wp) < wv16, row, zeros16)

    cpad = ((totals + bcast(MB - 1)) // bcast(MB)) * bcast(MB)
    ends = plsc.cumsum(cpad)
    gpad = ends - cpad
    start = gpad + prefix

    cnt = [bcast(jnp.sum(jnp.where(lanes == bcast(e), start, zeros16)))
           for e in range(E)]

    for j in range(PW // 16):
        ids = ids_v[pl.ds(j * 16, 16)]
        pos = zeros16
        for e in range(E):
            m = ids == bcast(e)
            mi = jnp.where(m, ones16, zeros16)
            rank = plsc.cumsum(mi) - ones16
            pos = jnp.where(m, cnt[e] + rank, pos)
            cnt[e] = cnt[e] + plsc.all_reduce_population_count(m)
        pos_v[pl.ds(j * 16, 16)] = pos

    xcp.wait()
    ocp1 = pltpu.async_copy(xrows_v, xs_hbm.at[pos_v], sem)
    ocp2 = pltpu.async_copy(wv_v, wsort_hbm.at[pos_v], sem2)
    ocp3 = pltpu.async_copy(pos_v, pairpos_hbm.at[pl.ds(w * PW, PW)], sem3)
    ocp1.wait()
    ocp2.wait()
    ocp3.wait()

    @pl.when(w == 0)
    def _():
        nused = bcast(jnp.sum(jnp.where(lanes == bcast(E - 1), ends,
                                        zeros16))) // bcast(MB)
        for j in range(NBLK_PAD // 16):
            bstart = (bcast(j * 16) + lanes) * bcast(MB)
            be = zeros16
            for e in range(E - 1):
                end_e = bcast(jnp.sum(jnp.where(lanes == bcast(e), ends,
                                                zeros16)))
                be = be + jnp.where(bstart >= end_e, ones16, zeros16)
            if j == NBLK_PAD // 16 - 1:
                be = jnp.where(lanes == bcast(15), nused, be)
            be_v[pl.ds(j * 16, 16)] = be
        pltpu.sync_copy(be_v, bexp_hbm)



def _gelu_exact(v):
    return 0.5 * v * (1.0 + jax.lax.erf(v * (1.0 / math.sqrt(2.0))))


def _mlp_body(be_ref, xs_ref, w1_ref, b1_ref, w2_ref, b2_ref, ws_ref, y_ref,
              w1f_s, w2f_s, w1bf_s, w2bf_s, sems):
    b = pl.program_id(0)
    nused = be_ref[NBLK_PAD - 1]

    isb = []
    ords = []
    o = jnp.int32(-1)
    for bp in range(NBLK):
        first = jnp.logical_and(
            bp < nused,
            (be_ref[bp] != be_ref[bp - 1]) if bp else jnp.bool_(True))
        isb.append(first)
        o = o + first.astype(jnp.int32)
        ords.append(o)

    def sel(vals, idx):
        acc = jnp.int32(0)
        for bp in range(NBLK):
            acc = jnp.where(idx == bp, vals[bp].astype(jnp.int32), acc)
        return acc

    ordb = sel(ords, b)
    new_exp = sel(isb, b) > 0

    def group_expert(m):
        ge = jnp.int32(0)
        ex = jnp.bool_(False)
        for bp in range(NBLK):
            hit = jnp.logical_and(isb[bp], ords[bp] == m)
            ge = jnp.where(hit, be_ref[bp], ge)
            ex = jnp.logical_or(ex, hit)
        return ge, ex

    def fetch(m, slot):
        ge, ex = group_expert(m)

        @pl.when(ex)
        def _():
            pltpu.make_async_copy(w1_ref.at[ge], w1f_s.at[slot],
                                  sems.at[slot]).start()
            pltpu.make_async_copy(w2_ref.at[ge], w2f_s.at[slot],
                                  sems.at[slot]).start()

    @pl.when(b == 0)
    def _():
        fetch(jnp.int32(0), jnp.int32(0))
        fetch(jnp.int32(1), jnp.int32(1))

    @pl.when(jnp.logical_and(b < nused, new_exp))
    def _():
        slot = jnp.remainder(ordb, 2)
        e_cur = be_ref[b]
        pltpu.make_async_copy(w1_ref.at[e_cur], w1f_s.at[slot],
                              sems.at[slot]).wait()
        pltpu.make_async_copy(w2_ref.at[e_cur], w2f_s.at[slot],
                              sems.at[slot]).wait()
        w1bf_s[...] = w1f_s[slot].astype(jnp.bfloat16)
        w2bf_s[...] = w2f_s[slot].astype(jnp.bfloat16)
        fetch(ordb + 2, slot)

    @pl.when(b < nused)
    def _():
        xb = xs_ref[...].astype(jnp.bfloat16)
        h = jnp.dot(xb, w1bf_s[...], preferred_element_type=jnp.float32)
        h = _gelu_exact(h + b1_ref[0])
        y = jnp.dot(h.astype(jnp.bfloat16), w2bf_s[...],
                    preferred_element_type=jnp.float32) + b2_ref[0]
        y_ref[...] = ws_ref[...] * y


def _grouped_mlp(block_expert, Xs, W1, b1, W2, b2, w_sorted):
    grid_spec = pltpu.PrefetchScalarGridSpec(
        num_scalar_prefetch=1,
        grid=(NBLK,),
        in_specs=[
            pl.BlockSpec((MB, D), lambda b, be: (b, 0)),
            pl.BlockSpec(memory_space=pl.ANY),
            pl.BlockSpec((1, 1, H), lambda b, be: (be[b], 0, 0)),
            pl.BlockSpec(memory_space=pl.ANY),
            pl.BlockSpec((1, 1, D), lambda b, be: (be[b], 0, 0)),
            pl.BlockSpec((MB, 1), lambda b, be: (b, 0)),
        ],
        out_specs=pl.BlockSpec((MB, D), lambda b, be: (b, 0)),
        scratch_shapes=[
            pltpu.VMEM((2, D, H), jnp.float32),
            pltpu.VMEM((2, H, D), jnp.float32),
            pltpu.VMEM((D, H), jnp.bfloat16),
            pltpu.VMEM((H, D), jnp.bfloat16),
            pltpu.SemaphoreType.DMA((2,)),
        ],
    )
    return pl.pallas_call(
        _mlp_body,
        grid_spec=grid_spec,
        out_shape=jax.ShapeDtypeStruct((PPAD, D), jnp.float32),
    )(block_expert, Xs, W1, b1.reshape(E, 1, H), W2,
      b2.reshape(E, 1, D), w_sorted.reshape(PPAD, 1))



@functools.partial(
    pl.kernel, mesh=_MESH, compiler_params=_SC_PARAMS,
    out_type=jax.ShapeDtypeStruct((T, D), jnp.float32),
    scratch_types=[
        pltpu.VMEM((TCH,), jnp.int32),
        pltpu.VMEM((TCH,), jnp.int32),
        pltpu.VMEM((TCH, D), jnp.float32),
        pltpu.VMEM((TCH, D), jnp.float32),
        pltpu.SemaphoreType.DMA,
        pltpu.SemaphoreType.DMA,
    ],
)
def _combine_kernel(y_hbm, pairpos_hbm, out_hbm, idx0_v, idx1_v, buf0, buf1,
                    sem0, sem1):
    w = _wid()
    for c in range(TW // TCH):
        tbase = w * TW + c * TCH
        i0 = pltpu.async_copy(pairpos_hbm.at[pl.ds(tbase, TCH)], idx0_v, sem0)
        i1 = pltpu.async_copy(pairpos_hbm.at[pl.ds(T + tbase, TCH)], idx1_v,
                              sem1)
        i0.wait()
        i1.wait()
        cp0 = pltpu.async_copy(y_hbm.at[idx0_v], buf0, sem0)
        cp1 = pltpu.async_copy(y_hbm.at[idx1_v], buf1, sem1)
        cp0.wait()
        cp1.wait()

        def add_row(i, carry):
            for cc in range(D // 16):
                a = buf0[i, pl.ds(cc * 16, 16)]
                b = buf1[i, pl.ds(cc * 16, 16)]
                buf0[i, pl.ds(cc * 16, 16)] = a + b
            return carry

        lax.fori_loop(0, TCH, add_row, 0)
        pltpu.sync_copy(buf0, out_hbm.at[pl.ds(tbase, TCH)])



@jax.jit
def kernel(x, Wg, bg, W1, b1, W2, b2):
    x_flat = x.reshape(T, D)
    idx, pw = _gate(x_flat, Wg, bg)
    e_flat = idx.T.reshape(P)
    pw_flat = pw.T.reshape(P)

    counts = _hist_kernel(e_flat)
    Xs, w_sorted, pair_pos, block_expert = _place_kernel(
        e_flat, pw_flat, counts, x_flat)
    Y = _grouped_mlp(block_expert, Xs, W1, b1, W2, b2, w_sorted)
    out = _combine_kernel(Y, pair_pos)
    return out.reshape(B, S, D)

# --- scband reference (transcript-rebuilt; emitter-appended) ---
"""Pipeline reference for scband-sparse-mo-e-14370960572799 (READ-ONLY COPY).

The authoritative reference and input builder live on the scoring server;
editing this copy changes nothing except your own understanding.
"""

import jax, jax.numpy as jnp
import numpy as np

B, S, D, H, E, K = 1, 2048, 768, 1536, 8, 2

def setup_inputs(seed: int = 0) -> dict:
    key = jax.random.key(seed)
    ks = jax.random.split(key, 8)
    x = jax.random.normal(ks[0], (B, S, D), dtype=jnp.float32)
    Wg = jax.random.normal(ks[1], (D, E), dtype=jnp.float32) * 0.02
    bg = jnp.zeros((E,), dtype=jnp.float32)
    W1 = jax.random.normal(ks[2], (E, D, H), dtype=jnp.float32) * 0.02
    b1 = jnp.zeros((E, H), dtype=jnp.float32)
    W2 = jax.random.normal(ks[3], (E, H, D), dtype=jnp.float32) * 0.02
    b2 = jnp.zeros((E, D), dtype=jnp.float32)
    return {"x": x, "Wg": Wg, "bg": bg, "W1": W1, "b1": b1, "W2": W2, "b2": b2}

def reference(x, Wg, bg, W1, b1, W2, b2):
    b, s, d = x.shape
    x_flat = x.reshape(b * s, d)
    # gating network
    gate_scores = x_flat @ Wg + bg
    topk_scores, topk_indices = jax.lax.top_k(gate_scores, K)
    routing_weights = jax.nn.softmax(topk_scores, axis=1)
    # compute every expert's MLP output for all tokens (math identical to masked dispatch)
    h = jnp.einsum('td,edh->teh', x_flat, W1) + b1[None, :, :]
    h = jax.nn.gelu(h, approximate=False)
    expert_out = jnp.einsum('teh,ehd->ted', h, W2) + b2[None, :, :]  # [T, E, D]
    # gather the top-k experts' outputs per token and combine with routing weights
    sel = jnp.take_along_axis(expert_out, topk_indices[:, :, None], axis=1)  # [T, K, D]
    output = jnp.sum(routing_weights[:, :, None] * sel, axis=1)  # [T, D]
    return output.reshape(b, s, -1)

if __name__ == "__main__":
    import jax
    _d = setup_inputs()
    print(jax.jit(kernel)(*tuple(_d.values())))

</pallas_src>

<mosaic_0001>
#map = affine_map<(d0, d1) -> (0, 0)>
#map1 = affine_map<(d0, d1) -> (0)>
module attributes {stable_mosaic.version = 14 : i64} {
  func.func @_combine_kernel(%arg0: i32, %arg1: i32, %arg2: memref<6144x768xf32, #tpu.memory_space<hbm>>, %arg3: memref<4096xi32, #tpu.memory_space<hbm>>, %arg4: memref<2048x768xf32, #tpu.memory_space<hbm>>, %arg5: memref<64xi32, #tpu.memory_space<vmem>>, %arg6: memref<64xi32, #tpu.memory_space<vmem>>, %arg7: memref<64x768xf32, #tpu.memory_space<vmem>>, %arg8: memref<64x768xf32, #tpu.memory_space<vmem>>, %arg9: memref<!tpu.dma_semaphore, #tpu.memory_space<semaphore_mem>>, %arg10: memref<!tpu.dma_semaphore, #tpu.memory_space<semaphore_mem>>) attributes {dimension_semantics = [#tpu.dimension_semantics<core_parallel>, #tpu.dimension_semantics<subcore_parallel>], iteration_bounds = array<i64: 2, 16>, scalar_prefetch = 0 : i64, scratch_operands = 6 : i64, tpu.core_type = #tpu.core_type<sc_vector_subcore>, window_params = [{transform_indices = #map}, {transform_indices = #map1}, {transform_indices = #map}]} {
    %mul3A = arith.constant 2 : i32
    %mul3A_0 = arith.muli %arg1, %mul3A : i32
    %add3A = arith.addi %mul3A_0, %arg0 : i32
    %mul3A_1 = arith.constant 64 : i32
    %mul3A_2 = arith.muli %add3A, %mul3A_1 : i32
    %add3A_3 = arith.constant 0 : i32
    %add3A_4 = arith.addi %mul3A_2, %add3A_3 : i32
    %dma_start3A = tpu.memref_slice %arg3[%add3A_4] : memref<4096xi32, #tpu.memory_space<hbm>> -> memref<64xi32, #tpu.memory_space<hbm>>
    %dma_start3A_5 = tpu.memref_slice %arg3[%add3A_4] : memref<4096xi32, #tpu.memory_space<hbm>> -> memref<64xi32, #tpu.memory_space<hbm>>
    tpu.enqueue_dma source(%dma_start3A_5 : memref<64xi32, #tpu.memory_space<hbm>>) target(%arg5 : memref<64xi32, #tpu.memory_space<vmem>>) target_semaphore(%arg9 : memref<!tpu.dma_semaphore, #tpu.memory_space<semaphore_mem>>)
    %add3A_6 = arith.constant 2048 : i32
    %add3A_7 = arith.addi %add3A_6, %add3A_4 : i32
    %dma_start3A_8 = tpu.memref_slice %arg3[%add3A_7] : memref<4096xi32, #tpu.memory_space<hbm>> -> memref<64xi32, #tpu.memory_space<hbm>>
    %dma_start3A_9 = tpu.memref_slice %arg3[%add3A_7] : memref<4096xi32, #tpu.memory_space<hbm>> -> memref<64xi32, #tpu.memory_space<hbm>>
    tpu.enqueue_dma source(%dma_start3A_9 : memref<64xi32, #tpu.memory_space<hbm>>) target(%arg6 : memref<64xi32, #tpu.memory_space<vmem>>) target_semaphore(%arg10 : memref<!tpu.dma_semaphore, #tpu.memory_space<semaphore_mem>>)
    %dma_wait3A = tpu.memref_slice %arg3[%add3A_4] : memref<4096xi32, #tpu.memory_space<hbm>> -> memref<64xi32, #tpu.memory_space<hbm>>
    %dma_wait3A_10 = tpu.memref_slice %arg3[%add3A_4] : memref<4096xi32, #tpu.memory_space<hbm>> -> memref<64xi32, #tpu.memory_space<hbm>>
    tpu.wait_dma2 semaphore(%arg9 : memref<!tpu.dma_semaphore, #tpu.memory_space<semaphore_mem>>) src(%dma_wait3A_10 : memref<64xi32, #tpu.memory_space<hbm>>) dst(%arg5 : memref<64xi32, #tpu.memory_space<vmem>>)
    %dma_wait3A_11 = tpu.memref_slice %arg3[%add3A_7] : memref<4096xi32, #tpu.memory_space<hbm>> -> memref<64xi32, #tpu.memory_space<hbm>>
    %dma_wait3A_12 = tpu.memref_slice %arg3[%add3A_7] : memref<4096xi32, #tpu.memory_space<hbm>> -> memref<64xi32, #tpu.memory_space<hbm>>
    tpu.wait_dma2 semaphore(%arg10 : memref<!tpu.dma_semaphore, #tpu.memory_space<semaphore_mem>>) src(%dma_wait3A_12 : memref<64xi32, #tpu.memory_space<hbm>>) dst(%arg6 : memref<64xi32, #tpu.memory_space<vmem>>)
    %dma_start3A_13 = arith.constant 0 : i32
    %dma_start3A_14 = arith.constant 0 : i32
    %dma_start3A_15 = tpu.memref_slice %arg2[%dma_start3A_13, %dma_start3A_14] : memref<6144x768xf32, #tpu.memory_space<hbm>> -> memref<6144x768xf32, #tpu.memory_space<hbm>>
    tpu.enqueue_indirect_dma source(%dma_start3A_15 : memref<6144x768xf32, #tpu.memory_space<hbm>>) target(%arg7 : memref<64x768xf32, #tpu.memory_space<vmem>>) offsets(%arg5 : memref<64xi32, #tpu.memory_space<vmem>>) semaphore(%arg9 : memref<!tpu.dma_semaphore, #tpu.memory_space<semaphore_mem>>)
    %dma_start3A_16 = arith.constant 0 : i32
    %dma_start3A_17 = arith.constant 0 : i32
    %dma_start3A_18 = tpu.memref_slice %arg2[%dma_start3A_16, %dma_start3A_17] : memref<6144x768xf32, #tpu.memory_space<hbm>> -> memref<6144x768xf32, #tpu.memory_space<hbm>>
    tpu.enqueue_indirect_dma source(%dma_start3A_18 : memref<6144x768xf32, #tpu.memory_space<hbm>>) target(%arg8 : memref<64x768xf32, #tpu.memory_space<vmem>>) offsets(%arg6 : memref<64xi32, #tpu.memory_space<vmem>>) semaphore(%arg10 : memref<!tpu.dma_semaphore, #tpu.memory_space<semaphore_mem>>)
    %dma_wait3A_19 = arith.constant 0 : i32
    %dma_wait3A_20 = arith.constant 0 : i32
    %dma_wait3A_21 = tpu.memref_slice %arg2[%dma_wait3A_19, %dma_wait3A_20] : memref<6144x768xf32, #tpu.memory_space<hbm>> -> memref<6144x768xf32, #tpu.memory_space<hbm>>
    tpu.wait_indirect_dma semaphore(%arg9 : memref<!tpu.dma_semaphore, #tpu.memory_space<semaphore_mem>>) src(%dma_wait3A_21 : memref<6144x768xf32, #tpu.memory_space<hbm>>) dst(%arg7 : memref<64x768xf32, #tpu.memory_space<vmem>>)
    %dma_wait3A_22 = arith.constant 0 : i32
    %dma_wait3A_23 = arith.constant 0 : i32
    %dma_wait3A_24 = tpu.memref_slice %arg2[%dma_wait3A_22, %dma_wait3A_23] : memref<6144x768xf32, #tpu.memory_space<hbm>> -> memref<6144x768xf32, #tpu.memory_space<hbm>>
    tpu.wait_indirect_dma semaphore(%arg10 : memref<!tpu.dma_semaphore, #tpu.memory_space<semaphore_mem>>) src(%dma_wait3A_24 : memref<6144x768xf32, #tpu.memory_space<hbm>>) dst(%arg8 : memref<64x768xf32, #tpu.memory_space<vmem>>)
    %scan3A = arith.constant 0 : i32
    %scan3A_25 = arith.constant 0 : i32
    %scan3A_26 = arith.constant 64 : i32
    %scan3A_27 = arith.addi %scan3A_25, %scan3A_26 : i32
    %scan3A_28 = arith.constant 1 : i32
    scf.for %scan3A_30 = %scan3A_25 to %scan3A_27 step %scan3A_28  : i32 {
      %get3A = arith.index_cast %scan3A_30 : i32 to index
      %get3A_31 = arith.constant 0 : index
      %get3A_32 = tpu.vector_load %arg7[%get3A, %get3A_31] {strides = array<i32>} : memref<64x768xf32, #tpu.memory_space<vmem>>, vector<16xf32>,
      %get3A_33 = arith.index_cast %scan3A_30 : i32 to index
      %get3A_34 = arith.constant 0 : index
      %get3A_35 = tpu.vector_load %arg8[%get3A_33, %get3A_34] {strides = array<i32>} : memref<64x768xf32, #tpu.memory_space<vmem>>, vector<16xf32>,
      %add3A_36 = arith.addf %get3A_32, %get3A_35 : vector<16xf32>
      %swap3A = arith.index_cast %scan3A_30 : i32 to index
      %swap3A_37 = arith.constant 0 : index
      %swap3A_38 = tpu.vector_load %arg7[%swap3A, %swap3A_37] {strides = array<i32>} : memref<64x768xf32, #tpu.memory_space<vmem>>, vector<16xf32>,
      tpu.vector_store %arg7[%swap3A, %swap3A_37], %add3A_36 {strides = array<i32>} : memref<64x768xf32, #tpu.memory_space<vmem>>, vector<16xf32>,
      %get3A_39 = arith.index_cast %scan3A_30 : i32 to index
      %get3A_40 = arith.constant 16 : index
      %get3A_41 = tpu.vector_load %arg7[%get3A_39, %get3A_40] {strides = array<i32>} : memref<64x768xf32, #tpu.memory_space<vmem>>, vector<16xf32>,
      %get3A_42 = arith.index_cast %scan3A_30 : i32 to index
      %get3A_43 = arith.constant 16 : index
      %get3A_44 = tpu.vector_load %arg8[%get3A_42, %get3A_43] {strides = array<i32>} : memref<64x768xf32, #tpu.memory_space<vmem>>, vector<16xf32>,
      %add3A_45 = arith.addf %get3A_41, %get3A_44 : vector<16xf32>
      %swap3A_46 = arith.index_cast %scan3A_30 : i32 to index
      %swap3A_47 = arith.constant 16 : index
      %swap3A_48 = tpu.vector_load %arg7[%swap3A_46, %swap3A_47] {strides = array<i32>} : memref<64x768xf32, #tpu.memory_space<vmem>>, vector<16xf32>,
      tpu.vector_store %arg7[%swap3A_46, %swap3A_47], %add3A_45 {strides = array<i32>} : memref<64x768xf32, #tpu.memory_space<vmem>>, vector<16xf32>,
      %get3A_49 = arith.index_cast %scan3A_30 : i32 to index
      %get3A_50 = arith.constant 32 : index
      %get3A_51 = tpu.vector_load %arg7[%get3A_49, %get3A_50] {strides = array<i32>} : memref<64x768xf32, #tpu.memory_space<vmem>>, vector<16xf32>,
      %get3A_52 = arith.index_cast %scan3A_30 : i32 to index
      %get3A_53 = arith.constant 32 : index
      %get3A_54 = tpu.vector_load %arg8[%get3A_52, %get3A_53] {strides = array<i32>} : memref<64x768xf32, #tpu.memory_space<vmem>>, vector<16xf32>,
      %add3A_55 = arith.addf %get3A_51, %get3A_54 : vector<16xf32>
      %swap3A_56 = arith.index_cast %scan3A_30 : i32 to index
      %swap3A_57 = arith.constant 32 : index
      %swap3A_58 = tpu.vector_load %arg7[%swap3A_56, %swap3A_57] {strides = array<i32>} : memref<64x768xf32, #tpu.memory_space<vmem>>, vector<16xf32>,
      tpu.vector_store %arg7[%swap3A_56, %swap3A_57], %add3A_55 {strides = array<i32>} : memref<64x768xf32, #tpu.memory_space<vmem>>, vector<16xf32>,
      %get3A_59 = arith.index_cast %scan3A_30 : i32 to index
      %get3A_60 = arith.constant 48 : index
      %get3A_61 = tpu.vector_load %arg7[%get3A_59, %get3A_60] {strides = array<i32>} : memref<64x768xf32, #tpu.memory_space<vmem>>, vector<16xf32>,
      %get3A_62 = arith.index_cast %scan3A_30 : i32 to index
      %get3A_63 = arith.constant 48 : index
      %get3A_64 = tpu.vector_load %arg8[%get3A_62, %get3A_63] {strides = array<i32>} : memref<64x768xf32, #tpu.memory_space<vmem>>, vector<16xf32>,
      %add3A_65 = arith.addf %get3A_61, %get3A_64 : vector<16xf32>
      %swap3A_66 = arith.index_cast %scan3A_30 : i32 to index
      %swap3A_67 = arith.constant 48 : index
      %swap3A_68 = tpu.vector_load %arg7[%swap3A_66, %swap3A_67] {strides = array<i32>} : memref<64x768xf32, #tpu.memory_space<vmem>>, vector<16xf32>,
      tpu.vector_store %arg7[%swap3A_66, %swap3A_67], %add3A_65 {strides = array<i32>} : memref<64x768xf32, #tpu.memory_space<vmem>>, vector<16xf32>,
      %get3A_69 = arith.index_cast %scan3A_30 : i32 to index
      %get3A_70 = arith.constant 64 : index
      %get3A_71 = tpu.vector_load %arg7[%get3A_69, %get3A_70] {strides = array<i32>} : memref<64x768xf32, #tpu.memory_space<vmem>>, vector<16xf32>,
      %get3A_72 = arith.index_cast %scan3A_30 : i32 to index
      %get3A_73 = arith.constant 64 : index
      %get3A_74 = tpu.vector_load %arg8[%get3A_72, %get3A_73] {strides = array<i32>} : memref<64x768xf32, #tpu.memory_space<vmem>>, vector<16xf32>,
      %add3A_75 = arith.addf %get3A_71, %get3A_74 : vector<16xf32>
      %swap3A_76 = arith.index_cast %scan3A_30 : i32 to index
      %swap3A_77 = arith.constant 64 : index
      %swap3A_78 = tpu.vector_load %arg7[%swap3A_76, %swap3A_77] {strides = array<i32>} : memref<64x768xf32, #tpu.memory_space<vmem>>, vector<16xf32>,
      tpu.vector_store %arg7[%swap3A_76, %swap3A_77], %add3A_75 {strides = array<i32>} : memref<64x768xf32, #tpu.memory_space<vmem>>, vector<16xf32>,
      %get3A_79 = arith.index_cast %scan3A_30 : i32 to index
      %get3A_80 = arith.constant 80 : index
      %get3A_81 = tpu.vector_load %arg7[%get3A_79, %get3A_80] {strides = array<i32>} : memref<64x768xf32, #tpu.memory_space<vmem>>, vector<16xf32>,
      %get3A_82 = arith.index_cast %scan3A_30 : i32 to index
      %get3A_83 = arith.constant 80 : index
      %get3A_84 = tpu.vector_load %arg8[%get3A_82, %get3A_83] {strides = array<i32>} : memref<64x768xf32, #tpu.memory_space<vmem>>, vector<16xf32>,
      %add3A_85 = arith.addf %get3A_81, %get3A_84 : vector<16xf32>
      %swap3A_86 = arith.index_cast %scan3A_30 : i32 to index
      %swap3A_87 = arith.constant 80 : index
      %swap3A_88 = tpu.vector_load %arg7[%swap3A_86, %swap3A_87] {strides = array<i32>} : memref<64x768xf32, #tpu.memory_space<vmem>>, vector<16xf32>,
      tpu.vector_store %arg7[%swap3A_86, %swap3A_87], %add3A_85 {strides = array<i32>} : memref<64x768xf32, #tpu.memory_space<vmem>>, vector<16xf32>,
      %get3A_89 = arith.index_cast %scan3A_30 : i32 to index
      %get3A_90 = arith.constant 96 : index
      %get3A_91 = tpu.vector_load %arg7[%get3A_89, %get3A_90] {strides = array<i32>} : memref<64x768xf32, #tpu.memory_space<vmem>>, vector<16xf32>,
      %get3A_92 = arith.index_cast %scan3A_30 : i32 to index
      %get3A_93 = arith.constant 96 : index
      %get3A_94 = tpu.vector_load %arg8[%get3A_92, %get3A_93] {strides = array<i32>} : memref<64x768xf32, #tpu.memory_space<vmem>>, vector<16xf32>,
      %add3A_95 = arith.addf %get3A_91, %get3A_94 : vector<16xf32>
      %swap3A_96 = arith.index_cast %scan3A_30 : i32 to index
      %swap3A_97 = arith.constant 96 : index
      %swap3A_98 = tpu.vector_load %arg7[%swap3A_96, %swap3A_97] {strides = array<i32>} : memref<64x768xf32, #tpu.memory_space<vmem>>, vector<16xf32>,
      tpu.vector_store %arg7[%swap3A_96, %swap3A_97], %add3A_95 {strides = array<i32>} : memref<64x768xf32, #tpu.memory_space<vmem>>, vector<16xf32>,
      %get3A_99 = arith.index_cast %scan3A_30 : i32 to index
      %get3A_100 = arith.constant 112 : index
      %get3A_101 = tpu.vector_load %arg7[%get3A_99, %get3A_100] {strides = array<i32>} : memref<64x768xf32, #tpu.memory_space<vmem>>, vector<16xf32>,
      %get3A_102 = arith.index_cast %scan3A_30 : i32 to index
      %get3A_103 = arith.constant 112 : index
      %get3A_104 = tpu.vector_load %arg8[%get3A_102, %get3A_103] {strides = array<i32>} : memref<64x768xf32, #tpu.memory_space<vmem>>, vector<16xf32>,
      %add3A_105 = arith.addf %get3A_101, %get3A_104 : vector<16xf32>
      %swap3A_106 = arith.index_cast %scan3A_30 : i32 to index
      %swap3A_107 = arith.constant 112 : index
      %swap3A_108 = tpu.vector_load %arg7[%swap3A_106, %swap3A_107] {strides = array<i32>} : memref<64x768xf32, #tpu.memory_space<vmem>>, vector<16xf32>,
      tpu.vector_store %arg7[%swap3A_106, %swap3A_107], %add3A_105 {strides = array<i32>} : memref<64x768xf32, #tpu.memory_space<vmem>>, vector<16xf32>,
      %get3A_109 = arith.index_cast %scan3A_30 : i32 to index
      %get3A_110 = arith.constant 128 : index
      %get3A_111 = tpu.vector_load %arg7[%get3A_109, %get3A_110] {strides = array<i32>} : memref<64x768xf32, #tpu.memory_space<vmem>>, vector<16xf32>,
      %get3A_112 = arith.index_cast %scan3A_30 : i32 to index
      %get3A_113 = arith.constant 128 : index
      %get3A_114 = tpu.vector_load %arg8[%get3A_112, %get3A_113] {strides = array<i32>} : memref<64x768xf32, #tpu.memory_space<vmem>>, vector<16xf32>,
      %add3A_115 = arith.addf %get3A_111, %get3A_114 : vector<16xf32>
      %swap3A_116 = arith.index_cast %scan3A_30 : i32 to index
      %swap3A_117 = arith.constant 128 : index
      %swap3A_118 = tpu.vector_load %arg7[%swap3A_116, %swap3A_117] {strides = array<i32>} : memref<64x768xf32, #tpu.memory_space<vmem>>, vector<16xf32>,
      tpu.vector_store %arg7[%swap3A_116, %swap3A_117], %add3A_115 {strides = array<i32>} : memref<64x768xf32, #tpu.memory_space<vmem>>, vector<16xf32>,
      %get3A_119 = arith.index_cast %scan3A_30 : i32 to index
      %get3A_120 = arith.constant 144 : index
      %get3A_121 = tpu.vector_load %arg7[%get3A_119, %get3A_120] {strides = array<i32>} : memref<64x768xf32, #tpu.memory_space<vmem>>, vector<16xf32>,
      %get3A_122 = arith.index_cast %scan3A_30 : i32 to index
      %get3A_123 = arith.constant 144 : index
      %get3A_124 = tpu.vector_load %arg8[%get3A_122, %get3A_123] {strides = array<i32>} : memref<64x768xf32, #tpu.memory_space<vmem>>, vector<16xf32>,
      %add3A_125 = arith.addf %get3A_121, %get3A_124 : vector<16xf32>
      %swap3A_126 = arith.index_cast %scan3A_30 : i32 to index
      %swap3A_127 = arith.constant 144 : index
      %swap3A_128 = tpu.vector_load %arg7[%swap3A_126, %swap3A_127] {strides = array<i32>} : memref<64x768xf32, #tpu.memory_space<vmem>>, vector<16xf32>,
      tpu.vector_store %arg7[%swap3A_126, %swap3A_127], %add3A_125 {strides = array<i32>} : memref<64x768xf32, #tpu.memory_space<vmem>>, vector<16xf32>,
      %get3A_129 = arith.index_cast %scan3A_30 : i32 to index
      %get3A_130 = arith.constant 160 : index
      %get3A_131 = tpu.vector_load %arg7[%get3A_129, %get3A_130] {strides = array<i32>} : memref<64x768xf32, #tpu.memory_space<vmem>>, vector<16xf32>,
      %get3A_132 = arith.index_cast %scan3A_30 : i32 to index
      %get3A_133 = arith.constant 160 : index
      %get3A_134 = tpu.vector_load %arg8[%get3A_132, %get3A_133] {strides = array<i32>} : memref<64x768xf32, #tpu.memory_space<vmem>>, vector<16xf32>,
      %add3A_135 = arith.addf %get3A_131, %get3A_134 : vector<16xf32>
      %swap3A_136 = arith.index_cast %scan3A_30 : i32 to index
      %swap3A_137 = arith.constant 160 : index
      %swap3A_138 = tpu.vector_load %arg7[%swap3A_136, %swap3A_137] {strides = array<i32>} : memref<64x768xf32, #tpu.memory_space<vmem>>, vector<16xf32>,
      tpu.vector_store %arg7[%swap3A_136, %swap3A_137], %add3A_135 {strides = array<i32>} : memref<64x768xf32, #tpu.memory_space<vmem>>, vector<16xf32>,
      %get3A_139 = arith.index_cast %scan3A_30 : i32 to index
      %get3A_140 = arith.constant 176 : index
      %get3A_141 = tpu.vector_load %arg7[%get3A_139, %get3A_140] {strides = array<i32>} : memref<64x768xf32, #tpu.memory_space<vmem>>, vector<16xf32>,
      %get3A_142 = arith.index_cast %scan3A_30 : i32 to index
      %get3A_143 = arith.constant 176 : index
      %get3A_144 = tpu.vector_load %arg8[%get3A_142, %get3A_143] {strides = array<i32>} : memref<64x768xf32, #tpu.memory_space<vmem>>, vector<16xf32>,
      %add3A_145 = arith.addf %get3A_141, %get3A_144 : vector<16xf32>
      %swap3A_146 = arith.index_cast %scan3A_30 : i32 to index
      %swap3A_147 = arith.constant 176 : index
      %swap3A_148 = tpu.vector_load %arg7[%swap3A_146, %swap3A_147] {strides = array<i32>} : memref<64x768xf32, #tpu.memory_space<vmem>>, vector<16xf32>,
      tpu.vector_store %arg7[%swap3A_146, %swap3A_147], %add3A_145 {strides = array<i32>} : memref<64x768xf32, #tpu.memory_space<vmem>>, vector<16xf32>,
      %get3A_149 = arith.index_cast %scan3A_30 : i32 to index
      %get3A_150 = arith.constant 192 : index
      %get3A_151 = tpu.vector_load %arg7[%get3A_149, %get3A_150] {strides = array<i32>} : memref<64x768xf32, #tpu.memory_space<vmem>>, vector<16xf32>,
      %get3A_152 = arith.index_cast %scan3A_30 : i32 to index
      %get3A_153 = arith.constant 192 : index
      %get3A_154 = tpu.vector_load %arg8[%get3A_152, %get3A_153] {strides = array<i32>} : memref<64x768xf32, #tpu.memory_space<vmem>>, vector<16xf32>,
      %add3A_155 = arith.addf %get3A_151, %get3A_154 : vector<16xf32>
      %swap3A_156 = arith.index_cast %scan3A_30 : i32 to index
      %swap3A_157 = arith.constant 192 : index
      %swap3A_158 = tpu.vector_load %arg7[%swap3A_156, %swap3A_157] {strides = array<i32>} : memref<64x768xf32, #tpu.memory_space<vmem>>, vector<16xf32>,
      tpu.vector_store %arg7[%swap3A_156, %swap3A_157], %add3A_155 {strides = array<i32>} : memref<64x768xf32, #tpu.memory_space<vmem>>, vector<16xf32>,
      %get3A_159 = arith.index_cast %scan3A_30 : i32 to index
      %get3A_160 = arith.constant 208 : index
      %get3A_161 = tpu.vector_load %arg7[%get3A_159, %get3A_160] {strides = array<i32>} : memref<64x768xf32, #tpu.memory_space<vmem>>, vector<16xf32>,
      %get3A_162 = arith.index_cast %scan3A_30 : i32 to index
      %get3A_163 = arith.constant 208 : index
      %get3A_164 = tpu.vector_load %arg8[%get3A_162, %get3A_163] {strides = array<i32>} : memref<64x768xf32, #tpu.memory_space<vmem>>, vector<16xf32>,
      %add3A_165 = arith.addf %get3A_161, %get3A_164 : vector<16xf32>
      %swap3A_166 = arith.index_cast %scan3A_30 : i32 to index
      %swap3A_167 = arith.constant 208 : index
      %swap3A_168 = tpu.vector_load %arg7[%swap3A_166, %swap3A_167] {strides = array<i32>} : memref<64x768xf32, #tpu.memory_space<vmem>>, vector<16xf32>,
      tpu.vector_store %arg7[%swap3A_166, %swap3A_167], %add3A_165 {strides = array<i32>} : memref<64x768xf32, #tpu.memory_space<vmem>>, vector<16xf32>,
      %get3A_169 = arith.index_cast %scan3A_30 : i32 to index
      %get3A_170 = arith.constant 224 : index
      %get3A_171 = tpu.vector_load %arg7[%get3A_169, %get3A_170] {strides = array<i32>} : memref<64x768xf32, #tpu.memory_space<vmem>>, vector<16xf32>,
      %get3A_172 = arith.index_cast %scan3A_30 : i32 to index
      %get3A_173 = arith.constant 224 : index
      %get3A_174 = tpu.vector_load %arg8[%get3A_172, %get3A_173] {strides = array<i32>} : memref<64x768xf32, #tpu.memory_space<vmem>>, vector<16xf32>,
      %add3A_175 = arith.addf %get3A_171, %get3A_174 : vector<16xf32>
      %swap3A_176 = arith.index_cast %scan3A_30 : i32 to index
      %swap3A_177 = arith.constant 224 : index
      %swap3A_178 = tpu.vector_load %arg7[%swap3A_176, %swap3A_177] {strides = array<i32>} : memref<64x768xf32, #tpu.memory_space<vmem>>, vector<16xf32>,
      tpu.vector_store %arg7[%swap3A_176, %swap3A_177], %add3A_175 {strides = array<i32>} : memref<64x768xf32, #tpu.memory_space<vmem>>, vector<16xf32>,
      %get3A_179 = arith.index_cast %scan3A_30 : i32 to index
      %get3A_180 = arith.constant 240 : index
      %get3A_181 = tpu.vector_load %arg7[%get3A_179, %get3A_180] {strides = array<i32>} : memref<64x768xf32, #tpu.memory_space<vmem>>, vector<16xf32>,
      %get3A_182 = arith.index_cast %scan3A_30 : i32 to index
      %get3A_183 = arith.constant 240 : index
      %get3A_184 = tpu.vector_load %arg8[%get3A_182, %get3A_183] {strides = array<i32>} : memref<64x768xf32, #tpu.memory_space<vmem>>, vector<16xf32>,
      %add3A_185 = arith.addf %get3A_181, %get3A_184 : vector<16xf32>
      %swap3A_186 = arith.index_cast %scan3A_30 : i32 to index
      %swap3A_187 = arith.constant 240 : index
      %swap3A_188 = tpu.vector_load %arg7[%swap3A_186, %swap3A_187] {strides = array<i32>} : memref<64x768xf32, #tpu.memory_space<vmem>>, vector<16xf32>,
      tpu.vector_store %arg7[%swap3A_186, %swap3A_187], %add3A_185 {strides = array<i32>} : memref<64x768xf32, #tpu.memory_space<vmem>>, vector<16xf32>,
      %get3A_189 = arith.index_cast %scan3A_30 : i32 to index
      %get3A_190 = arith.constant 256 : index
      %get3A_191 = tpu.vector_load %arg7[%get3A_189, %get3A_190] {strides = array<i32>} : memref<64x768xf32, #tpu.memory_space<vmem>>, vector<16xf32>,
      %get3A_192 = arith.index_cast %scan3A_30 : i32 to index
      %get3A_193 = arith.constant 256 : index
      %get3A_194 = tpu.vector_load %arg8[%get3A_192, %get3A_193] {strides = array<i32>} : memref<64x768xf32, #tpu.memory_space<vmem>>, vector<16xf32>,
      %add3A_195 = arith.addf %get3A_191, %get3A_194 : vector<16xf32>
      %swap3A_196 = arith.index_cast %scan3A_30 : i32 to index
      %swap3A_197 = arith.constant 256 : index
      %swap3A_198 = tpu.vector_load %arg7[%swap3A_196, %swap3A_197] {strides = array<i32>} : memref<64x768xf32, #tpu.memory_space<vmem>>, vector<16xf32>,
      tpu.vector_store %arg7[%swap3A_196, %swap3A_197], %add3A_195 {strides = array<i32>} : memref<64x768xf32, #tpu.memory_space<vmem>>, vector<16xf32>,
      %get3A_199 = arith.index_cast %scan3A_30 : i32 to index
      %get3A_200 = arith.constant 272 : index
      %get3A_201 = tpu.vector_load %arg7[%get3A_199, %get3A_200] {strides = array<i32>} : memref<64x768xf32, #tpu.memory_space<vmem>>, vector<16xf32>,
      %get3A_202 = arith.index_cast %scan3A_30 : i32 to index
      %get3A_203 = arith.constant 272 : index
      %get3A_204 = tpu.vector_load %arg8[%get3A_202, %get3A_203] {strides = array<i32>} : memref<64x768xf32, #tpu.memory_space<vmem>>, vector<16xf32>,
      %add3A_205 = arith.addf %get3A_201, %get3A_204 : vector<16xf32>
      %swap3A_206 = arith.index_cast %scan3A_30 : i32 to index
      %swap3A_207 = arith.constant 272 : index
      %swap3A_208 = tpu.vector_load %arg7[%swap3A_206, %swap3A_207] {strides = array<i32>} : memref<64x768xf32, #tpu.memory_space<vmem>>, vector<16xf32>,
      tpu.vector_store %arg7[%swap3A_206, %swap3A_207], %add3A_205 {strides = array<i32>} : memref<64x768xf32, #tpu.memory_space<vmem>>, vector<16xf32>,
      %get3A_209 = arith.index_cast %scan3A_30 : i32 to index
      %get3A_210 = arith.constant 288 : index
      %get3A_211 = tpu.vector_load %arg7[%get3A_209, %get3A_210] {strides = array<i32>} : memref<64x768xf32, #tpu.memory_space<vmem>>, vector<16xf32>,
      %get3A_212 = arith.index_cast %scan3A_30 : i32 to index
      %get3A_213 = arith.constant 288 : index
      %get3A_214 = tpu.vector_load %arg8[%get3A_212, %get3A_213] {strides = array<i32>} : memref<64x768xf32, #tpu.memory_space<vmem>>, vector<16xf32>,
      %add3A_215 = arith.addf %get3A_211, %get3A_214 : vector<16xf32>
      %swap3A_216 = arith.index_cast %scan3A_30 : i32 to index
      %swap3A_217 = arith.constant 288 : index
      %swap3A_218 = tpu.vector_load %arg7[%swap3A_216, %swap3A_217] {strides = array<i32>} : memref<64x768xf32, #tpu.memory_space<vmem>>, vector<16xf32>,
      tpu.vector_store %arg7[%swap3A_216, %swap3A_217], %add3A_215 {strides = array<i32>} : memref<64x768xf32, #tpu.memory_space<vmem>>, vector<16xf32>,
      %get3A_219 = arith.index_cast %scan3A_30 : i32 to index
      %get3A_220 = arith.constant 304 : index
      %get3A_221 = tpu.vector_load %arg7[%get3A_219, %get3A_220] {strides = array<i32>} : memref<64x768xf32, #tpu.memory_space<vmem>>, vector<16xf32>,
      %get3A_222 = arith.index_cast %scan3A_30 : i32 to index
      %get3A_223 = arith.constant 304 : index
      %get3A_224 = tpu.vector_load %arg8[%get3A_222, %get3A_223] {strides = array<i32>} : memref<64x768xf32, #tpu.memory_space<vmem>>, vector<16xf32>,
      %add3A_225 = arith.addf %get3A_221, %get3A_224 : vector<16xf32>
      %swap3A_226 = arith.index_cast %scan3A_30 : i32 to index
      %swap3A_227 = arith.constant 304 : index
      %swap3A_228 = tpu.vector_load %arg7[%swap3A_226, %swap3A_227] {strides = array<i32>} : memref<64x768xf32, #tpu.memory_space<vmem>>, vector<16xf32>,
      tpu.vector_store %arg7[%swap3A_226, %swap3A_227], %add3A_225 {strides = array<i32>} : memref<64x768xf32, #tpu.memory_space<vmem>>, vector<16xf32>,
      %get3A_229 = arith.index_cast %scan3A_30 : i32 to index
      %get3A_230 = arith.constant 320 : index
      %get3A_231 = tpu.vector_load %arg7[%get3A_229, %get3A_230] {strides = array<i32>} : memref<64x768xf32, #tpu.memory_space<vmem>>, vector<16xf32>,
      %get3A_232 = arith.index_cast %scan3A_30 : i32 to index
      %get3A_233 = arith.constant 320 : index
      %get3A_234 = tpu.vector_load %arg8[%get3A_232, %get3A_233] {strides = array<i32>} : memref<64x768xf32, #tpu.memory_space<vmem>>, vector<16xf32>,
      %add3A_235 = arith.addf %get3A_231, %get3A_234 : vector<16xf32>
      %swap3A_236 = arith.index_cast %scan3A_30 : i32 to index
      %swap3A_237 = arith.constant 320 : index
      %swap3A_238 = tpu.vector_load %arg7[%swap3A_236, %swap3A_237] {strides = array<i32>} : memref<64x768xf32, #tpu.memory_space<vmem>>, vector<16xf32>,
      tpu.vector_store %arg7[%swap3A_236, %swap3A_237], %add3A_235 {strides = array<i32>} : memref<64x768xf32, #tpu.memory_space<vmem>>, vector<16xf32>,
      %get3A_239 = arith.index_cast %scan3A_30 : i32 to index
      %get3A_240 = arith.constant 336 : index
      %get3A_241 = tpu.vector_load %arg7[%get3A_239, %get3A_240] {strides = array<i32>} : memref<64x768xf32, #tpu.memory_space<vmem>>, vector<16xf32>,
      %get3A_242 = arith.index_cast %scan3A_30 : i32 to index
      %get3A_243 = arith.constant 336 : index
      %get3A_244 = tpu.vector_load %arg8[%get3A_242, %get3A_243] {strides = array<i32>} : memref<64x768xf32, #tpu.memory_space<vmem>>, vector<16xf32>,
      %add3A_245 = arith.addf %get3A_241, %get3A_244 : vector<16xf32>
      %swap3A_246 = arith.index_cast %scan3A_30 : i32 to index
      %swap3A_247 = arith.constant 336 : index
      %swap3A_248 = tpu.vector_load %arg7[%swap3A_246, %swap3A_247] {strides = array<i32>} : memref<64x768xf32, #tpu.memory_space<vmem>>, vector<16xf32>,
      tpu.vector_store %arg7[%swap3A_246, %swap3A_247], %add3A_245 {strides = array<i32>} : memref<64x768xf32, #tpu.memory_space<vmem>>, vector<16xf32>,
      %get3A_249 = arith.index_cast %scan3A_30 : i32 to index
      %get3A_250 = arith.constant 352 : index
      %get3A_251 = tpu.vector_load %arg7[%get3A_249, %get3A_250] {strides = array<i32>} : memref<64x768xf32, #tpu.memory_space<vmem>>, vector<16xf32>,
      %get3A_252 = arith.index_cast %scan3A_30 : i32 to index
      %get3A_253 = arith.constant 352 : index
      %get3A_254 = tpu.vector_load %arg8[%get3A_252, %get3A_253] {strides = array<i32>} : memref<64x768xf32, #tpu.memory_space<vmem>>, vector<16xf32>,
      %add3A_255 = arith.addf %get3A_251, %get3A_254 : vector<16xf32>
      %swap3A_256 = arith.index_cast %scan3A_30 : i32 to index
      %swap3A_257 = arith.constant 352 : index
      %swap3A_258 = tpu.vector_load %arg7[%swap3A_256, %swap3A_257] {strides = array<i32>} : memref<64x768xf32, #tpu.memory_space<vmem>>, vector<16xf32>,
      tpu.vector_store %arg7[%swap3A_256, %swap3A_257], %add3A_255 {strides = array<i32>} : memref<64x768xf32, #tpu.memory_space<vmem>>, vector<16xf32>,
      %get3A_259 = arith.index_cast %scan3A_30 : i32 to index
      %get3A_260 = arith.constant 368 : index
      %get3A_261 = tpu.vector_load %arg7[%get3A_259, %get3A_260] {strides = array<i32>} : memref<64x768xf32, #tpu.memory_space<vmem>>, vector<16xf32>,
      %get3A_262 = arith.index_cast %scan3A_30 : i32 to index
      %get3A_263 = arith.constant 368 : index
      %get3A_264 = tpu.vector_load %arg8[%get3A_262, %get3A_263] {strides = array<i32>} : memref<64x768xf32, #tpu.memory_space<vmem>>, vector<16xf32>,
      %add3A_265 = arith.addf %get3A_261, %get3A_264 : vector<16xf32>
      %swap3A_266 = arith.index_cast %scan3A_30 : i32 to index
      %swap3A_267 = arith.constant 368 : index
      %swap3A_268 = tpu.vector_load %arg7[%swap3A_266, %swap3A_267] {strides = array<i32>} : memref<64x768xf32, #tpu.memory_space<vmem>>, vector<16xf32>,
      tpu.vector_store %arg7[%swap3A_266, %swap3A_267], %add3A_265 {strides = array<i32>} : memref<64x768xf32, #tpu.memory_space<vmem>>, vector<16xf32>,
      %get3A_269 = arith.index_cast %scan3A_30 : i32 to index
      %get3A_270 = arith.constant 384 : index
      %get3A_271 = tpu.vector_load %arg7[%get3A_269, %get3A_270] {strides = array<i32>} : memref<64x768xf32, #tpu.memory_space<vmem>>, vector<16xf32>,
      %get3A_272 = arith.index_cast %scan3A_30 : i32 to index
      %get3A_273 = arith.constant 384 : index
      %get3A_274 = tpu.vector_load %arg8[%get3A_272, %get3A_273] {strides = array<i32>} : memref<64x768xf32, #tpu.memory_space<vmem>>, vector<16xf32>,
      %add3A_275 = arith.addf %get3A_271, %get3A_274 : vector<16xf32>
      %swap3A_276 = arith.index_cast %scan3A_30 : i32 to index
      %swap3A_277 = arith.constant 384 : index
      %swap3A_278 = tpu.vector_load %arg7[%swap3A_276, %swap3A_277] {strides = array<i32>} : memref<64x768xf32, #tpu.memory_space<vmem>>, vector<16xf32>,
      tpu.vector_store %arg7[%swap3A_276, %swap3A_277], %add3A_275 {strides = array<i32>} : memref<64x768xf32, #tpu.memory_space<vmem>>, vector<16xf32>,
      %get3A_279 = arith.index_cast %scan3A_30 : i32 to index
      %get3A_280 = arith.constant 400 : index
      %get3A_281 = tpu.vector_load %arg7[%get3A_279, %get3A_280] {strides = array<i32>} : memref<64x768xf32, #tpu.memory_space<vmem>>, vector<16xf32>,
      %get3A_282 = arith.index_cast %scan3A_30 : i32 to index
      %get3A_283 = arith.constant 400 : index
      %get3A_284 = tpu.vector_load %arg8[%get3A_282, %get3A_283] {strides = array<i32>} : memref<64x768xf32, #tpu.memory_space<vmem>>, vector<16xf32>,
      %add3A_285 = arith.addf %get3A_281, %get3A_284 : vector<16xf32>
      %swap3A_286 = arith.index_cast %scan3A_30 : i32 to index
      %swap3A_287 = arith.constant 400 : index
      %swap3A_288 = tpu.vector_load %arg7[%swap3A_286, %swap3A_287] {strides = array<i32>} : memref<64x768xf32, #tpu.memory_space<vmem>>, vector<16xf32>,
      tpu.vector_store %arg7[%swap3A_286, %swap3A_287], %add3A_285 {strides = array<i32>} : memref<64x768xf32, #tpu.memory_space<vmem>>, vector<16xf32>,
      %get3A_289 = arith.index_cast %scan3A_30 : i32 to index
      %get3A_290 = arith.constant 416 : index
      %get3A_291 = tpu.vector_load %arg7[%get3A_289, %get3A_290] {strides = array<i32>} : memref<64x768xf32, #tpu.memory_space<vmem>>, vector<16xf32>,
      %get3A_292 = arith.index_cast %scan3A_30 : i32 to index
      %get3A_293 = arith.constant 416 : index
      %get3A_294 = tpu.vector_load %arg8[%get3A_292, %get3A_293] {strides = array<i32>} : memref<64x768xf32, #tpu.memory_space<vmem>>, vector<16xf32>,
      %add3A_295 = arith.addf %get3A_291, %get3A_294 : vector<16xf32>
      %swap3A_296 = arith.index_cast %scan3A_30 : i32 to index
      %swap3A_297 = arith.constant 416 : index
      %swap3A_298 = tpu.vector_load %arg7[%swap3A_296, %swap3A_297] {strides = array<i32>} : memref<64x768xf32, #tpu.memory_space<vmem>>, vector<16xf32>,
      tpu.vector_store %arg7[%swap3A_296, %swap3A_297], %add3A_295 {strides = array<i32>} : memref<64x768xf32, #tpu.memory_space<vmem>>, vector<16xf32>,
      %get3A_299 = arith.index_cast %scan3A_30 : i32 to index
      %get3A_300 = arith.constant 432 : index
      %get3A_301 = tpu.vector_load %arg7[%get3A_299, %get3A_300] {strides = array<i32>} : memref<64x768xf32, #tpu.memory_space<vmem>>, vector<16xf32>,
      %get3A_302 = arith.index_cast %scan3A_30 : i32 to index
      %get3A_303 = arith.constant 432 : index
      %get3A_304 = tpu.vector_load %arg8[%get3A_302, %get3A_303] {strides = array<i32>} : memref<64x768xf32, #tpu.memory_space<vmem>>, vector<16xf32>,
      %add3A_305 = arith.addf %get3A_301, %get3A_304 : vector<16xf32>
      %swap3A_306 = arith.index_cast %scan3A_30 : i32 to index
      %swap3A_307 = arith.constant 432 : index
      %swap3A_308 = tpu.vector_load %arg7[%swap3A_306, %swap3A_307] {strides = array<i32>} : memref<64x768xf32, #tpu.memory_space<vmem>>, vector<16xf32>,
      tpu.vector_store %arg7[%swap3A_306, %swap3A_307], %add3A_305 {strides = array<i32>} : memref<64x768xf32, #tpu.memory_space<vmem>>, vector<16xf32>,
      %get3A_309 = arith.index_cast %scan3A_30 : i32 to index
      %get3A_310 = arith.constant 448 : index
      %get3A_311 = tpu.vector_load %arg7[%get3A_309, %get3A_310] {strides = array<i32>} : memref<64x768xf32, #tpu.memory_space<vmem>>, vector<16xf32>,
      %get3A_312 = arith.index_cast %scan3A_30 : i32 to index
      %get3A_313 = arith.constant 448 : index
      %get3A_314 = tpu.vector_load %arg8[%get3A_312, %get3A_313] {strides = array<i32>} : memref<64x768xf32, #tpu.memory_space<vmem>>, vector<16xf32>,
      %add3A_315 = arith.addf %get3A_311, %get3A_314 : vector<16xf32>
      %swap3A_316 = arith.index_cast %scan3A_30 : i32 to index
      %swap3A_317 = arith.constant 448 : index
      %swap3A_318 = tpu.vector_load %arg7[%swap3A_316, %swap3A_317] {strides = array<i32>} : memref<64x768xf32, #tpu.memory_space<vmem>>, vector<16xf32>,
      tpu.vector_store %arg7[%swap3A_316, %swap3A_317], %add3A_315 {strides = array<i32>} : memref<64x768xf32, #tpu.memory_space<vmem>>, vector<16xf32>,
      %get3A_319 = arith.index_cast %scan3A_30 : i32 to index
      %get3A_320 = arith.constant 464 : index
      %get3A_321 = tpu.vector_load %arg7[%get3A_319, %get3A_320] {strides = array<i32>} : memref<64x768xf32, #tpu.memory_space<vmem>>, vector<16xf32>,
      %get3A_322 = arith.index_cast %scan3A_30 : i32 to index
      %get3A_323 = arith.constant 464 : index
      %get3A_324 = tpu.vector_load %arg8[%get3A_322, %get3A_323] {strides = array<i32>} : memref<64x768xf32, #tpu.memory_space<vmem>>, vector<16xf32>,
      %add3A_325 = arith.addf %get3A_321, %get3A_324 : vector<16xf32>
      %swap3A_326 = arith.index_cast %scan3A_30 : i32 to index
      %swap3A_327 = arith.constant 464 : index
      %swap3A_328 = tpu.vector_load %arg7[%swap3A_326, %swap3A_327] {strides = array<i32>} : memref<64x768xf32, #tpu.memory_space<vmem>>, vector<16xf32>,
      tpu.vector_store %arg7[%swap3A_326, %swap3A_327], %add3A_325 {strides = array<i32>} : memref<64x768xf32, #tpu.memory_space<vmem>>, vector<16xf32>,
      %get3A_329 = arith.index_cast %scan3A_30 : i32 to index
      %get3A_330 = arith.constant 480 : index
      %get3A_331 = tpu.vector_load %arg7[%get3A_329, %get3A_330] {strides = array<i32>} : memref<64x768xf32, #tpu.memory_space<vmem>>, vector<16xf32>,
      %get3A_332 = arith.index_cast %scan3A_30 : i32 to index
      %get3A_333 = arith.constant 480 : index
      %get3A_334 = tpu.vector_load %arg8[%get3A_332, %get3A_333] {strides = array<i32>} : memref<64x768xf32, #tpu.memory_space<vmem>>, vector<16xf32>,
      %add3A_335 = arith.addf %get3A_331, %get3A_334 : vector<16xf32>
      %swap3A_336 = arith.index_cast %scan3A_30 : i32 to index
      %swap3A_337 = arith.constant 480 : index
      %swap3A_338 = tpu.vector_load %arg7[%swap3A_336, %swap3A_337] {strides = array<i32>} : memref<64x768xf32, #tpu.memory_space<vmem>>, vector<16xf32>,
      tpu.vector_store %arg7[%swap3A_336, %swap3A_337], %add3A_335 {strides = array<i32>} : memref<64x768xf32, #tpu.memory_space<vmem>>, vector<16xf32>,
      %get3A_339 = arith.index_cast %scan3A_30 : i32 to index
      %get3A_340 = arith.constant 496 : index
      %get3A_341 = tpu.vector_load %arg7[%get3A_339, %get3A_340] {strides = array<i32>} : memref<64x768xf32, #tpu.memory_space<vmem>>, vector<16xf32>,
      %get3A_342 = arith.index_cast %scan3A_30 : i32 to index
      %get3A_343 = arith.constant 496 : index
      %get3A_344 = tpu.vector_load %arg8[%get3A_342, %get3A_343] {strides = array<i32>} : memref<64x768xf32, #tpu.memory_space<vmem>>, vector<16xf32>,
      %add3A_345 = arith.addf %get3A_341, %get3A_344 : vector<16xf32>
      %swap3A_346 = arith.index_cast %scan3A_30 : i32 to index
      %swap3A_347 = arith.constant 496 : index
      %swap3A_348 = tpu.vector_load %arg7[%swap3A_346, %swap3A_347] {strides = array<i32>} : memref<64x768xf32, #tpu.memory_space<vmem>>, vector<16xf32>,
      tpu.vector_store %arg7[%swap3A_346, %swap3A_347], %add3A_345 {strides = array<i32>} : memref<64x768xf32, #tpu.memory_space<vmem>>, vector<16xf32>,
      %get3A_349 = arith.index_cast %scan3A_30 : i32 to index
      %get3A_350 = arith.constant 512 : index
      %get3A_351 = tpu.vector_load %arg7[%get3A_349, %get3A_350] {strides = array<i32>} : memref<64x768xf32, #tpu.memory_space<vmem>>, vector<16xf32>,
      %get3A_352 = arith.index_cast %scan3A_30 : i32 to index
      %get3A_353 = arith.constant 512 : index
      %get3A_354 = tpu.vector_load %arg8[%get3A_352, %get3A_353] {strides = array<i32>} : memref<64x768xf32, #tpu.memory_space<vmem>>, vector<16xf32>,
      %add3A_355 = arith.addf %get3A_351, %get3A_354 : vector<16xf32>
      %swap3A_356 = arith.index_cast %scan3A_30 : i32 to index
      %swap3A_357 = arith.constant 512 : index
      %swap3A_358 = tpu.vector_load %arg7[%swap3A_356, %swap3A_357] {strides = array<i32>} : memref<64x768xf32, #tpu.memory_space<vmem>>, vector<16xf32>,
      tpu.vector_store %arg7[%swap3A_356, %swap3A_357], %add3A_355 {strides = array<i32>} : memref<64x768xf32, #tpu.memory_space<vmem>>, vector<16xf32>,
      %get3A_359 = arith.index_cast %scan3A_30 : i32 to index
      %get3A_360 = arith.constant 528 : index
      %get3A_361 = tpu.vector_load %arg7[%get3A_359, %get3A_360] {strides = array<i32>} : memref<64x768xf32, #tpu.memory_space<vmem>>, vector<16xf32>,
      %get3A_362 = arith.index_cast %scan3A_30 : i32 to index
      %get3A_363 = arith.constant 528 : index
      %get3A_364 = tpu.vector_load %arg8[%get3A_362, %get3A_363] {strides = array<i32>} : memref<64x768xf32, #tpu.memory_space<vmem>>, vector<16xf32>,
      %add3A_365 = arith.addf %get3A_361, %get3A_364 : vector<16xf32>
      %swap3A_366 = arith.index_cast %scan3A_30 : i32 to index
      %swap3A_367 = arith.constant 528 : index
      %swap3A_368 = tpu.vector_load %arg7[%swap3A_366, %swap3A_367] {strides = array<i32>} : memref<64x768xf32, #tpu.memory_space<vmem>>, vector<16xf32>,
      tpu.vector_store %arg7[%swap3A_366, %swap3A_367], %add3A_365 {strides = array<i32>} : memref<64x768xf32, #tpu.memory_space<vmem>>, vector<16xf32>,
      %get3A_369 = arith.index_cast %scan3A_30 : i32 to index
      %get3A_370 = arith.constant 544 : index
      %get3A_371 = tpu.vector_load %arg7[%get3A_369, %get3A_370] {strides = array<i32>} : memref<64x768xf32, #tpu.memory_space<vmem>>, vector<16xf32>,
      %get3A_372 = arith.index_cast %scan3A_30 : i32 to index
      %get3A_373 = arith.constant 544 : index
      %get3A_374 = tpu.vector_load %arg8[%get3A_372, %get3A_373] {strides = array<i32>} : memref<64x768xf32, #tpu.memory_space<vmem>>, vector<16xf32>,
      %add3A_375 = arith.addf %get3A_371, %get3A_374 : vector<16xf32>
      %swap3A_376 = arith.index_cast %scan3A_30 : i32 to index
      %swap3A_377 = arith.constant 544 : index
      %swap3A_378 = tpu.vector_load %arg7[%swap3A_376, %swap3A_377] {strides = array<i32>} : memref<64x768xf32, #tpu.memory_space<vmem>>, vector<16xf32>,
      tpu.vector_store %arg7[%swap3A_376, %swap3A_377], %add3A_375 {strides = array<i32>} : memref<64x768xf32, #tpu.memory_space<vmem>>, vector<16xf32>,
      %get3A_379 = arith.index_cast %scan3A_30 : i32 to index
      %get3A_380 = arith.constant 560 : index
      %get3A_381 = tpu.vector_load %arg7[%get3A_379, %get3A_380] {strides = array<i32>} : memref<64x768xf32, #tpu.memory_space<vmem>>, vector<16xf32>,
      %get3A_382 = arith.index_cast %scan3A_30 : i32 to index
      %get3A_383 = arith.constant 560 : index
      %get3A_384 = tpu.vector_load %arg8[%get3A_382, %get3A_383] {strides = array<i32>} : memref<64x768xf32, #tpu.memory_space<vmem>>, vector<16xf32>,
      %add3A_385 = arith.addf %get3A_381, %get3A_384 : vector<16xf32>
      %swap3A_386 = arith.index_cast %scan3A_30 : i32 to index
      %swap3A_387 = arith.constant 560 : index
      %swap3A_388 = tpu.vector_load %arg7[%swap3A_386, %swap3A_387] {strides = array<i32>} : memref<64x768xf32, #tpu.memory_space<vmem>>, vector<16xf32>,
      tpu.vector_store %arg7[%swap3A_386, %swap3A_387], %add3A_385 {strides = array<i32>} : memref<64x768xf32, #tpu.memory_space<vmem>>, vector<16xf32>,
      %get3A_389 = arith.index_cast %scan3A_30 : i32 to index
      %get3A_390 = arith.constant 576 : index
      %get3A_391 = tpu.vector_load %arg7[%get3A_389, %get3A_390] {strides = array<i32>} : memref<64x768xf32, #tpu.memory_space<vmem>>, vector<16xf32>,
      %get3A_392 = arith.index_cast %scan3A_30 : i32 to index
      %get3A_393 = arith.constant 576 : index
      %get3A_394 = tpu.vector_load %arg8[%get3A_392, %get3A_393] {strides = array<i32>} : memref<64x768xf32, #tpu.memory_space<vmem>>, vector<16xf32>,
      %add3A_395 = arith.addf %get3A_391, %get3A_394 : vector<16xf32>
      %swap3A_396 = arith.index_cast %scan3A_30 : i32 to index
      %swap3A_397 = arith.constant 576 : index
      %swap3A_398 = tpu.vector_load %arg7[%swap3A_396, %swap3A_397] {strides = array<i32>} : memref<64x768xf32, #tpu.memory_space<vmem>>, vector<16xf32>,
      tpu.vector_store %arg7[%swap3A_396, %swap3A_397], %add3A_395 {strides = array<i32>} : memref<64x768xf32, #tpu.memory_space<vmem>>, vector<16xf32>,
      %get3A_399 = arith.index_cast %scan3A_30 : i32 to index
      %get3A_400 = arith.constant 592 : index
      %get3A_401 = tpu.vector_load %arg7[%get3A_399, %get3A_400] {strides = array<i32>} : memref<64x768xf32, #tpu.memory_space<vmem>>, vector<16xf32>,
      %get3A_402 = arith.index_cast %scan3A_30 : i32 to index
      %get3A_403 = arith.constant 592 : index
      %get3A_404 = tpu.vector_load %arg8[%get3A_402, %get3A_403] {strides = array<i32>} : memref<64x768xf32, #tpu.memory_space<vmem>>, vector<16xf32>,
      %add3A_405 = arith.addf %get3A_401, %get3A_404 : vector<16xf32>
      %swap3A_406 = arith.index_cast %scan3A_30 : i32 to index
      %swap3A_407 = arith.constant 592 : index
      %swap3A_408 = tpu.vector_load %arg7[%swap3A_406, %swap3A_407] {strides = array<i32>} : memref<64x768xf32, #tpu.memory_space<vmem>>, vector<16xf32>,
      tpu.vector_store %arg7[%swap3A_406, %swap3A_407], %add3A_405 {strides = array<i32>} : memref<64x768xf32, #tpu.memory_space<vmem>>, vector<16xf32>,
      %get3A_409 = arith.index_cast %scan3A_30 : i32 to index
      %get3A_410 = arith.constant 608 : index
      %get3A_411 = tpu.vector_load %arg7[%get3A_409, %get3A_410] {strides = array<i32>} : memref<64x768xf32, #tpu.memory_space<vmem>>, vector<16xf32>,
      %get3A_412 = arith.index_cast %scan3A_30 : i32 to index
      %get3A_413 = arith.constant 608 : index
      %get3A_414 = tpu.vector_load %arg8[%get3A_412, %get3A_413] {strides = array<i32>} : memref<64x768xf32, #tpu.memory_space<vmem>>, vector<16xf32>,
      %add3A_415 = arith.addf %get3A_411, %get3A_414 : vector<16xf32>
      %swap3A_416 = arith.index_cast %scan3A_30 : i32 to index
      %swap3A_417 = arith.constant 608 : index
      %swap3A_418 = tpu.vector_load %arg7[%swap3A_416, %swap3A_417] {strides = array<i32>} : memref<64x768xf32, #tpu.memory_space<vmem>>, vector<16xf32>,
      tpu.vector_store %arg7[%swap3A_416, %swap3A_417], %add3A_415 {strides = array<i32>} : memref<64x768xf32, #tpu.memory_space<vmem>>, vector<16xf32>,
      %get3A_419 = arith.index_cast %scan3A_30 : i32 to index
      %get3A_420 = arith.constant 624 : index
      %get3A_421 = tpu.vector_load %arg7[%get3A_419, %get3A_420] {strides = array<i32>} : memref<64x768xf32, #tpu.memory_space<vmem>>, vector<16xf32>,
      %get3A_422 = arith.index_cast %scan3A_30 : i32 to index
      %get3A_423 = arith.constant 624 : index
      %get3A_424 = tpu.vector_load %arg8[%get3A_422, %get3A_423] {strides = array<i32>} : memref<64x768xf32, #tpu.memory_space<vmem>>, vector<16xf32>,
      %add3A_425 = arith.addf %get3A_421, %get3A_424 : vector<16xf32>
      %swap3A_426 = arith.index_cast %scan3A_30 : i32 to index
      %swap3A_427 = arith.constant 624 : index
      %swap3A_428 = tpu.vector_load %arg7[%swap3A_426, %swap3A_427] {strides = array<i32>} : memref<64x768xf32, #tpu.memory_space<vmem>>, vector<16xf32>,
      tpu.vector_store %arg7[%swap3A_426, %swap3A_427], %add3A_425 {strides = array<i32>} : memref<64x768xf32, #tpu.memory_space<vmem>>, vector<16xf32>,
      %get3A_429 = arith.index_cast %scan3A_30 : i32 to index
      %get3A_430 = arith.constant 640 : index
      %get3A_431 = tpu.vector_load %arg7[%get3A_429, %get3A_430] {strides = array<i32>} : memref<64x768xf32, #tpu.memory_space<vmem>>, vector<16xf32>,
      %get3A_432 = arith.index_cast %scan3A_30 : i32 to index
      %get3A_433 = arith.constant 640 : index
      %get3A_434 = tpu.vector_load %arg8[%get3A_432, %get3A_433] {strides = array<i32>} : memref<64x768xf32, #tpu.memory_space<vmem>>, vector<16xf32>,
      %add3A_435 = arith.addf %get3A_431, %get3A_434 : vector<16xf32>
      %swap3A_436 = arith.index_cast %scan3A_30 : i32 to index
      %swap3A_437 = arith.constant 640 : index
      %swap3A_438 = tpu.vector_load %arg7[%swap3A_436, %swap3A_437] {strides = array<i32>} : memref<64x768xf32, #tpu.memory_space<vmem>>, vector<16xf32>,
      tpu.vector_store %arg7[%swap3A_436, %swap3A_437], %add3A_435 {strides = array<i32>} : memref<64x768xf32, #tpu.memory_space<vmem>>, vector<16xf32>,
      %get3A_439 = arith.index_cast %scan3A_30 : i32 to index
      %get3A_440 = arith.constant 656 : index
      %get3A_441 = tpu.vector_load %arg7[%get3A_439, %get3A_440] {strides = array<i32>} : memref<64x768xf32, #tpu.memory_space<vmem>>, vector<16xf32>,
      %get3A_442 = arith.index_cast %scan3A_30 : i32 to index
      %get3A_443 = arith.constant 656 : index
      %get3A_444 = tpu.vector_load %arg8[%get3A_442, %get3A_443] {strides = array<i32>} : memref<64x768xf32, #tpu.memory_space<vmem>>, vector<16xf32>,
      %add3A_445 = arith.addf %get3A_441, %get3A_444 : vector<16xf32>
      %swap3A_446 = arith.index_cast %scan3A_30 : i32 to index
      %swap3A_447 = arith.constant 656 : index
      %swap3A_448 = tpu.vector_load %arg7[%swap3A_446, %swap3A_447] {strides = array<i32>} : memref<64x768xf32, #tpu.memory_space<vmem>>, vector<16xf32>,
      tpu.vector_store %arg7[%swap3A_446, %swap3A_447], %add3A_445 {strides = array<i32>} : memref<64x768xf32, #tpu.memory_space<vmem>>, vector<16xf32>,
      %get3A_449 = arith.index_cast %scan3A_30 : i32 to index
      %get3A_450 = arith.constant 672 : index
      %get3A_451 = tpu.vector_load %arg7[%get3A_449, %get3A_450] {strides = array<i32>} : memref<64x768xf32, #tpu.memory_space<vmem>>, vector<16xf32>,
      %get3A_452 = arith.index_cast %scan3A_30 : i32 to index
      %get3A_453 = arith.constant 672 : index
      %get3A_454 = tpu.vector_load %arg8[%get3A_452, %get3A_453] {strides = array<i32>} : memref<64x768xf32, #tpu.memory_space<vmem>>, vector<16xf32>,
      %add3A_455 = arith.addf %get3A_451, %get3A_454 : vector<16xf32>
      %swap3A_456 = arith.index_cast %scan3A_30 : i32 to index
      %swap3A_457 = arith.constant 672 : index
      %swap3A_458 = tpu.vector_load %arg7[%swap3A_456, %swap3A_457] {strides = array<i32>} : memref<64x768xf32, #tpu.memory_space<vmem>>, vector<16xf32>,
      tpu.vector_store %arg7[%swap3A_456, %swap3A_457], %add3A_455 {strides = array<i32>} : memref<64x768xf32, #tpu.memory_space<vmem>>, vector<16xf32>,
      %get3A_459 = arith.index_cast %scan3A_30 : i32 to index
      %get3A_460 = arith.constant 688 : index
      %get3A_461 = tpu.vector_load %arg7[%get3A_459, %get3A_460] {strides = array<i32>} : memref<64x768xf32, #tpu.memory_space<vmem>>, vector<16xf32>,
      %get3A_462 = arith.index_cast %scan3A_30 : i32 to index
      %get3A_463 = arith.constant 688 : index
      %get3A_464 = tpu.vector_load %arg8[%get3A_462, %get3A_463] {strides = array<i32>} : memref<64x768xf32, #tpu.memory_space<vmem>>, vector<16xf32>,
      %add3A_465 = arith.addf %get3A_461, %get3A_464 : vector<16xf32>
      %swap3A_466 = arith.index_cast %scan3A_30 : i32 to index
      %swap3A_467 = arith.constant 688 : index
      %swap3A_468 = tpu.vector_load %arg7[%swap3A_466, %swap3A_467] {strides = array<i32>} : memref<64x768xf32, #tpu.memory_space<vmem>>, vector<16xf32>,
      tpu.vector_store %arg7[%swap3A_466, %swap3A_467], %add3A_465 {strides = array<i32>} : memref<64x768xf32, #tpu.memory_space<vmem>>, vector<16xf32>,
      %get3A_469 = arith.index_cast %scan3A_30 : i32 to index
      %get3A_470 = arith.constant 704 : index
      %get3A_471 = tpu.vector_load %arg7[%get3A_469, %get3A_470] {strides = array<i32>} : memref<64x768xf32, #tpu.memory_space<vmem>>, vector<16xf32>,
      %get3A_472 = arith.index_cast %scan3A_30 : i32 to index
      %get3A_473 = arith.constant 704 : index
      %get3A_474 = tpu.vector_load %arg8[%get3A_472, %get3A_473] {strides = array<i32>} : memref<64x768xf32, #tpu.memory_space<vmem>>, vector<16xf32>,
      %add3A_475 = arith.addf %get3A_471, %get3A_474 : vector<16xf32>
      %swap3A_476 = arith.index_cast %scan3A_30 : i32 to index
      %swap3A_477 = arith.constant 704 : index
      %swap3A_478 = tpu.vector_load %arg7[%swap3A_476, %swap3A_477] {strides = array<i32>} : memref<64x768xf32, #tpu.memory_space<vmem>>, vector<16xf32>,
      tpu.vector_store %arg7[%swap3A_476, %swap3A_477], %add3A_475 {strides = array<i32>} : memref<64x768xf32, #tpu.memory_space<vmem>>, vector<16xf32>,
      %get3A_479 = arith.index_cast %scan3A_30 : i32 to index
      %get3A_480 = arith.constant 720 : index
      %get3A_481 = tpu.vector_load %arg7[%get3A_479, %get3A_480] {strides = array<i32>} : memref<64x768xf32, #tpu.memory_space<vmem>>, vector<16xf32>,
      %get3A_482 = arith.index_cast %scan3A_30 : i32 to index
      %get3A_483 = arith.constant 720 : index
      %get3A_484 = tpu.vector_load %arg8[%get3A_482, %get3A_483] {strides = array<i32>} : memref<64x768xf32, #tpu.memory_space<vmem>>, vector<16xf32>,
      %add3A_485 = arith.addf %get3A_481, %get3A_484 : vector<16xf32>
      %swap3A_486 = arith.index_cast %scan3A_30 : i32 to index
      %swap3A_487 = arith.constant 720 : index
      %swap3A_488 = tpu.vector_load %arg7[%swap3A_486, %swap3A_487] {strides = array<i32>} : memref<64x768xf32, #tpu.memory_space<vmem>>, vector<16xf32>,
      tpu.vector_store %arg7[%swap3A_486, %swap3A_487], %add3A_485 {strides = array<i32>} : memref<64x768xf32, #tpu.memory_space<vmem>>, vector<16xf32>,
      %get3A_489 = arith.index_cast %scan3A_30 : i32 to index
      %get3A_490 = arith.constant 736 : index
      %get3A_491 = tpu.vector_load %arg7[%get3A_489, %get3A_490] {strides = array<i32>} : memref<64x768xf32, #tpu.memory_space<vmem>>, vector<16xf32>,
      %get3A_492 = arith.index_cast %scan3A_30 : i32 to index
      %get3A_493 = arith.constant 736 : index
      %get3A_494 = tpu.vector_load %arg8[%get3A_492, %get3A_493] {strides = array<i32>} : memref<64x768xf32, #tpu.memory_space<vmem>>, vector<16xf32>,
      %add3A_495 = arith.addf %get3A_491, %get3A_494 : vector<16xf32>
      %swap3A_496 = arith.index_cast %scan3A_30 : i32 to index
      %swap3A_497 = arith.constant 736 : index
      %swap3A_498 = tpu.vector_load %arg7[%swap3A_496, %swap3A_497] {strides = array<i32>} : memref<64x768xf32, #tpu.memory_space<vmem>>, vector<16xf32>,
      tpu.vector_store %arg7[%swap3A_496, %swap3A_497], %add3A_495 {strides = array<i32>} : memref<64x768xf32, #tpu.memory_space<vmem>>, vector<16xf32>,
      %get3A_499 = arith.index_cast %scan3A_30 : i32 to index
      %get3A_500 = arith.constant 752 : index
      %get3A_501 = tpu.vector_load %arg7[%get3A_499, %get3A_500] {strides = array<i32>} : memref<64x768xf32, #tpu.memory_space<vmem>>, vector<16xf32>,
      %get3A_502 = arith.index_cast %scan3A_30 : i32 to index
      %get3A_503 = arith.constant 752 : index
      %get3A_504 = tpu.vector_load %arg8[%get3A_502, %get3A_503] {strides = array<i32>} : memref<64x768xf32, #tpu.memory_space<vmem>>, vector<16xf32>,
      %add3A_505 = arith.addf %get3A_501, %get3A_504 : vector<16xf32>
      %swap3A_506 = arith.index_cast %scan3A_30 : i32 to index
      %swap3A_507 = arith.constant 752 : index
      %swap3A_508 = tpu.vector_load %arg7[%swap3A_506, %swap3A_507] {strides = array<i32>} : memref<64x768xf32, #tpu.memory_space<vmem>>, vector<16xf32>,
      tpu.vector_store %arg7[%swap3A_506, %swap3A_507], %add3A_505 {strides = array<i32>} : memref<64x768xf32, #tpu.memory_space<vmem>>, vector<16xf32>,
    }
    %scan3A_29 = arith.constant 64 : i32
    "tpu.region"() ({
      %run_scoped3A = tpu.sem_alloc : memref<!tpu.dma_semaphore, #tpu.memory_space<semaphore_mem>>
      %dma_start3A_30 = arith.constant 0 : i32
      %dma_start3A_31 = tpu.memref_slice %arg4[%add3A_4, %dma_start3A_30] : memref<2048x768xf32, #tpu.memory_space<hbm>> -> memref<64x768xf32, #tpu.memory_space<hbm>>
      %dma_start3A_32 = arith.constant 0 : i32
      %dma_start3A_33 = tpu.memref_slice %arg4[%add3A_4, %dma_start3A_32] : memref<2048x768xf32, #tpu.memory_space<hbm>> -> memref<64x768xf32, #tpu.memory_space<hbm>>
      tpu.enqueue_dma source(%arg7 : memref<64x768xf32, #tpu.memory_space<vmem>>) target(%dma_start3A_33 : memref<64x768xf32, #tpu.memory_space<hbm>>) target_semaphore(%run_scoped3A : memref<!tpu.dma_semaphore, #tpu.memory_space<semaphore_mem>>)
      %dma_wait3A_34 = arith.constant 0 : i32
      %dma_wait3A_35 = tpu.memref_slice %arg4[%add3A_4, %dma_wait3A_34] : memref<2048x768xf32, #tpu.memory_space<hbm>> -> memref<64x768xf32, #tpu.memory_space<hbm>>
      %dma_wait3A_36 = arith.constant 0 : i32
      %dma_wait3A_37 = tpu.memref_slice %arg4[%add3A_4, %dma_wait3A_36] : memref<2048x768xf32, #tpu.memory_space<hbm>> -> memref<64x768xf32, #tpu.memory_space<hbm>>
      tpu.wait_dma2 semaphore(%run_scoped3A : memref<!tpu.dma_semaphore, #tpu.memory_space<semaphore_mem>>) src(%arg7 : memref<64x768xf32, #tpu.memory_space<vmem>>) dst(%dma_wait3A_37 : memref<64x768xf32, #tpu.memory_space<hbm>>)
      tpu.yield
    }) : () -> ()
    return
  }
}

#map = affine_map<(d0, d1) -> (0)>
#map1 = affine_map<(d0, d1) -> (0, 0)>
module attributes {stable_mosaic.version = 14 : i64} {
  func.func @_place_kernel(%arg0: i32, %arg1: i32, %arg2: memref<4096xi32, #tpu.memory_space<hbm>>, %arg3: memref<4096xf32, #tpu.memory_space<hbm>>, %arg4: memref<32x16xi32, #tpu.memory_space<hbm>>, %arg5: memref<2048x768xf32, #tpu.memory_space<hbm>>, %arg6: memref<6144x768xf32, #tpu.memory_space<hbm>>, %arg7: memref<6144xf32, #tpu.memory_space<hbm>>, %arg8: memref<4096xi32, #tpu.memory_space<hbm>>, %arg9: memref<48xi32, #tpu.memory_space<hbm>>, %arg10: memref<32x16xi32, #tpu.memory_space<vmem>>, %arg11: memref<128xi32, #tpu.memory_space<vmem>>, %arg12: memref<128xf32, #tpu.memory_space<vmem>>, %arg13: memref<128xi32, #tpu.memory_space<vmem>>, %arg14: memref<128x768xf32, #tpu.memory_space<vmem>>, %arg15: memref<48xi32, #tpu.memory_space<vmem>>, %arg16: memref<!tpu.dma_semaphore, #tpu.memory_space<semaphore_mem>>, %arg17: memref<!tpu.dma_semaphore, #tpu.memory_space<semaphore_mem>>, %arg18: memref<!tpu.dma_semaphore, #tpu.memory_space<semaphore_mem>>, %arg19: memref<!tpu.dma_semaphore, #tpu.memory_space<semaphore_mem>>) attributes {dimension_semantics = [#tpu.dimension_semantics<core_parallel>, #tpu.dimension_semantics<subcore_parallel>], iteration_bounds = array<i64: 2, 16>, scalar_prefetch = 0 : i64, scratch_operands = 10 : i64, tpu.core_type = #tpu.core_type<sc_vector_subcore>, window_params = [{transform_indices = #map}, {transform_indices = #map}, {transform_indices = #map1}, {transform_indices = #map1}, {transform_indices = #map1}, {transform_indices = #map}, {transform_indices = #map}, {transform_indices = #map}]} {
    %mul3A = arith.constant 2 : i32
    %mul3A_0 = arith.muli %arg1, %mul3A : i32
    %add3A = arith.addi %mul3A_0, %arg0 : i32
    %mul3A_1 = arith.constant 128 : i32
    %mul3A_2 = arith.muli %add3A, %mul3A_1 : i32
    %and3A = arith.constant 2047 : i32
    %and3A_3 = arith.andi %mul3A_2, %and3A : i32
    %multiple_of3A = tpu.assume_multiple %and3A_3, 128 : i32
    %dma_start3A = arith.constant 0 : i32
    %dma_start3A_4 = tpu.memref_slice %arg5[%multiple_of3A, %dma_start3A] : memref<2048x768xf32, #tpu.memory_space<hbm>> -> memref<128x768xf32, #tpu.memory_space<hbm>>
    %dma_start3A_5 = arith.constant 0 : i32
    %dma_start3A_6 = tpu.memref_slice %arg5[%multiple_of3A, %dma_start3A_5] : memref<2048x768xf32, #tpu.memory_space<hbm>> -> memref<128x768xf32, #tpu.memory_space<hbm>>
    tpu.enqueue_dma source(%dma_start3A_6 : memref<128x768xf32, #tpu.memory_space<hbm>>) target(%arg14 : memref<128x768xf32, #tpu.memory_space<vmem>>) target_semaphore(%arg16 : memref<!tpu.dma_semaphore, #tpu.memory_space<semaphore_mem>>)
    tpu.enqueue_dma source(%arg4 : memref<32x16xi32, #tpu.memory_space<hbm>>) target(%arg10 : memref<32x16xi32, #tpu.memory_space<vmem>>) target_semaphore(%arg17 : memref<!tpu.dma_semaphore, #tpu.memory_space<semaphore_mem>>)
    %mul3A_7 = arith.constant 128 : i32
    %mul3A_8 = arith.muli %add3A, %mul3A_7 : i32
    %dma_start3A_9 = tpu.memref_slice %arg2[%mul3A_8] : memref<4096xi32, #tpu.memory_space<hbm>> -> memref<128xi32, #tpu.memory_space<hbm>>
    %dma_start3A_10 = tpu.memref_slice %arg2[%mul3A_8] : memref<4096xi32, #tpu.memory_space<hbm>> -> memref<128xi32, #tpu.memory_space<hbm>>
    tpu.enqueue_dma source(%dma_start3A_10 : memref<128xi32, #tpu.memory_space<hbm>>) target(%arg11 : memref<128xi32, #tpu.memory_space<vmem>>) target_semaphore(%arg18 : memref<!tpu.dma_semaphore, #tpu.memory_space<semaphore_mem>>)
    %mul3A_11 = arith.constant 128 : i32
    %mul3A_12 = arith.muli %add3A, %mul3A_11 : i32
    %dma_start3A_13 = tpu.memref_slice %arg3[%mul3A_12] : memref<4096xf32, #tpu.memory_space<hbm>> -> memref<128xf32, #tpu.memory_space<hbm>>
    %dma_start3A_14 = tpu.memref_slice %arg3[%mul3A_12] : memref<4096xf32, #tpu.memory_space<hbm>> -> memref<128xf32, #tpu.memory_space<hbm>>
    tpu.enqueue_dma source(%dma_start3A_14 : memref<128xf32, #tpu.memory_space<hbm>>) target(%arg12 : memref<128xf32, #tpu.memory_space<vmem>>) target_semaphore(%arg19 : memref<!tpu.dma_semaphore, #tpu.memory_space<semaphore_mem>>)
    tpu.wait_dma2 semaphore(%arg17 : memref<!tpu.dma_semaphore, #tpu.memory_space<semaphore_mem>>) src(%arg4 : memref<32x16xi32, #tpu.memory_space<hbm>>) dst(%arg10 : memref<32x16xi32, #tpu.memory_space<vmem>>)
    %dma_wait3A = tpu.memref_slice %arg2[%mul3A_8] : memref<4096xi32, #tpu.memory_space<hbm>> -> memref<128xi32, #tpu.memory_space<hbm>>
    %dma_wait3A_15 = tpu.memref_slice %arg2[%mul3A_8] : memref<4096xi32, #tpu.memory_space<hbm>> -> memref<128xi32, #tpu.memory_space<hbm>>
    tpu.wait_dma2 semaphore(%arg18 : memref<!tpu.dma_semaphore, #tpu.memory_space<semaphore_mem>>) src(%dma_wait3A_15 : memref<128xi32, #tpu.memory_space<hbm>>) dst(%arg11 : memref<128xi32, #tpu.memory_space<vmem>>)
    %dma_wait3A_16 = tpu.memref_slice %arg3[%mul3A_12] : memref<4096xf32, #tpu.memory_space<hbm>> -> memref<128xf32, #tpu.memory_space<hbm>>
    %dma_wait3A_17 = tpu.memref_slice %arg3[%mul3A_12] : memref<4096xf32, #tpu.memory_space<hbm>> -> memref<128xf32, #tpu.memory_space<hbm>>
    tpu.wait_dma2 semaphore(%arg19 : memref<!tpu.dma_semaphore, #tpu.memory_space<semaphore_mem>>) src(%dma_wait3A_17 : memref<128xf32, #tpu.memory_space<hbm>>) dst(%arg12 : memref<128xf32, #tpu.memory_space<vmem>>)
    %broadcast_in_dim3A = arith.constant 0 : i32
    %broadcast_in_dim3A_18 = vector.broadcast %broadcast_in_dim3A : i32 to vector<16xi32>
    %broadcast_in_dim3A_19 = arith.constant 1 : i32
    %broadcast_in_dim3A_20 = vector.broadcast %broadcast_in_dim3A_19 : i32 to vector<16xi32>
    %iota3A = tpu.iota {dimensions = array<i32: 0>} : vector<16xi32>
    %broadcast_in_dim3A_21 = vector.broadcast %add3A : i32 to vector<16xi32>
    %get3A = arith.constant 0 : i32
    %get3A_22 = arith.index_cast %get3A : i32 to index
    %get3A_23 = arith.constant 0 : index
    %get3A_24 = tpu.vector_load %arg10[%get3A_22, %get3A_23] {strides = array<i32>} : memref<32x16xi32, #tpu.memory_space<vmem>>, vector<16xi32>,
    %add3A_25 = arith.addi %broadcast_in_dim3A_18, %get3A_24 : vector<16xi32>
    %broadcast_in_dim3A_26 = arith.constant 0 : i32
    %broadcast_in_dim3A_27 = vector.broadcast %broadcast_in_dim3A_26 : i32 to vector<16xi32>
    %lt3A = arith.cmpi slt, %broadcast_in_dim3A_27, %broadcast_in_dim3A_21 : vector<16xi32>
    %select_n3A = arith.select %lt3A, %get3A_24, %broadcast_in_dim3A_18 : vector<16xi1>, vector<16xi32>
    %add3A_28 = arith.addi %broadcast_in_dim3A_18, %select_n3A : vector<16xi32>
    %get3A_29 = arith.constant 1 : i32
    %get3A_30 = arith.index_cast %get3A_29 : i32 to index
    %get3A_31 = arith.constant 0 : index
    %get3A_32 = tpu.vector_load %arg10[%get3A_30, %get3A_31] {strides = array<i32>} : memref<32x16xi32, #tpu.memory_space<vmem>>, vector<16xi32>,
    %add3A_33 = arith.addi %add3A_25, %get3A_32 : vector<16xi32>
    %broadcast_in_dim3A_34 = arith.constant 1 : i32
    %broadcast_in_dim3A_35 = vector.broadcast %broadcast_in_dim3A_34 : i32 to vector<16xi32>
    %lt3A_36 = arith.cmpi slt, %broadcast_in_dim3A_35, %broadcast_in_dim3A_21 : vector<16xi32>
    %select_n3A_37 = arith.select %lt3A_36, %get3A_32, %broadcast_in_dim3A_18 : vector<16xi1>, vector<16xi32>
    %add3A_38 = arith.addi %add3A_28, %select_n3A_37 : vector<16xi32>
    %get3A_39 = arith.constant 2 : i32
    %get3A_40 = arith.index_cast %get3A_39 : i32 to index
    %get3A_41 = arith.constant 0 : index
    %get3A_42 = tpu.vector_load %arg10[%get3A_40, %get3A_41] {strides = array<i32>} : memref<32x16xi32, #tpu.memory_space<vmem>>, vector<16xi32>,
    %add3A_43 = arith.addi %add3A_33, %get3A_42 : vector<16xi32>
    %broadcast_in_dim3A_44 = arith.constant 2 : i32
    %broadcast_in_dim3A_45 = vector.broadcast %broadcast_in_dim3A_44 : i32 to vector<16xi32>
    %lt3A_46 = arith.cmpi slt, %broadcast_in_dim3A_45, %broadcast_in_dim3A_21 : vector<16xi32>
    %select_n3A_47 = arith.select %lt3A_46, %get3A_42, %broadcast_in_dim3A_18 : vector<16xi1>, vector<16xi32>
    %add3A_48 = arith.addi %add3A_38, %select_n3A_47 : vector<16xi32>
    %get3A_49 = arith.constant 3 : i32
    %get3A_50 = arith.index_cast %get3A_49 : i32 to index
    %get3A_51 = arith.constant 0 : index
    %get3A_52 = tpu.vector_load %arg10[%get3A_50, %get3A_51] {strides = array<i32>} : memref<32x16xi32, #tpu.memory_space<vmem>>, vector<16xi32>,
    %add3A_53 = arith.addi %add3A_43, %get3A_52 : vector<16xi32>
    %broadcast_in_dim3A_54 = arith.constant 3 : i32
    %broadcast_in_dim3A_55 = vector.broadcast %broadcast_in_dim3A_54 : i32 to vector<16xi32>
    %lt3A_56 = arith.cmpi slt, %broadcast_in_dim3A_55, %broadcast_in_dim3A_21 : vector<16xi32>
    %select_n3A_57 = arith.select %lt3A_56, %get3A_52, %broadcast_in_dim3A_18 : vector<16xi1>, vector<16xi32>
    %add3A_58 = arith.addi %add3A_48, %select_n3A_57 : vector<16xi32>
    %get3A_59 = arith.constant 4 : i32
    %get3A_60 = arith.index_cast %get3A_59 : i32 to index
    %get3A_61 = arith.constant 0 : index
    %get3A_62 = tpu.vector_load %arg10[%get3A_60, %get3A_61] {strides = array<i32>} : memref<32x16xi32, #tpu.memory_space<vmem>>, vector<16xi32>,
    %add3A_63 = arith.addi %add3A_53, %get3A_62 : vector<16xi32>
    %broadcast_in_dim3A_64 = arith.constant 4 : i32
    %broadcast_in_dim3A_65 = vector.broadcast %broadcast_in_dim3A_64 : i32 to vector<16xi32>
    %lt3A_66 = arith.cmpi slt, %broadcast_in_dim3A_65, %broadcast_in_dim3A_21 : vector<16xi32>
    %select_n3A_67 = arith.select %lt3A_66, %get3A_62, %broadcast_in_dim3A_18 : vector<16xi1>, vector<16xi32>
    %add3A_68 = arith.addi %add3A_58, %select_n3A_67 : vector<16xi32>
    %get3A_69 = arith.constant 5 : i32
    %get3A_70 = arith.index_cast %get3A_69 : i32 to index
    %get3A_71 = arith.constant 0 : index
    %get3A_72 = tpu.vector_load %arg10[%get3A_70, %get3A_71] {strides = array<i32>} : memref<32x16xi32, #tpu.memory_space<vmem>>, vector<16xi32>,
    %add3A_73 = arith.addi %add3A_63, %get3A_72 : vector<16xi32>
    %broadcast_in_dim3A_74 = arith.constant 5 : i32
    %broadcast_in_dim3A_75 = vector.broadcast %broadcast_in_dim3A_74 : i32 to vector<16xi32>
    %lt3A_76 = arith.cmpi slt, %broadcast_in_dim3A_75, %broadcast_in_dim3A_21 : vector<16xi32>
    %select_n3A_77 = arith.select %lt3A_76, %get3A_72, %broadcast_in_dim3A_18 : vector<16xi1>, vector<16xi32>
    %add3A_78 = arith.addi %add3A_68, %select_n3A_77 : vector<16xi32>
    %get3A_79 = arith.constant 6 : i32
    %get3A_80 = arith.index_cast %get3A_79 : i32 to index
    %get3A_81 = arith.constant 0 : index
    %get3A_82 = tpu.vector_load %arg10[%get3A_80, %get3A_81] {strides = array<i32>} : memref<32x16xi32, #tpu.memory_space<vmem>>, vector<16xi32>,
    %add3A_83 = arith.addi %add3A_73, %get3A_82 : vector<16xi32>
    %broadcast_in_dim3A_84 = arith.constant 6 : i32
    %broadcast_in_dim3A_85 = vector.broadcast %broadcast_in_dim3A_84 : i32 to vector<16xi32>
    %lt3A_86 = arith.cmpi slt, %broadcast_in_dim3A_85, %broadcast_in_dim3A_21 : vector<16xi32>
    %select_n3A_87 = arith.select %lt3A_86, %get3A_82, %broadcast_in_dim3A_18 : vector<16xi1>, vector<16xi32>
    %add3A_88 = arith.addi %add3A_78, %select_n3A_87 : vector<16xi32>
    %get3A_89 = arith.constant 7 : i32
    %get3A_90 = arith.index_cast %get3A_89 : i32 to index
    %get3A_91 = arith.constant 0 : index
    %get3A_92 = tpu.vector_load %arg10[%get3A_90, %get3A_91] {strides = array<i32>} : memref<32x16xi32, #tpu.memory_space<vmem>>, vector<16xi32>,
    %add3A_93 = arith.addi %add3A_83, %get3A_92 : vector<16xi32>
    %broadcast_in_dim3A_94 = arith.constant 7 : i32
    %broadcast_in_dim3A_95 = vector.broadcast %broadcast_in_dim3A_94 : i32 to vector<16xi32>
    %lt3A_96 = arith.cmpi slt, %broadcast_in_dim3A_95, %broadcast_in_dim3A_21 : vector<16xi32>
    %select_n3A_97 = arith.select %lt3A_96, %get3A_92, %broadcast_in_dim3A_18 : vector<16xi1>, vector<16xi32>
    %add3A_98 = arith.addi %add3A_88, %select_n3A_97 : vector<16xi32>
    %get3A_99 = arith.constant 8 : i32
    %get3A_100 = arith.index_cast %get3A_99 : i32 to index
    %get3A_101 = arith.constant 0 : index
    %get3A_102 = tpu.vector_load %arg10[%get3A_100, %get3A_101] {strides = array<i32>} : memref<32x16xi32, #tpu.memory_space<vmem>>, vector<16xi32>,
    %add3A_103 = arith.addi %add3A_93, %get3A_102 : vector<16xi32>
    %broadcast_in_dim3A_104 = arith.constant 8 : i32
    %broadcast_in_dim3A_105 = vector.broadcast %broadcast_in_dim3A_104 : i32 to vector<16xi32>
    %lt3A_106 = arith.cmpi slt, %broadcast_in_dim3A_105, %broadcast_in_dim3A_21 : vector<16xi32>
    %select_n3A_107 = arith.select %lt3A_106, %get3A_102, %broadcast_in_dim3A_18 : vector<16xi1>, vector<16xi32>
    %add3A_108 = arith.addi %add3A_98, %select_n3A_107 : vector<16xi32>
    %get3A_109 = arith.constant 9 : i32
    %get3A_110 = arith.index_cast %get3A_109 : i32 to index
    %get3A_111 = arith.constant 0 : index
    %get3A_112 = tpu.vector_load %arg10[%get3A_110, %get3A_111] {strides = array<i32>} : memref<32x16xi32, #tpu.memory_space<vmem>>, vector<16xi32>,
    %add3A_113 = arith.addi %add3A_103, %get3A_112 : vector<16xi32>
    %broadcast_in_dim3A_114 = arith.constant 9 : i32
    %broadcast_in_dim3A_115 = vector.broadcast %broadcast_in_dim3A_114 : i32 to vector<16xi32>
    %lt3A_116 = arith.cmpi slt, %broadcast_in_dim3A_115, %broadcast_in_dim3A_21 : vector<16xi32>
    %select_n3A_117 = arith.select %lt3A_116, %get3A_112, %broadcast_in_dim3A_18 : vector<16xi1>, vector<16xi32>
    %add3A_118 = arith.addi %add3A_108, %select_n3A_117 : vector<16xi32>
    %get3A_119 = arith.constant 10 : i32
    %get3A_120 = arith.index_cast %get3A_119 : i32 to index
    %get3A_121 = arith.constant 0 : index
    %get3A_122 = tpu.vector_load %arg10[%get3A_120, %get3A_121] {strides = array<i32>} : memref<32x16xi32, #tpu.memory_space<vmem>>, vector<16xi32>,
    %add3A_123 = arith.addi %add3A_113, %get3A_122 : vector<16xi32>
    %broadcast_in_dim3A_124 = arith.constant 10 : i32
    %broadcast_in_dim3A_125 = vector.broadcast %broadcast_in_dim3A_124 : i32 to vector<16xi32>
    %lt3A_126 = arith.cmpi slt, %broadcast_in_dim3A_125, %broadcast_in_dim3A_21 : vector<16xi32>
    %select_n3A_127 = arith.select %lt3A_126, %get3A_122, %broadcast_in_dim3A_18 : vector<16xi1>, vector<16xi32>
    %add3A_128 = arith.addi %add3A_118, %select_n3A_127 : vector<16xi32>
    %get3A_129 = arith.constant 11 : i32
    %get3A_130 = arith.index_cast %get3A_129 : i32 to index
    %get3A_131 = arith.constant 0 : index
    %get3A_132 = tpu.vector_load %arg10[%get3A_130, %get3A_131] {strides = array<i32>} : memref<32x16xi32, #tpu.memory_space<vmem>>, vector<16xi32>,
    %add3A_133 = arith.addi %add3A_123, %get3A_132 : vector<16xi32>
    %broadcast_in_dim3A_134 = arith.constant 11 : i32
    %broadcast_in_dim3A_135 = vector.broadcast %broadcast_in_dim3A_134 : i32 to vector<16xi32>
    %lt3A_136 = arith.cmpi slt, %broadcast_in_dim3A_135, %broadcast_in_dim3A_21 : vector<16xi32>
    %select_n3A_137 = arith.select %lt3A_136, %get3A_132, %broadcast_in_dim3A_18 : vector<16xi1>, vector<16xi32>
    %add3A_138 = arith.addi %add3A_128, %select_n3A_137 : vector<16xi32>
    %get3A_139 = arith.constant 12 : i32
    %get3A_140 = arith.index_cast %get3A_139 : i32 to index
    %get3A_141 = arith.constant 0 : index
    %get3A_142 = tpu.vector_load %arg10[%get3A_140, %get3A_141] {strides = array<i32>} : memref<32x16xi32, #tpu.memory_space<vmem>>, vector<16xi32>,
    %add3A_143 = arith.addi %add3A_133, %get3A_142 : vector<16xi32>
    %broadcast_in_dim3A_144 = arith.constant 12 : i32
    %broadcast_in_dim3A_145 = vector.broadcast %broadcast_in_dim3A_144 : i32 to vector<16xi32>
    %lt3A_146 = arith.cmpi slt, %broadcast_in_dim3A_145, %broadcast_in_dim3A_21 : vector<16xi32>
    %select_n3A_147 = arith.select %lt3A_146, %get3A_142, %broadcast_in_dim3A_18 : vector<16xi1>, vector<16xi32>
    %add3A_148 = arith.addi %add3A_138, %select_n3A_147 : vector<16xi32>
    %get3A_149 = arith.constant 13 : i32
    %get3A_150 = arith.index_cast %get3A_149 : i32 to index
    %get3A_151 = arith.constant 0 : index
    %get3A_152 = tpu.vector_load %arg10[%get3A_150, %get3A_151] {strides = array<i32>} : memref<32x16xi32, #tpu.memory_space<vmem>>, vector<16xi32>,
    %add3A_153 = arith.addi %add3A_143, %get3A_152 : vector<16xi32>
    %broadcast_in_dim3A_154 = arith.constant 13 : i32
    %broadcast_in_dim3A_155 = vector.broadcast %broadcast_in_dim3A_154 : i32 to vector<16xi32>
    %lt3A_156 = arith.cmpi slt, %broadcast_in_dim3A_155, %broadcast_in_dim3A_21 : vector<16xi32>
    %select_n3A_157 = arith.select %lt3A_156, %get3A_152, %broadcast_in_dim3A_18 : vector<16xi1>, vector<16xi32>
    %add3A_158 = arith.addi %add3A_148, %select_n3A_157 : vector<16xi32>
    %get3A_159 = arith.constant 14 : i32
    %get3A_160 = arith.index_cast %get3A_159 : i32 to index
    %get3A_161 = arith.constant 0 : index
    %get3A_162 = tpu.vector_load %arg10[%get3A_160, %get3A_161] {strides = array<i32>} : memref<32x16xi32, #tpu.memory_space<vmem>>, vector<16xi32>,
    %add3A_163 = arith.addi %add3A_153, %get3A_162 : vector<16xi32>
    %broadcast_in_dim3A_164 = arith.constant 14 : i32
    %broadcast_in_dim3A_165 = vector.broadcast %broadcast_in_dim3A_164 : i32 to vector<16xi32>
    %lt3A_166 = arith.cmpi slt, %broadcast_in_dim3A_165, %broadcast_in_dim3A_21 : vector<16xi32>
    %select_n3A_167 = arith.select %lt3A_166, %get3A_162, %broadcast_in_dim3A_18 : vector<16xi1>, vector<16xi32>
    %add3A_168 = arith.addi %add3A_158, %select_n3A_167 : vector<16xi32>
    %get3A_169 = arith.constant 15 : i32
    %get3A_170 = arith.index_cast %get3A_169 : i32 to index
    %get3A_171 = arith.constant 0 : index
    %get3A_172 = tpu.vector_load %arg10[%get3A_170, %get3A_171] {strides = array<i32>} : memref<32x16xi32, #tpu.memory_space<vmem>>, vector<16xi32>,
    %add3A_173 = arith.addi %add3A_163, %get3A_172 : vector<16xi32>
    %broadcast_in_dim3A_174 = arith.constant 15 : i32
    %broadcast_in_dim3A_175 = vector.broadcast %broadcast_in_dim3A_174 : i32 to vector<16xi32>
    %lt3A_176 = arith.cmpi slt, %broadcast_in_dim3A_175, %broadcast_in_dim3A_21 : vector<16xi32>
    %select_n3A_177 = arith.select %lt3A_176, %get3A_172, %broadcast_in_dim3A_18 : vector<16xi1>, vector<16xi32>
    %add3A_178 = arith.addi %add3A_168, %select_n3A_177 : vector<16xi32>
    %get3A_179 = arith.constant 16 : i32
    %get3A_180 = arith.index_cast %get3A_179 : i32 to index
    %get3A_181 = arith.constant 0 : index
    %get3A_182 = tpu.vector_load %arg10[%get3A_180, %get3A_181] {strides = array<i32>} : memref<32x16xi32, #tpu.memory_space<vmem>>, vector<16xi32>,
    %add3A_183 = arith.addi %add3A_173, %get3A_182 : vector<16xi32>
    %broadcast_in_dim3A_184 = arith.constant 16 : i32
    %broadcast_in_dim3A_185 = vector.broadcast %broadcast_in_dim3A_184 : i32 to vector<16xi32>
    %lt3A_186 = arith.cmpi slt, %broadcast_in_dim3A_185, %broadcast_in_dim3A_21 : vector<16xi32>
    %select_n3A_187 = arith.select %lt3A_186, %get3A_182, %broadcast_in_dim3A_18 : vector<16xi1>, vector<16xi32>
    %add3A_188 = arith.addi %add3A_178, %select_n3A_187 : vector<16xi32>
    %get3A_189 = arith.constant 17 : i32
    %get3A_190 = arith.index_cast %get3A_189 : i32 to index
    %get3A_191 = arith.constant 0 : index
    %get3A_192 = tpu.vector_load %arg10[%get3A_190, %get3A_191] {strides = array<i32>} : memref<32x16xi32, #tpu.memory_space<vmem>>, vector<16xi32>,
    %add3A_193 = arith.addi %add3A_183, %get3A_192 : vector<16xi32>
    %broadcast_in_dim3A_194 = arith.constant 17 : i32
    %broadcast_in_dim3A_195 = vector.broadcast %broadcast_in_dim3A_194 : i32 to vector<16xi32>
    %lt3A_196 = arith.cmpi slt, %broadcast_in_dim3A_195, %broadcast_in_dim3A_21 : vector<16xi32>
    %select_n3A_197 = arith.select %lt3A_196, %get3A_192, %broadcast_in_dim3A_18 : vector<16xi1>, vector<16xi32>
    %add3A_198 = arith.addi %add3A_188, %select_n3A_197 : vector<16xi32>
    %get3A_199 = arith.constant 18 : i32
    %get3A_200 = arith.index_cast %get3A_199 : i32 to index
    %get3A_201 = arith.constant 0 : index
    %get3A_202 = tpu.vector_load %arg10[%get3A_200, %get3A_201] {strides = array<i32>} : memref<32x16xi32, #tpu.memory_space<vmem>>, vector<16xi32>,
    %add3A_203 = arith.addi %add3A_193, %get3A_202 : vector<16xi32>
    %broadcast_in_dim3A_204 = arith.constant 18 : i32
    %broadcast_in_dim3A_205 = vector.broadcast %broadcast_in_dim3A_204 : i32 to vector<16xi32>
    %lt3A_206 = arith.cmpi slt, %broadcast_in_dim3A_205, %broadcast_in_dim3A_21 : vector<16xi32>
    %select_n3A_207 = arith.select %lt3A_206, %get3A_202, %broadcast_in_dim3A_18 : vector<16xi1>, vector<16xi32>
    %add3A_208 = arith.addi %add3A_198, %select_n3A_207 : vector<16xi32>
    %get3A_209 = arith.constant 19 : i32
    %get3A_210 = arith.index_cast %get3A_209 : i32 to index
    %get3A_211 = arith.constant 0 : index
    %get3A_212 = tpu.vector_load %arg10[%get3A_210, %get3A_211] {strides = array<i32>} : memref<32x16xi32, #tpu.memory_space<vmem>>, vector<16xi32>,
    %add3A_213 = arith.addi %add3A_203, %get3A_212 : vector<16xi32>
    %broadcast_in_dim3A_214 = arith.constant 19 : i32
    %broadcast_in_dim3A_215 = vector.broadcast %broadcast_in_dim3A_214 : i32 to vector<16xi32>
    %lt3A_216 = arith.cmpi slt, %broadcast_in_dim3A_215, %broadcast_in_dim3A_21 : vector<16xi32>
    %select_n3A_217 = arith.select %lt3A_216, %get3A_212, %broadcast_in_dim3A_18 : vector<16xi1>, vector<16xi32>
    %add3A_218 = arith.addi %add3A_208, %select_n3A_217 : vector<16xi32>
    %get3A_219 = arith.constant 20 : i32
    %get3A_220 = arith.index_cast %get3A_219 : i32 to index
    %get3A_221 = arith.constant 0 : index
    %get3A_222 = tpu.vector_load %arg10[%get3A_220, %get3A_221] {strides = array<i32>} : memref<32x16xi32, #tpu.memory_space<vmem>>, vector<16xi32>,
    %add3A_223 = arith.addi %add3A_213, %get3A_222 : vector<16xi32>
    %broadcast_in_dim3A_224 = arith.constant 20 : i32
    %broadcast_in_dim3A_225 = vector.broadcast %broadcast_in_dim3A_224 : i32 to vector<16xi32>
    %lt3A_226 = arith.cmpi slt, %broadcast_in_dim3A_225, %broadcast_in_dim3A_21 : vector<16xi32>
    %select_n3A_227 = arith.select %lt3A_226, %get3A_222, %broadcast_in_dim3A_18 : vector<16xi1>, vector<16xi32>
    %add3A_228 = arith.addi %add3A_218, %select_n3A_227 : vector<16xi32>
    %get3A_229 = arith.constant 21 : i32
    %get3A_230 = arith.index_cast %get3A_229 : i32 to index
    %get3A_231 = arith.constant 0 : index
    %get3A_232 = tpu.vector_load %arg10[%get3A_230, %get3A_231] {strides = array<i32>} : memref<32x16xi32, #tpu.memory_space<vmem>>, vector<16xi32>,
    %add3A_233 = arith.addi %add3A_223, %get3A_232 : vector<16xi32>
    %broadcast_in_dim3A_234 = arith.constant 21 : i32
    %broadcast_in_dim3A_235 = vector.broadcast %broadcast_in_dim3A_234 : i32 to vector<16xi32>
    %lt3A_236 = arith.cmpi slt, %broadcast_in_dim3A_235, %broadcast_in_dim3A_21 : vector<16xi32>
    %select_n3A_237 = arith.select %lt3A_236, %get3A_232, %broadcast_in_dim3A_18 : vector<16xi1>, vector<16xi32>
    %add3A_238 = arith.addi %add3A_228, %select_n3A_237 : vector<16xi32>
    %get3A_239 = arith.constant 22 : i32
    %get3A_240 = arith.index_cast %get3A_239 : i32 to index
    %get3A_241 = arith.constant 0 : index
    %get3A_242 = tpu.vector_load %arg10[%get3A_240, %get3A_241] {strides = array<i32>} : memref<32x16xi32, #tpu.memory_space<vmem>>, vector<16xi32>,
    %add3A_243 = arith.addi %add3A_233, %get3A_242 : vector<16xi32>
    %broadcast_in_dim3A_244 = arith.constant 22 : i32
    %broadcast_in_dim3A_245 = vector.broadcast %broadcast_in_dim3A_244 : i32 to vector<16xi32>
    %lt3A_246 = arith.cmpi slt, %broadcast_in_dim3A_245, %broadcast_in_dim3A_21 : vector<16xi32>
    %select_n3A_247 = arith.select %lt3A_246, %get3A_242, %broadcast_in_dim3A_18 : vector<16xi1>, vector<16xi32>
    %add3A_248 = arith.addi %add3A_238, %select_n3A_247 : vector<16xi32>
    %get3A_249 = arith.constant 23 : i32
    %get3A_250 = arith.index_cast %get3A_249 : i32 to index
    %get3A_251 = arith.constant 0 : index
    %get3A_252 = tpu.vector_load %arg10[%get3A_250, %get3A_251] {strides = array<i32>} : memref<32x16xi32, #tpu.memory_space<vmem>>, vector<16xi32>,
    %add3A_253 = arith.addi %add3A_243, %get3A_252 : vector<16xi32>
    %broadcast_in_dim3A_254 = arith.constant 23 : i32
    %broadcast_in_dim3A_255 = vector.broadcast %broadcast_in_dim3A_254 : i32 to vector<16xi32>
    %lt3A_256 = arith.cmpi slt, %broadcast_in_dim3A_255, %broadcast_in_dim3A_21 : vector<16xi32>
    %select_n3A_257 = arith.select %lt3A_256, %get3A_252, %broadcast_in_dim3A_18 : vector<16xi1>, vector<16xi32>
    %add3A_258 = arith.addi %add3A_248, %select_n3A_257 : vector<16xi32>
    %get3A_259 = arith.constant 24 : i32
    %get3A_260 = arith.index_cast %get3A_259 : i32 to index
    %get3A_261 = arith.constant 0 : index
    %get3A_262 = tpu.vector_load %arg10[%get3A_260, %get3A_261] {strides = array<i32>} : memref<32x16xi32, #tpu.memory_space<vmem>>, vector<16xi32>,
    %add3A_263 = arith.addi %add3A_253, %get3A_262 : vector<16xi32>
    %broadcast_in_dim3A_264 = arith.constant 24 : i32
    %broadcast_in_dim3A_265 = vector.broadcast %broadcast_in_dim3A_264 : i32 to vector<16xi32>
    %lt3A_266 = arith.cmpi slt, %broadcast_in_dim3A_265, %broadcast_in_dim3A_21 : vector<16xi32>
    %select_n3A_267 = arith.select %lt3A_266, %get3A_262, %broadcast_in_dim3A_18 : vector<16xi1>, vector<16xi32>
    %add3A_268 = arith.addi %add3A_258, %select_n3A_267 : vector<16xi32>
    %get3A_269 = arith.constant 25 : i32
    %get3A_270 = arith.index_cast %get3A_269 : i32 to index
    %get3A_271 = arith.constant 0 : index
    %get3A_272 = tpu.vector_load %arg10[%get3A_270, %get3A_271] {strides = array<i32>} : memref<32x16xi32, #tpu.memory_space<vmem>>, vector<16xi32>,
    %add3A_273 = arith.addi %add3A_263, %get3A_272 : vector<16xi32>
    %broadcast_in_dim3A_274 = arith.constant 25 : i32
    %broadcast_in_dim3A_275 = vector.broadcast %broadcast_in_dim3A_274 : i32 to vector<16xi32>
    %lt3A_276 = arith.cmpi slt, %broadcast_in_dim3A_275, %broadcast_in_dim3A_21 : vector<16xi32>
    %select_n3A_277 = arith.select %lt3A_276, %get3A_272, %broadcast_in_dim3A_18 : vector<16xi1>, vector<16xi32>
    %add3A_278 = arith.addi %add3A_268, %select_n3A_277 : vector<16xi32>
    %get3A_279 = arith.constant 26 : i32
    %get3A_280 = arith.index_cast %get3A_279 : i32 to index
    %get3A_281 = arith.constant 0 : index
    %get3A_282 = tpu.vector_load %arg10[%get3A_280, %get3A_281] {strides = array<i32>} : memref<32x16xi32, #tpu.memory_space<vmem>>, vector<16xi32>,
    %add3A_283 = arith.addi %add3A_273, %get3A_282 : vector<16xi32>
    %broadcast_in_dim3A_284 = arith.constant 26 : i32
    %broadcast_in_dim3A_285 = vector.broadcast %broadcast_in_dim3A_284 : i32 to vector<16xi32>
    %lt3A_286 = arith.cmpi slt, %broadcast_in_dim3A_285, %broadcast_in_dim3A_21 : vector<16xi32>
    %select_n3A_287 = arith.select %lt3A_286, %get3A_282, %broadcast_in_dim3A_18 : vector<16xi1>, vector<16xi32>
    %add3A_288 = arith.addi %add3A_278, %select_n3A_287 : vector<16xi32>
    %get3A_289 = arith.constant 27 : i32
    %get3A_290 = arith.index_cast %get3A_289 : i32 to index
    %get3A_291 = arith.constant 0 : index
    %get3A_292 = tpu.vector_load %arg10[%get3A_290, %get3A_291] {strides = array<i32>} : memref<32x16xi32, #tpu.memory_space<vmem>>, vector<16xi32>,
    %add3A_293 = arith.addi %add3A_283, %get3A_292 : vector<16xi32>
    %broadcast_in_dim3A_294 = arith.constant 27 : i32
    %broadcast_in_dim3A_295 = vector.broadcast %broadcast_in_dim3A_294 : i32 to vector<16xi32>
    %lt3A_296 = arith.cmpi slt, %broadcast_in_dim3A_295, %broadcast_in_dim3A_21 : vector<16xi32>
    %select_n3A_297 = arith.select %lt3A_296, %get3A_292, %broadcast_in_dim3A_18 : vector<16xi1>, vector<16xi32>
    %add3A_298 = arith.addi %add3A_288, %select_n3A_297 : vector<16xi32>
    %get3A_299 = arith.constant 28 : i32
    %get3A_300 = arith.index_cast %get3A_299 : i32 to index
    %get3A_301 = arith.constant 0 : index
    %get3A_302 = tpu.vector_load %arg10[%get3A_300, %get3A_301] {strides = array<i32>} : memref<32x16xi32, #tpu.memory_space<vmem>>, vector<16xi32>,
    %add3A_303 = arith.addi %add3A_293, %get3A_302 : vector<16xi32>
    %broadcast_in_dim3A_304 = arith.constant 28 : i32
    %broadcast_in_dim3A_305 = vector.broadcast %broadcast_in_dim3A_304 : i32 to vector<16xi32>
    %lt3A_306 = arith.cmpi slt, %broadcast_in_dim3A_305, %broadcast_in_dim3A_21 : vector<16xi32>
    %select_n3A_307 = arith.select %lt3A_306, %get3A_302, %broadcast_in_dim3A_18 : vector<16xi1>, vector<16xi32>
    %add3A_308 = arith.addi %add3A_298, %select_n3A_307 : vector<16xi32>
    %get3A_309 = arith.constant 29 : i32
    %get3A_310 = arith.index_cast %get3A_309 : i32 to index
    %get3A_311 = arith.constant 0 : index
    %get3A_312 = tpu.vector_load %arg10[%get3A_310, %get3A_311] {strides = array<i32>} : memref<32x16xi32, #tpu.memory_space<vmem>>, vector<16xi32>,
    %add3A_313 = arith.addi %add3A_303, %get3A_312 : vector<16xi32>
    %broadcast_in_dim3A_314 = arith.constant 29 : i32
    %broadcast_in_dim3A_315 = vector.broadcast %broadcast_in_dim3A_314 : i32 to vector<16xi32>
    %lt3A_316 = arith.cmpi slt, %broadcast_in_dim3A_315, %broadcast_in_dim3A_21 : vector<16xi32>
    %select_n3A_317 = arith.select %lt3A_316, %get3A_312, %broadcast_in_dim3A_18 : vector<16xi1>, vector<16xi32>
    %add3A_318 = arith.addi %add3A_308, %select_n3A_317 : vector<16xi32>
    %get3A_319 = arith.constant 30 : i32
    %get3A_320 = arith.index_cast %get3A_319 : i32 to index
    %get3A_321 = arith.constant 0 : index
    %get3A_322 = tpu.vector_load %arg10[%get3A_320, %get3A_321] {strides = array<i32>} : memref<32x16xi32, #tpu.memory_space<vmem>>, vector<16xi32>,
    %add3A_323 = arith.addi %add3A_313, %get3A_322 : vector<16xi32>
    %broadcast_in_dim3A_324 = arith.constant 30 : i32
    %broadcast_in_dim3A_325 = vector.broadcast %broadcast_in_dim3A_324 : i32 to vector<16xi32>
    %lt3A_326 = arith.cmpi slt, %broadcast_in_dim3A_325, %broadcast_in_dim3A_21 : vector<16xi32>
    %select_n3A_327 = arith.select %lt3A_326, %get3A_322, %broadcast_in_dim3A_18 : vector<16xi1>, vector<16xi32>
    %add3A_328 = arith.addi %add3A_318, %select_n3A_327 : vector<16xi32>
    %get3A_329 = arith.constant 31 : i32
    %get3A_330 = arith.index_cast %get3A_329 : i32 to index
    %get3A_331 = arith.constant 0 : index
    %get3A_332 = tpu.vector_load %arg10[%get3A_330, %get3A_331] {strides = array<i32>} : memref<32x16xi32, #tpu.memory_space<vmem>>, vector<16xi32>,
    %add3A_333 = arith.addi %add3A_323, %get3A_332 : vector<16xi32>
    %broadcast_in_dim3A_334 = arith.constant 31 : i32
    %broadcast_in_dim3A_335 = vector.broadcast %broadcast_in_dim3A_334 : i32 to vector<16xi32>
    %lt3A_336 = arith.cmpi slt, %broadcast_in_dim3A_335, %broadcast_in_dim3A_21 : vector<16xi32>
    %select_n3A_337 = arith.select %lt3A_336, %get3A_332, %broadcast_in_dim3A_18 : vector<16xi1>, vector<16xi32>
    %add3A_338 = arith.addi %add3A_328, %select_n3A_337 : vector<16xi32>
    %broadcast_in_dim3A_339 = arith.constant 255 : i32
    %broadcast_in_dim3A_340 = vector.broadcast %broadcast_in_dim3A_339 : i32 to vector<16xi32>
    %add3A_341 = arith.addi %add3A_333, %broadcast_in_dim3A_340 : vector<16xi32>
    %broadcast_in_dim3A_342 = arith.constant 256 : i32
    %broadcast_in_dim3A_343 = vector.broadcast %broadcast_in_dim3A_342 : i32 to vector<16xi32>
    %div3A = arith.divsi %add3A_341, %broadcast_in_dim3A_343 : vector<16xi32>
    %sign3A = arith.constant 0 : i32
    %sign3A_344 = vector.broadcast %sign3A : i32 to vector<16xi32>
    %sign3A_345 = arith.cmpi sgt, %add3A_341, %sign3A_344 : vector<16xi32>
    %sign3A_346 = arith.extui %sign3A_345 : vector<16xi1> to vector<16xi32>
    %sign3A_347 = arith.constant 0 : i32
    %sign3A_348 = vector.broadcast %sign3A_347 : i32 to vector<16xi32>
    %sign3A_349 = arith.cmpi slt, %add3A_341, %sign3A_348 : vector<16xi32>
    %sign3A_350 = arith.extui %sign3A_349 : vector<16xi1> to vector<16xi32>
    %sign3A_351 = arith.subi %sign3A_346, %sign3A_350 : vector<16xi32>
    %sign3A_352 = arith.constant 0 : i32
    %sign3A_353 = vector.broadcast %sign3A_352 : i32 to vector<16xi32>
    %sign3A_354 = arith.cmpi sgt, %broadcast_in_dim3A_343, %sign3A_353 : vector<16xi32>
    %sign3A_355 = arith.extui %sign3A_354 : vector<16xi1> to vector<16xi32>
    %sign3A_356 = arith.constant 0 : i32
    %sign3A_357 = vector.broadcast %sign3A_356 : i32 to vector<16xi32>
    %sign3A_358 = arith.cmpi slt, %broadcast_in_dim3A_343, %sign3A_357 : vector<16xi32>
    %sign3A_359 = arith.extui %sign3A_358 : vector<16xi1> to vector<16xi32>
    %sign3A_360 = arith.subi %sign3A_355, %sign3A_359 : vector<16xi32>
    %ne3A = arith.cmpi ne, %sign3A_351, %sign3A_360 : vector<16xi32>
    %rem3A = arith.remsi %add3A_341, %broadcast_in_dim3A_343 : vector<16xi32>
    %ne3A_361 = arith.constant 0 : i32
    %ne3A_362 = vector.broadcast %ne3A_361 : i32 to vector<16xi32>
    %ne3A_363 = arith.cmpi ne, %rem3A, %ne3A_362 : vector<16xi32>
    %and3A_364 = arith.andi %ne3A, %ne3A_363 : vector<16xi1>
    %sub3A = arith.constant 1 : i32
    %sub3A_365 = vector.broadcast %sub3A : i32 to vector<16xi32>
    %sub3A_366 = arith.subi %div3A, %sub3A_365 : vector<16xi32>
    %select_n3A_367 = arith.select %and3A_364, %sub3A_366, %div3A : vector<16xi1>, vector<16xi32>
    %broadcast_in_dim3A_368 = arith.constant 256 : i32
    %broadcast_in_dim3A_369 = vector.broadcast %broadcast_in_dim3A_368 : i32 to vector<16xi32>
    %mul3A_370 = arith.muli %select_n3A_367, %broadcast_in_dim3A_369 : vector<16xi32>
    %broadcast_in_dim3A_371 = arith.constant true
    %broadcast_in_dim3A_372 = vector.broadcast %broadcast_in_dim3A_371 : i1 to vector<16xi1>
    %masked_cumsum3A = tpu.scan <sum>, %mul3A_370 masked %broadcast_in_dim3A_372 : vector<16xi32>, vector<16xi1> -> vector<16xi32>
    %sub3A_373 = arith.subi %masked_cumsum3A, %mul3A_370 : vector<16xi32>
    %add3A_374 = arith.addi %sub3A_373, %add3A_338 : vector<16xi32>
    %broadcast_in_dim3A_375 = arith.constant 0 : i32
    %broadcast_in_dim3A_376 = vector.broadcast %broadcast_in_dim3A_375 : i32 to vector<16xi32>
    %eq3A = arith.cmpi eq, %iota3A, %broadcast_in_dim3A_376 : vector<16xi32>
    %select_n3A_377 = arith.select %eq3A, %add3A_374, %broadcast_in_dim3A_18 : vector<16xi1>, vector<16xi32>
    %reduce_sum3A = arith.constant true
    %reduce_sum3A_378 = vector.broadcast %reduce_sum3A : i1 to vector<16xi1>
    %reduce_sum3A_379 = tpu.scan <sum>, %select_n3A_377 masked %reduce_sum3A_378 : vector<16xi32>, vector<16xi1> -> vector<16xi32>
    %reduce_sum3A_380 = vector.extract %reduce_sum3A_379[15] : i32 from vector<16xi32>
    %broadcast_in_dim3A_381 = vector.broadcast %reduce_sum3A_380 : i32 to vector<16xi32>
    %broadcast_in_dim3A_382 = arith.constant 1 : i32
    %broadcast_in_dim3A_383 = vector.broadcast %broadcast_in_dim3A_382 : i32 to vector<16xi32>
    %eq3A_384 = arith.cmpi eq, %iota3A, %broadcast_in_dim3A_383 : vector<16xi32>
    %select_n3A_385 = arith.select %eq3A_384, %add3A_374, %broadcast_in_dim3A_18 : vector<16xi1>, vector<16xi32>
    %reduce_sum3A_386 = arith.constant true
    %reduce_sum3A_387 = vector.broadcast %reduce_sum3A_386 : i1 to vector<16xi1>
    %reduce_sum3A_388 = tpu.scan <sum>, %select_n3A_385 masked %reduce_sum3A_387 : vector<16xi32>, vector<16xi1> -> vector<16xi32>
    %reduce_sum3A_389 = vector.extract %reduce_sum3A_388[15] : i32 from vector<16xi32>
    %broadcast_in_dim3A_390 = vector.broadcast %reduce_sum3A_389 : i32 to vector<16xi32>
    %broadcast_in_dim3A_391 = arith.constant 2 : i32
    %broadcast_in_dim3A_392 = vector.broadcast %broadcast_in_dim3A_391 : i32 to vector<16xi32>
    %eq3A_393 = arith.cmpi eq, %iota3A, %broadcast_in_dim3A_392 : vector<16xi32>
    %select_n3A_394 = arith.select %eq3A_393, %add3A_374, %broadcast_in_dim3A_18 : vector<16xi1>, vector<16xi32>
    %reduce_sum3A_395 = arith.constant true
    %reduce_sum3A_396 = vector.broadcast %reduce_sum3A_395 : i1 to vector<16xi1>
    %reduce_sum3A_397 = tpu.scan <sum>, %select_n3A_394 masked %reduce_sum3A_396 : vector<16xi32>, vector<16xi1> -> vector<16xi32>
    %reduce_sum3A_398 = vector.extract %reduce_sum3A_397[15] : i32 from vector<16xi32>
    %broadcast_in_dim3A_399 = vector.broadcast %reduce_sum3A_398 : i32 to vector<16xi32>
    %broadcast_in_dim3A_400 = arith.constant 3 : i32
    %broadcast_in_dim3A_401 = vector.broadcast %broadcast_in_dim3A_400 : i32 to vector<16xi32>
    %eq3A_402 = arith.cmpi eq, %iota3A, %broadcast_in_dim3A_401 : vector<16xi32>
    %select_n3A_403 = arith.select %eq3A_402, %add3A_374, %broadcast_in_dim3A_18 : vector<16xi1>, vector<16xi32>
    %reduce_sum3A_404 = arith.constant true
    %reduce_sum3A_405 = vector.broadcast %reduce_sum3A_404 : i1 to vector<16xi1>
    %reduce_sum3A_406 = tpu.scan <sum>, %select_n3A_403 masked %reduce_sum3A_405 : vector<16xi32>, vector<16xi1> -> vector<16xi32>
    %reduce_sum3A_407 = vector.extract %reduce_sum3A_406[15] : i32 from vector<16xi32>
    %broadcast_in_dim3A_408 = vector.broadcast %reduce_sum3A_407 : i32 to vector<16xi32>
    %broadcast_in_dim3A_409 = arith.constant 4 : i32
    %broadcast_in_dim3A_410 = vector.broadcast %broadcast_in_dim3A_409 : i32 to vector<16xi32>
    %eq3A_411 = arith.cmpi eq, %iota3A, %broadcast_in_dim3A_410 : vector<16xi32>
    %select_n3A_412 = arith.select %eq3A_411, %add3A_374, %broadcast_in_dim3A_18 : vector<16xi1>, vector<16xi32>
    %reduce_sum3A_413 = arith.constant true
    %reduce_sum3A_414 = vector.broadcast %reduce_sum3A_413 : i1 to vector<16xi1>
    %reduce_sum3A_415 = tpu.scan <sum>, %select_n3A_412 masked %reduce_sum3A_414 : vector<16xi32>, vector<16xi1> -> vector<16xi32>
    %reduce_sum3A_416 = vector.extract %reduce_sum3A_415[15] : i32 from vector<16xi32>
    %broadcast_in_dim3A_417 = vector.broadcast %reduce_sum3A_416 : i32 to vector<16xi32>
    %broadcast_in_dim3A_418 = arith.constant 5 : i32
    %broadcast_in_dim3A_419 = vector.broadcast %broadcast_in_dim3A_418 : i32 to vector<16xi32>
    %eq3A_420 = arith.cmpi eq, %iota3A, %broadcast_in_dim3A_419 : vector<16xi32>
    %select_n3A_421 = arith.select %eq3A_420, %add3A_374, %broadcast_in_dim3A_18 : vector<16xi1>, vector<16xi32>
    %reduce_sum3A_422 = arith.constant true
    %reduce_sum3A_423 = vector.broadcast %reduce_sum3A_422 : i1 to vector<16xi1>
    %reduce_sum3A_424 = tpu.scan <sum>, %select_n3A_421 masked %reduce_sum3A_423 : vector<16xi32>, vector<16xi1> -> vector<16xi32>
    %reduce_sum3A_425 = vector.extract %reduce_sum3A_424[15] : i32 from vector<16xi32>
    %broadcast_in_dim3A_426 = vector.broadcast %reduce_sum3A_425 : i32 to vector<16xi32>
    %broadcast_in_dim3A_427 = arith.constant 6 : i32
    %broadcast_in_dim3A_428 = vector.broadcast %broadcast_in_dim3A_427 : i32 to vector<16xi32>
    %eq3A_429 = arith.cmpi eq, %iota3A, %broadcast_in_dim3A_428 : vector<16xi32>
    %select_n3A_430 = arith.select %eq3A_429, %add3A_374, %broadcast_in_dim3A_18 : vector<16xi1>, vector<16xi32>
    %reduce_sum3A_431 = arith.constant true
    %reduce_sum3A_432 = vector.broadcast %reduce_sum3A_431 : i1 to vector<16xi1>
    %reduce_sum3A_433 = tpu.scan <sum>, %select_n3A_430 masked %reduce_sum3A_432 : vector<16xi32>, vector<16xi1> -> vector<16xi32>
    %reduce_sum3A_434 = vector.extract %reduce_sum3A_433[15] : i32 from vector<16xi32>
    %broadcast_in_dim3A_435 = vector.broadcast %reduce_sum3A_434 : i32 to vector<16xi32>
    %broadcast_in_dim3A_436 = arith.constant 7 : i32
    %broadcast_in_dim3A_437 = vector.broadcast %broadcast_in_dim3A_436 : i32 to vector<16xi32>
    %eq3A_438 = arith.cmpi eq, %iota3A, %broadcast_in_dim3A_437 : vector<16xi32>
    %select_n3A_439 = arith.select %eq3A_438, %add3A_374, %broadcast_in_dim3A_18 : vector<16xi1>, vector<16xi32>
    %reduce_sum3A_440 = arith.constant true
    %reduce_sum3A_441 = vector.broadcast %reduce_sum3A_440 : i1 to vector<16xi1>
    %reduce_sum3A_442 = tpu.scan <sum>, %select_n3A_439 masked %reduce_sum3A_441 : vector<16xi32>, vector<16xi1> -> vector<16xi32>
    %reduce_sum3A_443 = vector.extract %reduce_sum3A_442[15] : i32 from vector<16xi32>
    %broadcast_in_dim3A_444 = vector.broadcast %reduce_sum3A_443 : i32 to vector<16xi32>
    %get3A_445 = arith.constant 0 : index
    %get3A_446 = tpu.vector_load %arg11[%get3A_445] {strides = array<i32>} : memref<128xi32, #tpu.memory_space<vmem>>, vector<16xi32>,
    %broadcast_in_dim3A_447 = arith.constant 0 : i32
    %broadcast_in_dim3A_448 = vector.broadcast %broadcast_in_dim3A_447 : i32 to vector<16xi32>
    %eq3A_449 = arith.cmpi eq, %get3A_446, %broadcast_in_dim3A_448 : vector<16xi32>
    %select_n3A_450 = arith.select %eq3A_449, %broadcast_in_dim3A_20, %broadcast_in_dim3A_18 : vector<16xi1>, vector<16xi32>
    %broadcast_in_dim3A_451 = arith.constant true
    %broadcast_in_dim3A_452 = vector.broadcast %broadcast_in_dim3A_451 : i1 to vector<16xi1>
    %masked_cumsum3A_453 = tpu.scan <sum>, %select_n3A_450 masked %broadcast_in_dim3A_452 : vector<16xi32>, vector<16xi1> -> vector<16xi32>
    %sub3A_454 = arith.subi %masked_cumsum3A_453, %broadcast_in_dim3A_20 : vector<16xi32>
    %add3A_455 = arith.addi %broadcast_in_dim3A_381, %sub3A_454 : vector<16xi32>
    %select_n3A_456 = arith.select %eq3A_449, %add3A_455, %broadcast_in_dim3A_18 : vector<16xi1>, vector<16xi32>
    %all_reduce_population_count3A = tpu.all_reduce %eq3A_449 {dim = 0 : i64, kind = #tpu.reduction_kind<sum>} : vector<16xi1> -> vector<16xi32>
    %add3A_457 = arith.addi %broadcast_in_dim3A_381, %all_reduce_population_count3A : vector<16xi32>
    %broadcast_in_dim3A_458 = arith.constant 1 : i32
    %broadcast_in_dim3A_459 = vector.broadcast %broadcast_in_dim3A_458 : i32 to vector<16xi32>
    %eq3A_460 = arith.cmpi eq, %get3A_446, %broadcast_in_dim3A_459 : vector<16xi32>
    %select_n3A_461 = arith.select %eq3A_460, %broadcast_in_dim3A_20, %broadcast_in_dim3A_18 : vector<16xi1>, vector<16xi32>
    %broadcast_in_dim3A_462 = arith.constant true
    %broadcast_in_dim3A_463 = vector.broadcast %broadcast_in_dim3A_462 : i1 to vector<16xi1>
    %masked_cumsum3A_464 = tpu.scan <sum>, %select_n3A_461 masked %broadcast_in_dim3A_463 : vector<16xi32>, vector<16xi1> -> vector<16xi32>
    %sub3A_465 = arith.subi %masked_cumsum3A_464, %broadcast_in_dim3A_20 : vector<16xi32>
    %add3A_466 = arith.addi %broadcast_in_dim3A_390, %sub3A_465 : vector<16xi32>
    %select_n3A_467 = arith.select %eq3A_460, %add3A_466, %select_n3A_456 : vector<16xi1>, vector<16xi32>
    %all_reduce_population_count3A_468 = tpu.all_reduce %eq3A_460 {dim = 0 : i64, kind = #tpu.reduction_kind<sum>} : vector<16xi1> -> vector<16xi32>
    %add3A_469 = arith.addi %broadcast_in_dim3A_390, %all_reduce_population_count3A_468 : vector<16xi32>
    %broadcast_in_dim3A_470 = arith.constant 2 : i32
    %broadcast_in_dim3A_471 = vector.broadcast %broadcast_in_dim3A_470 : i32 to vector<16xi32>
    %eq3A_472 = arith.cmpi eq, %get3A_446, %broadcast_in_dim3A_471 : vector<16xi32>
    %select_n3A_473 = arith.select %eq3A_472, %broadcast_in_dim3A_20, %broadcast_in_dim3A_18 : vector<16xi1>, vector<16xi32>
    %broadcast_in_dim3A_474 = arith.constant true
    %broadcast_in_dim3A_475 = vector.broadcast %broadcast_in_dim3A_474 : i1 to vector<16xi1>
    %masked_cumsum3A_476 = tpu.scan <sum>, %select_n3A_473 masked %broadcast_in_dim3A_475 : vector<16xi32>, vector<16xi1> -> vector<16xi32>
    %sub3A_477 = arith.subi %masked_cumsum3A_476, %broadcast_in_dim3A_20 : vector<16xi32>
    %add3A_478 = arith.addi %broadcast_in_dim3A_399, %sub3A_477 : vector<16xi32>
    %select_n3A_479 = arith.select %eq3A_472, %add3A_478, %select_n3A_467 : vector<16xi1>, vector<16xi32>
    %all_reduce_population_count3A_480 = tpu.all_reduce %eq3A_472 {dim = 0 : i64, kind = #tpu.reduction_kind<sum>} : vector<16xi1> -> vector<16xi32>
    %add3A_481 = arith.addi %broadcast_in_dim3A_399, %all_reduce_population_count3A_480 : vector<16xi32>
    %broadcast_in_dim3A_482 = arith.constant 3 : i32
    %broadcast_in_dim3A_483 = vector.broadcast %broadcast_in_dim3A_482 : i32 to vector<16xi32>
    %eq3A_484 = arith.cmpi eq, %get3A_446, %broadcast_in_dim3A_483 : vector<16xi32>
    %select_n3A_485 = arith.select %eq3A_484, %broadcast_in_dim3A_20, %broadcast_in_dim3A_18 : vector<16xi1>, vector<16xi32>
    %broadcast_in_dim3A_486 = arith.constant true
    %broadcast_in_dim3A_487 = vector.broadcast %broadcast_in_dim3A_486 : i1 to vector<16xi1>
    %masked_cumsum3A_488 = tpu.scan <sum>, %select_n3A_485 masked %broadcast_in_dim3A_487 : vector<16xi32>, vector<16xi1> -> vector<16xi32>
    %sub3A_489 = arith.subi %masked_cumsum3A_488, %broadcast_in_dim3A_20 : vector<16xi32>
    %add3A_490 = arith.addi %broadcast_in_dim3A_408, %sub3A_489 : vector<16xi32>
    %select_n3A_491 = arith.select %eq3A_484, %add3A_490, %select_n3A_479 : vector<16xi1>, vector<16xi32>
    %all_reduce_population_count3A_492 = tpu.all_reduce %eq3A_484 {dim = 0 : i64, kind = #tpu.reduction_kind<sum>} : vector<16xi1> -> vector<16xi32>
    %add3A_493 = arith.addi %broadcast_in_dim3A_408, %all_reduce_population_count3A_492 : vector<16xi32>
    %broadcast_in_dim3A_494 = arith.constant 4 : i32
    %broadcast_in_dim3A_495 = vector.broadcast %broadcast_in_dim3A_494 : i32 to vector<16xi32>
    %eq3A_496 = arith.cmpi eq, %get3A_446, %broadcast_in_dim3A_495 : vector<16xi32>
    %select_n3A_497 = arith.select %eq3A_496, %broadcast_in_dim3A_20, %broadcast_in_dim3A_18 : vector<16xi1>, vector<16xi32>
    %broadcast_in_dim3A_498 = arith.constant true
    %broadcast_in_dim3A_499 = vector.broadcast %broadcast_in_dim3A_498 : i1 to vector<16xi1>
    %masked_cumsum3A_500 = tpu.scan <sum>, %select_n3A_497 masked %broadcast_in_dim3A_499 : vector<16xi32>, vector<16xi1> -> vector<16xi32>
    %sub3A_501 = arith.subi %masked_cumsum3A_500, %broadcast_in_dim3A_20 : vector<16xi32>
    %add3A_502 = arith.addi %broadcast_in_dim3A_417, %sub3A_501 : vector<16xi32>
    %select_n3A_503 = arith.select %eq3A_496, %add3A_502, %select_n3A_491 : vector<16xi1>, vector<16xi32>
    %all_reduce_population_count3A_504 = tpu.all_reduce %eq3A_496 {dim = 0 : i64, kind = #tpu.reduction_kind<sum>} : vector<16xi1> -> vector<16xi32>
    %add3A_505 = arith.addi %broadcast_in_dim3A_417, %all_reduce_population_count3A_504 : vector<16xi32>
    %broadcast_in_dim3A_506 = arith.constant 5 : i32
    %broadcast_in_dim3A_507 = vector.broadcast %broadcast_in_dim3A_506 : i32 to vector<16xi32>
    %eq3A_508 = arith.cmpi eq, %get3A_446, %broadcast_in_dim3A_507 : vector<16xi32>
    %select_n3A_509 = arith.select %eq3A_508, %broadcast_in_dim3A_20, %broadcast_in_dim3A_18 : vector<16xi1>, vector<16xi32>
    %broadcast_in_dim3A_510 = arith.constant true
    %broadcast_in_dim3A_511 = vector.broadcast %broadcast_in_dim3A_510 : i1 to vector<16xi1>
    %masked_cumsum3A_512 = tpu.scan <sum>, %select_n3A_509 masked %broadcast_in_dim3A_511 : vector<16xi32>, vector<16xi1> -> vector<16xi32>
    %sub3A_513 = arith.subi %masked_cumsum3A_512, %broadcast_in_dim3A_20 : vector<16xi32>
    %add3A_514 = arith.addi %broadcast_in_dim3A_426, %sub3A_513 : vector<16xi32>
    %select_n3A_515 = arith.select %eq3A_508, %add3A_514, %select_n3A_503 : vector<16xi1>, vector<16xi32>
    %all_reduce_population_count3A_516 = tpu.all_reduce %eq3A_508 {dim = 0 : i64, kind = #tpu.reduction_kind<sum>} : vector<16xi1> -> vector<16xi32>
    %add3A_517 = arith.addi %broadcast_in_dim3A_426, %all_reduce_population_count3A_516 : vector<16xi32>
    %broadcast_in_dim3A_518 = arith.constant 6 : i32
    %broadcast_in_dim3A_519 = vector.broadcast %broadcast_in_dim3A_518 : i32 to vector<16xi32>
    %eq3A_520 = arith.cmpi eq, %get3A_446, %broadcast_in_dim3A_519 : vector<16xi32>
    %select_n3A_521 = arith.select %eq3A_520, %broadcast_in_dim3A_20, %broadcast_in_dim3A_18 : vector<16xi1>, vector<16xi32>
    %broadcast_in_dim3A_522 = arith.constant true
    %broadcast_in_dim3A_523 = vector.broadcast %broadcast_in_dim3A_522 : i1 to vector<16xi1>
    %masked_cumsum3A_524 = tpu.scan <sum>, %select_n3A_521 masked %broadcast_in_dim3A_523 : vector<16xi32>, vector<16xi1> -> vector<16xi32>
    %sub3A_525 = arith.subi %masked_cumsum3A_524, %broadcast_in_dim3A_20 : vector<16xi32>
    %add3A_526 = arith.addi %broadcast_in_dim3A_435, %sub3A_525 : vector<16xi32>
    %select_n3A_527 = arith.select %eq3A_520, %add3A_526, %select_n3A_515 : vector<16xi1>, vector<16xi32>
    %all_reduce_population_count3A_528 = tpu.all_reduce %eq3A_520 {dim = 0 : i64, kind = #tpu.reduction_kind<sum>} : vector<16xi1> -> vector<16xi32>
    %add3A_529 = arith.addi %broadcast_in_dim3A_435, %all_reduce_population_count3A_528 : vector<16xi32>
    %broadcast_in_dim3A_530 = arith.constant 7 : i32
    %broadcast_in_dim3A_531 = vector.broadcast %broadcast_in_dim3A_530 : i32 to vector<16xi32>
    %eq3A_532 = arith.cmpi eq, %get3A_446, %broadcast_in_dim3A_531 : vector<16xi32>
    %select_n3A_533 = arith.select %eq3A_532, %broadcast_in_dim3A_20, %broadcast_in_dim3A_18 : vector<16xi1>, vector<16xi32>
    %broadcast_in_dim3A_534 = arith.constant true
    %broadcast_in_dim3A_535 = vector.broadcast %broadcast_in_dim3A_534 : i1 to vector<16xi1>
    %masked_cumsum3A_536 = tpu.scan <sum>, %select_n3A_533 masked %broadcast_in_dim3A_535 : vector<16xi32>, vector<16xi1> -> vector<16xi32>
    %sub3A_537 = arith.subi %masked_cumsum3A_536, %broadcast_in_dim3A_20 : vector<16xi32>
    %add3A_538 = arith.addi %broadcast_in_dim3A_444, %sub3A_537 : vector<16xi32>
    %select_n3A_539 = arith.select %eq3A_532, %add3A_538, %select_n3A_527 : vector<16xi1>, vector<16xi32>
    %all_reduce_population_count3A_540 = tpu.all_reduce %eq3A_532 {dim = 0 : i64, kind = #tpu.reduction_kind<sum>} : vector<16xi1> -> vector<16xi32>
    %add3A_541 = arith.addi %broadcast_in_dim3A_444, %all_reduce_population_count3A_540 : vector<16xi32>
    %swap3A = arith.constant 0 : index
    %swap3A_542 = tpu.vector_load %arg13[%swap3A] {strides = array<i32>} : memref<128xi32, #tpu.memory_space<vmem>>, vector<16xi32>,
    tpu.vector_store %arg13[%swap3A], %select_n3A_539 {strides = array<i32>} : memref<128xi32, #tpu.memory_space<vmem>>, vector<16xi32>,
    %get3A_543 = arith.constant 16 : index
    %get3A_544 = tpu.vector_load %arg11[%get3A_543] {strides = array<i32>} : memref<128xi32, #tpu.memory_space<vmem>>, vector<16xi32>,
    %broadcast_in_dim3A_545 = arith.constant 0 : i32
    %broadcast_in_dim3A_546 = vector.broadcast %broadcast_in_dim3A_545 : i32 to vector<16xi32>
    %eq3A_547 = arith.cmpi eq, %get3A_544, %broadcast_in_dim3A_546 : vector<16xi32>
    %select_n3A_548 = arith.select %eq3A_547, %broadcast_in_dim3A_20, %broadcast_in_dim3A_18 : vector<16xi1>, vector<16xi32>
    %broadcast_in_dim3A_549 = arith.constant true
    %broadcast_in_dim3A_550 = vector.broadcast %broadcast_in_dim3A_549 : i1 to vector<16xi1>
    %masked_cumsum3A_551 = tpu.scan <sum>, %select_n3A_548 masked %broadcast_in_dim3A_550 : vector<16xi32>, vector<16xi1> -> vector<16xi32>
    %sub3A_552 = arith.subi %masked_cumsum3A_551, %broadcast_in_dim3A_20 : vector<16xi32>
    %add3A_553 = arith.addi %add3A_457, %sub3A_552 : vector<16xi32>
    %select_n3A_554 = arith.select %eq3A_547, %add3A_553, %broadcast_in_dim3A_18 : vector<16xi1>, vector<16xi32>
    %all_reduce_population_count3A_555 = tpu.all_reduce %eq3A_547 {dim = 0 : i64, kind = #tpu.reduction_kind<sum>} : vector<16xi1> -> vector<16xi32>
    %add3A_556 = arith.addi %add3A_457, %all_reduce_population_count3A_555 : vector<16xi32>
    %broadcast_in_dim3A_557 = arith.constant 1 : i32
    %broadcast_in_dim3A_558 = vector.broadcast %broadcast_in_dim3A_557 : i32 to vector<16xi32>
    %eq3A_559 = arith.cmpi eq, %get3A_544, %broadcast_in_dim3A_558 : vector<16xi32>
    %select_n3A_560 = arith.select %eq3A_559, %broadcast_in_dim3A_20, %broadcast_in_dim3A_18 : vector<16xi1>, vector<16xi32>
    %broadcast_in_dim3A_561 = arith.constant true
    %broadcast_in_dim3A_562 = vector.broadcast %broadcast_in_dim3A_561 : i1 to vector<16xi1>
    %masked_cumsum3A_563 = tpu.scan <sum>, %select_n3A_560 masked %broadcast_in_dim3A_562 : vector<16xi32>, vector<16xi1> -> vector<16xi32>
    %sub3A_564 = arith.subi %masked_cumsum3A_563, %broadcast_in_dim3A_20 : vector<16xi32>
    %add3A_565 = arith.addi %add3A_469, %sub3A_564 : vector<16xi32>
    %select_n3A_566 = arith.select %eq3A_559, %add3A_565, %select_n3A_554 : vector<16xi1>, vector<16xi32>
    %all_reduce_population_count3A_567 = tpu.all_reduce %eq3A_559 {dim = 0 : i64, kind = #tpu.reduction_kind<sum>} : vector<16xi1> -> vector<16xi32>
    %add3A_568 = arith.addi %add3A_469, %all_reduce_population_count3A_567 : vector<16xi32>
    %broadcast_in_dim3A_569 = arith.constant 2 : i32
    %broadcast_in_dim3A_570 = vector.broadcast %broadcast_in_dim3A_569 : i32 to vector<16xi32>
    %eq3A_571 = arith.cmpi eq, %get3A_544, %broadcast_in_dim3A_570 : vector<16xi32>
    %select_n3A_572 = arith.select %eq3A_571, %broadcast_in_dim3A_20, %broadcast_in_dim3A_18 : vector<16xi1>, vector<16xi32>
    %broadcast_in_dim3A_573 = arith.constant true
    %broadcast_in_dim3A_574 = vector.broadcast %broadcast_in_dim3A_573 : i1 to vector<16xi1>
    %masked_cumsum3A_575 = tpu.scan <sum>, %select_n3A_572 masked %broadcast_in_dim3A_574 : vector<16xi32>, vector<16xi1> -> vector<16xi32>
    %sub3A_576 = arith.subi %masked_cumsum3A_575, %broadcast_in_dim3A_20 : vector<16xi32>
    %add3A_577 = arith.addi %add3A_481, %sub3A_576 : vector<16xi32>
    %select_n3A_578 = arith.select %eq3A_571, %add3A_577, %select_n3A_566 : vector<16xi1>, vector<16xi32>
    %all_reduce_population_count3A_579 = tpu.all_reduce %eq3A_571 {dim = 0 : i64, kind = #tpu.reduction_kind<sum>} : vector<16xi1> -> vector<16xi32>
    %add3A_580 = arith.addi %add3A_481, %all_reduce_population_count3A_579 : vector<16xi32>
    %broadcast_in_dim3A_581 = arith.constant 3 : i32
    %broadcast_in_dim3A_582 = vector.broadcast %broadcast_in_dim3A_581 : i32 to vector<16xi32>
    %eq3A_583 = arith.cmpi eq, %get3A_544, %broadcast_in_dim3A_582 : vector<16xi32>
    %select_n3A_584 = arith.select %eq3A_583, %broadcast_in_dim3A_20, %broadcast_in_dim3A_18 : vector<16xi1>, vector<16xi32>
    %broadcast_in_dim3A_585 = arith.constant true
    %broadcast_in_dim3A_586 = vector.broadcast %broadcast_in_dim3A_585 : i1 to vector<16xi1>
    %masked_cumsum3A_587 = tpu.scan <sum>, %select_n3A_584 masked %broadcast_in_dim3A_586 : vector<16xi32>, vector<16xi1> -> vector<16xi32>
    %sub3A_588 = arith.subi %masked_cumsum3A_587, %broadcast_in_dim3A_20 : vector<16xi32>
    %add3A_589 = arith.addi %add3A_493, %sub3A_588 : vector<16xi32>
    %select_n3A_590 = arith.select %eq3A_583, %add3A_589, %select_n3A_578 : vector<16xi1>, vector<16xi32>
    %all_reduce_population_count3A_591 = tpu.all_reduce %eq3A_583 {dim = 0 : i64, kind = #tpu.reduction_kind<sum>} : vector<16xi1> -> vector<16xi32>
    %add3A_592 = arith.addi %add3A_493, %all_reduce_population_count3A_591 : vector<16xi32>
    %broadcast_in_dim3A_593 = arith.constant 4 : i32
    %broadcast_in_dim3A_594 = vector.broadcast %broadcast_in_dim3A_593 : i32 to vector<16xi32>
    %eq3A_595 = arith.cmpi eq, %get3A_544, %broadcast_in_dim3A_594 : vector<16xi32>
    %select_n3A_596 = arith.select %eq3A_595, %broadcast_in_dim3A_20, %broadcast_in_dim3A_18 : vector<16xi1>, vector<16xi32>
    %broadcast_in_dim3A_597 = arith.constant true
    %broadcast_in_dim3A_598 = vector.broadcast %broadcast_in_dim3A_597 : i1 to vector<16xi1>
    %masked_cumsum3A_599 = tpu.scan <sum>, %select_n3A_596 masked %broadcast_in_dim3A_598 : vector<16xi32>, vector<16xi1> -> vector<16xi32>
    %sub3A_600 = arith.subi %masked_cumsum3A_599, %broadcast_in_dim3A_20 : vector<16xi32>
    %add3A_601 = arith.addi %add3A_505, %sub3A_600 : vector<16xi32>
    %select_n3A_602 = arith.select %eq3A_595, %add3A_601, %select_n3A_590 : vector<16xi1>, vector<16xi32>
    %all_reduce_population_count3A_603 = tpu.all_reduce %eq3A_595 {dim = 0 : i64, kind = #tpu.reduction_kind<sum>} : vector<16xi1> -> vector<16xi32>
    %add3A_604 = arith.addi %add3A_505, %all_reduce_population_count3A_603 : vector<16xi32>
    %broadcast_in_dim3A_605 = arith.constant 5 : i32
    %broadcast_in_dim3A_606 = vector.broadcast %broadcast_in_dim3A_605 : i32 to vector<16xi32>
    %eq3A_607 = arith.cmpi eq, %get3A_544, %broadcast_in_dim3A_606 : vector<16xi32>
    %select_n3A_608 = arith.select %eq3A_607, %broadcast_in_dim3A_20, %broadcast_in_dim3A_18 : vector<16xi1>, vector<16xi32>
    %broadcast_in_dim3A_609 = arith.constant true
    %broadcast_in_dim3A_610 = vector.broadcast %broadcast_in_dim3A_609 : i1 to vector<16xi1>
    %masked_cumsum3A_611 = tpu.scan <sum>, %select_n3A_608 masked %broadcast_in_dim3A_610 : vector<16xi32>, vector<16xi1> -> vector<16xi32>
    %sub3A_612 = arith.subi %masked_cumsum3A_611, %broadcast_in_dim3A_20 : vector<16xi32>
    %add3A_613 = arith.addi %add3A_517, %sub3A_612 : vector<16xi32>
    %select_n3A_614 = arith.select %eq3A_607, %add3A_613, %select_n3A_602 : vector<16xi1>, vector<16xi32>
    %all_reduce_population_count3A_615 = tpu.all_reduce %eq3A_607 {dim = 0 : i64, kind = #tpu.reduction_kind<sum>} : vector<16xi1> -> vector<16xi32>
    %add3A_616 = arith.addi %add3A_517, %all_reduce_population_count3A_615 : vector<16xi32>
    %broadcast_in_dim3A_617 = arith.constant 6 : i32
    %broadcast_in_dim3A_618 = vector.broadcast %broadcast_in_dim3A_617 : i32 to vector<16xi32>
    %eq3A_619 = arith.cmpi eq, %get3A_544, %broadcast_in_dim3A_618 : vector<16xi32>
    %select_n3A_620 = arith.select %eq3A_619, %broadcast_in_dim3A_20, %broadcast_in_dim3A_18 : vector<16xi1>, vector<16xi32>
    %broadcast_in_dim3A_621 = arith.constant true
    %broadcast_in_dim3A_622 = vector.broadcast %broadcast_in_dim3A_621 : i1 to vector<16xi1>
    %masked_cumsum3A_623 = tpu.scan <sum>, %select_n3A_620 masked %broadcast_in_dim3A_622 : vector<16xi32>, vector<16xi1> -> vector<16xi32>
    %sub3A_624 = arith.subi %masked_cumsum3A_623, %broadcast_in_dim3A_20 : vector<16xi32>
    %add3A_625 = arith.addi %add3A_529, %sub3A_624 : vector<16xi32>
    %select_n3A_626 = arith.select %eq3A_619, %add3A_625, %select_n3A_614 : vector<16xi1>, vector<16xi32>
    %all_reduce_population_count3A_627 = tpu.all_reduce %eq3A_619 {dim = 0 : i64, kind = #tpu.reduction_kind<sum>} : vector<16xi1> -> vector<16xi32>
    %add3A_628 = arith.addi %add3A_529, %all_reduce_population_count3A_627 : vector<16xi32>
    %broadcast_in_dim3A_629 = arith.constant 7 : i32
    %broadcast_in_dim3A_630 = vector.broadcast %broadcast_in_dim3A_629 : i32 to vector<16xi32>
    %eq3A_631 = arith.cmpi eq, %get3A_544, %broadcast_in_dim3A_630 : vector<16xi32>
    %select_n3A_632 = arith.select %eq3A_631, %broadcast_in_dim3A_20, %broadcast_in_dim3A_18 : vector<16xi1>, vector<16xi32>
    %broadcast_in_dim3A_633 = arith.constant true
    %broadcast_in_dim3A_634 = vector.broadcast %broadcast_in_dim3A_633 : i1 to vector<16xi1>
    %masked_cumsum3A_635 = tpu.scan <sum>, %select_n3A_632 masked %broadcast_in_dim3A_634 : vector<16xi32>, vector<16xi1> -> vector<16xi32>
    %sub3A_636 = arith.subi %masked_cumsum3A_635, %broadcast_in_dim3A_20 : vector<16xi32>
    %add3A_637 = arith.addi %add3A_541, %sub3A_636 : vector<16xi32>
    %select_n3A_638 = arith.select %eq3A_631, %add3A_637, %select_n3A_626 : vector<16xi1>, vector<16xi32>
    %all_reduce_population_count3A_639 = tpu.all_reduce %eq3A_631 {dim = 0 : i64, kind = #tpu.reduction_kind<sum>} : vector<16xi1> -> vector<16xi32>
    %add3A_640 = arith.addi %add3A_541, %all_reduce_population_count3A_639 : vector<16xi32>
    %swap3A_641 = arith.constant 16 : index
    %swap3A_642 = tpu.vector_load %arg13[%swap3A_641] {strides = array<i32>} : memref<128xi32, #tpu.memory_space<vmem>>, vector<16xi32>,
    tpu.vector_store %arg13[%swap3A_641], %select_n3A_638 {strides = array<i32>} : memref<128xi32, #tpu.memory_space<vmem>>, vector<16xi32>,
    %get3A_643 = arith.constant 32 : index
    %get3A_644 = tpu.vector_load %arg11[%get3A_643] {strides = array<i32>} : memref<128xi32, #tpu.memory_space<vmem>>, vector<16xi32>,
    %broadcast_in_dim3A_645 = arith.constant 0 : i32
    %broadcast_in_dim3A_646 = vector.broadcast %broadcast_in_dim3A_645 : i32 to vector<16xi32>
    %eq3A_647 = arith.cmpi eq, %get3A_644, %broadcast_in_dim3A_646 : vector<16xi32>
    %select_n3A_648 = arith.select %eq3A_647, %broadcast_in_dim3A_20, %broadcast_in_dim3A_18 : vector<16xi1>, vector<16xi32>
    %broadcast_in_dim3A_649 = arith.constant true
    %broadcast_in_dim3A_650 = vector.broadcast %broadcast_in_dim3A_649 : i1 to vector<16xi1>
    %masked_cumsum3A_651 = tpu.scan <sum>, %select_n3A_648 masked %broadcast_in_dim3A_650 : vector<16xi32>, vector<16xi1> -> vector<16xi32>
    %sub3A_652 = arith.subi %masked_cumsum3A_651, %broadcast_in_dim3A_20 : vector<16xi32>
    %add3A_653 = arith.addi %add3A_556, %sub3A_652 : vector<16xi32>
    %select_n3A_654 = arith.select %eq3A_647, %add3A_653, %broadcast_in_dim3A_18 : vector<16xi1>, vector<16xi32>
    %all_reduce_population_count3A_655 = tpu.all_reduce %eq3A_647 {dim = 0 : i64, kind = #tpu.reduction_kind<sum>} : vector<16xi1> -> vector<16xi32>
    %add3A_656 = arith.addi %add3A_556, %all_reduce_population_count3A_655 : vector<16xi32>
    %broadcast_in_dim3A_657 = arith.constant 1 : i32
    %broadcast_in_dim3A_658 = vector.broadcast %broadcast_in_dim3A_657 : i32 to vector<16xi32>
    %eq3A_659 = arith.cmpi eq, %get3A_644, %broadcast_in_dim3A_658 : vector<16xi32>
    %select_n3A_660 = arith.select %eq3A_659, %broadcast_in_dim3A_20, %broadcast_in_dim3A_18 : vector<16xi1>, vector<16xi32>
    %broadcast_in_dim3A_661 = arith.constant true
    %broadcast_in_dim3A_662 = vector.broadcast %broadcast_in_dim3A_661 : i1 to vector<16xi1>
    %masked_cumsum3A_663 = tpu.scan <sum>, %select_n3A_660 masked %broadcast_in_dim3A_662 : vector<16xi32>, vector<16xi1> -> vector<16xi32>
    %sub3A_664 = arith.subi %masked_cumsum3A_663, %broadcast_in_dim3A_20 : vector<16xi32>
    %add3A_665 = arith.addi %add3A_568, %sub3A_664 : vector<16xi32>
    %select_n3A_666 = arith.select %eq3A_659, %add3A_665, %select_n3A_654 : vector<16xi1>, vector<16xi32>
    %all_reduce_population_count3A_667 = tpu.all_reduce %eq3A_659 {dim = 0 : i64, kind = #tpu.reduction_kind<sum>} : vector<16xi1> -> vector<16xi32>
    %add3A_668 = arith.addi %add3A_568, %all_reduce_population_count3A_667 : vector<16xi32>
    %broadcast_in_dim3A_669 = arith.constant 2 : i32
    %broadcast_in_dim3A_670 = vector.broadcast %broadcast_in_dim3A_669 : i32 to vector<16xi32>
    %eq3A_671 = arith.cmpi eq, %get3A_644, %broadcast_in_dim3A_670 : vector<16xi32>
    %select_n3A_672 = arith.select %eq3A_671, %broadcast_in_dim3A_20, %broadcast_in_dim3A_18 : vector<16xi1>, vector<16xi32>
    %broadcast_in_dim3A_673 = arith.constant true
    %broadcast_in_dim3A_674 = vector.broadcast %broadcast_in_dim3A_673 : i1 to vector<16xi1>
    %masked_cumsum3A_675 = tpu.scan <sum>, %select_n3A_672 masked %broadcast_in_dim3A_674 : vector<16xi32>, vector<16xi1> -> vector<16xi32>
    %sub3A_676 = arith.subi %masked_cumsum3A_675, %broadcast_in_dim3A_20 : vector<16xi32>
    %add3A_677 = arith.addi %add3A_580, %sub3A_676 : vector<16xi32>
    %select_n3A_678 = arith.select %eq3A_671, %add3A_677, %select_n3A_666 : vector<16xi1>, vector<16xi32>
    %all_reduce_population_count3A_679 = tpu.all_reduce %eq3A_671 {dim = 0 : i64, kind = #tpu.reduction_kind<sum>} : vector<16xi1> -> vector<16xi32>
    %add3A_680 = arith.addi %add3A_580, %all_reduce_population_count3A_679 : vector<16xi32>
    %broadcast_in_dim3A_681 = arith.constant 3 : i32
    %broadcast_in_dim3A_682 = vector.broadcast %broadcast_in_dim3A_681 : i32 to vector<16xi32>
    %eq3A_683 = arith.cmpi eq, %get3A_644, %broadcast_in_dim3A_682 : vector<16xi32>
    %select_n3A_684 = arith.select %eq3A_683, %broadcast_in_dim3A_20, %broadcast_in_dim3A_18 : vector<16xi1>, vector<16xi32>
    %broadcast_in_dim3A_685 = arith.constant true
    %broadcast_in_dim3A_686 = vector.broadcast %broadcast_in_dim3A_685 : i1 to vector<16xi1>
    %masked_cumsum3A_687 = tpu.scan <sum>, %select_n3A_684 masked %broadcast_in_dim3A_686 : vector<16xi32>, vector<16xi1> -> vector<16xi32>
    %sub3A_688 = arith.subi %masked_cumsum3A_687, %broadcast_in_dim3A_20 : vector<16xi32>
    %add3A_689 = arith.addi %add3A_592, %sub3A_688 : vector<16xi32>
    %select_n3A_690 = arith.select %eq3A_683, %add3A_689, %select_n3A_678 : vector<16xi1>, vector<16xi32>
    %all_reduce_population_count3A_691 = tpu.all_reduce %eq3A_683 {dim = 0 : i64, kind = #tpu.reduction_kind<sum>} : vector<16xi1> -> vector<16xi32>
    %add3A_692 = arith.addi %add3A_592, %all_reduce_population_count3A_691 : vector<16xi32>
    %broadcast_in_dim3A_693 = arith.constant 4 : i32
    %broadcast_in_dim3A_694 = vector.broadcast %broadcast_in_dim3A_693 : i32 to vector<16xi32>
    %eq3A_695 = arith.cmpi eq, %get3A_644, %broadcast_in_dim3A_694 : vector<16xi32>
    %select_n3A_696 = arith.select %eq3A_695, %broadcast_in_dim3A_20, %broadcast_in_dim3A_18 : vector<16xi1>, vector<16xi32>
    %broadcast_in_dim3A_697 = arith.constant true
    %broadcast_in_dim3A_698 = vector.broadcast %broadcast_in_dim3A_697 : i1 to vector<16xi1>
    %masked_cumsum3A_699 = tpu.scan <sum>, %select_n3A_696 masked %broadcast_in_dim3A_698 : vector<16xi32>, vector<16xi1> -> vector<16xi32>
    %sub3A_700 = arith.subi %masked_cumsum3A_699, %broadcast_in_dim3A_20 : vector<16xi32>
    %add3A_701 = arith.addi %add3A_604, %sub3A_700 : vector<16xi32>
    %select_n3A_702 = arith.select %eq3A_695, %add3A_701, %select_n3A_690 : vector<16xi1>, vector<16xi32>
    %all_reduce_population_count3A_703 = tpu.all_reduce %eq3A_695 {dim = 0 : i64, kind = #tpu.reduction_kind<sum>} : vector<16xi1> -> vector<16xi32>
    %add3A_704 = arith.addi %add3A_604, %all_reduce_population_count3A_703 : vector<16xi32>
    %broadcast_in_dim3A_705 = arith.constant 5 : i32
    %broadcast_in_dim3A_706 = vector.broadcast %broadcast_in_dim3A_705 : i32 to vector<16xi32>
    %eq3A_707 = arith.cmpi eq, %get3A_644, %broadcast_in_dim3A_706 : vector<16xi32>
    %select_n3A_708 = arith.select %eq3A_707, %broadcast_in_dim3A_20, %broadcast_in_dim3A_18 : vector<16xi1>, vector<16xi32>
    %broadcast_in_dim3A_709 = arith.constant true
    %broadcast_in_dim3A_710 = vector.broadcast %broadcast_in_dim3A_709 : i1 to vector<16xi1>
    %masked_cumsum3A_711 = tpu.scan <sum>, %select_n3A_708 masked %broadcast_in_dim3A_710 : vector<16xi32>, vector<16xi1> -> vector<16xi32>
    %sub3A_712 = arith.subi %masked_cumsum3A_711, %broadcast_in_dim3A_20 : vector<16xi32>
    %add3A_713 = arith.addi %add3A_616, %sub3A_712 : vector<16xi32>
    %select_n3A_714 = arith.select %eq3A_707, %add3A_713, %select_n3A_702 : vector<16xi1>, vector<16xi32>
    %all_reduce_population_count3A_715 = tpu.all_reduce %eq3A_707 {dim = 0 : i64, kind = #tpu.reduction_kind<sum>} : vector<16xi1> -> vector<16xi32>
    %add3A_716 = arith.addi %add3A_616, %all_reduce_population_count3A_715 : vector<16xi32>
    %broadcast_in_dim3A_717 = arith.constant 6 : i32
    %broadcast_in_dim3A_718 = vector.broadcast %broadcast_in_dim3A_717 : i32 to vector<16xi32>
    %eq3A_719 = arith.cmpi eq, %get3A_644, %broadcast_in_dim3A_718 : vector<16xi32>
    %select_n3A_720 = arith.select %eq3A_719, %broadcast_in_dim3A_20, %broadcast_in_dim3A_18 : vector<16xi1>, vector<16xi32>
    %broadcast_in_dim3A_721 = arith.constant true
    %broadcast_in_dim3A_722 = vector.broadcast %broadcast_in_dim3A_721 : i1 to vector<16xi1>
    %masked_cumsum3A_723 = tpu.scan <sum>, %select_n3A_720 masked %broadcast_in_dim3A_722 : vector<16xi32>, vector<16xi1> -> vector<16xi32>
    %sub3A_724 = arith.subi %masked_cumsum3A_723, %broadcast_in_dim3A_20 : vector<16xi32>
    %add3A_725 = arith.addi %add3A_628, %sub3A_724 : vector<16xi32>
    %select_n3A_726 = arith.select %eq3A_719, %add3A_725, %select_n3A_714 : vector<16xi1>, vector<16xi32>
    %all_reduce_population_count3A_727 = tpu.all_reduce %eq3A_719 {dim = 0 : i64, kind = #tpu.reduction_kind<sum>} : vector<16xi1> -> vector<16xi32>
    %add3A_728 = arith.addi %add3A_628, %all_reduce_population_count3A_727 : vector<16xi32>
    %broadcast_in_dim3A_729 = arith.constant 7 : i32
    %broadcast_in_dim3A_730 = vector.broadcast %broadcast_in_dim3A_729 : i32 to vector<16xi32>
    %eq3A_731 = arith.cmpi eq, %get3A_644, %broadcast_in_dim3A_730 : vector<16xi32>
    %select_n3A_732 = arith.select %eq3A_731, %broadcast_in_dim3A_20, %broadcast_in_dim3A_18 : vector<16xi1>, vector<16xi32>
    %broadcast_in_dim3A_733 = arith.constant true
    %broadcast_in_dim3A_734 = vector.broadcast %broadcast_in_dim3A_733 : i1 to vector<16xi1>
    %masked_cumsum3A_735 = tpu.scan <sum>, %select_n3A_732 masked %broadcast_in_dim3A_734 : vector<16xi32>, vector<16xi1> -> vector<16xi32>
    %sub3A_736 = arith.subi %masked_cumsum3A_735, %broadcast_in_dim3A_20 : vector<16xi32>
    %add3A_737 = arith.addi %add3A_640, %sub3A_736 : vector<16xi32>
    %select_n3A_738 = arith.select %eq3A_731, %add3A_737, %select_n3A_726 : vector<16xi1>, vector<16xi32>
    %all_reduce_population_count3A_739 = tpu.all_reduce %eq3A_731 {dim = 0 : i64, kind = #tpu.reduction_kind<sum>} : vector<16xi1> -> vector<16xi32>
    %add3A_740 = arith.addi %add3A_640, %all_reduce_population_count3A_739 : vector<16xi32>
    %swap3A_741 = arith.constant 32 : index
    %swap3A_742 = tpu.vector_load %arg13[%swap3A_741] {strides = array<i32>} : memref<128xi32, #tpu.memory_space<vmem>>, vector<16xi32>,
    tpu.vector_store %arg13[%swap3A_741], %select_n3A_738 {strides = array<i32>} : memref<128xi32, #tpu.memory_space<vmem>>, vector<16xi32>,
    %get3A_743 = arith.constant 48 : index
    %get3A_744 = tpu.vector_load %arg11[%get3A_743] {strides = array<i32>} : memref<128xi32, #tpu.memory_space<vmem>>, vector<16xi32>,
    %broadcast_in_dim3A_745 = arith.constant 0 : i32
    %broadcast_in_dim3A_746 = vector.broadcast %broadcast_in_dim3A_745 : i32 to vector<16xi32>
    %eq3A_747 = arith.cmpi eq, %get3A_744, %broadcast_in_dim3A_746 : vector<16xi32>
    %select_n3A_748 = arith.select %eq3A_747, %broadcast_in_dim3A_20, %broadcast_in_dim3A_18 : vector<16xi1>, vector<16xi32>
    %broadcast_in_dim3A_749 = arith.constant true
    %broadcast_in_dim3A_750 = vector.broadcast %broadcast_in_dim3A_749 : i1 to vector<16xi1>
    %masked_cumsum3A_751 = tpu.scan <sum>, %select_n3A_748 masked %broadcast_in_dim3A_750 : vector<16xi32>, vector<16xi1> -> vector<16xi32>
    %sub3A_752 = arith.subi %masked_cumsum3A_751, %broadcast_in_dim3A_20 : vector<16xi32>
    %add3A_753 = arith.addi %add3A_656, %sub3A_752 : vector<16xi32>
    %select_n3A_754 = arith.select %eq3A_747, %add3A_753, %broadcast_in_dim3A_18 : vector<16xi1>, vector<16xi32>
    %all_reduce_population_count3A_755 = tpu.all_reduce %eq3A_747 {dim = 0 : i64, kind = #tpu.reduction_kind<sum>} : vector<16xi1> -> vector<16xi32>
    %add3A_756 = arith.addi %add3A_656, %all_reduce_population_count3A_755 : vector<16xi32>
    %broadcast_in_dim3A_757 = arith.constant 1 : i32
    %broadcast_in_dim3A_758 = vector.broadcast %broadcast_in_dim3A_757 : i32 to vector<16xi32>
    %eq3A_759 = arith.cmpi eq, %get3A_744, %broadcast_in_dim3A_758 : vector<16xi32>
    %select_n3A_760 = arith.select %eq3A_759, %broadcast_in_dim3A_20, %broadcast_in_dim3A_18 : vector<16xi1>, vector<16xi32>
    %broadcast_in_dim3A_761 = arith.constant true
    %broadcast_in_dim3A_762 = vector.broadcast %broadcast_in_dim3A_761 : i1 to vector<16xi1>
    %masked_cumsum3A_763 = tpu.scan <sum>, %select_n3A_760 masked %broadcast_in_dim3A_762 : vector<16xi32>, vector<16xi1> -> vector<16xi32>
    %sub3A_764 = arith.subi %masked_cumsum3A_763, %broadcast_in_dim3A_20 : vector<16xi32>
    %add3A_765 = arith.addi %add3A_668, %sub3A_764 : vector<16xi32>
    %select_n3A_766 = arith.select %eq3A_759, %add3A_765, %select_n3A_754 : vector<16xi1>, vector<16xi32>
    %all_reduce_population_count3A_767 = tpu.all_reduce %eq3A_759 {dim = 0 : i64, kind = #tpu.reduction_kind<sum>} : vector<16xi1> -> vector<16xi32>
    %add3A_768 = arith.addi %add3A_668, %all_reduce_population_count3A_767 : vector<16xi32>
    %broadcast_in_dim3A_769 = arith.constant 2 : i32
    %broadcast_in_dim3A_770 = vector.broadcast %broadcast_in_dim3A_769 : i32 to vector<16xi32>
    %eq3A_771 = arith.cmpi eq, %get3A_744, %broadcast_in_dim3A_770 : vector<16xi32>
    %select_n3A_772 = arith.select %eq3A_771, %broadcast_in_dim3A_20, %broadcast_in_dim3A_18 : vector<16xi1>, vector<16xi32>
    %broadcast_in_dim3A_773 = arith.constant true
    %broadcast_in_dim3A_774 = vector.broadcast %broadcast_in_dim3A_773 : i1 to vector<16xi1>
    %masked_cumsum3A_775 = tpu.scan <sum>, %select_n3A_772 masked %broadcast_in_dim3A_774 : vector<16xi32>, vector<16xi1> -> vector<16xi32>
    %sub3A_776 = arith.subi %masked_cumsum3A_775, %broadcast_in_dim3A_20 : vector<16xi32>
    %add3A_777 = arith.addi %add3A_680, %sub3A_776 : vector<16xi32>
    %select_n3A_778 = arith.select %eq3A_771, %add3A_777, %select_n3A_766 : vector<16xi1>, vector<16xi32>
    %all_reduce_population_count3A_779 = tpu.all_reduce %eq3A_771 {dim = 0 : i64, kind = #tpu.reduction_kind<sum>} : vector<16xi1> -> vector<16xi32>
    %add3A_780 = arith.addi %add3A_680, %all_reduce_population_count3A_779 : vector<16xi32>
    %broadcast_in_dim3A_781 = arith.constant 3 : i32
    %broadcast_in_dim3A_782 = vector.broadcast %broadcast_in_dim3A_781 : i32 to vector<16xi32>
    %eq3A_783 = arith.cmpi eq, %get3A_744, %broadcast_in_dim3A_782 : vector<16xi32>
    %select_n3A_784 = arith.select %eq3A_783, %broadcast_in_dim3A_20, %broadcast_in_dim3A_18 : vector<16xi1>, vector<16xi32>
    %broadcast_in_dim3A_785 = arith.constant true
    %broadcast_in_dim3A_786 = vector.broadcast %broadcast_in_dim3A_785 : i1 to vector<16xi1>
    %masked_cumsum3A_787 = tpu.scan <sum>, %select_n3A_784 masked %broadcast_in_dim3A_786 : vector<16xi32>, vector<16xi1> -> vector<16xi32>
    %sub3A_788 = arith.subi %masked_cumsum3A_787, %broadcast_in_dim3A_20 : vector<16xi32>
    %add3A_789 = arith.addi %add3A_692, %sub3A_788 : vector<16xi32>
    %select_n3A_790 = arith.select %eq3A_783, %add3A_789, %select_n3A_778 : vector<16xi1>, vector<16xi32>
    %all_reduce_population_count3A_791 = tpu.all_reduce %eq3A_783 {dim = 0 : i64, kind = #tpu.reduction_kind<sum>} : vector<16xi1> -> vector<16xi32>
    %add3A_792 = arith.addi %add3A_692, %all_reduce_population_count3A_791 : vector<16xi32>
    %broadcast_in_dim3A_793 = arith.constant 4 : i32
    %broadcast_in_dim3A_794 = vector.broadcast %broadcast_in_dim3A_793 : i32 to vector<16xi32>
    %eq3A_795 = arith.cmpi eq, %get3A_744, %broadcast_in_dim3A_794 : vector<16xi32>
    %select_n3A_796 = arith.select %eq3A_795, %broadcast_in_dim3A_20, %broadcast_in_dim3A_18 : vector<16xi1>, vector<16xi32>
    %broadcast_in_dim3A_797 = arith.constant true
    %broadcast_in_dim3A_798 = vector.broadcast %broadcast_in_dim3A_797 : i1 to vector<16xi1>
    %masked_cumsum3A_799 = tpu.scan <sum>, %select_n3A_796 masked %broadcast_in_dim3A_798 : vector<16xi32>, vector<16xi1> -> vector<16xi32>
    %sub3A_800 = arith.subi %masked_cumsum3A_799, %broadcast_in_dim3A_20 : vector<16xi32>
    %add3A_801 = arith.addi %add3A_704, %sub3A_800 : vector<16xi32>
    %select_n3A_802 = arith.select %eq3A_795, %add3A_801, %select_n3A_790 : vector<16xi1>, vector<16xi32>
    %all_reduce_population_count3A_803 = tpu.all_reduce %eq3A_795 {dim = 0 : i64, kind = #tpu.reduction_kind<sum>} : vector<16xi1> -> vector<16xi32>
    %add3A_804 = arith.addi %add3A_704, %all_reduce_population_count3A_803 : vector<16xi32>
    %broadcast_in_dim3A_805 = arith.constant 5 : i32
    %broadcast_in_dim3A_806 = vector.broadcast %broadcast_in_dim3A_805 : i32 to vector<16xi32>
    %eq3A_807 = arith.cmpi eq, %get3A_744, %broadcast_in_dim3A_806 : vector<16xi32>
    %select_n3A_808 = arith.select %eq3A_807, %broadcast_in_dim3A_20, %broadcast_in_dim3A_18 : vector<16xi1>, vector<16xi32>
    %broadcast_in_dim3A_809 = arith.constant true
    %broadcast_in_dim3A_810 = vector.broadcast %broadcast_in_dim3A_809 : i1 to vector<16xi1>
    %masked_cumsum3A_811 = tpu.scan <sum>, %select_n3A_808 masked %broadcast_in_dim3A_810 : vector<16xi32>, vector<16xi1> -> vector<16xi32>
    %sub3A_812 = arith.subi %masked_cumsum3A_811, %broadcast_in_dim3A_20 : vector<16xi32>
    %add3A_813 = arith.addi %add3A_716, %sub3A_812 : vector<16xi32>
    %select_n3A_814 = arith.select %eq3A_807, %add3A_813, %select_n3A_802 : vector<16xi1>, vector<16xi32>
    %all_reduce_population_count3A_815 = tpu.all_reduce %eq3A_807 {dim = 0 : i64, kind = #tpu.reduction_kind<sum>} : vector<16xi1> -> vector<16xi32>
    %add3A_816 = arith.addi %add3A_716, %all_reduce_population_count3A_815 : vector<16xi32>
    %broadcast_in_dim3A_817 = arith.constant 6 : i32
    %broadcast_in_dim3A_818 = vector.broadcast %broadcast_in_dim3A_817 : i32 to vector<16xi32>
    %eq3A_819 = arith.cmpi eq, %get3A_744, %broadcast_in_dim3A_818 : vector<16xi32>
    %select_n3A_820 = arith.select %eq3A_819, %broadcast_in_dim3A_20, %broadcast_in_dim3A_18 : vector<16xi1>, vector<16xi32>
    %broadcast_in_dim3A_821 = arith.constant true
    %broadcast_in_dim3A_822 = vector.broadcast %broadcast_in_dim3A_821 : i1 to vector<16xi1>
    %masked_cumsum3A_823 = tpu.scan <sum>, %select_n3A_820 masked %broadcast_in_dim3A_822 : vector<16xi32>, vector<16xi1> -> vector<16xi32>
    %sub3A_824 = arith.subi %masked_cumsum3A_823, %broadcast_in_dim3A_20 : vector<16xi32>
    %add3A_825 = arith.addi %add3A_728, %sub3A_824 : vector<16xi32>
    %select_n3A_826 = arith.select %eq3A_819, %add3A_825, %select_n3A_814 : vector<16xi1>, vector<16xi32>
    %all_reduce_population_count3A_827 = tpu.all_reduce %eq3A_819 {dim = 0 : i64, kind = #tpu.reduction_kind<sum>} : vector<16xi1> -> vector<16xi32>
    %add3A_828 = arith.addi %add3A_728, %all_reduce_population_count3A_827 : vector<16xi32>
    %broadcast_in_dim3A_829 = arith.constant 7 : i32
    %broadcast_in_dim3A_830 = vector.broadcast %broadcast_in_dim3A_829 : i32 to vector<16xi32>
    %eq3A_831 = arith.cmpi eq, %get3A_744, %broadcast_in_dim3A_830 : vector<16xi32>
    %select_n3A_832 = arith.select %eq3A_831, %broadcast_in_dim3A_20, %broadcast_in_dim3A_18 : vector<16xi1>, vector<16xi32>
    %broadcast_in_dim3A_833 = arith.constant true
    %broadcast_in_dim3A_834 = vector.broadcast %broadcast_in_dim3A_833 : i1 to vector<16xi1>
    %masked_cumsum3A_835 = tpu.scan <sum>, %select_n3A_832 masked %broadcast_in_dim3A_834 : vector<16xi32>, vector<16xi1> -> vector<16xi32>
    %sub3A_836 = arith.subi %masked_cumsum3A_835, %broadcast_in_dim3A_20 : vector<16xi32>
    %add3A_837 = arith.addi %add3A_740, %sub3A_836 : vector<16xi32>
    %select_n3A_838 = arith.select %eq3A_831, %add3A_837, %select_n3A_826 : vector<16xi1>, vector<16xi32>
    %all_reduce_population_count3A_839 = tpu.all_reduce %eq3A_831 {dim = 0 : i64, kind = #tpu.reduction_kind<sum>} : vector<16xi1> -> vector<16xi32>
    %add3A_840 = arith.addi %add3A_740, %all_reduce_population_count3A_839 : vector<16xi32>
    %swap3A_841 = arith.constant 48 : index
    %swap3A_842 = tpu.vector_load %arg13[%swap3A_841] {strides = array<i32>} : memref<128xi32, #tpu.memory_space<vmem>>, vector<16xi32>,
    tpu.vector_store %arg13[%swap3A_841], %select_n3A_838 {strides = array<i32>} : memref<128xi32, #tpu.memory_space<vmem>>, vector<16xi32>,
    %get3A_843 = arith.constant 64 : index
    %get3A_844 = tpu.vector_load %arg11[%get3A_843] {strides = array<i32>} : memref<128xi32, #tpu.memory_space<vmem>>, vector<16xi32>,
    %broadcast_in_dim3A_845 = arith.constant 0 : i32
    %broadcast_in_dim3A_846 = vector.broadcast %broadcast_in_dim3A_845 : i32 to vector<16xi32>
    %eq3A_847 = arith.cmpi eq, %get3A_844, %broadcast_in_dim3A_846 : vector<16xi32>
    %select_n3A_848 = arith.select %eq3A_847, %broadcast_in_dim3A_20, %broadcast_in_dim3A_18 : vector<16xi1>, vector<16xi32>
    %broadcast_in_dim3A_849 = arith.constant true
    %broadcast_in_dim3A_850 = vector.broadcast %broadcast_in_dim3A_849 : i1 to vector<16xi1>
    %masked_cumsum3A_851 = tpu.scan <sum>, %select_n3A_848 masked %broadcast_in_dim3A_850 : vector<16xi32>, vector<16xi1> -> vector<16xi32>
    %sub3A_852 = arith.subi %masked_cumsum3A_851, %broadcast_in_dim3A_20 : vector<16xi32>
    %add3A_853 = arith.addi %add3A_756, %sub3A_852 : vector<16xi32>
    %select_n3A_854 = arith.select %eq3A_847, %add3A_853, %broadcast_in_dim3A_18 : vector<16xi1>, vector<16xi32>
    %all_reduce_population_count3A_855 = tpu.all_reduce %eq3A_847 {dim = 0 : i64, kind = #tpu.reduction_kind<sum>} : vector<16xi1> -> vector<16xi32>
    %add3A_856 = arith.addi %add3A_756, %all_reduce_population_count3A_855 : vector<16xi32>
    %broadcast_in_dim3A_857 = arith.constant 1 : i32
    %broadcast_in_dim3A_858 = vector.broadcast %broadcast_in_dim3A_857 : i32 to vector<16xi32>
    %eq3A_859 = arith.cmpi eq, %get3A_844, %broadcast_in_dim3A_858 : vector<16xi32>
    %select_n3A_860 = arith.select %eq3A_859, %broadcast_in_dim3A_20, %broadcast_in_dim3A_18 : vector<16xi1>, vector<16xi32>
    %broadcast_in_dim3A_861 = arith.constant true
    %broadcast_in_dim3A_862 = vector.broadcast %broadcast_in_dim3A_861 : i1 to vector<16xi1>
    %masked_cumsum3A_863 = tpu.scan <sum>, %select_n3A_860 masked %broadcast_in_dim3A_862 : vector<16xi32>, vector<16xi1> -> vector<16xi32>
    %sub3A_864 = arith.subi %masked_cumsum3A_863, %broadcast_in_dim3A_20 : vector<16xi32>
    %add3A_865 = arith.addi %add3A_768, %sub3A_864 : vector<16xi32>
    %select_n3A_866 = arith.select %eq3A_859, %add3A_865, %select_n3A_854 : vector<16xi1>, vector<16xi32>
    %all_reduce_population_count3A_867 = tpu.all_reduce %eq3A_859 {dim = 0 : i64, kind = #tpu.reduction_kind<sum>} : vector<16xi1> -> vector<16xi32>
    %add3A_868 = arith.addi %add3A_768, %all_reduce_population_count3A_867 : vector<16xi32>
    %broadcast_in_dim3A_869 = arith.constant 2 : i32
    %broadcast_in_dim3A_870 = vector.broadcast %broadcast_in_dim3A_869 : i32 to vector<16xi32>
    %eq3A_871 = arith.cmpi eq, %get3A_844, %broadcast_in_dim3A_870 : vector<16xi32>
    %select_n3A_872 = arith.select %eq3A_871, %broadcast_in_dim3A_20, %broadcast_in_dim3A_18 : vector<16xi1>, vector<16xi32>
    %broadcast_in_dim3A_873 = arith.constant true
    %broadcast_in_dim3A_874 = vector.broadcast %broadcast_in_dim3A_873 : i1 to vector<16xi1>
    %masked_cumsum3A_875 = tpu.scan <sum>, %select_n3A_872 masked %broadcast_in_dim3A_874 : vector<16xi32>, vector<16xi1> -> vector<16xi32>
    %sub3A_876 = arith.subi %masked_cumsum3A_875, %broadcast_in_dim3A_20 : vector<16xi32>
    %add3A_877 = arith.addi %add3A_780, %sub3A_876 : vector<16xi32>
    %select_n3A_878 = arith.select %eq3A_871, %add3A_877, %select_n3A_866 : vector<16xi1>, vector<16xi32>
    %all_reduce_population_count3A_879 = tpu.all_reduce %eq3A_871 {dim = 0 : i64, kind = #tpu.reduction_kind<sum>} : vector<16xi1> -> vector<16xi32>
    %add3A_880 = arith.addi %add3A_780, %all_reduce_population_count3A_879 : vector<16xi32>
    %broadcast_in_dim3A_881 = arith.constant 3 : i32
    %broadcast_in_dim3A_882 = vector.broadcast %broadcast_in_dim3A_881 : i32 to vector<16xi32>
    %eq3A_883 = arith.cmpi eq, %get3A_844, %broadcast_in_dim3A_882 : vector<16xi32>
    %select_n3A_884 = arith.select %eq3A_883, %broadcast_in_dim3A_20, %broadcast_in_dim3A_18 : vector<16xi1>, vector<16xi32>
    %broadcast_in_dim3A_885 = arith.constant true
    %broadcast_in_dim3A_886 = vector.broadcast %broadcast_in_dim3A_885 : i1 to vector<16xi1>
    %masked_cumsum3A_887 = tpu.scan <sum>, %select_n3A_884 masked %broadcast_in_dim3A_886 : vector<16xi32>, vector<16xi1> -> vector<16xi32>
    %sub3A_888 = arith.subi %masked_cumsum3A_887, %broadcast_in_dim3A_20 : vector<16xi32>
    %add3A_889 = arith.addi %add3A_792, %sub3A_888 : vector<16xi32>
    %select_n3A_890 = arith.select %eq3A_883, %add3A_889, %select_n3A_878 : vector<16xi1>, vector<16xi32>
    %all_reduce_population_count3A_891 = tpu.all_reduce %eq3A_883 {dim = 0 : i64, kind = #tpu.reduction_kind<sum>} : vector<16xi1> -> vector<16xi32>
    %add3A_892 = arith.addi %add3A_792, %all_reduce_population_count3A_891 : vector<16xi32>
    %broadcast_in_dim3A_893 = arith.constant 4 : i32
    %broadcast_in_dim3A_894 = vector.broadcast %broadcast_in_dim3A_893 : i32 to vector<16xi32>
    %eq3A_895 = arith.cmpi eq, %get3A_844, %broadcast_in_dim3A_894 : vector<16xi32>
    %select_n3A_896 = arith.select %eq3A_895, %broadcast_in_dim3A_20, %broadcast_in_dim3A_18 : vector<16xi1>, vector<16xi32>
    %broadcast_in_dim3A_897 = arith.constant true
    %broadcast_in_dim3A_898 = vector.broadcast %broadcast_in_dim3A_897 : i1 to vector<16xi1>
    %masked_cumsum3A_899 = tpu.scan <sum>, %select_n3A_896 masked %broadcast_in_dim3A_898 : vector<16xi32>, vector<16xi1> -> vector<16xi32>
    %sub3A_900 = arith.subi %masked_cumsum3A_899, %broadcast_in_dim3A_20 : vector<16xi32>
    %add3A_901 = arith.addi %add3A_804, %sub3A_900 : vector<16xi32>
    %select_n3A_902 = arith.select %eq3A_895, %add3A_901, %select_n3A_890 : vector<16xi1>, vector<16xi32>
    %all_reduce_population_count3A_903 = tpu.all_reduce %eq3A_895 {dim = 0 : i64, kind = #tpu.reduction_kind<sum>} : vector<16xi1> -> vector<16xi32>
    %add3A_904 = arith.addi %add3A_804, %all_reduce_population_count3A_903 : vector<16xi32>
    %broadcast_in_dim3A_905 = arith.constant 5 : i32
    %broadcast_in_dim3A_906 = vector.broadcast %broadcast_in_dim3A_905 : i32 to vector<16xi32>
    %eq3A_907 = arith.cmpi eq, %get3A_844, %broadcast_in_dim3A_906 : vector<16xi32>
    %select_n3A_908 = arith.select %eq3A_907, %broadcast_in_dim3A_20, %broadcast_in_dim3A_18 : vector<16xi1>, vector<16xi32>
    %broadcast_in_dim3A_909 = arith.constant true
    %broadcast_in_dim3A_910 = vector.broadcast %broadcast_in_dim3A_909 : i1 to vector<16xi1>
    %masked_cumsum3A_911 = tpu.scan <sum>, %select_n3A_908 masked %broadcast_in_dim3A_910 : vector<16xi32>, vector<16xi1> -> vector<16xi32>
    %sub3A_912 = arith.subi %masked_cumsum3A_911, %broadcast_in_dim3A_20 : vector<16xi32>
    %add3A_913 = arith.addi %add3A_816, %sub3A_912 : vector<16xi32>
    %select_n3A_914 = arith.select %eq3A_907, %add3A_913, %select_n3A_902 : vector<16xi1>, vector<16xi32>
    %all_reduce_population_count3A_915 = tpu.all_reduce %eq3A_907 {dim = 0 : i64, kind = #tpu.reduction_kind<sum>} : vector<16xi1> -> vector<16xi32>
    %add3A_916 = arith.addi %add3A_816, %all_reduce_population_count3A_915 : vector<16xi32>
    %broadcast_in_dim3A_917 = arith.constant 6 : i32
    %broadcast_in_dim3A_918 = vector.broadcast %broadcast_in_dim3A_917 : i32 to vector<16xi32>
    %eq3A_919 = arith.cmpi eq, %get3A_844, %broadcast_in_dim3A_918 : vector<16xi32>
    %select_n3A_920 = arith.select %eq3A_919, %broadcast_in_dim3A_20, %broadcast_in_dim3A_18 : vector<16xi1>, vector<16xi32>
    %broadcast_in_dim3A_921 = arith.constant true
    %broadcast_in_dim3A_922 = vector.broadcast %broadcast_in_dim3A_921 : i1 to vector<16xi1>
    %masked_cumsum3A_923 = tpu.scan <sum>, %select_n3A_920 masked %broadcast_in_dim3A_922 : vector<16xi32>, vector<16xi1> -> vector<16xi32>
    %sub3A_924 = arith.subi %masked_cumsum3A_923, %broadcast_in_dim3A_20 : vector<16xi32>
    %add3A_925 = arith.addi %add3A_828, %sub3A_924 : vector<16xi32>
    %select_n3A_926 = arith.select %eq3A_919, %add3A_925, %select_n3A_914 : vector<16xi1>, vector<16xi32>
    %all_reduce_population_count3A_927 = tpu.all_reduce %eq3A_919 {dim = 0 : i64, kind = #tpu.reduction_kind<sum>} : vector<16xi1> -> vector<16xi32>
    %add3A_928 = arith.addi %add3A_828, %all_reduce_population_count3A_927 : vector<16xi32>
    %broadcast_in_dim3A_929 = arith.constant 7 : i32
    %broadcast_in_dim3A_930 = vector.broadcast %broadcast_in_dim3A_929 : i32 to vector<16xi32>
    %eq3A_931 = arith.cmpi eq, %get3A_844, %broadcast_in_dim3A_930 : vector<16xi32>
    %select_n3A_932 = arith.select %eq3A_931, %broadcast_in_dim3A_20, %broadcast_in_dim3A_18 : vector<16xi1>, vector<16xi32>
    %broadcast_in_dim3A_933 = arith.constant true
    %broadcast_in_dim3A_934 = vector.broadcast %broadcast_in_dim3A_933 : i1 to vector<16xi1>
    %masked_cumsum3A_935 = tpu.scan <sum>, %select_n3A_932 masked %broadcast_in_dim3A_934 : vector<16xi32>, vector<16xi1> -> vector<16xi32>
    %sub3A_936 = arith.subi %masked_cumsum3A_935, %broadcast_in_dim3A_20 : vector<16xi32>
    %add3A_937 = arith.addi %add3A_840, %sub3A_936 : vector<16xi32>
    %select_n3A_938 = arith.select %eq3A_931, %add3A_937, %select_n3A_926 : vector<16xi1>, vector<16xi32>
    %all_reduce_population_count3A_939 = tpu.all_reduce %eq3A_931 {dim = 0 : i64, kind = #tpu.reduction_kind<sum>} : vector<16xi1> -> vector<16xi32>
    %add3A_940 = arith.addi %add3A_840, %all_reduce_population_count3A_939 : vector<16xi32>
    %swap3A_941 = arith.constant 64 : index
    %swap3A_942 = tpu.vector_load %arg13[%swap3A_941] {strides = array<i32>} : memref<128xi32, #tpu.memory_space<vmem>>, vector<16xi32>,
    tpu.vector_store %arg13[%swap3A_941], %select_n3A_938 {strides = array<i32>} : memref<128xi32, #tpu.memory_space<vmem>>, vector<16xi32>,
    %get3A_943 = arith.constant 80 : index
    %get3A_944 = tpu.vector_load %arg11[%get3A_943] {strides = array<i32>} : memref<128xi32, #tpu.memory_space<vmem>>, vector<16xi32>,
    %broadcast_in_dim3A_945 = arith.constant 0 : i32
    %broadcast_in_dim3A_946 = vector.broadcast %broadcast_in_dim3A_945 : i32 to vector<16xi32>
    %eq3A_947 = arith.cmpi eq, %get3A_944, %broadcast_in_dim3A_946 : vector<16xi32>
    %select_n3A_948 = arith.select %eq3A_947, %broadcast_in_dim3A_20, %broadcast_in_dim3A_18 : vector<16xi1>, vector<16xi32>
    %broadcast_in_dim3A_949 = arith.constant true
    %broadcast_in_dim3A_950 = vector.broadcast %broadcast_in_dim3A_949 : i1 to vector<16xi1>
    %masked_cumsum3A_951 = tpu.scan <sum>, %select_n3A_948 masked %broadcast_in_dim3A_950 : vector<16xi32>, vector<16xi1> -> vector<16xi32>
    %sub3A_952 = arith.subi %masked_cumsum3A_951, %broadcast_in_dim3A_20 : vector<16xi32>
    %add3A_953 = arith.addi %add3A_856, %sub3A_952 : vector<16xi32>
    %select_n3A_954 = arith.select %eq3A_947, %add3A_953, %broadcast_in_dim3A_18 : vector<16xi1>, vector<16xi32>
    %all_reduce_population_count3A_955 = tpu.all_reduce %eq3A_947 {dim = 0 : i64, kind = #tpu.reduction_kind<sum>} : vector<16xi1> -> vector<16xi32>
    %add3A_956 = arith.addi %add3A_856, %all_reduce_population_count3A_955 : vector<16xi32>
    %broadcast_in_dim3A_957 = arith.constant 1 : i32
    %broadcast_in_dim3A_958 = vector.broadcast %broadcast_in_dim3A_957 : i32 to vector<16xi32>
    %eq3A_959 = arith.cmpi eq, %get3A_944, %broadcast_in_dim3A_958 : vector<16xi32>
    %select_n3A_960 = arith.select %eq3A_959, %broadcast_in_dim3A_20, %broadcast_in_dim3A_18 : vector<16xi1>, vector<16xi32>
    %broadcast_in_dim3A_961 = arith.constant true
    %broadcast_in_dim3A_962 = vector.broadcast %broadcast_in_dim3A_961 : i1 to vector<16xi1>
    %masked_cumsum3A_963 = tpu.scan <sum>, %select_n3A_960 masked %broadcast_in_dim3A_962 : vector<16xi32>, vector<16xi1> -> vector<16xi32>
    %sub3A_964 = arith.subi %masked_cumsum3A_963, %broadcast_in_dim3A_20 : vector<16xi32>
    %add3A_965 = arith.addi %add3A_868, %sub3A_964 : vector<16xi32>
    %select_n3A_966 = arith.select %eq3A_959, %add3A_965, %select_n3A_954 : vector<16xi1>, vector<16xi32>
    %all_reduce_population_count3A_967 = tpu.all_reduce %eq3A_959 {dim = 0 : i64, kind = #tpu.reduction_kind<sum>} : vector<16xi1> -> vector<16xi32>
    %add3A_968 = arith.addi %add3A_868, %all_reduce_population_count3A_967 : vector<16xi32>
    %broadcast_in_dim3A_969 = arith.constant 2 : i32
    %broadcast_in_dim3A_970 = vector.broadcast %broadcast_in_dim3A_969 : i32 to vector<16xi32>
    %eq3A_971 = arith.cmpi eq, %get3A_944, %broadcast_in_dim3A_970 : vector<16xi32>
    %select_n3A_972 = arith.select %eq3A_971, %broadcast_in_dim3A_20, %broadcast_in_dim3A_18 : vector<16xi1>, vector<16xi32>
    %broadcast_in_dim3A_973 = arith.constant true
    %broadcast_in_dim3A_974 = vector.broadcast %broadcast_in_dim3A_973 : i1 to vector<16xi1>
    %masked_cumsum3A_975 = tpu.scan <sum>, %select_n3A_972 masked %broadcast_in_dim3A_974 : vector<16xi32>, vector<16xi1> -> vector<16xi32>
    %sub3A_976 = arith.subi %masked_cumsum3A_975, %broadcast_in_dim3A_20 : vector<16xi32>
    %add3A_977 = arith.addi %add3A_880, %sub3A_976 : vector<16xi32>
    %select_n3A_978 = arith.select %eq3A_971, %add3A_977, %select_n3A_966 : vector<16xi1>, vector<16xi32>
    %all_reduce_population_count3A_979 = tpu.all_reduce %eq3A_971 {dim = 0 : i64, kind = #tpu.reduction_kind<sum>} : vector<16xi1> -> vector<16xi32>
    %add3A_980 = arith.addi %add3A_880, %all_reduce_population_count3A_979 : vector<16xi32>
    %broadcast_in_dim3A_981 = arith.constant 3 : i32
    %broadcast_in_dim3A_982 = vector.broadcast %broadcast_in_dim3A_981 : i32 to vector<16xi32>
    %eq3A_983 = arith.cmpi eq, %get3A_944, %broadcast_in_dim3A_982 : vector<16xi32>
    %select_n3A_984 = arith.select %eq3A_983, %broadcast_in_dim3A_20, %broadcast_in_dim3A_18 : vector<16xi1>, vector<16xi32>
    %broadcast_in_dim3A_985 = arith.constant true
    %broadcast_in_dim3A_986 = vector.broadcast %broadcast_in_dim3A_985 : i1 to vector<16xi1>
    %masked_cumsum3A_987 = tpu.scan <sum>, %select_n3A_984 masked %broadcast_in_dim3A_986 : vector<16xi32>, vector<16xi1> -> vector<16xi32>
    %sub3A_988 = arith.subi %masked_cumsum3A_987, %broadcast_in_dim3A_20 : vector<16xi32>
    %add3A_989 = arith.addi %add3A_892, %sub3A_988 : vector<16xi32>
    %select_n3A_990 = arith.select %eq3A_983, %add3A_989, %select_n3A_978 : vector<16xi1>, vector<16xi32>
    %all_reduce_population_count3A_991 = tpu.all_reduce %eq3A_983 {dim = 0 : i64, kind = #tpu.reduction_kind<sum>} : vector<16xi1> -> vector<16xi32>
    %add3A_992 = arith.addi %add3A_892, %all_reduce_population_count3A_991 : vector<16xi32>
    %broadcast_in_dim3A_993 = arith.constant 4 : i32
    %broadcast_in_dim3A_994 = vector.broadcast %broadcast_in_dim3A_993 : i32 to vector<16xi32>
    %eq3A_995 = arith.cmpi eq, %get3A_944, %broadcast_in_dim3A_994 : vector<16xi32>
    %select_n3A_996 = arith.select %eq3A_995, %broadcast_in_dim3A_20, %broadcast_in_dim3A_18 : vector<16xi1>, vector<16xi32>
    %broadcast_in_dim3A_997 = arith.constant true
    %broadcast_in_dim3A_998 = vector.broadcast %broadcast_in_dim3A_997 : i1 to vector<16xi1>
    %masked_cumsum3A_999 = tpu.scan <sum>, %select_n3A_996 masked %broadcast_in_dim3A_998 : vector<16xi32>, vector<16xi1> -> vector<16xi32>
    %sub3A_1000 = arith.subi %masked_cumsum3A_999, %broadcast_in_dim3A_20 : vector<16xi32>
    %add3A_1001 = arith.addi %add3A_904, %sub3A_1000 : vector<16xi32>
    %select_n3A_1002 = arith.select %eq3A_995, %add3A_1001, %select_n3A_990 : vector<16xi1>, vector<16xi32>
    %all_reduce_population_count3A_1003 = tpu.all_reduce %eq3A_995 {dim = 0 : i64, kind = #tpu.reduction_kind<sum>} : vector<16xi1> -> vector<16xi32>
    %add3A_1004 = arith.addi %add3A_904, %all_reduce_population_count3A_1003 : vector<16xi32>
    %broadcast_in_dim3A_1005 = arith.constant 5 : i32
    %broadcast_in_dim3A_1006 = vector.broadcast %broadcast_in_dim3A_1005 : i32 to vector<16xi32>
    %eq3A_1007 = arith.cmpi eq, %get3A_944, %broadcast_in_dim3A_1006 : vector<16xi32>
    %select_n3A_1008 = arith.select %eq3A_1007, %broadcast_in_dim3A_20, %broadcast_in_dim3A_18 : vector<16xi1>, vector<16xi32>
    %broadcast_in_dim3A_1009 = arith.constant true
    %broadcast_in_dim3A_1010 = vector.broadcast %broadcast_in_dim3A_1009 : i1 to vector<16xi1>
    %masked_cumsum3A_1011 = tpu.scan <sum>, %select_n3A_1008 masked %broadcast_in_dim3A_1010 : vector<16xi32>, vector<16xi1> -> vector<16xi32>
    %sub3A_1012 = arith.subi %masked_cumsum3A_1011, %broadcast_in_dim3A_20 : vector<16xi32>
    %add3A_1013 = arith.addi %add3A_916, %sub3A_1012 : vector<16xi32>
    %select_n3A_1014 = arith.select %eq3A_1007, %add3A_1013, %select_n3A_1002 : vector<16xi1>, vector<16xi32>
    %all_reduce_population_count3A_1015 = tpu.all_reduce %eq3A_1007 {dim = 0 : i64, kind = #tpu.reduction_kind<sum>} : vector<16xi1> -> vector<16xi32>
    %add3A_1016 = arith.addi %add3A_916, %all_reduce_population_count3A_1015 : vector<16xi32>
    %broadcast_in_dim3A_1017 = arith.constant 6 : i32
    %broadcast_in_dim3A_1018 = vector.broadcast %broadcast_in_dim3A_1017 : i32 to vector<16xi32>
    %eq3A_1019 = arith.cmpi eq, %get3A_944, %broadcast_in_dim3A_1018 : vector<16xi32>
    %select_n3A_1020 = arith.select %eq3A_1019, %broadcast_in_dim3A_20, %broadcast_in_dim3A_18 : vector<16xi1>, vector<16xi32>
    %broadcast_in_dim3A_1021 = arith.constant true
    %broadcast_in_dim3A_1022 = vector.broadcast %broadcast_in_dim3A_1021 : i1 to vector<16xi1>
    %masked_cumsum3A_1023 = tpu.scan <sum>, %select_n3A_1020 masked %broadcast_in_dim3A_1022 : vector<16xi32>, vector<16xi1> -> vector<16xi32>
    %sub3A_1024 = arith.subi %masked_cumsum3A_1023, %broadcast_in_dim3A_20 : vector<16xi32>
    %add3A_1025 = arith.addi %add3A_928, %sub3A_1024 : vector<16xi32>
    %select_n3A_1026 = arith.select %eq3A_1019, %add3A_1025, %select_n3A_1014 : vector<16xi1>, vector<16xi32>
    %all_reduce_population_count3A_1027 = tpu.all_reduce %eq3A_1019 {dim = 0 : i64, kind = #tpu.reduction_kind<sum>} : vector<16xi1> -> vector<16xi32>
    %add3A_1028 = arith.addi %add3A_928, %all_reduce_population_count3A_1027 : vector<16xi32>
    %broadcast_in_dim3A_1029 = arith.constant 7 : i32
    %broadcast_in_dim3A_1030 = vector.broadcast %broadcast_in_dim3A_1029 : i32 to vector<16xi32>
    %eq3A_1031 = arith.cmpi eq, %get3A_944, %broadcast_in_dim3A_1030 : vector<16xi32>
    %select_n3A_1032 = arith.select %eq3A_1031, %broadcast_in_dim3A_20, %broadcast_in_dim3A_18 : vector<16xi1>, vector<16xi32>
    %broadcast_in_dim3A_1033 = arith.constant true
    %broadcast_in_dim3A_1034 = vector.broadcast %broadcast_in_dim3A_1033 : i1 to vector<16xi1>
    %masked_cumsum3A_1035 = tpu.scan <sum>, %select_n3A_1032 masked %broadcast_in_dim3A_1034 : vector<16xi32>, vector<16xi1> -> vector<16xi32>
    %sub3A_1036 = arith.subi %masked_cumsum3A_1035, %broadcast_in_dim3A_20 : vector<16xi32>
    %add3A_1037 = arith.addi %add3A_940, %sub3A_1036 : vector<16xi32>
    %select_n3A_1038 = arith.select %eq3A_1031, %add3A_1037, %select_n3A_1026 : vector<16xi1>, vector<16xi32>
    %all_reduce_population_count3A_1039 = tpu.all_reduce %eq3A_1031 {dim = 0 : i64, kind = #tpu.reduction_kind<sum>} : vector<16xi1> -> vector<16xi32>
    %add3A_1040 = arith.addi %add3A_940, %all_reduce_population_count3A_1039 : vector<16xi32>
    %swap3A_1041 = arith.constant 80 : index
    %swap3A_1042 = tpu.vector_load %arg13[%swap3A_1041] {strides = array<i32>} : memref<128xi32, #tpu.memory_space<vmem>>, vector<16xi32>,
    tpu.vector_store %arg13[%swap3A_1041], %select_n3A_1038 {strides = array<i32>} : memref<128xi32, #tpu.memory_space<vmem>>, vector<16xi32>,
    %get3A_1043 = arith.constant 96 : index
    %get3A_1044 = tpu.vector_load %arg11[%get3A_1043] {strides = array<i32>} : memref<128xi32, #tpu.memory_space<vmem>>, vector<16xi32>,
    %broadcast_in_dim3A_1045 = arith.constant 0 : i32
    %broadcast_in_dim3A_1046 = vector.broadcast %broadcast_in_dim3A_1045 : i32 to vector<16xi32>
    %eq3A_1047 = arith.cmpi eq, %get3A_1044, %broadcast_in_dim3A_1046 : vector<16xi32>
    %select_n3A_1048 = arith.select %eq3A_1047, %broadcast_in_dim3A_20, %broadcast_in_dim3A_18 : vector<16xi1>, vector<16xi32>
    %broadcast_in_dim3A_1049 = arith.constant true
    %broadcast_in_dim3A_1050 = vector.broadcast %broadcast_in_dim3A_1049 : i1 to vector<16xi1>
    %masked_cumsum3A_1051 = tpu.scan <sum>, %select_n3A_1048 masked %broadcast_in_dim3A_1050 : vector<16xi32>, vector<16xi1> -> vector<16xi32>
    %sub3A_1052 = arith.subi %masked_cumsum3A_1051, %broadcast_in_dim3A_20 : vector<16xi32>
    %add3A_1053 = arith.addi %add3A_956, %sub3A_1052 : vector<16xi32>
    %select_n3A_1054 = arith.select %eq3A_1047, %add3A_1053, %broadcast_in_dim3A_18 : vector<16xi1>, vector<16xi32>
    %all_reduce_population_count3A_1055 = tpu.all_reduce %eq3A_1047 {dim = 0 : i64, kind = #tpu.reduction_kind<sum>} : vector<16xi1> -> vector<16xi32>
    %add3A_1056 = arith.addi %add3A_956, %all_reduce_population_count3A_1055 : vector<16xi32>
    %broadcast_in_dim3A_1057 = arith.constant 1 : i32
    %broadcast_in_dim3A_1058 = vector.broadcast %broadcast_in_dim3A_1057 : i32 to vector<16xi32>
    %eq3A_1059 = arith.cmpi eq, %get3A_1044, %broadcast_in_dim3A_1058 : vector<16xi32>
    %select_n3A_1060 = arith.select %eq3A_1059, %broadcast_in_dim3A_20, %broadcast_in_dim3A_18 : vector<16xi1>, vector<16xi32>
    %broadcast_in_dim3A_1061 = arith.constant true
    %broadcast_in_dim3A_1062 = vector.broadcast %broadcast_in_dim3A_1061 : i1 to vector<16xi1>
    %masked_cumsum3A_1063 = tpu.scan <sum>, %select_n3A_1060 masked %broadcast_in_dim3A_1062 : vector<16xi32>, vector<16xi1> -> vector<16xi32>
    %sub3A_1064 = arith.subi %masked_cumsum3A_1063, %broadcast_in_dim3A_20 : vector<16xi32>
    %add3A_1065 = arith.addi %add3A_968, %sub3A_1064 : vector<16xi32>
    %select_n3A_1066 = arith.select %eq3A_1059, %add3A_1065, %select_n3A_1054 : vector<16xi1>, vector<16xi32>
    %all_reduce_population_count3A_1067 = tpu.all_reduce %eq3A_1059 {dim = 0 : i64, kind = #tpu.reduction_kind<sum>} : vector<16xi1> -> vector<16xi32>
    %add3A_1068 = arith.addi %add3A_968, %all_reduce_population_count3A_1067 : vector<16xi32>
    %broadcast_in_dim3A_1069 = arith.constant 2 : i32
    %broadcast_in_dim3A_1070 = vector.broadcast %broadcast_in_dim3A_1069 : i32 to vector<16xi32>
    %eq3A_1071 = arith.cmpi eq, %get3A_1044, %broadcast_in_dim3A_1070 : vector<16xi32>
    %select_n3A_1072 = arith.select %eq3A_1071, %broadcast_in_dim3A_20, %broadcast_in_dim3A_18 : vector<16xi1>, vector<16xi32>
    %broadcast_in_dim3A_1073 = arith.constant true
    %broadcast_in_dim3A_1074 = vector.broadcast %broadcast_in_dim3A_1073 : i1 to vector<16xi1>
    %masked_cumsum3A_1075 = tpu.scan <sum>, %select_n3A_1072 masked %broadcast_in_dim3A_1074 : vector<16xi32>, vector<16xi1> -> vector<16xi32>
    %sub3A_1076 = arith.subi %masked_cumsum3A_1075, %broadcast_in_dim3A_20 : vector<16xi32>
    %add3A_1077 = arith.addi %add3A_980, %sub3A_1076 : vector<16xi32>
    %select_n3A_1078 = arith.select %eq3A_1071, %add3A_1077, %select_n3A_1066 : vector<16xi1>, vector<16xi32>
    %all_reduce_population_count3A_1079 = tpu.all_reduce %eq3A_1071 {dim = 0 : i64, kind = #tpu.reduction_kind<sum>} : vector<16xi1> -> vector<16xi32>
    %add3A_1080 = arith.addi %add3A_980, %all_reduce_population_count3A_1079 : vector<16xi32>
    %broadcast_in_dim3A_1081 = arith.constant 3 : i32
    %broadcast_in_dim3A_1082 = vector.broadcast %broadcast_in_dim3A_1081 : i32 to vector<16xi32>
    %eq3A_1083 = arith.cmpi eq, %get3A_1044, %broadcast_in_dim3A_1082 : vector<16xi32>
    %select_n3A_1084 = arith.select %eq3A_1083, %broadcast_in_dim3A_20, %broadcast_in_dim3A_18 : vector<16xi1>, vector<16xi32>
    %broadcast_in_dim3A_1085 = arith.constant true
    %broadcast_in_dim3A_1086 = vector.broadcast %broadcast_in_dim3A_1085 : i1 to vector<16xi1>
    %masked_cumsum3A_1087 = tpu.scan <sum>, %select_n3A_1084 masked %broadcast_in_dim3A_1086 : vector<16xi32>, vector<16xi1> -> vector<16xi32>
    %sub3A_1088 = arith.subi %masked_cumsum3A_1087, %broadcast_in_dim3A_20 : vector<16xi32>
    %add3A_1089 = arith.addi %add3A_992, %sub3A_1088 : vector<16xi32>
    %select_n3A_1090 = arith.select %eq3A_1083, %add3A_1089, %select_n3A_1078 : vector<16xi1>, vector<16xi32>
    %all_reduce_population_count3A_1091 = tpu.all_reduce %eq3A_1083 {dim = 0 : i64, kind = #tpu.reduction_kind<sum>} : vector<16xi1> -> vector<16xi32>
    %add3A_1092 = arith.addi %add3A_992, %all_reduce_population_count3A_1091 : vector<16xi32>
    %broadcast_in_dim3A_1093 = arith.constant 4 : i32
    %broadcast_in_dim3A_1094 = vector.broadcast %broadcast_in_dim3A_1093 : i32 to vector<16xi32>
    %eq3A_1095 = arith.cmpi eq, %get3A_1044, %broadcast_in_dim3A_1094 : vector<16xi32>
    %select_n3A_1096 = arith.select %eq3A_1095, %broadcast_in_dim3A_20, %broadcast_in_dim3A_18 : vector<16xi1>, vector<16xi32>
    %broadcast_in_dim3A_1097 = arith.constant true
    %broadcast_in_dim3A_1098 = vector.broadcast %broadcast_in_dim3A_1097 : i1 to vector<16xi1>
    %masked_cumsum3A_1099 = tpu.scan <sum>, %select_n3A_1096 masked %broadcast_in_dim3A_1098 : vector<16xi32>, vector<16xi1> -> vector<16xi32>
    %sub3A_1100 = arith.subi %masked_cumsum3A_1099, %broadcast_in_dim3A_20 : vector<16xi32>
    %add3A_1101 = arith.addi %add3A_1004, %sub3A_1100 : vector<16xi32>
    %select_n3A_1102 = arith.select %eq3A_1095, %add3A_1101, %select_n3A_1090 : vector<16xi1>, vector<16xi32>
    %all_reduce_population_count3A_1103 = tpu.all_reduce %eq3A_1095 {dim = 0 : i64, kind = #tpu.reduction_kind<sum>} : vector<16xi1> -> vector<16xi32>
    %add3A_1104 = arith.addi %add3A_1004, %all_reduce_population_count3A_1103 : vector<16xi32>
    %broadcast_in_dim3A_1105 = arith.constant 5 : i32
    %broadcast_in_dim3A_1106 = vector.broadcast %broadcast_in_dim3A_1105 : i32 to vector<16xi32>
    %eq3A_1107 = arith.cmpi eq, %get3A_1044, %broadcast_in_dim3A_1106 : vector<16xi32>
    %select_n3A_1108 = arith.select %eq3A_1107, %broadcast_in_dim3A_20, %broadcast_in_dim3A_18 : vector<16xi1>, vector<16xi32>
    %broadcast_in_dim3A_1109 = arith.constant true
    %broadcast_in_dim3A_1110 = vector.broadcast %broadcast_in_dim3A_1109 : i1 to vector<16xi1>
    %masked_cumsum3A_1111 = tpu.scan <sum>, %select_n3A_1108 masked %broadcast_in_dim3A_1110 : vector<16xi32>, vector<16xi1> -> vector<16xi32>
    %sub3A_1112 = arith.subi %masked_cumsum3A_1111, %broadcast_in_dim3A_20 : vector<16xi32>
    %add3A_1113 = arith.addi %add3A_1016, %sub3A_1112 : vector<16xi32>
    %select_n3A_1114 = arith.select %eq3A_1107, %add3A_1113, %select_n3A_1102 : vector<16xi1>, vector<16xi32>
    %all_reduce_population_count3A_1115 = tpu.all_reduce %eq3A_1107 {dim = 0 : i64, kind = #tpu.reduction_kind<sum>} : vector<16xi1> -> vector<16xi32>
    %add3A_1116 = arith.addi %add3A_1016, %all_reduce_population_count3A_1115 : vector<16xi32>
    %broadcast_in_dim3A_1117 = arith.constant 6 : i32
    %broadcast_in_dim3A_1118 = vector.broadcast %broadcast_in_dim3A_1117 : i32 to vector<16xi32>
    %eq3A_1119 = arith.cmpi eq, %get3A_1044, %broadcast_in_dim3A_1118 : vector<16xi32>
    %select_n3A_1120 = arith.select %eq3A_1119, %broadcast_in_dim3A_20, %broadcast_in_dim3A_18 : vector<16xi1>, vector<16xi32>
    %broadcast_in_dim3A_1121 = arith.constant true
    %broadcast_in_dim3A_1122 = vector.broadcast %broadcast_in_dim3A_1121 : i1 to vector<16xi1>
    %masked_cumsum3A_1123 = tpu.scan <sum>, %select_n3A_1120 masked %broadcast_in_dim3A_1122 : vector<16xi32>, vector<16xi1> -> vector<16xi32>
    %sub3A_1124 = arith.subi %masked_cumsum3A_1123, %broadcast_in_dim3A_20 : vector<16xi32>
    %add3A_1125 = arith.addi %add3A_1028, %sub3A_1124 : vector<16xi32>
    %select_n3A_1126 = arith.select %eq3A_1119, %add3A_1125, %select_n3A_1114 : vector<16xi1>, vector<16xi32>
    %all_reduce_population_count3A_1127 = tpu.all_reduce %eq3A_1119 {dim = 0 : i64, kind = #tpu.reduction_kind<sum>} : vector<16xi1> -> vector<16xi32>
    %add3A_1128 = arith.addi %add3A_1028, %all_reduce_population_count3A_1127 : vector<16xi32>
    %broadcast_in_dim3A_1129 = arith.constant 7 : i32
    %broadcast_in_dim3A_1130 = vector.broadcast %broadcast_in_dim3A_1129 : i32 to vector<16xi32>
    %eq3A_1131 = arith.cmpi eq, %get3A_1044, %broadcast_in_dim3A_1130 : vector<16xi32>
    %select_n3A_1132 = arith.select %eq3A_1131, %broadcast_in_dim3A_20, %broadcast_in_dim3A_18 : vector<16xi1>, vector<16xi32>
    %broadcast_in_dim3A_1133 = arith.constant true
    %broadcast_in_dim3A_1134 = vector.broadcast %broadcast_in_dim3A_1133 : i1 to vector<16xi1>
    %masked_cumsum3A_1135 = tpu.scan <sum>, %select_n3A_1132 masked %broadcast_in_dim3A_1134 : vector<16xi32>, vector<16xi1> -> vector<16xi32>
    %sub3A_1136 = arith.subi %masked_cumsum3A_1135, %broadcast_in_dim3A_20 : vector<16xi32>
    %add3A_1137 = arith.addi %add3A_1040, %sub3A_1136 : vector<16xi32>
    %select_n3A_1138 = arith.select %eq3A_1131, %add3A_1137, %select_n3A_1126 : vector<16xi1>, vector<16xi32>
    %all_reduce_population_count3A_1139 = tpu.all_reduce %eq3A_1131 {dim = 0 : i64, kind = #tpu.reduction_kind<sum>} : vector<16xi1> -> vector<16xi32>
    %add3A_1140 = arith.addi %add3A_1040, %all_reduce_population_count3A_1139 : vector<16xi32>
    %swap3A_1141 = arith.constant 96 : index
    %swap3A_1142 = tpu.vector_load %arg13[%swap3A_1141] {strides = array<i32>} : memref<128xi32, #tpu.memory_space<vmem>>, vector<16xi32>,
    tpu.vector_store %arg13[%swap3A_1141], %select_n3A_1138 {strides = array<i32>} : memref<128xi32, #tpu.memory_space<vmem>>, vector<16xi32>,
    %get3A_1143 = arith.constant 112 : index
    %get3A_1144 = tpu.vector_load %arg11[%get3A_1143] {strides = array<i32>} : memref<128xi32, #tpu.memory_space<vmem>>, vector<16xi32>,
    %broadcast_in_dim3A_1145 = arith.constant 0 : i32
    %broadcast_in_dim3A_1146 = vector.broadcast %broadcast_in_dim3A_1145 : i32 to vector<16xi32>
    %eq3A_1147 = arith.cmpi eq, %get3A_1144, %broadcast_in_dim3A_1146 : vector<16xi32>
    %select_n3A_1148 = arith.select %eq3A_1147, %broadcast_in_dim3A_20, %broadcast_in_dim3A_18 : vector<16xi1>, vector<16xi32>
    %broadcast_in_dim3A_1149 = arith.constant true
    %broadcast_in_dim3A_1150 = vector.broadcast %broadcast_in_dim3A_1149 : i1 to vector<16xi1>
    %masked_cumsum3A_1151 = tpu.scan <sum>, %select_n3A_1148 masked %broadcast_in_dim3A_1150 : vector<16xi32>, vector<16xi1> -> vector<16xi32>
    %sub3A_1152 = arith.subi %masked_cumsum3A_1151, %broadcast_in_dim3A_20 : vector<16xi32>
    %add3A_1153 = arith.addi %add3A_1056, %sub3A_1152 : vector<16xi32>
    %select_n3A_1154 = arith.select %eq3A_1147, %add3A_1153, %broadcast_in_dim3A_18 : vector<16xi1>, vector<16xi32>
    %all_reduce_population_count3A_1155 = tpu.all_reduce %eq3A_1147 {dim = 0 : i64, kind = #tpu.reduction_kind<sum>} : vector<16xi1> -> vector<16xi32>
    %add3A_1156 = arith.addi %add3A_1056, %all_reduce_population_count3A_1155 : vector<16xi32>
    %broadcast_in_dim3A_1157 = arith.constant 1 : i32
    %broadcast_in_dim3A_1158 = vector.broadcast %broadcast_in_dim3A_1157 : i32 to vector<16xi32>
    %eq3A_1159 = arith.cmpi eq, %get3A_1144, %broadcast_in_dim3A_1158 : vector<16xi32>
    %select_n3A_1160 = arith.select %eq3A_1159, %broadcast_in_dim3A_20, %broadcast_in_dim3A_18 : vector<16xi1>, vector<16xi32>
    %broadcast_in_dim3A_1161 = arith.constant true
    %broadcast_in_dim3A_1162 = vector.broadcast %broadcast_in_dim3A_1161 : i1 to vector<16xi1>
    %masked_cumsum3A_1163 = tpu.scan <sum>, %select_n3A_1160 masked %broadcast_in_dim3A_1162 : vector<16xi32>, vector<16xi1> -> vector<16xi32>
    %sub3A_1164 = arith.subi %masked_cumsum3A_1163, %broadcast_in_dim3A_20 : vector<16xi32>
    %add3A_1165 = arith.addi %add3A_1068, %sub3A_1164 : vector<16xi32>
    %select_n3A_1166 = arith.select %eq3A_1159, %add3A_1165, %select_n3A_1154 : vector<16xi1>, vector<16xi32>
    %all_reduce_population_count3A_1167 = tpu.all_reduce %eq3A_1159 {dim = 0 : i64, kind = #tpu.reduction_kind<sum>} : vector<16xi1> -> vector<16xi32>
    %add3A_1168 = arith.addi %add3A_1068, %all_reduce_population_count3A_1167 : vector<16xi32>
    %broadcast_in_dim3A_1169 = arith.constant 2 : i32
    %broadcast_in_dim3A_1170 = vector.broadcast %broadcast_in_dim3A_1169 : i32 to vector<16xi32>
    %eq3A_1171 = arith.cmpi eq, %get3A_1144, %broadcast_in_dim3A_1170 : vector<16xi32>
    %select_n3A_1172 = arith.select %eq3A_1171, %broadcast_in_dim3A_20, %broadcast_in_dim3A_18 : vector<16xi1>, vector<16xi32>
    %broadcast_in_dim3A_1173 = arith.constant true
    %broadcast_in_dim3A_1174 = vector.broadcast %broadcast_in_dim3A_1173 : i1 to vector<16xi1>
    %masked_cumsum3A_1175 = tpu.scan <sum>, %select_n3A_1172 masked %broadcast_in_dim3A_1174 : vector<16xi32>, vector<16xi1> -> vector<16xi32>
    %sub3A_1176 = arith.subi %masked_cumsum3A_1175, %broadcast_in_dim3A_20 : vector<16xi32>
    %add3A_1177 = arith.addi %add3A_1080, %sub3A_1176 : vector<16xi32>
    %select_n3A_1178 = arith.select %eq3A_1171, %add3A_1177, %select_n3A_1166 : vector<16xi1>, vector<16xi32>
    %all_reduce_population_count3A_1179 = tpu.all_reduce %eq3A_1171 {dim = 0 : i64, kind = #tpu.reduction_kind<sum>} : vector<16xi1> -> vector<16xi32>
    %add3A_1180 = arith.addi %add3A_1080, %all_reduce_population_count3A_1179 : vector<16xi32>
    %broadcast_in_dim3A_1181 = arith.constant 3 : i32
    %broadcast_in_dim3A_1182 = vector.broadcast %broadcast_in_dim3A_1181 : i32 to vector<16xi32>
    %eq3A_1183 = arith.cmpi eq, %get3A_1144, %broadcast_in_dim3A_1182 : vector<16xi32>
    %select_n3A_1184 = arith.select %eq3A_1183, %broadcast_in_dim3A_20, %broadcast_in_dim3A_18 : vector<16xi1>, vector<16xi32>
    %broadcast_in_dim3A_1185 = arith.constant true
    %broadcast_in_dim3A_1186 = vector.broadcast %broadcast_in_dim3A_1185 : i1 to vector<16xi1>
    %masked_cumsum3A_1187 = tpu.scan <sum>, %select_n3A_1184 masked %broadcast_in_dim3A_1186 : vector<16xi32>, vector<16xi1> -> vector<16xi32>
    %sub3A_1188 = arith.subi %masked_cumsum3A_1187, %broadcast_in_dim3A_20 : vector<16xi32>
    %add3A_1189 = arith.addi %add3A_1092, %sub3A_1188 : vector<16xi32>
    %select_n3A_1190 = arith.select %eq3A_1183, %add3A_1189, %select_n3A_1178 : vector<16xi1>, vector<16xi32>
    %all_reduce_population_count3A_1191 = tpu.all_reduce %eq3A_1183 {dim = 0 : i64, kind = #tpu.reduction_kind<sum>} : vector<16xi1> -> vector<16xi32>
    %add3A_1192 = arith.addi %add3A_1092, %all_reduce_population_count3A_1191 : vector<16xi32>
    %broadcast_in_dim3A_1193 = arith.constant 4 : i32
    %broadcast_in_dim3A_1194 = vector.broadcast %broadcast_in_dim3A_1193 : i32 to vector<16xi32>
    %eq3A_1195 = arith.cmpi eq, %get3A_1144, %broadcast_in_dim3A_1194 : vector<16xi32>
    %select_n3A_1196 = arith.select %eq3A_1195, %broadcast_in_dim3A_20, %broadcast_in_dim3A_18 : vector<16xi1>, vector<16xi32>
    %broadcast_in_dim3A_1197 = arith.constant true
    %broadcast_in_dim3A_1198 = vector.broadcast %broadcast_in_dim3A_1197 : i1 to vector<16xi1>
    %masked_cumsum3A_1199 = tpu.scan <sum>, %select_n3A_1196 masked %broadcast_in_dim3A_1198 : vector<16xi32>, vector<16xi1> -> vector<16xi32>
    %sub3A_1200 = arith.subi %masked_cumsum3A_1199, %broadcast_in_dim3A_20 : vector<16xi32>
    %add3A_1201 = arith.addi %add3A_1104, %sub3A_1200 : vector<16xi32>
    %select_n3A_1202 = arith.select %eq3A_1195, %add3A_1201, %select_n3A_1190 : vector<16xi1>, vector<16xi32>
    %all_reduce_population_count3A_1203 = tpu.all_reduce %eq3A_1195 {dim = 0 : i64, kind = #tpu.reduction_kind<sum>} : vector<16xi1> -> vector<16xi32>
    %add3A_1204 = arith.addi %add3A_1104, %all_reduce_population_count3A_1203 : vector<16xi32>
    %broadcast_in_dim3A_1205 = arith.constant 5 : i32
    %broadcast_in_dim3A_1206 = vector.broadcast %broadcast_in_dim3A_1205 : i32 to vector<16xi32>
    %eq3A_1207 = arith.cmpi eq, %get3A_1144, %broadcast_in_dim3A_1206 : vector<16xi32>
    %select_n3A_1208 = arith.select %eq3A_1207, %broadcast_in_dim3A_20, %broadcast_in_dim3A_18 : vector<16xi1>, vector<16xi32>
    %broadcast_in_dim3A_1209 = arith.constant true
    %broadcast_in_dim3A_1210 = vector.broadcast %broadcast_in_dim3A_1209 : i1 to vector<16xi1>
    %masked_cumsum3A_1211 = tpu.scan <sum>, %select_n3A_1208 masked %broadcast_in_dim3A_1210 : vector<16xi32>, vector<16xi1> -> vector<16xi32>
    %sub3A_1212 = arith.subi %masked_cumsum3A_1211, %broadcast_in_dim3A_20 : vector<16xi32>
    %add3A_1213 = arith.addi %add3A_1116, %sub3A_1212 : vector<16xi32>
    %select_n3A_1214 = arith.select %eq3A_1207, %add3A_1213, %select_n3A_1202 : vector<16xi1>, vector<16xi32>
    %all_reduce_population_count3A_1215 = tpu.all_reduce %eq3A_1207 {dim = 0 : i64, kind = #tpu.reduction_kind<sum>} : vector<16xi1> -> vector<16xi32>
    %add3A_1216 = arith.addi %add3A_1116, %all_reduce_population_count3A_1215 : vector<16xi32>
    %broadcast_in_dim3A_1217 = arith.constant 6 : i32
    %broadcast_in_dim3A_1218 = vector.broadcast %broadcast_in_dim3A_1217 : i32 to vector<16xi32>
    %eq3A_1219 = arith.cmpi eq, %get3A_1144, %broadcast_in_dim3A_1218 : vector<16xi32>
    %select_n3A_1220 = arith.select %eq3A_1219, %broadcast_in_dim3A_20, %broadcast_in_dim3A_18 : vector<16xi1>, vector<16xi32>
    %broadcast_in_dim3A_1221 = arith.constant true
    %broadcast_in_dim3A_1222 = vector.broadcast %broadcast_in_dim3A_1221 : i1 to vector<16xi1>
    %masked_cumsum3A_1223 = tpu.scan <sum>, %select_n3A_1220 masked %broadcast_in_dim3A_1222 : vector<16xi32>, vector<16xi1> -> vector<16xi32>
    %sub3A_1224 = arith.subi %masked_cumsum3A_1223, %broadcast_in_dim3A_20 : vector<16xi32>
    %add3A_1225 = arith.addi %add3A_1128, %sub3A_1224 : vector<16xi32>
    %select_n3A_1226 = arith.select %eq3A_1219, %add3A_1225, %select_n3A_1214 : vector<16xi1>, vector<16xi32>
    %all_reduce_population_count3A_1227 = tpu.all_reduce %eq3A_1219 {dim = 0 : i64, kind = #tpu.reduction_kind<sum>} : vector<16xi1> -> vector<16xi32>
    %add3A_1228 = arith.addi %add3A_1128, %all_reduce_population_count3A_1227 : vector<16xi32>
    %broadcast_in_dim3A_1229 = arith.constant 7 : i32
    %broadcast_in_dim3A_1230 = vector.broadcast %broadcast_in_dim3A_1229 : i32 to vector<16xi32>
    %eq3A_1231 = arith.cmpi eq, %get3A_1144, %broadcast_in_dim3A_1230 : vector<16xi32>
    %select_n3A_1232 = arith.select %eq3A_1231, %broadcast_in_dim3A_20, %broadcast_in_dim3A_18 : vector<16xi1>, vector<16xi32>
    %broadcast_in_dim3A_1233 = arith.constant true
    %broadcast_in_dim3A_1234 = vector.broadcast %broadcast_in_dim3A_1233 : i1 to vector<16xi1>
    %masked_cumsum3A_1235 = tpu.scan <sum>, %select_n3A_1232 masked %broadcast_in_dim3A_1234 : vector<16xi32>, vector<16xi1> -> vector<16xi32>
    %sub3A_1236 = arith.subi %masked_cumsum3A_1235, %broadcast_in_dim3A_20 : vector<16xi32>
    %add3A_1237 = arith.addi %add3A_1140, %sub3A_1236 : vector<16xi32>
    %select_n3A_1238 = arith.select %eq3A_1231, %add3A_1237, %select_n3A_1226 : vector<16xi1>, vector<16xi32>
    %all_reduce_population_count3A_1239 = tpu.all_reduce %eq3A_1231 {dim = 0 : i64, kind = #tpu.reduction_kind<sum>} : vector<16xi1> -> vector<16xi32>
    %add3A_1240 = arith.addi %add3A_1140, %all_reduce_population_count3A_1239 : vector<16xi32>
    %swap3A_1241 = arith.constant 112 : index
    %swap3A_1242 = tpu.vector_load %arg13[%swap3A_1241] {strides = array<i32>} : memref<128xi32, #tpu.memory_space<vmem>>, vector<16xi32>,
    tpu.vector_store %arg13[%swap3A_1241], %select_n3A_1238 {strides = array<i32>} : memref<128xi32, #tpu.memory_space<vmem>>, vector<16xi32>,
    %dma_wait3A_1243 = arith.constant 0 : i32
    %dma_wait3A_1244 = tpu.memref_slice %arg5[%multiple_of3A, %dma_wait3A_1243] : memref<2048x768xf32, #tpu.memory_space<hbm>> -> memref<128x768xf32, #tpu.memory_space<hbm>>
    %dma_wait3A_1245 = arith.constant 0 : i32
    %dma_wait3A_1246 = tpu.memref_slice %arg5[%multiple_of3A, %dma_wait3A_1245] : memref<2048x768xf32, #tpu.memory_space<hbm>> -> memref<128x768xf32, #tpu.memory_space<hbm>>
    tpu.wait_dma2 semaphore(%arg16 : memref<!tpu.dma_semaphore, #tpu.memory_space<semaphore_mem>>) src(%dma_wait3A_1246 : memref<128x768xf32, #tpu.memory_space<hbm>>) dst(%arg14 : memref<128x768xf32, #tpu.memory_space<vmem>>)
    %dma_start3A_1247 = arith.constant 0 : i32
    %dma_start3A_1248 = arith.constant 0 : i32
    %dma_start3A_1249 = tpu.memref_slice %arg6[%dma_start3A_1247, %dma_start3A_1248] : memref<6144x768xf32, #tpu.memory_space<hbm>> -> memref<6144x768xf32, #tpu.memory_space<hbm>>
    tpu.enqueue_indirect_dma source(%arg14 : memref<128x768xf32, #tpu.memory_space<vmem>>) target(%dma_start3A_1249 : memref<6144x768xf32, #tpu.memory_space<hbm>>) offsets(%arg13 : memref<128xi32, #tpu.memory_space<vmem>>) semaphore(%arg16 : memref<!tpu.dma_semaphore, #tpu.memory_space<semaphore_mem>>)
    %dma_start3A_1250 = arith.constant 0 : i32
    %dma_start3A_1251 = tpu.memref_slice %arg7[%dma_start3A_1250] : memref<6144xf32, #tpu.memory_space<hbm>> -> memref<6144xf32, #tpu.memory_space<hbm>>
    tpu.enqueue_indirect_dma source(%arg12 : memref<128xf32, #tpu.memory_space<vmem>>) target(%dma_start3A_1251 : memref<6144xf32, #tpu.memory_space<hbm>>) offsets(%arg13 : memref<128xi32, #tpu.memory_space<vmem>>) semaphore(%arg17 : memref<!tpu.dma_semaphore, #tpu.memory_space<semaphore_mem>>)
    %mul3A_1252 = arith.constant 128 : i32
    %mul3A_1253 = arith.muli %add3A, %mul3A_1252 : i32
    %dma_start3A_1254 = tpu.memref_slice %arg8[%mul3A_1253] : memref<4096xi32, #tpu.memory_space<hbm>> -> memref<128xi32, #tpu.memory_space<hbm>>
    %dma_start3A_1255 = tpu.memref_slice %arg8[%mul3A_1253] : memref<4096xi32, #tpu.memory_space<hbm>> -> memref<128xi32, #tpu.memory_space<hbm>>
    tpu.enqueue_dma source(%arg13 : memref<128xi32, #tpu.memory_space<vmem>>) target(%dma_start3A_1255 : memref<128xi32, #tpu.memory_space<hbm>>) target_semaphore(%arg18 : memref<!tpu.dma_semaphore, #tpu.memory_space<semaphore_mem>>)
    %dma_wait3A_1256 = arith.constant 0 : i32
    %dma_wait3A_1257 = arith.constant 0 : i32
    %dma_wait3A_1258 = tpu.memref_slice %arg6[%dma_wait3A_1256, %dma_wait3A_1257] : memref<6144x768xf32, #tpu.memory_space<hbm>> -> memref<6144x768xf32, #tpu.memory_space<hbm>>
    tpu.wait_indirect_dma semaphore(%arg16 : memref<!tpu.dma_semaphore, #tpu.memory_space<semaphore_mem>>) src(%arg14 : memref<128x768xf32, #tpu.memory_space<vmem>>) dst(%dma_wait3A_1258 : memref<6144x768xf32, #tpu.memory_space<hbm>>)
    %dma_wait3A_1259 = arith.constant 0 : i32
    %dma_wait3A_1260 = tpu.memref_slice %arg7[%dma_wait3A_1259] : memref<6144xf32, #tpu.memory_space<hbm>> -> memref<6144xf32, #tpu.memory_space<hbm>>
    tpu.wait_indirect_dma semaphore(%arg17 : memref<!tpu.dma_semaphore, #tpu.memory_space<semaphore_mem>>) src(%arg12 : memref<128xf32, #tpu.memory_space<vmem>>) dst(%dma_wait3A_1260 : memref<6144xf32, #tpu.memory_space<hbm>>)
    %dma_wait3A_1261 = tpu.memref_slice %arg8[%mul3A_1253] : memref<4096xi32, #tpu.memory_space<hbm>> -> memref<128xi32, #tpu.memory_space<hbm>>
    %dma_wait3A_1262 = tpu.memref_slice %arg8[%mul3A_1253] : memref<4096xi32, #tpu.memory_space<hbm>> -> memref<128xi32, #tpu.memory_space<hbm>>
    tpu.wait_dma2 semaphore(%arg18 : memref<!tpu.dma_semaphore, #tpu.memory_space<semaphore_mem>>) src(%arg13 : memref<128xi32, #tpu.memory_space<vmem>>) dst(%dma_wait3A_1262 : memref<128xi32, #tpu.memory_space<hbm>>)
    %eq3A_1263 = arith.constant 0 : i32
    %eq3A_1264 = arith.cmpi eq, %add3A, %eq3A_1263 : i32
    %convert_element_type3A = arith.extui %eq3A_1264 : i1 to i32
    %cond3A = arith.constant 0 : i32
    %cond3A_1265 = arith.cmpi ne, %convert_element_type3A, %cond3A : i32
    scf.if %cond3A_1265 {
      %broadcast_in_dim3A_1266 = arith.constant 7 : i32
      %broadcast_in_dim3A_1267 = vector.broadcast %broadcast_in_dim3A_1266 : i32 to vector<16xi32>
      %eq3A_1268 = arith.cmpi eq, %iota3A, %broadcast_in_dim3A_1267 : vector<16xi32>
      %select_n3A_1269 = arith.select %eq3A_1268, %masked_cumsum3A, %broadcast_in_dim3A_18 : vector<16xi1>, vector<16xi32>
      %reduce_sum3A_1270 = arith.constant true
      %reduce_sum3A_1271 = vector.broadcast %reduce_sum3A_1270 : i1 to vector<16xi1>
      %reduce_sum3A_1272 = tpu.scan <sum>, %select_n3A_1269 masked %reduce_sum3A_1271 : vector<16xi32>, vector<16xi1> -> vector<16xi32>
      %reduce_sum3A_1273 = vector.extract %reduce_sum3A_1272[15] : i32 from vector<16xi32>
      %broadcast_in_dim3A_1274 = vector.broadcast %reduce_sum3A_1273 : i32 to vector<16xi32>
      %broadcast_in_dim3A_1275 = arith.constant 256 : i32
      %broadcast_in_dim3A_1276 = vector.broadcast %broadcast_in_dim3A_1275 : i32 to vector<16xi32>
      %div3A_1277 = arith.divsi %broadcast_in_dim3A_1274, %broadcast_in_dim3A_1276 : vector<16xi32>
      %sign3A_1278 = arith.constant 0 : i32
      %sign3A_1279 = vector.broadcast %sign3A_1278 : i32 to vector<16xi32>
      %sign3A_1280 = arith.cmpi sgt, %broadcast_in_dim3A_1274, %sign3A_1279 : vector<16xi32>
      %sign3A_1281 = arith.extui %sign3A_1280 : vector<16xi1> to vector<16xi32>
      %sign3A_1282 = arith.constant 0 : i32
      %sign3A_1283 = vector.broadcast %sign3A_1282 : i32 to vector<16xi32>
      %sign3A_1284 = arith.cmpi slt, %broadcast_in_dim3A_1274, %sign3A_1283 : vector<16xi32>
      %sign3A_1285 = arith.extui %sign3A_1284 : vector<16xi1> to vector<16xi32>
      %sign3A_1286 = arith.subi %sign3A_1281, %sign3A_1285 : vector<16xi32>
      %sign3A_1287 = arith.constant 0 : i32
      %sign3A_1288 = vector.broadcast %sign3A_1287 : i32 to vector<16xi32>
      %sign3A_1289 = arith.cmpi sgt, %broadcast_in_dim3A_1276, %sign3A_1288 : vector<16xi32>
      %sign3A_1290 = arith.extui %sign3A_1289 : vector<16xi1> to vector<16xi32>
      %sign3A_1291 = arith.constant 0 : i32
      %sign3A_1292 = vector.broadcast %sign3A_1291 : i32 to vector<16xi32>
      %sign3A_1293 = arith.cmpi slt, %broadcast_in_dim3A_1276, %sign3A_1292 : vector<16xi32>
      %sign3A_1294 = arith.extui %sign3A_1293 : vector<16xi1> to vector<16xi32>
      %sign3A_1295 = arith.subi %sign3A_1290, %sign3A_1294 : vector<16xi32>
      %ne3A_1296 = arith.cmpi ne, %sign3A_1286, %sign3A_1295 : vector<16xi32>
      %rem3A_1297 = arith.remsi %broadcast_in_dim3A_1274, %broadcast_in_dim3A_1276 : vector<16xi32>
      %ne3A_1298 = arith.constant 0 : i32
      %ne3A_1299 = vector.broadcast %ne3A_1298 : i32 to vector<16xi32>
      %ne3A_1300 = arith.cmpi ne, %rem3A_1297, %ne3A_1299 : vector<16xi32>
      %and3A_1301 = arith.andi %ne3A_1296, %ne3A_1300 : vector<16xi1>
      %sub3A_1302 = arith.constant 1 : i32
      %sub3A_1303 = vector.broadcast %sub3A_1302 : i32 to vector<16xi32>
      %sub3A_1304 = arith.subi %div3A_1277, %sub3A_1303 : vector<16xi32>
      %select_n3A_1305 = arith.select %and3A_1301, %sub3A_1304, %div3A_1277 : vector<16xi1>, vector<16xi32>
      %broadcast_in_dim3A_1306 = arith.constant 0 : i32
      %broadcast_in_dim3A_1307 = vector.broadcast %broadcast_in_dim3A_1306 : i32 to vector<16xi32>
      %add3A_1308 = arith.addi %broadcast_in_dim3A_1307, %iota3A : vector<16xi32>
      %broadcast_in_dim3A_1309 = arith.constant 256 : i32
      %broadcast_in_dim3A_1310 = vector.broadcast %broadcast_in_dim3A_1309 : i32 to vector<16xi32>
      %mul3A_1311 = arith.muli %add3A_1308, %broadcast_in_dim3A_1310 : vector<16xi32>
      %broadcast_in_dim3A_1312 = arith.constant 0 : i32
      %broadcast_in_dim3A_1313 = vector.broadcast %broadcast_in_dim3A_1312 : i32 to vector<16xi32>
      %eq3A_1314 = arith.cmpi eq, %iota3A, %broadcast_in_dim3A_1313 : vector<16xi32>
      %select_n3A_1315 = arith.select %eq3A_1314, %masked_cumsum3A, %broadcast_in_dim3A_18 : vector<16xi1>, vector<16xi32>
      %reduce_sum3A_1316 = arith.constant true
      %reduce_sum3A_1317 = vector.broadcast %reduce_sum3A_1316 : i1 to vector<16xi1>
      %reduce_sum3A_1318 = tpu.scan <sum>, %select_n3A_1315 masked %reduce_sum3A_1317 : vector<16xi32>, vector<16xi1> -> vector<16xi32>
      %reduce_sum3A_1319 = vector.extract %reduce_sum3A_1318[15] : i32 from vector<16xi32>
      %broadcast_in_dim3A_1320 = vector.broadcast %reduce_sum3A_1319 : i32 to vector<16xi32>
      %ge3A = arith.cmpi sge, %mul3A_1311, %broadcast_in_dim3A_1320 : vector<16xi32>
      %select_n3A_1321 = arith.select %ge3A, %broadcast_in_dim3A_20, %broadcast_in_dim3A_18 : vector<16xi1>, vector<16xi32>
      %add3A_1322 = arith.addi %broadcast_in_dim3A_18, %select_n3A_1321 : vector<16xi32>
      %broadcast_in_dim3A_1323 = arith.constant 1 : i32
      %broadcast_in_dim3A_1324 = vector.broadcast %broadcast_in_dim3A_1323 : i32 to vector<16xi32>
      %eq3A_1325 = arith.cmpi eq, %iota3A, %broadcast_in_dim3A_1324 : vector<16xi32>
      %select_n3A_1326 = arith.select %eq3A_1325, %masked_cumsum3A, %broadcast_in_dim3A_18 : vector<16xi1>, vector<16xi32>
      %reduce_sum3A_1327 = arith.constant true
      %reduce_sum3A_1328 = vector.broadcast %reduce_sum3A_1327 : i1 to vector<16xi1>
      %reduce_sum3A_1329 = tpu.scan <sum>, %select_n3A_1326 masked %reduce_sum3A_1328 : vector<16xi32>, vector<16xi1> -> vector<16xi32>
      %reduce_sum3A_1330 = vector.extract %reduce_sum3A_1329[15] : i32 from vector<16xi32>
      %broadcast_in_dim3A_1331 = vector.broadcast %reduce_sum3A_1330 : i32 to vector<16xi32>
      %ge3A_1332 = arith.cmpi sge, %mul3A_1311, %broadcast_in_dim3A_1331 : vector<16xi32>
      %select_n3A_1333 = arith.select %ge3A_1332, %broadcast_in_dim3A_20, %broadcast_in_dim3A_18 : vector<16xi1>, vector<16xi32>
      %add3A_1334 = arith.addi %add3A_1322, %select_n3A_1333 : vector<16xi32>
      %broadcast_in_dim3A_1335 = arith.constant 2 : i32
      %broadcast_in_dim3A_1336 = vector.broadcast %broadcast_in_dim3A_1335 : i32 to vector<16xi32>
      %eq3A_1337 = arith.cmpi eq, %iota3A, %broadcast_in_dim3A_1336 : vector<16xi32>
      %select_n3A_1338 = arith.select %eq3A_1337, %masked_cumsum3A, %broadcast_in_dim3A_18 : vector<16xi1>, vector<16xi32>
      %reduce_sum3A_1339 = arith.constant true
      %reduce_sum3A_1340 = vector.broadcast %reduce_sum3A_1339 : i1 to vector<16xi1>
      %reduce_sum3A_1341 = tpu.scan <sum>, %select_n3A_1338 masked %reduce_sum3A_1340 : vector<16xi32>, vector<16xi1> -> vector<16xi32>
      %reduce_sum3A_1342 = vector.extract %reduce_sum3A_1341[15] : i32 from vector<16xi32>
      %broadcast_in_dim3A_1343 = vector.broadcast %reduce_sum3A_1342 : i32 to vector<16xi32>
      %ge3A_1344 = arith.cmpi sge, %mul3A_1311, %broadcast_in_dim3A_1343 : vector<16xi32>
      %select_n3A_1345 = arith.select %ge3A_1344, %broadcast_in_dim3A_20, %broadcast_in_dim3A_18 : vector<16xi1>, vector<16xi32>
      %add3A_1346 = arith.addi %add3A_1334, %select_n3A_1345 : vector<16xi32>
      %broadcast_in_dim3A_1347 = arith.constant 3 : i32
      %broadcast_in_dim3A_1348 = vector.broadcast %broadcast_in_dim3A_1347 : i32 to vector<16xi32>
      %eq3A_1349 = arith.cmpi eq, %iota3A, %broadcast_in_dim3A_1348 : vector<16xi32>
      %select_n3A_1350 = arith.select %eq3A_1349, %masked_cumsum3A, %broadcast_in_dim3A_18 : vector<16xi1>, vector<16xi32>
      %reduce_sum3A_1351 = arith.constant true
      %reduce_sum3A_1352 = vector.broadcast %reduce_sum3A_1351 : i1 to vector<16xi1>
      %reduce_sum3A_1353 = tpu.scan <sum>, %select_n3A_1350 masked %reduce_sum3A_1352 : vector<16xi32>, vector<16xi1> -> vector<16xi32>
      %reduce_sum3A_1354 = vector.extract %reduce_sum3A_1353[15] : i32 from vector<16xi32>
      %broadcast_in_dim3A_1355 = vector.broadcast %reduce_sum3A_1354 : i32 to vector<16xi32>
      %ge3A_1356 = arith.cmpi sge, %mul3A_1311, %broadcast_in_dim3A_1355 : vector<16xi32>
      %select_n3A_1357 = arith.select %ge3A_1356, %broadcast_in_dim3A_20, %broadcast_in_dim3A_18 : vector<16xi1>, vector<16xi32>
      %add3A_1358 = arith.addi %add3A_1346, %select_n3A_1357 : vector<16xi32>
      %broadcast_in_dim3A_1359 = arith.constant 4 : i32
      %broadcast_in_dim3A_1360 = vector.broadcast %broadcast_in_dim3A_1359 : i32 to vector<16xi32>
      %eq3A_1361 = arith.cmpi eq, %iota3A, %broadcast_in_dim3A_1360 : vector<16xi32>
      %select_n3A_1362 = arith.select %eq3A_1361, %masked_cumsum3A, %broadcast_in_dim3A_18 : vector<16xi1>, vector<16xi32>
      %reduce_sum3A_1363 = arith.constant true
      %reduce_sum3A_1364 = vector.broadcast %reduce_sum3A_1363 : i1 to vector<16xi1>
      %reduce_sum3A_1365 = tpu.scan <sum>, %select_n3A_1362 masked %reduce_sum3A_1364 : vector<16xi32>, vector<16xi1> -> vector<16xi32>
      %reduce_sum3A_1366 = vector.extract %reduce_sum3A_1365[15] : i32 from vector<16xi32>
      %broadcast_in_dim3A_1367 = vector.broadcast %reduce_sum3A_1366 : i32 to vector<16xi32>
      %ge3A_1368 = arith.cmpi sge, %mul3A_1311, %broadcast_in_dim3A_1367 : vector<16xi32>
      %select_n3A_1369 = arith.select %ge3A_1368, %broadcast_in_dim3A_20, %broadcast_in_dim3A_18 : vector<16xi1>, vector<16xi32>
      %add3A_1370 = arith.addi %add3A_1358, %select_n3A_1369 : vector<16xi32>
      %broadcast_in_dim3A_1371 = arith.constant 5 : i32
      %broadcast_in_dim3A_1372 = vector.broadcast %broadcast_in_dim3A_1371 : i32 to vector<16xi32>
      %eq3A_1373 = arith.cmpi eq, %iota3A, %broadcast_in_dim3A_1372 : vector<16xi32>
      %select_n3A_1374 = arith.select %eq3A_1373, %masked_cumsum3A, %broadcast_in_dim3A_18 : vector<16xi1>, vector<16xi32>
      %reduce_sum3A_1375 = arith.constant true
      %reduce_sum3A_1376 = vector.broadcast %reduce_sum3A_1375 : i1 to vector<16xi1>
      %reduce_sum3A_1377 = tpu.scan <sum>, %select_n3A_1374 masked %reduce_sum3A_1376 : vector<16xi32>, vector<16xi1> -> vector<16xi32>
      %reduce_sum3A_1378 = vector.extract %reduce_sum3A_1377[15] : i32 from vector<16xi32>
      %broadcast_in_dim3A_1379 = vector.broadcast %reduce_sum3A_1378 : i32 to vector<16xi32>
      %ge3A_1380 = arith.cmpi sge, %mul3A_1311, %broadcast_in_dim3A_1379 : vector<16xi32>
      %select_n3A_1381 = arith.select %ge3A_1380, %broadcast_in_dim3A_20, %broadcast_in_dim3A_18 : vector<16xi1>, vector<16xi32>
      %add3A_1382 = arith.addi %add3A_1370, %select_n3A_1381 : vector<16xi32>
      %broadcast_in_dim3A_1383 = arith.constant 6 : i32
      %broadcast_in_dim3A_1384 = vector.broadcast %broadcast_in_dim3A_1383 : i32 to vector<16xi32>
      %eq3A_1385 = arith.cmpi eq, %iota3A, %broadcast_in_dim3A_1384 : vector<16xi32>
      %select_n3A_1386 = arith.select %eq3A_1385, %masked_cumsum3A, %broadcast_in_dim3A_18 : vector<16xi1>, vector<16xi32>
      %reduce_sum3A_1387 = arith.constant true
      %reduce_sum3A_1388 = vector.broadcast %reduce_sum3A_1387 : i1 to vector<16xi1>
      %reduce_sum3A_1389 = tpu.scan <sum>, %select_n3A_1386 masked %reduce_sum3A_1388 : vector<16xi32>, vector<16xi1> -> vector<16xi32>
      %reduce_sum3A_1390 = vector.extract %reduce_sum3A_1389[15] : i32 from vector<16xi32>
      %broadcast_in_dim3A_1391 = vector.broadcast %reduce_sum3A_1390 : i32 to vector<16xi32>
      %ge3A_1392 = arith.cmpi sge, %mul3A_1311, %broadcast_in_dim3A_1391 : vector<16xi32>
      %select_n3A_1393 = arith.select %ge3A_1392, %broadcast_in_dim3A_20, %broadcast_in_dim3A_18 : vector<16xi1>, vector<16xi32>
      %add3A_1394 = arith.addi %add3A_1382, %select_n3A_1393 : vector<16xi32>
      %swap3A_1395 = arith.constant 0 : index
      %swap3A_1396 = tpu.vector_load %arg15[%swap3A_1395] {strides = array<i32>} : memref<48xi32, #tpu.memory_space<vmem>>, vector<16xi32>,
      tpu.vector_store %arg15[%swap3A_1395], %add3A_1394 {strides = array<i32>} : memref<48xi32, #tpu.memory_space<vmem>>, vector<16xi32>,
      %broadcast_in_dim3A_1397 = arith.constant 16 : i32
      %broadcast_in_dim3A_1398 = vector.broadcast %broadcast_in_dim3A_1397 : i32 to vector<16xi32>
      %add3A_1399 = arith.addi %broadcast_in_dim3A_1398, %iota3A : vector<16xi32>
      %broadcast_in_dim3A_1400 = arith.constant 256 : i32
      %broadcast_in_dim3A_1401 = vector.broadcast %broadcast_in_dim3A_1400 : i32 to vector<16xi32>
      %mul3A_1402 = arith.muli %add3A_1399, %broadcast_in_dim3A_1401 : vector<16xi32>
      %broadcast_in_dim3A_1403 = arith.constant 0 : i32
      %broadcast_in_dim3A_1404 = vector.broadcast %broadcast_in_dim3A_1403 : i32 to vector<16xi32>
      %eq3A_1405 = arith.cmpi eq, %iota3A, %broadcast_in_dim3A_1404 : vector<16xi32>
      %select_n3A_1406 = arith.select %eq3A_1405, %masked_cumsum3A, %broadcast_in_dim3A_18 : vector<16xi1>, vector<16xi32>
      %reduce_sum3A_1407 = arith.constant true
      %reduce_sum3A_1408 = vector.broadcast %reduce_sum3A_1407 : i1 to vector<16xi1>
      %reduce_sum3A_1409 = tpu.scan <sum>, %select_n3A_1406 masked %reduce_sum3A_1408 : vector<16xi32>, vector<16xi1> -> vector<16xi32>
      %reduce_sum3A_1410 = vector.extract %reduce_sum3A_1409[15] : i32 from vector<16xi32>
      %broadcast_in_dim3A_1411 = vector.broadcast %reduce_sum3A_1410 : i32 to vector<16xi32>
      %ge3A_1412 = arith.cmpi sge, %mul3A_1402, %broadcast_in_dim3A_1411 : vector<16xi32>
      %select_n3A_1413 = arith.select %ge3A_1412, %broadcast_in_dim3A_20, %broadcast_in_dim3A_18 : vector<16xi1>, vector<16xi32>
      %add3A_1414 = arith.addi %broadcast_in_dim3A_18, %select_n3A_1413 : vector<16xi32>
      %broadcast_in_dim3A_1415 = arith.constant 1 : i32
      %broadcast_in_dim3A_1416 = vector.broadcast %broadcast_in_dim3A_1415 : i32 to vector<16xi32>
      %eq3A_1417 = arith.cmpi eq, %iota3A, %broadcast_in_dim3A_1416 : vector<16xi32>
      %select_n3A_1418 = arith.select %eq3A_1417, %masked_cumsum3A, %broadcast_in_dim3A_18 : vector<16xi1>, vector<16xi32>
      %reduce_sum3A_1419 = arith.constant true
      %reduce_sum3A_1420 = vector.broadcast %reduce_sum3A_1419 : i1 to vector<16xi1>
      %reduce_sum3A_1421 = tpu.scan <sum>, %select_n3A_1418 masked %reduce_sum3A_1420 : vector<16xi32>, vector<16xi1> -> vector<16xi32>
      %reduce_sum3A_1422 = vector.extract %reduce_sum3A_1421[15] : i32 from vector<16xi32>
      %broadcast_in_dim3A_1423 = vector.broadcast %reduce_sum3A_1422 : i32 to vector<16xi32>
      %ge3A_1424 = arith.cmpi sge, %mul3A_1402, %broadcast_in_dim3A_1423 : vector<16xi32>
      %select_n3A_1425 = arith.select %ge3A_1424, %broadcast_in_dim3A_20, %broadcast_in_dim3A_18 : vector<16xi1>, vector<16xi32>
      %add3A_1426 = arith.addi %add3A_1414, %select_n3A_1425 : vector<16xi32>
      %broadcast_in_dim3A_1427 = arith.constant 2 : i32
      %broadcast_in_dim3A_1428 = vector.broadcast %broadcast_in_dim3A_1427 : i32 to vector<16xi32>
      %eq3A_1429 = arith.cmpi eq, %iota3A, %broadcast_in_dim3A_1428 : vector<16xi32>
      %select_n3A_1430 = arith.select %eq3A_1429, %masked_cumsum3A, %broadcast_in_dim3A_18 : vector<16xi1>, vector<16xi32>
      %reduce_sum3A_1431 = arith.constant true
      %reduce_sum3A_1432 = vector.broadcast %reduce_sum3A_1431 : i1 to vector<16xi1>
      %reduce_sum3A_1433 = tpu.scan <sum>, %select_n3A_1430 masked %reduce_sum3A_1432 : vector<16xi32>, vector<16xi1> -> vector<16xi32>
      %reduce_sum3A_1434 = vector.extract %reduce_sum3A_1433[15] : i32 from vector<16xi32>
      %broadcast_in_dim3A_1435 = vector.broadcast %reduce_sum3A_1434 : i32 to vector<16xi32>
      %ge3A_1436 = arith.cmpi sge, %mul3A_1402, %broadcast_in_dim3A_1435 : vector<16xi32>
      %select_n3A_1437 = arith.select %ge3A_1436, %broadcast_in_dim3A_20, %broadcast_in_dim3A_18 : vector<16xi1>, vector<16xi32>
      %add3A_1438 = arith.addi %add3A_1426, %select_n3A_1437 : vector<16xi32>
      %broadcast_in_dim3A_1439 = arith.constant 3 : i32
      %broadcast_in_dim3A_1440 = vector.broadcast %broadcast_in_dim3A_1439 : i32 to vector<16xi32>
      %eq3A_1441 = arith.cmpi eq, %iota3A, %broadcast_in_dim3A_1440 : vector<16xi32>
      %select_n3A_1442 = arith.select %eq3A_1441, %masked_cumsum3A, %broadcast_in_dim3A_18 : vector<16xi1>, vector<16xi32>
      %reduce_sum3A_1443 = arith.constant true
      %reduce_sum3A_1444 = vector.broadcast %reduce_sum3A_1443 : i1 to vector<16xi1>
      %reduce_sum3A_1445 = tpu.scan <sum>, %select_n3A_1442 masked %reduce_sum3A_1444 : vector<16xi32>, vector<16xi1> -> vector<16xi32>
      %reduce_sum3A_1446 = vector.extract %reduce_sum3A_1445[15] : i32 from vector<16xi32>
      %broadcast_in_dim3A_1447 = vector.broadcast %reduce_sum3A_1446 : i32 to vector<16xi32>
      %ge3A_1448 = arith.cmpi sge, %mul3A_1402, %broadcast_in_dim3A_1447 : vector<16xi32>
      %select_n3A_1449 = arith.select %ge3A_1448, %broadcast_in_dim3A_20, %broadcast_in_dim3A_18 : vector<16xi1>, vector<16xi32>
      %add3A_1450 = arith.addi %add3A_1438, %select_n3A_1449 : vector<16xi32>
      %broadcast_in_dim3A_1451 = arith.constant 4 : i32
      %broadcast_in_dim3A_1452 = vector.broadcast %broadcast_in_dim3A_1451 : i32 to vector<16xi32>
      %eq3A_1453 = arith.cmpi eq, %iota3A, %broadcast_in_dim3A_1452 : vector<16xi32>
      %select_n3A_1454 = arith.select %eq3A_1453, %masked_cumsum3A, %broadcast_in_dim3A_18 : vector<16xi1>, vector<16xi32>
      %reduce_sum3A_1455 = arith.constant true
      %reduce_sum3A_1456 = vector.broadcast %reduce_sum3A_1455 : i1 to vector<16xi1>
      %reduce_sum3A_1457 = tpu.scan <sum>, %select_n3A_1454 masked %reduce_sum3A_1456 : vector<16xi32>, vector<16xi1> -> vector<16xi32>
      %reduce_sum3A_1458 = vector.extract %reduce_sum3A_1457[15] : i32 from vector<16xi32>
      %broadcast_in_dim3A_1459 = vector.broadcast %reduce_sum3A_1458 : i32 to vector<16xi32>
      %ge3A_1460 = arith.cmpi sge, %mul3A_1402, %broadcast_in_dim3A_1459 : vector<16xi32>
      %select_n3A_1461 = arith.select %ge3A_1460, %broadcast_in_dim3A_20, %broadcast_in_dim3A_18 : vector<16xi1>, vector<16xi32>
      %add3A_1462 = arith.addi %add3A_1450, %select_n3A_1461 : vector<16xi32>
      %broadcast_in_dim3A_1463 = arith.constant 5 : i32
      %broadcast_in_dim3A_1464 = vector.broadcast %broadcast_in_dim3A_1463 : i32 to vector<16xi32>
      %eq3A_1465 = arith.cmpi eq, %iota3A, %broadcast_in_dim3A_1464 : vector<16xi32>
      %select_n3A_1466 = arith.select %eq3A_1465, %masked_cumsum3A, %broadcast_in_dim3A_18 : vector<16xi1>, vector<16xi32>
      %reduce_sum3A_1467 = arith.constant true
      %reduce_sum3A_1468 = vector.broadcast %reduce_sum3A_1467 : i1 to vector<16xi1>
      %reduce_sum3A_1469 = tpu.scan <sum>, %select_n3A_1466 masked %reduce_sum3A_1468 : vector<16xi32>, vector<16xi1> -> vector<16xi32>
      %reduce_sum3A_1470 = vector.extract %reduce_sum3A_1469[15] : i32 from vector<16xi32>
      %broadcast_in_dim3A_1471 = vector.broadcast %reduce_sum3A_1470 : i32 to vector<16xi32>
      %ge3A_1472 = arith.cmpi sge, %mul3A_1402, %broadcast_in_dim3A_1471 : vector<16xi32>
      %select_n3A_1473 = arith.select %ge3A_1472, %broadcast_in_dim3A_20, %broadcast_in_dim3A_18 : vector<16xi1>, vector<16xi32>
      %add3A_1474 = arith.addi %add3A_1462, %select_n3A_1473 : vector<16xi32>
      %broadcast_in_dim3A_1475 = arith.constant 6 : i32
      %broadcast_in_dim3A_1476 = vector.broadcast %broadcast_in_dim3A_1475 : i32 to vector<16xi32>
      %eq3A_1477 = arith.cmpi eq, %iota3A, %broadcast_in_dim3A_1476 : vector<16xi32>
      %select_n3A_1478 = arith.select %eq3A_1477, %masked_cumsum3A, %broadcast_in_dim3A_18 : vector<16xi1>, vector<16xi32>
      %reduce_sum3A_1479 = arith.constant true
      %reduce_sum3A_1480 = vector.broadcast %reduce_sum3A_1479 : i1 to vector<16xi1>
      %reduce_sum3A_1481 = tpu.scan <sum>, %select_n3A_1478 masked %reduce_sum3A_1480 : vector<16xi32>, vector<16xi1> -> vector<16xi32>
      %reduce_sum3A_1482 = vector.extract %reduce_sum3A_1481[15] : i32 from vector<16xi32>
      %broadcast_in_dim3A_1483 = vector.broadcast %reduce_sum3A_1482 : i32 to vector<16xi32>
      %ge3A_1484 = arith.cmpi sge, %mul3A_1402, %broadcast_in_dim3A_1483 : vector<16xi32>
      %select_n3A_1485 = arith.select %ge3A_1484, %broadcast_in_dim3A_20, %broadcast_in_dim3A_18 : vector<16xi1>, vector<16xi32>
      %add3A_1486 = arith.addi %add3A_1474, %select_n3A_1485 : vector<16xi32>
      %swap3A_1487 = arith.constant 16 : index
      %swap3A_1488 = tpu.vector_load %arg15[%swap3A_1487] {strides = array<i32>} : memref<48xi32, #tpu.memory_space<vmem>>, vector<16xi32>,
      tpu.vector_store %arg15[%swap3A_1487], %add3A_1486 {strides = array<i32>} : memref<48xi32, #tpu.memory_space<vmem>>, vector<16xi32>,
      %broadcast_in_dim3A_1489 = arith.constant 32 : i32
      %broadcast_in_dim3A_1490 = vector.broadcast %broadcast_in_dim3A_1489 : i32 to vector<16xi32>
      %add3A_1491 = arith.addi %broadcast_in_dim3A_1490, %iota3A : vector<16xi32>
      %broadcast_in_dim3A_1492 = arith.constant 256 : i32
      %broadcast_in_dim3A_1493 = vector.broadcast %broadcast_in_dim3A_1492 : i32 to vector<16xi32>
      %mul3A_1494 = arith.muli %add3A_1491, %broadcast_in_dim3A_1493 : vector<16xi32>
      %broadcast_in_dim3A_1495 = arith.constant 0 : i32
      %broadcast_in_dim3A_1496 = vector.broadcast %broadcast_in_dim3A_1495 : i32 to vector<16xi32>
      %eq3A_1497 = arith.cmpi eq, %iota3A, %broadcast_in_dim3A_1496 : vector<16xi32>
      %select_n3A_1498 = arith.select %eq3A_1497, %masked_cumsum3A, %broadcast_in_dim3A_18 : vector<16xi1>, vector<16xi32>
      %reduce_sum3A_1499 = arith.constant true
      %reduce_sum3A_1500 = vector.broadcast %reduce_sum3A_1499 : i1 to vector<16xi1>
      %reduce_sum3A_1501 = tpu.scan <sum>, %select_n3A_1498 masked %reduce_sum3A_1500 : vector<16xi32>, vector<16xi1> -> vector<16xi32>
      %reduce_sum3A_1502 = vector.extract %reduce_sum3A_1501[15] : i32 from vector<16xi32>
      %broadcast_in_dim3A_1503 = vector.broadcast %reduce_sum3A_1502 : i32 to vector<16xi32>
      %ge3A_1504 = arith.cmpi sge, %mul3A_1494, %broadcast_in_dim3A_1503 : vector<16xi32>
      %select_n3A_1505 = arith.select %ge3A_1504, %broadcast_in_dim3A_20, %broadcast_in_dim3A_18 : vector<16xi1>, vector<16xi32>
      %add3A_1506 = arith.addi %broadcast_in_dim3A_18, %select_n3A_1505 : vector<16xi32>
      %broadcast_in_dim3A_1507 = arith.constant 1 : i32
      %broadcast_in_dim3A_1508 = vector.broadcast %broadcast_in_dim3A_1507 : i32 to vector<16xi32>
      %eq3A_1509 = arith.cmpi eq, %iota3A, %broadcast_in_dim3A_1508 : vector<16xi32>
      %select_n3A_1510 = arith.select %eq3A_1509, %masked_cumsum3A, %broadcast_in_dim3A_18 : vector<16xi1>, vector<16xi32>
      %reduce_sum3A_1511 = arith.constant true
      %reduce_sum3A_1512 = vector.broadcast %reduce_sum3A_1511 : i1 to vector<16xi1>
      %reduce_sum3A_1513 = tpu.scan <sum>, %select_n3A_1510 masked %reduce_sum3A_1512 : vector<16xi32>, vector<16xi1> -> vector<16xi32>
      %reduce_sum3A_1514 = vector.extract %reduce_sum3A_1513[15] : i32 from vector<16xi32>
      %broadcast_in_dim3A_1515 = vector.broadcast %reduce_sum3A_1514 : i32 to vector<16xi32>
      %ge3A_1516 = arith.cmpi sge, %mul3A_1494, %broadcast_in_dim3A_1515 : vector<16xi32>
      %select_n3A_1517 = arith.select %ge3A_1516, %broadcast_in_dim3A_20, %broadcast_in_dim3A_18 : vector<16xi1>, vector<16xi32>
      %add3A_1518 = arith.addi %add3A_1506, %select_n3A_1517 : vector<16xi32>
      %broadcast_in_dim3A_1519 = arith.constant 2 : i32
      %broadcast_in_dim3A_1520 = vector.broadcast %broadcast_in_dim3A_1519 : i32 to vector<16xi32>
      %eq3A_1521 = arith.cmpi eq, %iota3A, %broadcast_in_dim3A_1520 : vector<16xi32>
      %select_n3A_1522 = arith.select %eq3A_1521, %masked_cumsum3A, %broadcast_in_dim3A_18 : vector<16xi1>, vector<16xi32>
      %reduce_sum3A_1523 = arith.constant true
      %reduce_sum3A_1524 = vector.broadcast %reduce_sum3A_1523 : i1 to vector<16xi1>
      %reduce_sum3A_1525 = tpu.scan <sum>, %select_n3A_1522 masked %reduce_sum3A_1524 : vector<16xi32>, vector<16xi1> -> vector<16xi32>
      %reduce_sum3A_1526 = vector.extract %reduce_sum3A_1525[15] : i32 from vector<16xi32>
      %broadcast_in_dim3A_1527 = vector.broadcast %reduce_sum3A_1526 : i32 to vector<16xi32>
      %ge3A_1528 = arith.cmpi sge, %mul3A_1494, %broadcast_in_dim3A_1527 : vector<16xi32>
      %select_n3A_1529 = arith.select %ge3A_1528, %broadcast_in_dim3A_20, %broadcast_in_dim3A_18 : vector<16xi1>, vector<16xi32>
      %add3A_1530 = arith.addi %add3A_1518, %select_n3A_1529 : vector<16xi32>
      %broadcast_in_dim3A_1531 = arith.constant 3 : i32
      %broadcast_in_dim3A_1532 = vector.broadcast %broadcast_in_dim3A_1531 : i32 to vector<16xi32>
      %eq3A_1533 = arith.cmpi eq, %iota3A, %broadcast_in_dim3A_1532 : vector<16xi32>
      %select_n3A_1534 = arith.select %eq3A_1533, %masked_cumsum3A, %broadcast_in_dim3A_18 : vector<16xi1>, vector<16xi32>
      %reduce_sum3A_1535 = arith.constant true
      %reduce_sum3A_1536 = vector.broadcast %reduce_sum3A_1535 : i1 to vector<16xi1>
      %reduce_sum3A_1537 = tpu.scan <sum>, %select_n3A_1534 masked %reduce_sum3A_1536 : vector<16xi32>, vector<16xi1> -> vector<16xi32>
      %reduce_sum3A_1538 = vector.extract %reduce_sum3A_1537[15] : i32 from vector<16xi32>
      %broadcast_in_dim3A_1539 = vector.broadcast %reduce_sum3A_1538 : i32 to vector<16xi32>
      %ge3A_1540 = arith.cmpi sge, %mul3A_1494, %broadcast_in_dim3A_1539 : vector<16xi32>
      %select_n3A_1541 = arith.select %ge3A_1540, %broadcast_in_dim3A_20, %broadcast_in_dim3A_18 : vector<16xi1>, vector<16xi32>
      %add3A_1542 = arith.addi %add3A_1530, %select_n3A_1541 : vector<16xi32>
      %broadcast_in_dim3A_1543 = arith.constant 4 : i32
      %broadcast_in_dim3A_1544 = vector.broadcast %broadcast_in_dim3A_1543 : i32 to vector<16xi32>
      %eq3A_1545 = arith.cmpi eq, %iota3A, %broadcast_in_dim3A_1544 : vector<16xi32>
      %select_n3A_1546 = arith.select %eq3A_1545, %masked_cumsum3A, %broadcast_in_dim3A_18 : vector<16xi1>, vector<16xi32>
      %reduce_sum3A_1547 = arith.constant true
      %reduce_sum3A_1548 = vector.broadcast %reduce_sum3A_1547 : i1 to vector<16xi1>
      %reduce_sum3A_1549 = tpu.scan <sum>, %select_n3A_1546 masked %reduce_sum3A_1548 : vector<16xi32>, vector<16xi1> -> vector<16xi32>
      %reduce_sum3A_1550 = vector.extract %reduce_sum3A_1549[15] : i32 from vector<16xi32>
      %broadcast_in_dim3A_1551 = vector.broadcast %reduce_sum3A_1550 : i32 to vector<16xi32>
      %ge3A_1552 = arith.cmpi sge, %mul3A_1494, %broadcast_in_dim3A_1551 : vector<16xi32>
      %select_n3A_1553 = arith.select %ge3A_1552, %broadcast_in_dim3A_20, %broadcast_in_dim3A_18 : vector<16xi1>, vector<16xi32>
      %add3A_1554 = arith.addi %add3A_1542, %select_n3A_1553 : vector<16xi32>
      %broadcast_in_dim3A_1555 = arith.constant 5 : i32
      %broadcast_in_dim3A_1556 = vector.broadcast %broadcast_in_dim3A_1555 : i32 to vector<16xi32>
      %eq3A_1557 = arith.cmpi eq, %iota3A, %broadcast_in_dim3A_1556 : vector<16xi32>
      %select_n3A_1558 = arith.select %eq3A_1557, %masked_cumsum3A, %broadcast_in_dim3A_18 : vector<16xi1>, vector<16xi32>
      %reduce_sum3A_1559 = arith.constant true
      %reduce_sum3A_1560 = vector.broadcast %reduce_sum3A_1559 : i1 to vector<16xi1>
      %reduce_sum3A_1561 = tpu.scan <sum>, %select_n3A_1558 masked %reduce_sum3A_1560 : vector<16xi32>, vector<16xi1> -> vector<16xi32>
      %reduce_sum3A_1562 = vector.extract %reduce_sum3A_1561[15] : i32 from vector<16xi32>
      %broadcast_in_dim3A_1563 = vector.broadcast %reduce_sum3A_1562 : i32 to vector<16xi32>
      %ge3A_1564 = arith.cmpi sge, %mul3A_1494, %broadcast_in_dim3A_1563 : vector<16xi32>
      %select_n3A_1565 = arith.select %ge3A_1564, %broadcast_in_dim3A_20, %broadcast_in_dim3A_18 : vector<16xi1>, vector<16xi32>
      %add3A_1566 = arith.addi %add3A_1554, %select_n3A_1565 : vector<16xi32>
      %broadcast_in_dim3A_1567 = arith.constant 6 : i32
      %broadcast_in_dim3A_1568 = vector.broadcast %broadcast_in_dim3A_1567 : i32 to vector<16xi32>
      %eq3A_1569 = arith.cmpi eq, %iota3A, %broadcast_in_dim3A_1568 : vector<16xi32>
      %select_n3A_1570 = arith.select %eq3A_1569, %masked_cumsum3A, %broadcast_in_dim3A_18 : vector<16xi1>, vector<16xi32>
      %reduce_sum3A_1571 = arith.constant true
      %reduce_sum3A_1572 = vector.broadcast %reduce_sum3A_1571 : i1 to vector<16xi1>
      %reduce_sum3A_1573 = tpu.scan <sum>, %select_n3A_1570 masked %reduce_sum3A_1572 : vector<16xi32>, vector<16xi1> -> vector<16xi32>
      %reduce_sum3A_1574 = vector.extract %reduce_sum3A_1573[15] : i32 from vector<16xi32>
      %broadcast_in_dim3A_1575 = vector.broadcast %reduce_sum3A_1574 : i32 to vector<16xi32>
      %ge3A_1576 = arith.cmpi sge, %mul3A_1494, %broadcast_in_dim3A_1575 : vector<16xi32>
      %select_n3A_1577 = arith.select %ge3A_1576, %broadcast_in_dim3A_20, %broadcast_in_dim3A_18 : vector<16xi1>, vector<16xi32>
      %add3A_1578 = arith.addi %add3A_1566, %select_n3A_1577 : vector<16xi32>
      %broadcast_in_dim3A_1579 = arith.constant 15 : i32
      %broadcast_in_dim3A_1580 = vector.broadcast %broadcast_in_dim3A_1579 : i32 to vector<16xi32>
      %eq3A_1581 = arith.cmpi eq, %iota3A, %broadcast_in_dim3A_1580 : vector<16xi32>
      %select_n3A_1582 = arith.select %eq3A_1581, %select_n3A_1305, %add3A_1578 : vector<16xi1>, vector<16xi32>
      %swap3A_1583 = arith.constant 32 : index
      %swap3A_1584 = tpu.vector_load %arg15[%swap3A_1583] {strides = array<i32>} : memref<48xi32, #tpu.memory_space<vmem>>, vector<16xi32>,
      tpu.vector_store %arg15[%swap3A_1583], %select_n3A_1582 {strides = array<i32>} : memref<48xi32, #tpu.memory_space<vmem>>, vector<16xi32>,
      "tpu.region"() ({
        %run_scoped3A = tpu.sem_alloc : memref<!tpu.dma_semaphore, #tpu.memory_space<semaphore_mem>>
        tpu.enqueue_dma source(%arg15 : memref<48xi32, #tpu.memory_space<vmem>>) target(%arg9 : memref<48xi32, #tpu.memory_space<hbm>>) target_semaphore(%run_scoped3A : memref<!tpu.dma_semaphore, #tpu.memory_space<semaphore_mem>>)
        tpu.wait_dma2 semaphore(%run_scoped3A : memref<!tpu.dma_semaphore, #tpu.memory_space<semaphore_mem>>) src(%arg15 : memref<48xi32, #tpu.memory_space<vmem>>) dst(%arg9 : memref<48xi32, #tpu.memory_space<hbm>>)
        tpu.yield
      }) : () -> ()
    } else {
    }
    return
  }
}

#map = affine_map<(d0, d1) -> (0)>
#map1 = affine_map<(d0, d1) -> (0, 0)>
module attributes {stable_mosaic.version = 14 : i64} {
  func.func @_hist_kernel(%arg0: i32, %arg1: i32, %arg2: memref<4096xi32, #tpu.memory_space<hbm>>, %arg3: memref<32x16xi32, #tpu.memory_space<hbm>>, %arg4: memref<128xi32, #tpu.memory_space<vmem>>, %arg5: memref<16xi32, #tpu.memory_space<vmem>>) attributes {dimension_semantics = [#tpu.dimension_semantics<core_parallel>, #tpu.dimension_semantics<subcore_parallel>], iteration_bounds = array<i64: 2, 16>, scalar_prefetch = 0 : i64, scratch_operands = 2 : i64, tpu.core_type = #tpu.core_type<sc_vector_subcore>, window_params = [{transform_indices = #map}, {transform_indices = #map1}]} {
    %mul3A = arith.constant 2 : i32
    %mul3A_0 = arith.muli %arg1, %mul3A : i32
    %add3A = arith.addi %mul3A_0, %arg0 : i32
    %mul3A_1 = arith.constant 128 : i32
    %mul3A_2 = arith.muli %add3A, %mul3A_1 : i32
    "tpu.region"() ({
      %run_scoped3A = tpu.sem_alloc : memref<!tpu.dma_semaphore, #tpu.memory_space<semaphore_mem>>
      %dma_start3A = tpu.memref_slice %arg2[%mul3A_2] : memref<4096xi32, #tpu.memory_space<hbm>> -> memref<128xi32, #tpu.memory_space<hbm>>
      %dma_start3A_371 = tpu.memref_slice %arg2[%mul3A_2] : memref<4096xi32, #tpu.memory_space<hbm>> -> memref<128xi32, #tpu.memory_space<hbm>>
      tpu.enqueue_dma source(%dma_start3A_371 : memref<128xi32, #tpu.memory_space<hbm>>) target(%arg4 : memref<128xi32, #tpu.memory_space<vmem>>) target_semaphore(%run_scoped3A : memref<!tpu.dma_semaphore, #tpu.memory_space<semaphore_mem>>)
      %dma_wait3A = tpu.memref_slice %arg2[%mul3A_2] : memref<4096xi32, #tpu.memory_space<hbm>> -> memref<128xi32, #tpu.memory_space<hbm>>
      %dma_wait3A_372 = tpu.memref_slice %arg2[%mul3A_2] : memref<4096xi32, #tpu.memory_space<hbm>> -> memref<128xi32, #tpu.memory_space<hbm>>
      tpu.wait_dma2 semaphore(%run_scoped3A : memref<!tpu.dma_semaphore, #tpu.memory_space<semaphore_mem>>) src(%dma_wait3A_372 : memref<128xi32, #tpu.memory_space<hbm>>) dst(%arg4 : memref<128xi32, #tpu.memory_space<vmem>>)
      tpu.yield
    }) : () -> ()
    %iota3A = tpu.iota {dimensions = array<i32: 0>} : vector<16xi32>
    %broadcast_in_dim3A = arith.constant 0 : i32
    %broadcast_in_dim3A_3 = vector.broadcast %broadcast_in_dim3A : i32 to vector<16xi32>
    %broadcast_in_dim3A_4 = arith.constant 1 : i32
    %broadcast_in_dim3A_5 = vector.broadcast %broadcast_in_dim3A_4 : i32 to vector<16xi32>
    %get3A = arith.constant 0 : index
    %get3A_6 = tpu.vector_load %arg4[%get3A] {strides = array<i32>} : memref<128xi32, #tpu.memory_space<vmem>>, vector<16xi32>,
    %broadcast_in_dim3A_7 = arith.constant 0 : i32
    %broadcast_in_dim3A_8 = vector.broadcast %broadcast_in_dim3A_7 : i32 to vector<16xi32>
    %eq3A = arith.cmpi eq, %get3A_6, %broadcast_in_dim3A_8 : vector<16xi32>
    %all_reduce_population_count3A = tpu.all_reduce %eq3A {dim = 0 : i64, kind = #tpu.reduction_kind<sum>} : vector<16xi1> -> vector<16xi32>
    %add3A_9 = arith.addi %broadcast_in_dim3A_3, %all_reduce_population_count3A : vector<16xi32>
    %broadcast_in_dim3A_10 = arith.constant 1 : i32
    %broadcast_in_dim3A_11 = vector.broadcast %broadcast_in_dim3A_10 : i32 to vector<16xi32>
    %eq3A_12 = arith.cmpi eq, %get3A_6, %broadcast_in_dim3A_11 : vector<16xi32>
    %all_reduce_population_count3A_13 = tpu.all_reduce %eq3A_12 {dim = 0 : i64, kind = #tpu.reduction_kind<sum>} : vector<16xi1> -> vector<16xi32>
    %add3A_14 = arith.addi %broadcast_in_dim3A_3, %all_reduce_population_count3A_13 : vector<16xi32>
    %broadcast_in_dim3A_15 = arith.constant 2 : i32
    %broadcast_in_dim3A_16 = vector.broadcast %broadcast_in_dim3A_15 : i32 to vector<16xi32>
    %eq3A_17 = arith.cmpi eq, %get3A_6, %broadcast_in_dim3A_16 : vector<16xi32>
    %all_reduce_population_count3A_18 = tpu.all_reduce %eq3A_17 {dim = 0 : i64, kind = #tpu.reduction_kind<sum>} : vector<16xi1> -> vector<16xi32>
    %add3A_19 = arith.addi %broadcast_in_dim3A_3, %all_reduce_population_count3A_18 : vector<16xi32>
    %broadcast_in_dim3A_20 = arith.constant 3 : i32
    %broadcast_in_dim3A_21 = vector.broadcast %broadcast_in_dim3A_20 : i32 to vector<16xi32>
    %eq3A_22 = arith.cmpi eq, %get3A_6, %broadcast_in_dim3A_21 : vector<16xi32>
    %all_reduce_population_count3A_23 = tpu.all_reduce %eq3A_22 {dim = 0 : i64, kind = #tpu.reduction_kind<sum>} : vector<16xi1> -> vector<16xi32>
    %add3A_24 = arith.addi %broadcast_in_dim3A_3, %all_reduce_population_count3A_23 : vector<16xi32>
    %broadcast_in_dim3A_25 = arith.constant 4 : i32
    %broadcast_in_dim3A_26 = vector.broadcast %broadcast_in_dim3A_25 : i32 to vector<16xi32>
    %eq3A_27 = arith.cmpi eq, %get3A_6, %broadcast_in_dim3A_26 : vector<16xi32>
    %all_reduce_population_count3A_28 = tpu.all_reduce %eq3A_27 {dim = 0 : i64, kind = #tpu.reduction_kind<sum>} : vector<16xi1> -> vector<16xi32>
    %add3A_29 = arith.addi %broadcast_in_dim3A_3, %all_reduce_population_count3A_28 : vector<16xi32>
    %broadcast_in_dim3A_30 = arith.constant 5 : i32
    %broadcast_in_dim3A_31 = vector.broadcast %broadcast_in_dim3A_30 : i32 to vector<16xi32>
    %eq3A_32 = arith.cmpi eq, %get3A_6, %broadcast_in_dim3A_31 : vector<16xi32>
    %all_reduce_population_count3A_33 = tpu.all_reduce %eq3A_32 {dim = 0 : i64, kind = #tpu.reduction_kind<sum>} : vector<16xi1> -> vector<16xi32>
    %add3A_34 = arith.addi %broadcast_in_dim3A_3, %all_reduce_population_count3A_33 : vector<16xi32>
    %broadcast_in_dim3A_35 = arith.constant 6 : i32
    %broadcast_in_dim3A_36 = vector.broadcast %broadcast_in_dim3A_35 : i32 to vector<16xi32>
    %eq3A_37 = arith.cmpi eq, %get3A_6, %broadcast_in_dim3A_36 : vector<16xi32>
    %all_reduce_population_count3A_38 = tpu.all_reduce %eq3A_37 {dim = 0 : i64, kind = #tpu.reduction_kind<sum>} : vector<16xi1> -> vector<16xi32>
    %add3A_39 = arith.addi %broadcast_in_dim3A_3, %all_reduce_population_count3A_38 : vector<16xi32>
    %broadcast_in_dim3A_40 = arith.constant 7 : i32
    %broadcast_in_dim3A_41 = vector.broadcast %broadcast_in_dim3A_40 : i32 to vector<16xi32>
    %eq3A_42 = arith.cmpi eq, %get3A_6, %broadcast_in_dim3A_41 : vector<16xi32>
    %all_reduce_population_count3A_43 = tpu.all_reduce %eq3A_42 {dim = 0 : i64, kind = #tpu.reduction_kind<sum>} : vector<16xi1> -> vector<16xi32>
    %add3A_44 = arith.addi %broadcast_in_dim3A_3, %all_reduce_population_count3A_43 : vector<16xi32>
    %get3A_45 = arith.constant 16 : index
    %get3A_46 = tpu.vector_load %arg4[%get3A_45] {strides = array<i32>} : memref<128xi32, #tpu.memory_space<vmem>>, vector<16xi32>,
    %broadcast_in_dim3A_47 = arith.constant 0 : i32
    %broadcast_in_dim3A_48 = vector.broadcast %broadcast_in_dim3A_47 : i32 to vector<16xi32>
    %eq3A_49 = arith.cmpi eq, %get3A_46, %broadcast_in_dim3A_48 : vector<16xi32>
    %all_reduce_population_count3A_50 = tpu.all_reduce %eq3A_49 {dim = 0 : i64, kind = #tpu.reduction_kind<sum>} : vector<16xi1> -> vector<16xi32>
    %add3A_51 = arith.addi %add3A_9, %all_reduce_population_count3A_50 : vector<16xi32>
    %broadcast_in_dim3A_52 = arith.constant 1 : i32
    %broadcast_in_dim3A_53 = vector.broadcast %broadcast_in_dim3A_52 : i32 to vector<16xi32>
    %eq3A_54 = arith.cmpi eq, %get3A_46, %broadcast_in_dim3A_53 : vector<16xi32>
    %all_reduce_population_count3A_55 = tpu.all_reduce %eq3A_54 {dim = 0 : i64, kind = #tpu.reduction_kind<sum>} : vector<16xi1> -> vector<16xi32>
    %add3A_56 = arith.addi %add3A_14, %all_reduce_population_count3A_55 : vector<16xi32>
    %broadcast_in_dim3A_57 = arith.constant 2 : i32
    %broadcast_in_dim3A_58 = vector.broadcast %broadcast_in_dim3A_57 : i32 to vector<16xi32>
    %eq3A_59 = arith.cmpi eq, %get3A_46, %broadcast_in_dim3A_58 : vector<16xi32>
    %all_reduce_population_count3A_60 = tpu.all_reduce %eq3A_59 {dim = 0 : i64, kind = #tpu.reduction_kind<sum>} : vector<16xi1> -> vector<16xi32>
    %add3A_61 = arith.addi %add3A_19, %all_reduce_population_count3A_60 : vector<16xi32>
    %broadcast_in_dim3A_62 = arith.constant 3 : i32
    %broadcast_in_dim3A_63 = vector.broadcast %broadcast_in_dim3A_62 : i32 to vector<16xi32>
    %eq3A_64 = arith.cmpi eq, %get3A_46, %broadcast_in_dim3A_63 : vector<16xi32>
    %all_reduce_population_count3A_65 = tpu.all_reduce %eq3A_64 {dim = 0 : i64, kind = #tpu.reduction_kind<sum>} : vector<16xi1> -> vector<16xi32>
    %add3A_66 = arith.addi %add3A_24, %all_reduce_population_count3A_65 : vector<16xi32>
    %broadcast_in_dim3A_67 = arith.constant 4 : i32
    %broadcast_in_dim3A_68 = vector.broadcast %broadcast_in_dim3A_67 : i32 to vector<16xi32>
    %eq3A_69 = arith.cmpi eq, %get3A_46, %broadcast_in_dim3A_68 : vector<16xi32>
    %all_reduce_population_count3A_70 = tpu.all_reduce %eq3A_69 {dim = 0 : i64, kind = #tpu.reduction_kind<sum>} : vector<16xi1> -> vector<16xi32>
    %add3A_71 = arith.addi %add3A_29, %all_reduce_population_count3A_70 : vector<16xi32>
    %broadcast_in_dim3A_72 = arith.constant 5 : i32
    %broadcast_in_dim3A_73 = vector.broadcast %broadcast_in_dim3A_72 : i32 to vector<16xi32>
    %eq3A_74 = arith.cmpi eq, %get3A_46, %broadcast_in_dim3A_73 : vector<16xi32>
    %all_reduce_population_count3A_75 = tpu.all_reduce %eq3A_74 {dim = 0 : i64, kind = #tpu.reduction_kind<sum>} : vector<16xi1> -> vector<16xi32>
    %add3A_76 = arith.addi %add3A_34, %all_reduce_population_count3A_75 : vector<16xi32>
    %broadcast_in_dim3A_77 = arith.constant 6 : i32
    %broadcast_in_dim3A_78 = vector.broadcast %broadcast_in_dim3A_77 : i32 to vector<16xi32>
    %eq3A_79 = arith.cmpi eq, %get3A_46, %broadcast_in_dim3A_78 : vector<16xi32>
    %all_reduce_population_count3A_80 = tpu.all_reduce %eq3A_79 {dim = 0 : i64, kind = #tpu.reduction_kind<sum>} : vector<16xi1> -> vector<16xi32>
    %add3A_81 = arith.addi %add3A_39, %all_reduce_population_count3A_80 : vector<16xi32>
    %broadcast_in_dim3A_82 = arith.constant 7 : i32
    %broadcast_in_dim3A_83 = vector.broadcast %broadcast_in_dim3A_82 : i32 to vector<16xi32>
    %eq3A_84 = arith.cmpi eq, %get3A_46, %broadcast_in_dim3A_83 : vector<16xi32>
    %all_reduce_population_count3A_85 = tpu.all_reduce %eq3A_84 {dim = 0 : i64, kind = #tpu.reduction_kind<sum>} : vector<16xi1> -> vector<16xi32>
    %add3A_86 = arith.addi %add3A_44, %all_reduce_population_count3A_85 : vector<16xi32>
    %get3A_87 = arith.constant 32 : index
    %get3A_88 = tpu.vector_load %arg4[%get3A_87] {strides = array<i32>} : memref<128xi32, #tpu.memory_space<vmem>>, vector<16xi32>,
    %broadcast_in_dim3A_89 = arith.constant 0 : i32
    %broadcast_in_dim3A_90 = vector.broadcast %broadcast_in_dim3A_89 : i32 to vector<16xi32>
    %eq3A_91 = arith.cmpi eq, %get3A_88, %broadcast_in_dim3A_90 : vector<16xi32>
    %all_reduce_population_count3A_92 = tpu.all_reduce %eq3A_91 {dim = 0 : i64, kind = #tpu.reduction_kind<sum>} : vector<16xi1> -> vector<16xi32>
    %add3A_93 = arith.addi %add3A_51, %all_reduce_population_count3A_92 : vector<16xi32>
    %broadcast_in_dim3A_94 = arith.constant 1 : i32
    %broadcast_in_dim3A_95 = vector.broadcast %broadcast_in_dim3A_94 : i32 to vector<16xi32>
    %eq3A_96 = arith.cmpi eq, %get3A_88, %broadcast_in_dim3A_95 : vector<16xi32>
    %all_reduce_population_count3A_97 = tpu.all_reduce %eq3A_96 {dim = 0 : i64, kind = #tpu.reduction_kind<sum>} : vector<16xi1> -> vector<16xi32>
    %add3A_98 = arith.addi %add3A_56, %all_reduce_population_count3A_97 : vector<16xi32>
    %broadcast_in_dim3A_99 = arith.constant 2 : i32
    %broadcast_in_dim3A_100 = vector.broadcast %broadcast_in_dim3A_99 : i32 to vector<16xi32>
    %eq3A_101 = arith.cmpi eq, %get3A_88, %broadcast_in_dim3A_100 : vector<16xi32>
    %all_reduce_population_count3A_102 = tpu.all_reduce %eq3A_101 {dim = 0 : i64, kind = #tpu.reduction_kind<sum>} : vector<16xi1> -> vector<16xi32>
    %add3A_103 = arith.addi %add3A_61, %all_reduce_population_count3A_102 : vector<16xi32>
    %broadcast_in_dim3A_104 = arith.constant 3 : i32
    %broadcast_in_dim3A_105 = vector.broadcast %broadcast_in_dim3A_104 : i32 to vector<16xi32>
    %eq3A_106 = arith.cmpi eq, %get3A_88, %broadcast_in_dim3A_105 : vector<16xi32>
    %all_reduce_population_count3A_107 = tpu.all_reduce %eq3A_106 {dim = 0 : i64, kind = #tpu.reduction_kind<sum>} : vector<16xi1> -> vector<16xi32>
    %add3A_108 = arith.addi %add3A_66, %all_reduce_population_count3A_107 : vector<16xi32>
    %broadcast_in_dim3A_109 = arith.constant 4 : i32
    %broadcast_in_dim3A_110 = vector.broadcast %broadcast_in_dim3A_109 : i32 to vector<16xi32>
    %eq3A_111 = arith.cmpi eq, %get3A_88, %broadcast_in_dim3A_110 : vector<16xi32>
    %all_reduce_population_count3A_112 = tpu.all_reduce %eq3A_111 {dim = 0 : i64, kind = #tpu.reduction_kind<sum>} : vector<16xi1> -> vector<16xi32>
    %add3A_113 = arith.addi %add3A_71, %all_reduce_population_count3A_112 : vector<16xi32>
    %broadcast_in_dim3A_114 = arith.constant 5 : i32
    %broadcast_in_dim3A_115 = vector.broadcast %broadcast_in_dim3A_114 : i32 to vector<16xi32>
    %eq3A_116 = arith.cmpi eq, %get3A_88, %broadcast_in_dim3A_115 : vector<16xi32>
    %all_reduce_population_count3A_117 = tpu.all_reduce %eq3A_116 {dim = 0 : i64, kind = #tpu.reduction_kind<sum>} : vector<16xi1> -> vector<16xi32>
    %add3A_118 = arith.addi %add3A_76, %all_reduce_population_count3A_117 : vector<16xi32>
    %broadcast_in_dim3A_119 = arith.constant 6 : i32
    %broadcast_in_dim3A_120 = vector.broadcast %broadcast_in_dim3A_119 : i32 to vector<16xi32>
    %eq3A_121 = arith.cmpi eq, %get3A_88, %broadcast_in_dim3A_120 : vector<16xi32>
    %all_reduce_population_count3A_122 = tpu.all_reduce %eq3A_121 {dim = 0 : i64, kind = #tpu.reduction_kind<sum>} : vector<16xi1> -> vector<16xi32>
    %add3A_123 = arith.addi %add3A_81, %all_reduce_population_count3A_122 : vector<16xi32>
    %broadcast_in_dim3A_124 = arith.constant 7 : i32
    %broadcast_in_dim3A_125 = vector.broadcast %broadcast_in_dim3A_124 : i32 to vector<16xi32>
    %eq3A_126 = arith.cmpi eq, %get3A_88, %broadcast_in_dim3A_125 : vector<16xi32>
    %all_reduce_population_count3A_127 = tpu.all_reduce %eq3A_126 {dim = 0 : i64, kind = #tpu.reduction_kind<sum>} : vector<16xi1> -> vector<16xi32>
    %add3A_128 = arith.addi %add3A_86, %all_reduce_population_count3A_127 : vector<16xi32>
    %get3A_129 = arith.constant 48 : index
    %get3A_130 = tpu.vector_load %arg4[%get3A_129] {strides = array<i32>} : memref<128xi32, #tpu.memory_space<vmem>>, vector<16xi32>,
    %broadcast_in_dim3A_131 = arith.constant 0 : i32
    %broadcast_in_dim3A_132 = vector.broadcast %broadcast_in_dim3A_131 : i32 to vector<16xi32>
    %eq3A_133 = arith.cmpi eq, %get3A_130, %broadcast_in_dim3A_132 : vector<16xi32>
    %all_reduce_population_count3A_134 = tpu.all_reduce %eq3A_133 {dim = 0 : i64, kind = #tpu.reduction_kind<sum>} : vector<16xi1> -> vector<16xi32>
    %add3A_135 = arith.addi %add3A_93, %all_reduce_population_count3A_134 : vector<16xi32>
    %broadcast_in_dim3A_136 = arith.constant 1 : i32
    %broadcast_in_dim3A_137 = vector.broadcast %broadcast_in_dim3A_136 : i32 to vector<16xi32>
    %eq3A_138 = arith.cmpi eq, %get3A_130, %broadcast_in_dim3A_137 : vector<16xi32>
    %all_reduce_population_count3A_139 = tpu.all_reduce %eq3A_138 {dim = 0 : i64, kind = #tpu.reduction_kind<sum>} : vector<16xi1> -> vector<16xi32>
    %add3A_140 = arith.addi %add3A_98, %all_reduce_population_count3A_139 : vector<16xi32>
    %broadcast_in_dim3A_141 = arith.constant 2 : i32
    %broadcast_in_dim3A_142 = vector.broadcast %broadcast_in_dim3A_141 : i32 to vector<16xi32>
    %eq3A_143 = arith.cmpi eq, %get3A_130, %broadcast_in_dim3A_142 : vector<16xi32>
    %all_reduce_population_count3A_144 = tpu.all_reduce %eq3A_143 {dim = 0 : i64, kind = #tpu.reduction_kind<sum>} : vector<16xi1> -> vector<16xi32>
    %add3A_145 = arith.addi %add3A_103, %all_reduce_population_count3A_144 : vector<16xi32>
    %broadcast_in_dim3A_146 = arith.constant 3 : i32
    %broadcast_in_dim3A_147 = vector.broadcast %broadcast_in_dim3A_146 : i32 to vector<16xi32>
    %eq3A_148 = arith.cmpi eq, %get3A_130, %broadcast_in_dim3A_147 : vector<16xi32>
    %all_reduce_population_count3A_149 = tpu.all_reduce %eq3A_148 {dim = 0 : i64, kind = #tpu.reduction_kind<sum>} : vector<16xi1> -> vector<16xi32>
    %add3A_150 = arith.addi %add3A_108, %all_reduce_population_count3A_149 : vector<16xi32>
    %broadcast_in_dim3A_151 = arith.constant 4 : i32
    %broadcast_in_dim3A_152 = vector.broadcast %broadcast_in_dim3A_151 : i32 to vector<16xi32>
    %eq3A_153 = arith.cmpi eq, %get3A_130, %broadcast_in_dim3A_152 : vector<16xi32>
    %all_reduce_population_count3A_154 = tpu.all_reduce %eq3A_153 {dim = 0 : i64, kind = #tpu.reduction_kind<sum>} : vector<16xi1> -> vector<16xi32>
    %add3A_155 = arith.addi %add3A_113, %all_reduce_population_count3A_154 : vector<16xi32>
    %broadcast_in_dim3A_156 = arith.constant 5 : i32
    %broadcast_in_dim3A_157 = vector.broadcast %broadcast_in_dim3A_156 : i32 to vector<16xi32>
    %eq3A_158 = arith.cmpi eq, %get3A_130, %broadcast_in_dim3A_157 : vector<16xi32>
    %all_reduce_population_count3A_159 = tpu.all_reduce %eq3A_158 {dim = 0 : i64, kind = #tpu.reduction_kind<sum>} : vector<16xi1> -> vector<16xi32>
    %add3A_160 = arith.addi %add3A_118, %all_reduce_population_count3A_159 : vector<16xi32>
    %broadcast_in_dim3A_161 = arith.constant 6 : i32
    %broadcast_in_dim3A_162 = vector.broadcast %broadcast_in_dim3A_161 : i32 to vector<16xi32>
    %eq3A_163 = arith.cmpi eq, %get3A_130, %broadcast_in_dim3A_162 : vector<16xi32>
    %all_reduce_population_count3A_164 = tpu.all_reduce %eq3A_163 {dim = 0 : i64, kind = #tpu.reduction_kind<sum>} : vector<16xi1> -> vector<16xi32>
    %add3A_165 = arith.addi %add3A_123, %all_reduce_population_count3A_164 : vector<16xi32>
    %broadcast_in_dim3A_166 = arith.constant 7 : i32
    %broadcast_in_dim3A_167 = vector.broadcast %broadcast_in_dim3A_166 : i32 to vector<16xi32>
    %eq3A_168 = arith.cmpi eq, %get3A_130, %broadcast_in_dim3A_167 : vector<16xi32>
    %all_reduce_population_count3A_169 = tpu.all_reduce %eq3A_168 {dim = 0 : i64, kind = #tpu.reduction_kind<sum>} : vector<16xi1> -> vector<16xi32>
    %add3A_170 = arith.addi %add3A_128, %all_reduce_population_count3A_169 : vector<16xi32>
    %get3A_171 = arith.constant 64 : index
    %get3A_172 = tpu.vector_load %arg4[%get3A_171] {strides = array<i32>} : memref<128xi32, #tpu.memory_space<vmem>>, vector<16xi32>,
    %broadcast_in_dim3A_173 = arith.constant 0 : i32
    %broadcast_in_dim3A_174 = vector.broadcast %broadcast_in_dim3A_173 : i32 to vector<16xi32>
    %eq3A_175 = arith.cmpi eq, %get3A_172, %broadcast_in_dim3A_174 : vector<16xi32>
    %all_reduce_population_count3A_176 = tpu.all_reduce %eq3A_175 {dim = 0 : i64, kind = #tpu.reduction_kind<sum>} : vector<16xi1> -> vector<16xi32>
    %add3A_177 = arith.addi %add3A_135, %all_reduce_population_count3A_176 : vector<16xi32>
    %broadcast_in_dim3A_178 = arith.constant 1 : i32
    %broadcast_in_dim3A_179 = vector.broadcast %broadcast_in_dim3A_178 : i32 to vector<16xi32>
    %eq3A_180 = arith.cmpi eq, %get3A_172, %broadcast_in_dim3A_179 : vector<16xi32>
    %all_reduce_population_count3A_181 = tpu.all_reduce %eq3A_180 {dim = 0 : i64, kind = #tpu.reduction_kind<sum>} : vector<16xi1> -> vector<16xi32>
    %add3A_182 = arith.addi %add3A_140, %all_reduce_population_count3A_181 : vector<16xi32>
    %broadcast_in_dim3A_183 = arith.constant 2 : i32
    %broadcast_in_dim3A_184 = vector.broadcast %broadcast_in_dim3A_183 : i32 to vector<16xi32>
    %eq3A_185 = arith.cmpi eq, %get3A_172, %broadcast_in_dim3A_184 : vector<16xi32>
    %all_reduce_population_count3A_186 = tpu.all_reduce %eq3A_185 {dim = 0 : i64, kind = #tpu.reduction_kind<sum>} : vector<16xi1> -> vector<16xi32>
    %add3A_187 = arith.addi %add3A_145, %all_reduce_population_count3A_186 : vector<16xi32>
    %broadcast_in_dim3A_188 = arith.constant 3 : i32
    %broadcast_in_dim3A_189 = vector.broadcast %broadcast_in_dim3A_188 : i32 to vector<16xi32>
    %eq3A_190 = arith.cmpi eq, %get3A_172, %broadcast_in_dim3A_189 : vector<16xi32>
    %all_reduce_population_count3A_191 = tpu.all_reduce %eq3A_190 {dim = 0 : i64, kind = #tpu.reduction_kind<sum>} : vector<16xi1> -> vector<16xi32>
    %add3A_192 = arith.addi %add3A_150, %all_reduce_population_count3A_191 : vector<16xi32>
    %broadcast_in_dim3A_193 = arith.constant 4 : i32
    %broadcast_in_dim3A_194 = vector.broadcast %broadcast_in_dim3A_193 : i32 to vector<16xi32>
    %eq3A_195 = arith.cmpi eq, %get3A_172, %broadcast_in_dim3A_194 : vector<16xi32>
    %all_reduce_population_count3A_196 = tpu.all_reduce %eq3A_195 {dim = 0 : i64, kind = #tpu.reduction_kind<sum>} : vector<16xi1> -> vector<16xi32>
    %add3A_197 = arith.addi %add3A_155, %all_reduce_population_count3A_196 : vector<16xi32>
    %broadcast_in_dim3A_198 = arith.constant 5 : i32
    %broadcast_in_dim3A_199 = vector.broadcast %broadcast_in_dim3A_198 : i32 to vector<16xi32>
    %eq3A_200 = arith.cmpi eq, %get3A_172, %broadcast_in_dim3A_199 : vector<16xi32>
    %all_reduce_population_count3A_201 = tpu.all_reduce %eq3A_200 {dim = 0 : i64, kind = #tpu.reduction_kind<sum>} : vector<16xi1> -> vector<16xi32>
    %add3A_202 = arith.addi %add3A_160, %all_reduce_population_count3A_201 : vector<16xi32>
    %broadcast_in_dim3A_203 = arith.constant 6 : i32
    %broadcast_in_dim3A_204 = vector.broadcast %broadcast_in_dim3A_203 : i32 to vector<16xi32>
    %eq3A_205 = arith.cmpi eq, %get3A_172, %broadcast_in_dim3A_204 : vector<16xi32>
    %all_reduce_population_count3A_206 = tpu.all_reduce %eq3A_205 {dim = 0 : i64, kind = #tpu.reduction_kind<sum>} : vector<16xi1> -> vector<16xi32>
    %add3A_207 = arith.addi %add3A_165, %all_reduce_population_count3A_206 : vector<16xi32>
    %broadcast_in_dim3A_208 = arith.constant 7 : i32
    %broadcast_in_dim3A_209 = vector.broadcast %broadcast_in_dim3A_208 : i32 to vector<16xi32>
    %eq3A_210 = arith.cmpi eq, %get3A_172, %broadcast_in_dim3A_209 : vector<16xi32>
    %all_reduce_population_count3A_211 = tpu.all_reduce %eq3A_210 {dim = 0 : i64, kind = #tpu.reduction_kind<sum>} : vector<16xi1> -> vector<16xi32>
    %add3A_212 = arith.addi %add3A_170, %all_reduce_population_count3A_211 : vector<16xi32>
    %get3A_213 = arith.constant 80 : index
    %get3A_214 = tpu.vector_load %arg4[%get3A_213] {strides = array<i32>} : memref<128xi32, #tpu.memory_space<vmem>>, vector<16xi32>,
    %broadcast_in_dim3A_215 = arith.constant 0 : i32
    %broadcast_in_dim3A_216 = vector.broadcast %broadcast_in_dim3A_215 : i32 to vector<16xi32>
    %eq3A_217 = arith.cmpi eq, %get3A_214, %broadcast_in_dim3A_216 : vector<16xi32>
    %all_reduce_population_count3A_218 = tpu.all_reduce %eq3A_217 {dim = 0 : i64, kind = #tpu.reduction_kind<sum>} : vector<16xi1> -> vector<16xi32>
    %add3A_219 = arith.addi %add3A_177, %all_reduce_population_count3A_218 : vector<16xi32>
    %broadcast_in_dim3A_220 = arith.constant 1 : i32
    %broadcast_in_dim3A_221 = vector.broadcast %broadcast_in_dim3A_220 : i32 to vector<16xi32>
    %eq3A_222 = arith.cmpi eq, %get3A_214, %broadcast_in_dim3A_221 : vector<16xi32>
    %all_reduce_population_count3A_223 = tpu.all_reduce %eq3A_222 {dim = 0 : i64, kind = #tpu.reduction_kind<sum>} : vector<16xi1> -> vector<16xi32>
    %add3A_224 = arith.addi %add3A_182, %all_reduce_population_count3A_223 : vector<16xi32>
    %broadcast_in_dim3A_225 = arith.constant 2 : i32
    %broadcast_in_dim3A_226 = vector.broadcast %broadcast_in_dim3A_225 : i32 to vector<16xi32>
    %eq3A_227 = arith.cmpi eq, %get3A_214, %broadcast_in_dim3A_226 : vector<16xi32>
    %all_reduce_population_count3A_228 = tpu.all_reduce %eq3A_227 {dim = 0 : i64, kind = #tpu.reduction_kind<sum>} : vector<16xi1> -> vector<16xi32>
    %add3A_229 = arith.addi %add3A_187, %all_reduce_population_count3A_228 : vector<16xi32>
    %broadcast_in_dim3A_230 = arith.constant 3 : i32
    %broadcast_in_dim3A_231 = vector.broadcast %broadcast_in_dim3A_230 : i32 to vector<16xi32>
    %eq3A_232 = arith.cmpi eq, %get3A_214, %broadcast_in_dim3A_231 : vector<16xi32>
    %all_reduce_population_count3A_233 = tpu.all_reduce %eq3A_232 {dim = 0 : i64, kind = #tpu.reduction_kind<sum>} : vector<16xi1> -> vector<16xi32>
    %add3A_234 = arith.addi %add3A_192, %all_reduce_population_count3A_233 : vector<16xi32>
    %broadcast_in_dim3A_235 = arith.constant 4 : i32
    %broadcast_in_dim3A_236 = vector.broadcast %broadcast_in_dim3A_235 : i32 to vector<16xi32>
    %eq3A_237 = arith.cmpi eq, %get3A_214, %broadcast_in_dim3A_236 : vector<16xi32>
    %all_reduce_population_count3A_238 = tpu.all_reduce %eq3A_237 {dim = 0 : i64, kind = #tpu.reduction_kind<sum>} : vector<16xi1> -> vector<16xi32>
    %add3A_239 = arith.addi %add3A_197, %all_reduce_population_count3A_238 : vector<16xi32>
    %broadcast_in_dim3A_240 = arith.constant 5 : i32
    %broadcast_in_dim3A_241 = vector.broadcast %broadcast_in_dim3A_240 : i32 to vector<16xi32>
    %eq3A_242 = arith.cmpi eq, %get3A_214, %broadcast_in_dim3A_241 : vector<16xi32>
    %all_reduce_population_count3A_243 = tpu.all_reduce %eq3A_242 {dim = 0 : i64, kind = #tpu.reduction_kind<sum>} : vector<16xi1> -> vector<16xi32>
    %add3A_244 = arith.addi %add3A_202, %all_reduce_population_count3A_243 : vector<16xi32>
    %broadcast_in_dim3A_245 = arith.constant 6 : i32
    %broadcast_in_dim3A_246 = vector.broadcast %broadcast_in_dim3A_245 : i32 to vector<16xi32>
    %eq3A_247 = arith.cmpi eq, %get3A_214, %broadcast_in_dim3A_246 : vector<16xi32>
    %all_reduce_population_count3A_248 = tpu.all_reduce %eq3A_247 {dim = 0 : i64, kind = #tpu.reduction_kind<sum>} : vector<16xi1> -> vector<16xi32>
    %add3A_249 = arith.addi %add3A_207, %all_reduce_population_count3A_248 : vector<16xi32>
    %broadcast_in_dim3A_250 = arith.constant 7 : i32
    %broadcast_in_dim3A_251 = vector.broadcast %broadcast_in_dim3A_250 : i32 to vector<16xi32>
    %eq3A_252 = arith.cmpi eq, %get3A_214, %broadcast_in_dim3A_251 : vector<16xi32>
    %all_reduce_population_count3A_253 = tpu.all_reduce %eq3A_252 {dim = 0 : i64, kind = #tpu.reduction_kind<sum>} : vector<16xi1> -> vector<16xi32>
    %add3A_254 = arith.addi %add3A_212, %all_reduce_population_count3A_253 : vector<16xi32>
    %get3A_255 = arith.constant 96 : index
    %get3A_256 = tpu.vector_load %arg4[%get3A_255] {strides = array<i32>} : memref<128xi32, #tpu.memory_space<vmem>>, vector<16xi32>,
    %broadcast_in_dim3A_257 = arith.constant 0 : i32
    %broadcast_in_dim3A_258 = vector.broadcast %broadcast_in_dim3A_257 : i32 to vector<16xi32>
    %eq3A_259 = arith.cmpi eq, %get3A_256, %broadcast_in_dim3A_258 : vector<16xi32>
    %all_reduce_population_count3A_260 = tpu.all_reduce %eq3A_259 {dim = 0 : i64, kind = #tpu.reduction_kind<sum>} : vector<16xi1> -> vector<16xi32>
    %add3A_261 = arith.addi %add3A_219, %all_reduce_population_count3A_260 : vector<16xi32>
    %broadcast_in_dim3A_262 = arith.constant 1 : i32
    %broadcast_in_dim3A_263 = vector.broadcast %broadcast_in_dim3A_262 : i32 to vector<16xi32>
    %eq3A_264 = arith.cmpi eq, %get3A_256, %broadcast_in_dim3A_263 : vector<16xi32>
    %all_reduce_population_count3A_265 = tpu.all_reduce %eq3A_264 {dim = 0 : i64, kind = #tpu.reduction_kind<sum>} : vector<16xi1> -> vector<16xi32>
    %add3A_266 = arith.addi %add3A_224, %all_reduce_population_count3A_265 : vector<16xi32>
    %broadcast_in_dim3A_267 = arith.constant 2 : i32
    %broadcast_in_dim3A_268 = vector.broadcast %broadcast_in_dim3A_267 : i32 to vector<16xi32>
    %eq3A_269 = arith.cmpi eq, %get3A_256, %broadcast_in_dim3A_268 : vector<16xi32>
    %all_reduce_population_count3A_270 = tpu.all_reduce %eq3A_269 {dim = 0 : i64, kind = #tpu.reduction_kind<sum>} : vector<16xi1> -> vector<16xi32>
    %add3A_271 = arith.addi %add3A_229, %all_reduce_population_count3A_270 : vector<16xi32>
    %broadcast_in_dim3A_272 = arith.constant 3 : i32
    %broadcast_in_dim3A_273 = vector.broadcast %broadcast_in_dim3A_272 : i32 to vector<16xi32>
    %eq3A_274 = arith.cmpi eq, %get3A_256, %broadcast_in_dim3A_273 : vector<16xi32>
    %all_reduce_population_count3A_275 = tpu.all_reduce %eq3A_274 {dim = 0 : i64, kind = #tpu.reduction_kind<sum>} : vector<16xi1> -> vector<16xi32>
    %add3A_276 = arith.addi %add3A_234, %all_reduce_population_count3A_275 : vector<16xi32>
    %broadcast_in_dim3A_277 = arith.constant 4 : i32
    %broadcast_in_dim3A_278 = vector.broadcast %broadcast_in_dim3A_277 : i32 to vector<16xi32>
    %eq3A_279 = arith.cmpi eq, %get3A_256, %broadcast_in_dim3A_278 : vector<16xi32>
    %all_reduce_population_count3A_280 = tpu.all_reduce %eq3A_279 {dim = 0 : i64, kind = #tpu.reduction_kind<sum>} : vector<16xi1> -> vector<16xi32>
    %add3A_281 = arith.addi %add3A_239, %all_reduce_population_count3A_280 : vector<16xi32>
    %broadcast_in_dim3A_282 = arith.constant 5 : i32
    %broadcast_in_dim3A_283 = vector.broadcast %broadcast_in_dim3A_282 : i32 to vector<16xi32>
    %eq3A_284 = arith.cmpi eq, %get3A_256, %broadcast_in_dim3A_283 : vector<16xi32>
    %all_reduce_population_count3A_285 = tpu.all_reduce %eq3A_284 {dim = 0 : i64, kind = #tpu.reduction_kind<sum>} : vector<16xi1> -> vector<16xi32>
    %add3A_286 = arith.addi %add3A_244, %all_reduce_population_count3A_285 : vector<16xi32>
    %broadcast_in_dim3A_287 = arith.constant 6 : i32
    %broadcast_in_dim3A_288 = vector.broadcast %broadcast_in_dim3A_287 : i32 to vector<16xi32>
    %eq3A_289 = arith.cmpi eq, %get3A_256, %broadcast_in_dim3A_288 : vector<16xi32>
    %all_reduce_population_count3A_290 = tpu.all_reduce %eq3A_289 {dim = 0 : i64, kind = #tpu.reduction_kind<sum>} : vector<16xi1> -> vector<16xi32>
    %add3A_291 = arith.addi %add3A_249, %all_reduce_population_count3A_290 : vector<16xi32>
    %broadcast_in_dim3A_292 = arith.constant 7 : i32
    %broadcast_in_dim3A_293 = vector.broadcast %broadcast_in_dim3A_292 : i32 to vector<16xi32>
    %eq3A_294 = arith.cmpi eq, %get3A_256, %broadcast_in_dim3A_293 : vector<16xi32>
    %all_reduce_population_count3A_295 = tpu.all_reduce %eq3A_294 {dim = 0 : i64, kind = #tpu.reduction_kind<sum>} : vector<16xi1> -> vector<16xi32>
    %add3A_296 = arith.addi %add3A_254, %all_reduce_population_count3A_295 : vector<16xi32>
    %get3A_297 = arith.constant 112 : index
    %get3A_298 = tpu.vector_load %arg4[%get3A_297] {strides = array<i32>} : memref<128xi32, #tpu.memory_space<vmem>>, vector<16xi32>,
    %broadcast_in_dim3A_299 = arith.constant 0 : i32
    %broadcast_in_dim3A_300 = vector.broadcast %broadcast_in_dim3A_299 : i32 to vector<16xi32>
    %eq3A_301 = arith.cmpi eq, %get3A_298, %broadcast_in_dim3A_300 : vector<16xi32>
    %all_reduce_population_count3A_302 = tpu.all_reduce %eq3A_301 {dim = 0 : i64, kind = #tpu.reduction_kind<sum>} : vector<16xi1> -> vector<16xi32>
    %add3A_303 = arith.addi %add3A_261, %all_reduce_population_count3A_302 : vector<16xi32>
    %broadcast_in_dim3A_304 = arith.constant 1 : i32
    %broadcast_in_dim3A_305 = vector.broadcast %broadcast_in_dim3A_304 : i32 to vector<16xi32>
    %eq3A_306 = arith.cmpi eq, %get3A_298, %broadcast_in_dim3A_305 : vector<16xi32>
    %all_reduce_population_count3A_307 = tpu.all_reduce %eq3A_306 {dim = 0 : i64, kind = #tpu.reduction_kind<sum>} : vector<16xi1> -> vector<16xi32>
    %add3A_308 = arith.addi %add3A_266, %all_reduce_population_count3A_307 : vector<16xi32>
    %broadcast_in_dim3A_309 = arith.constant 2 : i32
    %broadcast_in_dim3A_310 = vector.broadcast %broadcast_in_dim3A_309 : i32 to vector<16xi32>
    %eq3A_311 = arith.cmpi eq, %get3A_298, %broadcast_in_dim3A_310 : vector<16xi32>
    %all_reduce_population_count3A_312 = tpu.all_reduce %eq3A_311 {dim = 0 : i64, kind = #tpu.reduction_kind<sum>} : vector<16xi1> -> vector<16xi32>
    %add3A_313 = arith.addi %add3A_271, %all_reduce_population_count3A_312 : vector<16xi32>
    %broadcast_in_dim3A_314 = arith.constant 3 : i32
    %broadcast_in_dim3A_315 = vector.broadcast %broadcast_in_dim3A_314 : i32 to vector<16xi32>
    %eq3A_316 = arith.cmpi eq, %get3A_298, %broadcast_in_dim3A_315 : vector<16xi32>
    %all_reduce_population_count3A_317 = tpu.all_reduce %eq3A_316 {dim = 0 : i64, kind = #tpu.reduction_kind<sum>} : vector<16xi1> -> vector<16xi32>
    %add3A_318 = arith.addi %add3A_276, %all_reduce_population_count3A_317 : vector<16xi32>
    %broadcast_in_dim3A_319 = arith.constant 4 : i32
    %broadcast_in_dim3A_320 = vector.broadcast %broadcast_in_dim3A_319 : i32 to vector<16xi32>
    %eq3A_321 = arith.cmpi eq, %get3A_298, %broadcast_in_dim3A_320 : vector<16xi32>
    %all_reduce_population_count3A_322 = tpu.all_reduce %eq3A_321 {dim = 0 : i64, kind = #tpu.reduction_kind<sum>} : vector<16xi1> -> vector<16xi32>
    %add3A_323 = arith.addi %add3A_281, %all_reduce_population_count3A_322 : vector<16xi32>
    %broadcast_in_dim3A_324 = arith.constant 5 : i32
    %broadcast_in_dim3A_325 = vector.broadcast %broadcast_in_dim3A_324 : i32 to vector<16xi32>
    %eq3A_326 = arith.cmpi eq, %get3A_298, %broadcast_in_dim3A_325 : vector<16xi32>
    %all_reduce_population_count3A_327 = tpu.all_reduce %eq3A_326 {dim = 0 : i64, kind = #tpu.reduction_kind<sum>} : vector<16xi1> -> vector<16xi32>
    %add3A_328 = arith.addi %add3A_286, %all_reduce_population_count3A_327 : vector<16xi32>
    %broadcast_in_dim3A_329 = arith.constant 6 : i32
    %broadcast_in_dim3A_330 = vector.broadcast %broadcast_in_dim3A_329 : i32 to vector<16xi32>
    %eq3A_331 = arith.cmpi eq, %get3A_298, %broadcast_in_dim3A_330 : vector<16xi32>
    %all_reduce_population_count3A_332 = tpu.all_reduce %eq3A_331 {dim = 0 : i64, kind = #tpu.reduction_kind<sum>} : vector<16xi1> -> vector<16xi32>
    %add3A_333 = arith.addi %add3A_291, %all_reduce_population_count3A_332 : vector<16xi32>
    %broadcast_in_dim3A_334 = arith.constant 7 : i32
    %broadcast_in_dim3A_335 = vector.broadcast %broadcast_in_dim3A_334 : i32 to vector<16xi32>
    %eq3A_336 = arith.cmpi eq, %get3A_298, %broadcast_in_dim3A_335 : vector<16xi32>
    %all_reduce_population_count3A_337 = tpu.all_reduce %eq3A_336 {dim = 0 : i64, kind = #tpu.reduction_kind<sum>} : vector<16xi1> -> vector<16xi32>
    %add3A_338 = arith.addi %add3A_296, %all_reduce_population_count3A_337 : vector<16xi32>
    %broadcast_in_dim3A_339 = arith.constant 0 : i32
    %broadcast_in_dim3A_340 = vector.broadcast %broadcast_in_dim3A_339 : i32 to vector<16xi32>
    %eq3A_341 = arith.cmpi eq, %iota3A, %broadcast_in_dim3A_340 : vector<16xi32>
    %select_n3A = arith.select %eq3A_341, %add3A_303, %broadcast_in_dim3A_3 : vector<16xi1>, vector<16xi32>
    %broadcast_in_dim3A_342 = arith.constant 1 : i32
    %broadcast_in_dim3A_343 = vector.broadcast %broadcast_in_dim3A_342 : i32 to vector<16xi32>
    %eq3A_344 = arith.cmpi eq, %iota3A, %broadcast_in_dim3A_343 : vector<16xi32>
    %select_n3A_345 = arith.select %eq3A_344, %add3A_308, %select_n3A : vector<16xi1>, vector<16xi32>
    %broadcast_in_dim3A_346 = arith.constant 2 : i32
    %broadcast_in_dim3A_347 = vector.broadcast %broadcast_in_dim3A_346 : i32 to vector<16xi32>
    %eq3A_348 = arith.cmpi eq, %iota3A, %broadcast_in_dim3A_347 : vector<16xi32>
    %select_n3A_349 = arith.select %eq3A_348, %add3A_313, %select_n3A_345 : vector<16xi1>, vector<16xi32>
    %broadcast_in_dim3A_350 = arith.constant 3 : i32
    %broadcast_in_dim3A_351 = vector.broadcast %broadcast_in_dim3A_350 : i32 to vector<16xi32>
    %eq3A_352 = arith.cmpi eq, %iota3A, %broadcast_in_dim3A_351 : vector<16xi32>
    %select_n3A_353 = arith.select %eq3A_352, %add3A_318, %select_n3A_349 : vector<16xi1>, vector<16xi32>
    %broadcast_in_dim3A_354 = arith.constant 4 : i32
    %broadcast_in_dim3A_355 = vector.broadcast %broadcast_in_dim3A_354 : i32 to vector<16xi32>
    %eq3A_356 = arith.cmpi eq, %iota3A, %broadcast_in_dim3A_355 : vector<16xi32>
    %select_n3A_357 = arith.select %eq3A_356, %add3A_323, %select_n3A_353 : vector<16xi1>, vector<16xi32>
    %broadcast_in_dim3A_358 = arith.constant 5 : i32
    %broadcast_in_dim3A_359 = vector.broadcast %broadcast_in_dim3A_358 : i32 to vector<16xi32>
    %eq3A_360 = arith.cmpi eq, %iota3A, %broadcast_in_dim3A_359 : vector<16xi32>
    %select_n3A_361 = arith.select %eq3A_360, %add3A_328, %select_n3A_357 : vector<16xi1>, vector<16xi32>
    %broadcast_in_dim3A_362 = arith.constant 6 : i32
    %broadcast_in_dim3A_363 = vector.broadcast %broadcast_in_dim3A_362 : i32 to vector<16xi32>
    %eq3A_364 = arith.cmpi eq, %iota3A, %broadcast_in_dim3A_363 : vector<16xi32>
    %select_n3A_365 = arith.select %eq3A_364, %add3A_333, %select_n3A_361 : vector<16xi1>, vector<16xi32>
    %broadcast_in_dim3A_366 = arith.constant 7 : i32
    %broadcast_in_dim3A_367 = vector.broadcast %broadcast_in_dim3A_366 : i32 to vector<16xi32>
    %eq3A_368 = arith.cmpi eq, %iota3A, %broadcast_in_dim3A_367 : vector<16xi32>
    %select_n3A_369 = arith.select %eq3A_368, %add3A_338, %select_n3A_365 : vector<16xi1>, vector<16xi32>
    %swap3A = arith.constant 0 : index
    %swap3A_370 = tpu.vector_load %arg5[%swap3A] {strides = array<i32>} : memref<16xi32, #tpu.memory_space<vmem>>, vector<16xi32>,
    tpu.vector_store %arg5[%swap3A], %select_n3A_369 {strides = array<i32>} : memref<16xi32, #tpu.memory_space<vmem>>, vector<16xi32>,
    "tpu.region"() ({
      %run_scoped3A = tpu.sem_alloc : memref<!tpu.dma_semaphore, #tpu.memory_space<semaphore_mem>>
      %dma_start3A = arith.constant 0 : i32
      %dma_start3A_371 = tpu.memref_slice %arg3[%add3A, %dma_start3A] : memref<32x16xi32, #tpu.memory_space<hbm>> -> memref<1x16xi32, #tpu.memory_space<hbm>>
      %dma_start3A_372 = tpu.memref_squeeze %dma_start3A_371 : memref<1x16xi32, #tpu.memory_space<hbm>> -> memref<16xi32, #tpu.memory_space<hbm>>
      %dma_start3A_373 = arith.constant 0 : i32
      %dma_start3A_374 = tpu.memref_slice %arg3[%add3A, %dma_start3A_373] : memref<32x16xi32, #tpu.memory_space<hbm>> -> memref<1x16xi32, #tpu.memory_space<hbm>>
      %dma_start3A_375 = tpu.memref_squeeze %dma_start3A_374 : memref<1x16xi32, #tpu.memory_space<hbm>> -> memref<16xi32, #tpu.memory_space<hbm>>
      tpu.enqueue_dma source(%arg5 : memref<16xi32, #tpu.memory_space<vmem>>) target(%dma_start3A_375 : memref<16xi32, #tpu.memory_space<hbm>>) target_semaphore(%run_scoped3A : memref<!tpu.dma_semaphore, #tpu.memory_space<semaphore_mem>>)
      %dma_wait3A = arith.constant 0 : i32
      %dma_wait3A_376 = tpu.memref_slice %arg3[%add3A, %dma_wait3A] : memref<32x16xi32, #tpu.memory_space<hbm>> -> memref<1x16xi32, #tpu.memory_space<hbm>>
      %dma_wait3A_377 = tpu.memref_squeeze %dma_wait3A_376 : memref<1x16xi32, #tpu.memory_space<hbm>> -> memref<16xi32, #tpu.memory_space<hbm>>
      %dma_wait3A_378 = arith.constant 0 : i32
      %dma_wait3A_379 = tpu.memref_slice %arg3[%add3A, %dma_wait3A_378] : memref<32x16xi32, #tpu.memory_space<hbm>> -> memref<1x16xi32, #tpu.memory_space<hbm>>
      %dma_wait3A_380 = tpu.memref_squeeze %dma_wait3A_379 : memref<1x16xi32, #tpu.memory_space<hbm>> -> memref<16xi32, #tpu.memory_space<hbm>>
      tpu.wait_dma2 semaphore(%run_scoped3A : memref<!tpu.dma_semaphore, #tpu.memory_space<semaphore_mem>>) src(%arg5 : memref<16xi32, #tpu.memory_space<vmem>>) dst(%dma_wait3A_380 : memref<16xi32, #tpu.memory_space<hbm>>)
      tpu.yield
    }) : () -> ()
    return
  }
}

module attributes {stable_mosaic.version = 14 : i64} {
  func.func @_gate_body(%arg0: i32, %arg1: memref<256x768xf32, #tpu.memory_space<vmem>>, %arg2: memref<768x8xf32, #tpu.memory_space<vmem>>, %arg3: memref<1x8xf32, #tpu.memory_space<vmem>>, %arg4: memref<256x2xi32, #tpu.memory_space<vmem>>, %arg5: memref<256x2xf32, #tpu.memory_space<vmem>>) attributes {dimension_semantics = [#tpu.dimension_semantics<arbitrary>], iteration_bounds = array<i64: 8>, scalar_prefetch = 0 : i64, scratch_operands = 0 : i64, tpu.core_type = #tpu.core_type<tc>, window_params = [{transform_indices = @transform_0, window_bounds = array<i64: 256, 768>}, {pipeline_mode = #tpu.pipeline_mode<synchronous>, transform_indices = @transform_1, window_bounds = array<i64: 768, 8>}, {pipeline_mode = #tpu.pipeline_mode<synchronous>, transform_indices = @transform_2, window_bounds = array<i64: 1, 8>}, {transform_indices = @transform_3, window_bounds = array<i64: 256, 2>}, {transform_indices = @transform_4, window_bounds = array<i64: 256, 2>}]} {
    %get3A = arith.constant 0 : index
    %get3A_0 = arith.constant 0 : index
    %get3A_1 = vector.load %arg1[%get3A, %get3A_0] : memref<256x768xf32, #tpu.memory_space<vmem>>, vector<256x768xf32>
    %convert_element_type3A = arith.truncf %get3A_1 : vector<256x768xf32> to vector<256x768xbf16>
    %get3A_2 = arith.constant 0 : index
    %get3A_3 = arith.constant 0 : index
    %get3A_4 = vector.load %arg2[%get3A_2, %get3A_3] : memref<768x8xf32, #tpu.memory_space<vmem>>, vector<768x8xf32>
    %convert_element_type3A_5 = arith.truncf %get3A_4 : vector<768x8xf32> to vector<768x8xbf16>
    %dot_general3A = arith.constant dense<0.000000e+00> : vector<256x8xf32>
    %dot_general3A_6 = tpu.matmul %convert_element_type3A, %convert_element_type3A_5, %dot_general3A {dimension_numbers = #tpu.dot_dimension_numbers<[1], [0], [0], [1], [0, 0, 1, 1], [], []>, transpose_lhs_hint = false} : vector<256x768xbf16>, vector<768x8xbf16>, vector<256x8xf32> -> vector<256x8xf32>
    %get3A_7 = arith.constant 0 : index
    %get3A_8 = arith.constant 0 : index
    %get3A_9 = vector.load %arg3[%get3A_7, %get3A_8] : memref<1x8xf32, #tpu.memory_space<vmem>>, vector<1x8xf32>
    %add3A = vector.broadcast %get3A_9 : vector<1x8xf32> to vector<256x8xf32>
    %add3A_10 = arith.addf %dot_general3A_6, %add3A : vector<256x8xf32>
    %iota3A = tpu.iota {dimensions = array<i32: 1>} : vector<256x8xi32>
    %reduce_max3A = arith.constant dense<0xFF800000> : vector<256xf32>
    %reduce_max3A_11 = vector.multi_reduction <maximumf>, %add3A_10, %reduce_max3A [1] : vector<256x8xf32> to vector<256xf32>
    %broadcast_in_dim3A = vector.shape_cast %reduce_max3A_11 : vector<256xf32> to vector<256x1xf32>
    %ge3A = vector.broadcast %broadcast_in_dim3A : vector<256x1xf32> to vector<256x8xf32>
    %ge3A_12 = arith.cmpf oge, %add3A_10, %ge3A : vector<256x8xf32>
    %jit3A = arith.constant 8 : i32
    %broadcast_in_dim3A_13 = vector.broadcast %jit3A : i32 to vector<256x8xi32>
    %select_n3A = arith.select %ge3A_12, %iota3A, %broadcast_in_dim3A_13 : vector<256x8xi1>, vector<256x8xi32>
    %reduce_min3A = arith.constant dense<2147483647> : vector<256xi32>
    %reduce_min3A_14 = vector.multi_reduction <minsi>, %select_n3A, %reduce_min3A [1] : vector<256x8xi32> to vector<256xi32>
    %broadcast_in_dim3A_15 = vector.shape_cast %reduce_min3A_14 : vector<256xi32> to vector<256x1xi32>
    %eq3A = vector.broadcast %broadcast_in_dim3A_15 : vector<256x1xi32> to vector<256x8xi32>
    %eq3A_16 = arith.cmpi eq, %iota3A, %eq3A : vector<256x8xi32>
    %jit3A_17 = arith.constant 0xFF800000 : f32
    %broadcast_in_dim3A_18 = vector.broadcast %jit3A_17 : f32 to vector<256x8xf32>
    %select_n3A_19 = arith.select %eq3A_16, %broadcast_in_dim3A_18, %add3A_10 : vector<256x8xi1>, vector<256x8xf32>
    %reduce_max3A_20 = arith.constant dense<0xFF800000> : vector<256xf32>
    %reduce_max3A_21 = vector.multi_reduction <maximumf>, %select_n3A_19, %reduce_max3A_20 [1] : vector<256x8xf32> to vector<256xf32>
    %broadcast_in_dim3A_22 = vector.shape_cast %reduce_max3A_21 : vector<256xf32> to vector<256x1xf32>
    %ge3A_23 = vector.broadcast %broadcast_in_dim3A_22 : vector<256x1xf32> to vector<256x8xf32>
    %ge3A_24 = arith.cmpf oge, %select_n3A_19, %ge3A_23 : vector<256x8xf32>
    %jit3A_25 = arith.constant 8 : i32
    %broadcast_in_dim3A_26 = vector.broadcast %jit3A_25 : i32 to vector<256x8xi32>
    %select_n3A_27 = arith.select %ge3A_24, %iota3A, %broadcast_in_dim3A_26 : vector<256x8xi1>, vector<256x8xi32>
    %reduce_min3A_28 = arith.constant dense<2147483647> : vector<256xi32>
    %reduce_min3A_29 = vector.multi_reduction <minsi>, %select_n3A_27, %reduce_min3A_28 [1] : vector<256x8xi32> to vector<256xi32>
    %broadcast_in_dim3A_30 = vector.shape_cast %reduce_min3A_29 : vector<256xi32> to vector<256x1xi32>
    %sub3A = arith.subf %broadcast_in_dim3A_22, %broadcast_in_dim3A : vector<256x1xf32>
    %exp3A = math.exp %sub3A : vector<256x1xf32>
    %add3A_31 = arith.constant 1.000000e+00 : f32
    %add3A_32 = vector.broadcast %add3A_31 : f32 to vector<256x1xf32>
    %add3A_33 = arith.addf %add3A_32, %exp3A : vector<256x1xf32>
    %div3A = arith.constant 1.000000e+00 : f32
    %div3A_34 = vector.broadcast %div3A : f32 to vector<256x1xf32>
    %div3A_35 = arith.divf %div3A_34, %add3A_33 : vector<256x1xf32>
    %concatenate3A = tpu.concatenate %broadcast_in_dim3A_15, %broadcast_in_dim3A_30 in 1 : vector<256x1xi32>, vector<256x1xi32> -> vector<256x2xi32>
    %swap3A = arith.constant 0 : index
    %swap3A_36 = arith.constant 0 : index
    %swap3A_37 = vector.load %arg4[%swap3A, %swap3A_36] : memref<256x2xi32, #tpu.memory_space<vmem>>, vector<256x2xi32>
    tpu.vector_store %arg4[%swap3A, %swap3A_36], %concatenate3A {strides = array<i32>} : memref<256x2xi32, #tpu.memory_space<vmem>>, vector<256x2xi32>,
    %sub3A_38 = arith.constant 1.000000e+00 : f32
    %sub3A_39 = vector.broadcast %sub3A_38 : f32 to vector<256x1xf32>
    %sub3A_40 = arith.subf %sub3A_39, %div3A_35 : vector<256x1xf32>
    %concatenate3A_41 = tpu.concatenate %div3A_35, %sub3A_40 in 1 : vector<256x1xf32>, vector<256x1xf32> -> vector<256x2xf32>
    %swap3A_42 = arith.constant 0 : index
    %swap3A_43 = arith.constant 0 : index
    %swap3A_44 = vector.load %arg5[%swap3A_42, %swap3A_43] : memref<256x2xf32, #tpu.memory_space<vmem>>, vector<256x2xf32>
    tpu.vector_store %arg5[%swap3A_42, %swap3A_43], %concatenate3A_41 {strides = array<i32>} : memref<256x2xf32, #tpu.memory_space<vmem>>, vector<256x2xf32>,
    return
  }
  func.func @transform_0(%arg0: i32) -> (i32, i32) {
    %c0_i32 = arith.constant 0 : i32
    %c0_i32_0 = arith.constant 0 : i32
    return %arg0, %c0_i32 : i32, i32
  }
  func.func @transform_1(%arg0: i32) -> (i32, i32) {
    %c0_i32 = arith.constant 0 : i32
    %c0_i32_0 = arith.constant 0 : i32
    %c0_i32_1 = arith.constant 0 : i32
    return %c0_i32, %c0_i32_0 : i32, i32
  }
  func.func @transform_2(%arg0: i32) -> (i32, i32) {
    %c0_i32 = arith.constant 0 : i32
    %c0_i32_0 = arith.constant 0 : i32
    %c0_i32_1 = arith.constant 0 : i32
    return %c0_i32, %c0_i32_0 : i32, i32
  }
  func.func @transform_3(%arg0: i32) -> (i32, i32) {
    %c0_i32 = arith.constant 0 : i32
    %c0_i32_0 = arith.constant 0 : i32
    return %arg0, %c0_i32 : i32, i32
  }
  func.func @transform_4(%arg0: i32) -> (i32, i32) {
    %c0_i32 = arith.constant 0 : i32
    %c0_i32_0 = arith.constant 0 : i32
    return %arg0, %c0_i32 : i32, i32
  }
}

module attributes {stable_mosaic.version = 14 : i64} {
  func.func @_mlp_body(%arg0: i32, %arg1: memref<48xi32, #tpu.memory_space<smem>>, %arg2: memref<256x768xf32, #tpu.memory_space<vmem>>, %arg3: memref<8x768x1536xf32, #tpu.memory_space<any>>, %arg4: memref<1x1x1536xf32, #tpu.memory_space<vmem>>, %arg5: memref<8x1536x768xf32, #tpu.memory_space<any>>, %arg6: memref<1x1x768xf32, #tpu.memory_space<vmem>>, %arg7: memref<256x1xf32, #tpu.memory_space<vmem>>, %arg8: memref<256x768xf32, #tpu.memory_space<vmem>>, %arg9: memref<2x768x1536xf32, #tpu.memory_space<vmem>>, %arg10: memref<2x1536x768xf32, #tpu.memory_space<vmem>>, %arg11: memref<768x1536xbf16, #tpu.memory_space<vmem>>, %arg12: memref<1536x768xbf16, #tpu.memory_space<vmem>>, %arg13: memref<2x!tpu.dma_semaphore, #tpu.memory_space<semaphore_mem>>) attributes {dimension_semantics = [#tpu.dimension_semantics<arbitrary>], iteration_bounds = array<i64: 24>, scalar_prefetch = 1 : i64, scratch_operands = 5 : i64, tpu.core_type = #tpu.core_type<tc>, window_params = [{transform_indices = @transform_0, window_bounds = array<i64: 256, 768>}, {}, {transform_indices = @transform_2, window_bounds = array<i64: 1, 1, 1536>}, {}, {transform_indices = @transform_4, window_bounds = array<i64: 1, 1, 768>}, {transform_indices = @transform_5, window_bounds = array<i64: 256, 1>}, {transform_indices = @transform_6, window_bounds = array<i64: 256, 768>}]} {
    %get3A = arith.constant 47 : index
    %get3A_0 = memref.load %arg1[%get3A] : memref<48xi32, #tpu.memory_space<smem>>
    %gt3A = arith.constant 0 : i32
    %gt3A_1 = arith.cmpi sgt, %get3A_0, %gt3A : i32
    %and3A = arith.constant true
    %and3A_2 = arith.andi %gt3A_1, %and3A : i1
    %convert_element_type3A = arith.extui %and3A_2 : i1 to i32
    %add3A = arith.constant -1 : i32
    %add3A_3 = arith.addi %add3A, %convert_element_type3A : i32
    %gt3A_4 = arith.constant 1 : i32
    %gt3A_5 = arith.cmpi sgt, %get3A_0, %gt3A_4 : i32
    %get3A_6 = arith.constant 1 : index
    %get3A_7 = memref.load %arg1[%get3A_6] : memref<48xi32, #tpu.memory_space<smem>>
    %get3A_8 = arith.constant 0 : index
    %get3A_9 = memref.load %arg1[%get3A_8] : memref<48xi32, #tpu.memory_space<smem>>
    %ne3A = arith.cmpi ne, %get3A_7, %get3A_9 : i32
    %and3A_10 = arith.andi %gt3A_5, %ne3A : i1
    %convert_element_type3A_11 = arith.extui %and3A_10 : i1 to i32
    %add3A_12 = arith.addi %add3A_3, %convert_element_type3A_11 : i32
    %gt3A_13 = arith.constant 2 : i32
    %gt3A_14 = arith.cmpi sgt, %get3A_0, %gt3A_13 : i32
    %get3A_15 = arith.constant 2 : index
    %get3A_16 = memref.load %arg1[%get3A_15] : memref<48xi32, #tpu.memory_space<smem>>
    %get3A_17 = arith.constant 1 : index
    %get3A_18 = memref.load %arg1[%get3A_17] : memref<48xi32, #tpu.memory_space<smem>>
    %ne3A_19 = arith.cmpi ne, %get3A_16, %get3A_18 : i32
    %and3A_20 = arith.andi %gt3A_14, %ne3A_19 : i1
    %convert_element_type3A_21 = arith.extui %and3A_20 : i1 to i32
    %add3A_22 = arith.addi %add3A_12, %convert_element_type3A_21 : i32
    %gt3A_23 = arith.constant 3 : i32
    %gt3A_24 = arith.cmpi sgt, %get3A_0, %gt3A_23 : i32
    %get3A_25 = arith.constant 3 : index
    %get3A_26 = memref.load %arg1[%get3A_25] : memref<48xi32, #tpu.memory_space<smem>>
    %get3A_27 = arith.constant 2 : index
    %get3A_28 = memref.load %arg1[%get3A_27] : memref<48xi32, #tpu.memory_space<smem>>
    %ne3A_29 = arith.cmpi ne, %get3A_26, %get3A_28 : i32
    %and3A_30 = arith.andi %gt3A_24, %ne3A_29 : i1
    %convert_element_type3A_31 = arith.extui %and3A_30 : i1 to i32
    %add3A_32 = arith.addi %add3A_22, %convert_element_type3A_31 : i32
    %gt3A_33 = arith.constant 4 : i32
    %gt3A_34 = arith.cmpi sgt, %get3A_0, %gt3A_33 : i32
    %get3A_35 = arith.constant 4 : index
    %get3A_36 = memref.load %arg1[%get3A_35] : memref<48xi32, #tpu.memory_space<smem>>
    %get3A_37 = arith.constant 3 : index
    %get3A_38 = memref.load %arg1[%get3A_37] : memref<48xi32, #tpu.memory_space<smem>>
    %ne3A_39 = arith.cmpi ne, %get3A_36, %get3A_38 : i32
    %and3A_40 = arith.andi %gt3A_34, %ne3A_39 : i1
    %convert_element_type3A_41 = arith.extui %and3A_40 : i1 to i32
    %add3A_42 = arith.addi %add3A_32, %convert_element_type3A_41 : i32
    %gt3A_43 = arith.constant 5 : i32
    %gt3A_44 = arith.cmpi sgt, %get3A_0, %gt3A_43 : i32
    %get3A_45 = arith.constant 5 : index
    %get3A_46 = memref.load %arg1[%get3A_45] : memref<48xi32, #tpu.memory_space<smem>>
    %get3A_47 = arith.constant 4 : index
    %get3A_48 = memref.load %arg1[%get3A_47] : memref<48xi32, #tpu.memory_space<smem>>
    %ne3A_49 = arith.cmpi ne, %get3A_46, %get3A_48 : i32
    %and3A_50 = arith.andi %gt3A_44, %ne3A_49 : i1
    %convert_element_type3A_51 = arith.extui %and3A_50 : i1 to i32
    %add3A_52 = arith.addi %add3A_42, %convert_element_type3A_51 : i32
    %gt3A_53 = arith.constant 6 : i32
    %gt3A_54 = arith.cmpi sgt, %get3A_0, %gt3A_53 : i32
    %get3A_55 = arith.constant 6 : index
    %get3A_56 = memref.load %arg1[%get3A_55] : memref<48xi32, #tpu.memory_space<smem>>
    %get3A_57 = arith.constant 5 : index
    %get3A_58 = memref.load %arg1[%get3A_57] : memref<48xi32, #tpu.memory_space<smem>>
    %ne3A_59 = arith.cmpi ne, %get3A_56, %get3A_58 : i32
    %and3A_60 = arith.andi %gt3A_54, %ne3A_59 : i1
    %convert_element_type3A_61 = arith.extui %and3A_60 : i1 to i32
    %add3A_62 = arith.addi %add3A_52, %convert_element_type3A_61 : i32
    %gt3A_63 = arith.constant 7 : i32
    %gt3A_64 = arith.cmpi sgt, %get3A_0, %gt3A_63 : i32
    %get3A_65 = arith.constant 7 : index
    %get3A_66 = memref.load %arg1[%get3A_65] : memref<48xi32, #tpu.memory_space<smem>>
    %get3A_67 = arith.constant 6 : index
    %get3A_68 = memref.load %arg1[%get3A_67] : memref<48xi32, #tpu.memory_space<smem>>
    %ne3A_69 = arith.cmpi ne, %get3A_66, %get3A_68 : i32
    %and3A_70 = arith.andi %gt3A_64, %ne3A_69 : i1
    %convert_element_type3A_71 = arith.extui %and3A_70 : i1 to i32
    %add3A_72 = arith.addi %add3A_62, %convert_element_type3A_71 : i32
    %gt3A_73 = arith.constant 8 : i32
    %gt3A_74 = arith.cmpi sgt, %get3A_0, %gt3A_73 : i32
    %get3A_75 = arith.constant 8 : index
    %get3A_76 = memref.load %arg1[%get3A_75] : memref<48xi32, #tpu.memory_space<smem>>
    %get3A_77 = arith.constant 7 : index
    %get3A_78 = memref.load %arg1[%get3A_77] : memref<48xi32, #tpu.memory_space<smem>>
    %ne3A_79 = arith.cmpi ne, %get3A_76, %get3A_78 : i32
    %and3A_80 = arith.andi %gt3A_74, %ne3A_79 : i1
    %convert_element_type3A_81 = arith.extui %and3A_80 : i1 to i32
    %add3A_82 = arith.addi %add3A_72, %convert_element_type3A_81 : i32
    %gt3A_83 = arith.constant 9 : i32
    %gt3A_84 = arith.cmpi sgt, %get3A_0, %gt3A_83 : i32
    %get3A_85 = arith.constant 9 : index
    %get3A_86 = memref.load %arg1[%get3A_85] : memref<48xi32, #tpu.memory_space<smem>>
    %get3A_87 = arith.constant 8 : index
    %get3A_88 = memref.load %arg1[%get3A_87] : memref<48xi32, #tpu.memory_space<smem>>
    %ne3A_89 = arith.cmpi ne, %get3A_86, %get3A_88 : i32
    %and3A_90 = arith.andi %gt3A_84, %ne3A_89 : i1
    %convert_element_type3A_91 = arith.extui %and3A_90 : i1 to i32
    %add3A_92 = arith.addi %add3A_82, %convert_element_type3A_91 : i32
    %gt3A_93 = arith.constant 10 : i32
    %gt3A_94 = arith.cmpi sgt, %get3A_0, %gt3A_93 : i32
    %get3A_95 = arith.constant 10 : index
    %get3A_96 = memref.load %arg1[%get3A_95] : memref<48xi32, #tpu.memory_space<smem>>
    %get3A_97 = arith.constant 9 : index
    %get3A_98 = memref.load %arg1[%get3A_97] : memref<48xi32, #tpu.memory_space<smem>>
    %ne3A_99 = arith.cmpi ne, %get3A_96, %get3A_98 : i32
    %and3A_100 = arith.andi %gt3A_94, %ne3A_99 : i1
    %convert_element_type3A_101 = arith.extui %and3A_100 : i1 to i32
    %add3A_102 = arith.addi %add3A_92, %convert_element_type3A_101 : i32
    %gt3A_103 = arith.constant 11 : i32
    %gt3A_104 = arith.cmpi sgt, %get3A_0, %gt3A_103 : i32
    %get3A_105 = arith.constant 11 : index
    %get3A_106 = memref.load %arg1[%get3A_105] : memref<48xi32, #tpu.memory_space<smem>>
    %get3A_107 = arith.constant 10 : index
    %get3A_108 = memref.load %arg1[%get3A_107] : memref<48xi32, #tpu.memory_space<smem>>
    %ne3A_109 = arith.cmpi ne, %get3A_106, %get3A_108 : i32
    %and3A_110 = arith.andi %gt3A_104, %ne3A_109 : i1
    %convert_element_type3A_111 = arith.extui %and3A_110 : i1 to i32
    %add3A_112 = arith.addi %add3A_102, %convert_element_type3A_111 : i32
    %gt3A_113 = arith.constant 12 : i32
    %gt3A_114 = arith.cmpi sgt, %get3A_0, %gt3A_113 : i32
    %get3A_115 = arith.constant 12 : index
    %get3A_116 = memref.load %arg1[%get3A_115] : memref<48xi32, #tpu.memory_space<smem>>
    %get3A_117 = arith.constant 11 : index
    %get3A_118 = memref.load %arg1[%get3A_117] : memref<48xi32, #tpu.memory_space<smem>>
    %ne3A_119 = arith.cmpi ne, %get3A_116, %get3A_118 : i32
    %and3A_120 = arith.andi %gt3A_114, %ne3A_119 : i1
    %convert_element_type3A_121 = arith.extui %and3A_120 : i1 to i32
    %add3A_122 = arith.addi %add3A_112, %convert_element_type3A_121 : i32
    %gt3A_123 = arith.constant 13 : i32
    %gt3A_124 = arith.cmpi sgt, %get3A_0, %gt3A_123 : i32
    %get3A_125 = arith.constant 13 : index
    %get3A_126 = memref.load %arg1[%get3A_125] : memref<48xi32, #tpu.memory_space<smem>>
    %get3A_127 = arith.constant 12 : index
    %get3A_128 = memref.load %arg1[%get3A_127] : memref<48xi32, #tpu.memory_space<smem>>
    %ne3A_129 = arith.cmpi ne, %get3A_126, %get3A_128 : i32
    %and3A_130 = arith.andi %gt3A_124, %ne3A_129 : i1
    %convert_element_type3A_131 = arith.extui %and3A_130 : i1 to i32
    %add3A_132 = arith.addi %add3A_122, %convert_element_type3A_131 : i32
    %gt3A_133 = arith.constant 14 : i32
    %gt3A_134 = arith.cmpi sgt, %get3A_0, %gt3A_133 : i32
    %get3A_135 = arith.constant 14 : index
    %get3A_136 = memref.load %arg1[%get3A_135] : memref<48xi32, #tpu.memory_space<smem>>
    %get3A_137 = arith.constant 13 : index
    %get3A_138 = memref.load %arg1[%get3A_137] : memref<48xi32, #tpu.memory_space<smem>>
    %ne3A_139 = arith.cmpi ne, %get3A_136, %get3A_138 : i32
    %and3A_140 = arith.andi %gt3A_134, %ne3A_139 : i1
    %convert_element_type3A_141 = arith.extui %and3A_140 : i1 to i32
    %add3A_142 = arith.addi %add3A_132, %convert_element_type3A_141 : i32
    %gt3A_143 = arith.constant 15 : i32
    %gt3A_144 = arith.cmpi sgt, %get3A_0, %gt3A_143 : i32
    %get3A_145 = arith.constant 15 : index
    %get3A_146 = memref.load %arg1[%get3A_145] : memref<48xi32, #tpu.memory_space<smem>>
    %get3A_147 = arith.constant 14 : index
    %get3A_148 = memref.load %arg1[%get3A_147] : memref<48xi32, #tpu.memory_space<smem>>
    %ne3A_149 = arith.cmpi ne, %get3A_146, %get3A_148 : i32
    %and3A_150 = arith.andi %gt3A_144, %ne3A_149 : i1
    %convert_element_type3A_151 = arith.extui %and3A_150 : i1 to i32
    %add3A_152 = arith.addi %add3A_142, %convert_element_type3A_151 : i32
    %gt3A_153 = arith.constant 16 : i32
    %gt3A_154 = arith.cmpi sgt, %get3A_0, %gt3A_153 : i32
    %get3A_155 = arith.constant 16 : index
    %get3A_156 = memref.load %arg1[%get3A_155] : memref<48xi32, #tpu.memory_space<smem>>
    %get3A_157 = arith.constant 15 : index
    %get3A_158 = memref.load %arg1[%get3A_157] : memref<48xi32, #tpu.memory_space<smem>>
    %ne3A_159 = arith.cmpi ne, %get3A_156, %get3A_158 : i32
    %and3A_160 = arith.andi %gt3A_154, %ne3A_159 : i1
    %convert_element_type3A_161 = arith.extui %and3A_160 : i1 to i32
    %add3A_162 = arith.addi %add3A_152, %convert_element_type3A_161 : i32
    %gt3A_163 = arith.constant 17 : i32
    %gt3A_164 = arith.cmpi sgt, %get3A_0, %gt3A_163 : i32
    %get3A_165 = arith.constant 17 : index
    %get3A_166 = memref.load %arg1[%get3A_165] : memref<48xi32, #tpu.memory_space<smem>>
    %get3A_167 = arith.constant 16 : index
    %get3A_168 = memref.load %arg1[%get3A_167] : memref<48xi32, #tpu.memory_space<smem>>
    %ne3A_169 = arith.cmpi ne, %get3A_166, %get3A_168 : i32
    %and3A_170 = arith.andi %gt3A_164, %ne3A_169 : i1
    %convert_element_type3A_171 = arith.extui %and3A_170 : i1 to i32
    %add3A_172 = arith.addi %add3A_162, %convert_element_type3A_171 : i32
    %gt3A_173 = arith.constant 18 : i32
    %gt3A_174 = arith.cmpi sgt, %get3A_0, %gt3A_173 : i32
    %get3A_175 = arith.constant 18 : index
    %get3A_176 = memref.load %arg1[%get3A_175] : memref<48xi32, #tpu.memory_space<smem>>
    %get3A_177 = arith.constant 17 : index
    %get3A_178 = memref.load %arg1[%get3A_177] : memref<48xi32, #tpu.memory_space<smem>>
    %ne3A_179 = arith.cmpi ne, %get3A_176, %get3A_178 : i32
    %and3A_180 = arith.andi %gt3A_174, %ne3A_179 : i1
    %convert_element_type3A_181 = arith.extui %and3A_180 : i1 to i32
    %add3A_182 = arith.addi %add3A_172, %convert_element_type3A_181 : i32
    %gt3A_183 = arith.constant 19 : i32
    %gt3A_184 = arith.cmpi sgt, %get3A_0, %gt3A_183 : i32
    %get3A_185 = arith.constant 19 : index
    %get3A_186 = memref.load %arg1[%get3A_185] : memref<48xi32, #tpu.memory_space<smem>>
    %get3A_187 = arith.constant 18 : index
    %get3A_188 = memref.load %arg1[%get3A_187] : memref<48xi32, #tpu.memory_space<smem>>
    %ne3A_189 = arith.cmpi ne, %get3A_186, %get3A_188 : i32
    %and3A_190 = arith.andi %gt3A_184, %ne3A_189 : i1
    %convert_element_type3A_191 = arith.extui %and3A_190 : i1 to i32
    %add3A_192 = arith.addi %add3A_182, %convert_element_type3A_191 : i32
    %gt3A_193 = arith.constant 20 : i32
    %gt3A_194 = arith.cmpi sgt, %get3A_0, %gt3A_193 : i32
    %get3A_195 = arith.constant 20 : index
    %get3A_196 = memref.load %arg1[%get3A_195] : memref<48xi32, #tpu.memory_space<smem>>
    %get3A_197 = arith.constant 19 : index
    %get3A_198 = memref.load %arg1[%get3A_197] : memref<48xi32, #tpu.memory_space<smem>>
    %ne3A_199 = arith.cmpi ne, %get3A_196, %get3A_198 : i32
    %and3A_200 = arith.andi %gt3A_194, %ne3A_199 : i1
    %convert_element_type3A_201 = arith.extui %and3A_200 : i1 to i32
    %add3A_202 = arith.addi %add3A_192, %convert_element_type3A_201 : i32
    %gt3A_203 = arith.constant 21 : i32
    %gt3A_204 = arith.cmpi sgt, %get3A_0, %gt3A_203 : i32
    %get3A_205 = arith.constant 21 : index
    %get3A_206 = memref.load %arg1[%get3A_205] : memref<48xi32, #tpu.memory_space<smem>>
    %get3A_207 = arith.constant 20 : index
    %get3A_208 = memref.load %arg1[%get3A_207] : memref<48xi32, #tpu.memory_space<smem>>
    %ne3A_209 = arith.cmpi ne, %get3A_206, %get3A_208 : i32
    %and3A_210 = arith.andi %gt3A_204, %ne3A_209 : i1
    %convert_element_type3A_211 = arith.extui %and3A_210 : i1 to i32
    %add3A_212 = arith.addi %add3A_202, %convert_element_type3A_211 : i32
    %gt3A_213 = arith.constant 22 : i32
    %gt3A_214 = arith.cmpi sgt, %get3A_0, %gt3A_213 : i32
    %get3A_215 = arith.constant 22 : index
    %get3A_216 = memref.load %arg1[%get3A_215] : memref<48xi32, #tpu.memory_space<smem>>
    %get3A_217 = arith.constant 21 : index
    %get3A_218 = memref.load %arg1[%get3A_217] : memref<48xi32, #tpu.memory_space<smem>>
    %ne3A_219 = arith.cmpi ne, %get3A_216, %get3A_218 : i32
    %and3A_220 = arith.andi %gt3A_214, %ne3A_219 : i1
    %convert_element_type3A_221 = arith.extui %and3A_220 : i1 to i32
    %add3A_222 = arith.addi %add3A_212, %convert_element_type3A_221 : i32
    %gt3A_223 = arith.constant 23 : i32
    %gt3A_224 = arith.cmpi sgt, %get3A_0, %gt3A_223 : i32
    %get3A_225 = arith.constant 23 : index
    %get3A_226 = memref.load %arg1[%get3A_225] : memref<48xi32, #tpu.memory_space<smem>>
    %get3A_227 = arith.constant 22 : index
    %get3A_228 = memref.load %arg1[%get3A_227] : memref<48xi32, #tpu.memory_space<smem>>
    %ne3A_229 = arith.cmpi ne, %get3A_226, %get3A_228 : i32
    %and3A_230 = arith.andi %gt3A_224, %ne3A_229 : i1
    %convert_element_type3A_231 = arith.extui %and3A_230 : i1 to i32
    %add3A_232 = arith.addi %add3A_222, %convert_element_type3A_231 : i32
    %eq3A = arith.constant 0 : i32
    %eq3A_233 = arith.cmpi eq, %arg0, %eq3A : i32
    %jit3A = arith.constant 0 : i32
    %select_n3A = arith.select %eq3A_233, %add3A_3, %jit3A : i32
    %eq3A_234 = arith.constant 1 : i32
    %eq3A_235 = arith.cmpi eq, %arg0, %eq3A_234 : i32
    %select_n3A_236 = arith.select %eq3A_235, %add3A_12, %select_n3A : i32
    %eq3A_237 = arith.constant 2 : i32
    %eq3A_238 = arith.cmpi eq, %arg0, %eq3A_237 : i32
    %select_n3A_239 = arith.select %eq3A_238, %add3A_22, %select_n3A_236 : i32
    %eq3A_240 = arith.constant 3 : i32
    %eq3A_241 = arith.cmpi eq, %arg0, %eq3A_240 : i32
    %select_n3A_242 = arith.select %eq3A_241, %add3A_32, %select_n3A_239 : i32
    %eq3A_243 = arith.constant 4 : i32
    %eq3A_244 = arith.cmpi eq, %arg0, %eq3A_243 : i32
    %select_n3A_245 = arith.select %eq3A_244, %add3A_42, %select_n3A_242 : i32
    %eq3A_246 = arith.constant 5 : i32
    %eq3A_247 = arith.cmpi eq, %arg0, %eq3A_246 : i32
    %select_n3A_248 = arith.select %eq3A_247, %add3A_52, %select_n3A_245 : i32
    %eq3A_249 = arith.constant 6 : i32
    %eq3A_250 = arith.cmpi eq, %arg0, %eq3A_249 : i32
    %select_n3A_251 = arith.select %eq3A_250, %add3A_62, %select_n3A_248 : i32
    %eq3A_252 = arith.constant 7 : i32
    %eq3A_253 = arith.cmpi eq, %arg0, %eq3A_252 : i32
    %select_n3A_254 = arith.select %eq3A_253, %add3A_72, %select_n3A_251 : i32
    %eq3A_255 = arith.constant 8 : i32
    %eq3A_256 = arith.cmpi eq, %arg0, %eq3A_255 : i32
    %select_n3A_257 = arith.select %eq3A_256, %add3A_82, %select_n3A_254 : i32
    %eq3A_258 = arith.constant 9 : i32
    %eq3A_259 = arith.cmpi eq, %arg0, %eq3A_258 : i32
    %select_n3A_260 = arith.select %eq3A_259, %add3A_92, %select_n3A_257 : i32
    %eq3A_261 = arith.constant 10 : i32
    %eq3A_262 = arith.cmpi eq, %arg0, %eq3A_261 : i32
    %select_n3A_263 = arith.select %eq3A_262, %add3A_102, %select_n3A_260 : i32
    %eq3A_264 = arith.constant 11 : i32
    %eq3A_265 = arith.cmpi eq, %arg0, %eq3A_264 : i32
    %select_n3A_266 = arith.select %eq3A_265, %add3A_112, %select_n3A_263 : i32
    %eq3A_267 = arith.constant 12 : i32
    %eq3A_268 = arith.cmpi eq, %arg0, %eq3A_267 : i32
    %select_n3A_269 = arith.select %eq3A_268, %add3A_122, %select_n3A_266 : i32
    %eq3A_270 = arith.constant 13 : i32
    %eq3A_271 = arith.cmpi eq, %arg0, %eq3A_270 : i32
    %select_n3A_272 = arith.select %eq3A_271, %add3A_132, %select_n3A_269 : i32
    %eq3A_273 = arith.constant 14 : i32
    %eq3A_274 = arith.cmpi eq, %arg0, %eq3A_273 : i32
    %select_n3A_275 = arith.select %eq3A_274, %add3A_142, %select_n3A_272 : i32
    %eq3A_276 = arith.constant 15 : i32
    %eq3A_277 = arith.cmpi eq, %arg0, %eq3A_276 : i32
    %select_n3A_278 = arith.select %eq3A_277, %add3A_152, %select_n3A_275 : i32
    %eq3A_279 = arith.constant 16 : i32
    %eq3A_280 = arith.cmpi eq, %arg0, %eq3A_279 : i32
    %select_n3A_281 = arith.select %eq3A_280, %add3A_162, %select_n3A_278 : i32
    %eq3A_282 = arith.constant 17 : i32
    %eq3A_283 = arith.cmpi eq, %arg0, %eq3A_282 : i32
    %select_n3A_284 = arith.select %eq3A_283, %add3A_172, %select_n3A_281 : i32
    %eq3A_285 = arith.constant 18 : i32
    %eq3A_286 = arith.cmpi eq, %arg0, %eq3A_285 : i32
    %select_n3A_287 = arith.select %eq3A_286, %add3A_182, %select_n3A_284 : i32
    %eq3A_288 = arith.constant 19 : i32
    %eq3A_289 = arith.cmpi eq, %arg0, %eq3A_288 : i32
    %select_n3A_290 = arith.select %eq3A_289, %add3A_192, %select_n3A_287 : i32
    %eq3A_291 = arith.constant 20 : i32
    %eq3A_292 = arith.cmpi eq, %arg0, %eq3A_291 : i32
    %select_n3A_293 = arith.select %eq3A_292, %add3A_202, %select_n3A_290 : i32
    %eq3A_294 = arith.constant 21 : i32
    %eq3A_295 = arith.cmpi eq, %arg0, %eq3A_294 : i32
    %select_n3A_296 = arith.select %eq3A_295, %add3A_212, %select_n3A_293 : i32
    %eq3A_297 = arith.constant 22 : i32
    %eq3A_298 = arith.cmpi eq, %arg0, %eq3A_297 : i32
    %select_n3A_299 = arith.select %eq3A_298, %add3A_222, %select_n3A_296 : i32
    %eq3A_300 = arith.constant 23 : i32
    %eq3A_301 = arith.cmpi eq, %arg0, %eq3A_300 : i32
    %select_n3A_302 = arith.select %eq3A_301, %add3A_232, %select_n3A_299 : i32
    %eq3A_303 = arith.constant 0 : i32
    %eq3A_304 = arith.cmpi eq, %arg0, %eq3A_303 : i32
    %convert_element_type3A_305 = arith.extui %and3A_2 : i1 to i32
    %jit3A_306 = arith.constant 0 : i32
    %select_n3A_307 = arith.select %eq3A_304, %convert_element_type3A_305, %jit3A_306 : i32
    %eq3A_308 = arith.constant 1 : i32
    %eq3A_309 = arith.cmpi eq, %arg0, %eq3A_308 : i32
    %convert_element_type3A_310 = arith.extui %and3A_10 : i1 to i32
    %select_n3A_311 = arith.select %eq3A_309, %convert_element_type3A_310, %select_n3A_307 : i32
    %eq3A_312 = arith.constant 2 : i32
    %eq3A_313 = arith.cmpi eq, %arg0, %eq3A_312 : i32
    %convert_element_type3A_314 = arith.extui %and3A_20 : i1 to i32
    %select_n3A_315 = arith.select %eq3A_313, %convert_element_type3A_314, %select_n3A_311 : i32
    %eq3A_316 = arith.constant 3 : i32
    %eq3A_317 = arith.cmpi eq, %arg0, %eq3A_316 : i32
    %convert_element_type3A_318 = arith.extui %and3A_30 : i1 to i32
    %select_n3A_319 = arith.select %eq3A_317, %convert_element_type3A_318, %select_n3A_315 : i32
    %eq3A_320 = arith.constant 4 : i32
    %eq3A_321 = arith.cmpi eq, %arg0, %eq3A_320 : i32
    %convert_element_type3A_322 = arith.extui %and3A_40 : i1 to i32
    %select_n3A_323 = arith.select %eq3A_321, %convert_element_type3A_322, %select_n3A_319 : i32
    %eq3A_324 = arith.constant 5 : i32
    %eq3A_325 = arith.cmpi eq, %arg0, %eq3A_324 : i32
    %convert_element_type3A_326 = arith.extui %and3A_50 : i1 to i32
    %select_n3A_327 = arith.select %eq3A_325, %convert_element_type3A_326, %select_n3A_323 : i32
    %eq3A_328 = arith.constant 6 : i32
    %eq3A_329 = arith.cmpi eq, %arg0, %eq3A_328 : i32
    %convert_element_type3A_330 = arith.extui %and3A_60 : i1 to i32
    %select_n3A_331 = arith.select %eq3A_329, %convert_element_type3A_330, %select_n3A_327 : i32
    %eq3A_332 = arith.constant 7 : i32
    %eq3A_333 = arith.cmpi eq, %arg0, %eq3A_332 : i32
    %convert_element_type3A_334 = arith.extui %and3A_70 : i1 to i32
    %select_n3A_335 = arith.select %eq3A_333, %convert_element_type3A_334, %select_n3A_331 : i32
    %eq3A_336 = arith.constant 8 : i32
    %eq3A_337 = arith.cmpi eq, %arg0, %eq3A_336 : i32
    %convert_element_type3A_338 = arith.extui %and3A_80 : i1 to i32
    %select_n3A_339 = arith.select %eq3A_337, %convert_element_type3A_338, %select_n3A_335 : i32
    %eq3A_340 = arith.constant 9 : i32
    %eq3A_341 = arith.cmpi eq, %arg0, %eq3A_340 : i32
    %convert_element_type3A_342 = arith.extui %and3A_90 : i1 to i32
    %select_n3A_343 = arith.select %eq3A_341, %convert_element_type3A_342, %select_n3A_339 : i32
    %eq3A_344 = arith.constant 10 : i32
    %eq3A_345 = arith.cmpi eq, %arg0, %eq3A_344 : i32
    %convert_element_type3A_346 = arith.extui %and3A_100 : i1 to i32
    %select_n3A_347 = arith.select %eq3A_345, %convert_element_type3A_346, %select_n3A_343 : i32
    %eq3A_348 = arith.constant 11 : i32
    %eq3A_349 = arith.cmpi eq, %arg0, %eq3A_348 : i32
    %convert_element_type3A_350 = arith.extui %and3A_110 : i1 to i32
    %select_n3A_351 = arith.select %eq3A_349, %convert_element_type3A_350, %select_n3A_347 : i32
    %eq3A_352 = arith.constant 12 : i32
    %eq3A_353 = arith.cmpi eq, %arg0, %eq3A_352 : i32
    %convert_element_type3A_354 = arith.extui %and3A_120 : i1 to i32
    %select_n3A_355 = arith.select %eq3A_353, %convert_element_type3A_354, %select_n3A_351 : i32
    %eq3A_356 = arith.constant 13 : i32
    %eq3A_357 = arith.cmpi eq, %arg0, %eq3A_356 : i32
    %convert_element_type3A_358 = arith.extui %and3A_130 : i1 to i32
    %select_n3A_359 = arith.select %eq3A_357, %convert_element_type3A_358, %select_n3A_355 : i32
    %eq3A_360 = arith.constant 14 : i32
    %eq3A_361 = arith.cmpi eq, %arg0, %eq3A_360 : i32
    %convert_element_type3A_362 = arith.extui %and3A_140 : i1 to i32
    %select_n3A_363 = arith.select %eq3A_361, %convert_element_type3A_362, %select_n3A_359 : i32
    %eq3A_364 = arith.constant 15 : i32
    %eq3A_365 = arith.cmpi eq, %arg0, %eq3A_364 : i32
    %convert_element_type3A_366 = arith.extui %and3A_150 : i1 to i32
    %select_n3A_367 = arith.select %eq3A_365, %convert_element_type3A_366, %select_n3A_363 : i32
    %eq3A_368 = arith.constant 16 : i32
    %eq3A_369 = arith.cmpi eq, %arg0, %eq3A_368 : i32
    %convert_element_type3A_370 = arith.extui %and3A_160 : i1 to i32
    %select_n3A_371 = arith.select %eq3A_369, %convert_element_type3A_370, %select_n3A_367 : i32
    %eq3A_372 = arith.constant 17 : i32
    %eq3A_373 = arith.cmpi eq, %arg0, %eq3A_372 : i32
    %convert_element_type3A_374 = arith.extui %and3A_170 : i1 to i32
    %select_n3A_375 = arith.select %eq3A_373, %convert_element_type3A_374, %select_n3A_371 : i32
    %eq3A_376 = arith.constant 18 : i32
    %eq3A_377 = arith.cmpi eq, %arg0, %eq3A_376 : i32
    %convert_element_type3A_378 = arith.extui %and3A_180 : i1 to i32
    %select_n3A_379 = arith.select %eq3A_377, %convert_element_type3A_378, %select_n3A_375 : i32
    %eq3A_380 = arith.constant 19 : i32
    %eq3A_381 = arith.cmpi eq, %arg0, %eq3A_380 : i32
    %convert_element_type3A_382 = arith.extui %and3A_190 : i1 to i32
    %select_n3A_383 = arith.select %eq3A_381, %convert_element_type3A_382, %select_n3A_379 : i32
    %eq3A_384 = arith.constant 20 : i32
    %eq3A_385 = arith.cmpi eq, %arg0, %eq3A_384 : i32
    %convert_element_type3A_386 = arith.extui %and3A_200 : i1 to i32
    %select_n3A_387 = arith.select %eq3A_385, %convert_element_type3A_386, %select_n3A_383 : i32
    %eq3A_388 = arith.constant 21 : i32
    %eq3A_389 = arith.cmpi eq, %arg0, %eq3A_388 : i32
    %convert_element_type3A_390 = arith.extui %and3A_210 : i1 to i32
    %select_n3A_391 = arith.select %eq3A_389, %convert_element_type3A_390, %select_n3A_387 : i32
    %eq3A_392 = arith.constant 22 : i32
    %eq3A_393 = arith.cmpi eq, %arg0, %eq3A_392 : i32
    %convert_element_type3A_394 = arith.extui %and3A_220 : i1 to i32
    %select_n3A_395 = arith.select %eq3A_393, %convert_element_type3A_394, %select_n3A_391 : i32
    %eq3A_396 = arith.constant 23 : i32
    %eq3A_397 = arith.cmpi eq, %arg0, %eq3A_396 : i32
    %convert_element_type3A_398 = arith.extui %and3A_230 : i1 to i32
    %select_n3A_399 = arith.select %eq3A_397, %convert_element_type3A_398, %select_n3A_395 : i32
    %gt3A_400 = arith.constant 0 : i32
    %gt3A_401 = arith.cmpi sgt, %select_n3A_399, %gt3A_400 : i32
    %eq3A_402 = arith.constant 0 : i32
    %eq3A_403 = arith.cmpi eq, %arg0, %eq3A_402 : i32
    %convert_element_type3A_404 = arith.extui %eq3A_403 : i1 to i32
    %cond3A = arith.constant 0 : i32
    %cond3A_405 = arith.cmpi ne, %convert_element_type3A_404, %cond3A : i32
    scf.if %cond3A_405 {
      %eq3A_414 = arith.constant 0 : i32
      %eq3A_415 = arith.cmpi eq, %add3A_3, %eq3A_414 : i32
      %and3A_416 = arith.andi %and3A_2, %eq3A_415 : i1
      %get3A_417 = arith.constant 0 : index
      %get3A_418 = memref.load %arg1[%get3A_417] : memref<48xi32, #tpu.memory_space<smem>>
      %jit3A_419 = arith.constant 0 : i32
      %select_n3A_420 = arith.select %and3A_416, %get3A_418, %jit3A_419 : i32
      %or3A = arith.constant false
      %or3A_421 = arith.ori %or3A, %and3A_416 : i1
      %eq3A_422 = arith.constant 0 : i32
      %eq3A_423 = arith.cmpi eq, %add3A_12, %eq3A_422 : i32
      %and3A_424 = arith.andi %and3A_10, %eq3A_423 : i1
      %get3A_425 = arith.constant 1 : index
      %get3A_426 = memref.load %arg1[%get3A_425] : memref<48xi32, #tpu.memory_space<smem>>
      %select_n3A_427 = arith.select %and3A_424, %get3A_426, %select_n3A_420 : i32
      %or3A_428 = arith.ori %or3A_421, %and3A_424 : i1
      %eq3A_429 = arith.constant 0 : i32
      %eq3A_430 = arith.cmpi eq, %add3A_22, %eq3A_429 : i32
      %and3A_431 = arith.andi %and3A_20, %eq3A_430 : i1
      %get3A_432 = arith.constant 2 : index
      %get3A_433 = memref.load %arg1[%get3A_432] : memref<48xi32, #tpu.memory_space<smem>>
      %select_n3A_434 = arith.select %and3A_431, %get3A_433, %select_n3A_427 : i32
      %or3A_435 = arith.ori %or3A_428, %and3A_431 : i1
      %eq3A_436 = arith.constant 0 : i32
      %eq3A_437 = arith.cmpi eq, %add3A_32, %eq3A_436 : i32
      %and3A_438 = arith.andi %and3A_30, %eq3A_437 : i1
      %get3A_439 = arith.constant 3 : index
      %get3A_440 = memref.load %arg1[%get3A_439] : memref<48xi32, #tpu.memory_space<smem>>
      %select_n3A_441 = arith.select %and3A_438, %get3A_440, %select_n3A_434 : i32
      %or3A_442 = arith.ori %or3A_435, %and3A_438 : i1
      %eq3A_443 = arith.constant 0 : i32
      %eq3A_444 = arith.cmpi eq, %add3A_42, %eq3A_443 : i32
      %and3A_445 = arith.andi %and3A_40, %eq3A_444 : i1
      %get3A_446 = arith.constant 4 : index
      %get3A_447 = memref.load %arg1[%get3A_446] : memref<48xi32, #tpu.memory_space<smem>>
      %select_n3A_448 = arith.select %and3A_445, %get3A_447, %select_n3A_441 : i32
      %or3A_449 = arith.ori %or3A_442, %and3A_445 : i1
      %eq3A_450 = arith.constant 0 : i32
      %eq3A_451 = arith.cmpi eq, %add3A_52, %eq3A_450 : i32
      %and3A_452 = arith.andi %and3A_50, %eq3A_451 : i1
      %get3A_453 = arith.constant 5 : index
      %get3A_454 = memref.load %arg1[%get3A_453] : memref<48xi32, #tpu.memory_space<smem>>
      %select_n3A_455 = arith.select %and3A_452, %get3A_454, %select_n3A_448 : i32
      %or3A_456 = arith.ori %or3A_449, %and3A_452 : i1
      %eq3A_457 = arith.constant 0 : i32
      %eq3A_458 = arith.cmpi eq, %add3A_62, %eq3A_457 : i32
      %and3A_459 = arith.andi %and3A_60, %eq3A_458 : i1
      %get3A_460 = arith.constant 6 : index
      %get3A_461 = memref.load %arg1[%get3A_460] : memref<48xi32, #tpu.memory_space<smem>>
      %select_n3A_462 = arith.select %and3A_459, %get3A_461, %select_n3A_455 : i32
      %or3A_463 = arith.ori %or3A_456, %and3A_459 : i1
      %eq3A_464 = arith.constant 0 : i32
      %eq3A_465 = arith.cmpi eq, %add3A_72, %eq3A_464 : i32
      %and3A_466 = arith.andi %and3A_70, %eq3A_465 : i1
      %get3A_467 = arith.constant 7 : index
      %get3A_468 = memref.load %arg1[%get3A_467] : memref<48xi32, #tpu.memory_space<smem>>
      %select_n3A_469 = arith.select %and3A_466, %get3A_468, %select_n3A_462 : i32
      %or3A_470 = arith.ori %or3A_463, %and3A_466 : i1
      %eq3A_471 = arith.constant 0 : i32
      %eq3A_472 = arith.cmpi eq, %add3A_82, %eq3A_471 : i32
      %and3A_473 = arith.andi %and3A_80, %eq3A_472 : i1
      %get3A_474 = arith.constant 8 : index
      %get3A_475 = memref.load %arg1[%get3A_474] : memref<48xi32, #tpu.memory_space<smem>>
      %select_n3A_476 = arith.select %and3A_473, %get3A_475, %select_n3A_469 : i32
      %or3A_477 = arith.ori %or3A_470, %and3A_473 : i1
      %eq3A_478 = arith.constant 0 : i32
      %eq3A_479 = arith.cmpi eq, %add3A_92, %eq3A_478 : i32
      %and3A_480 = arith.andi %and3A_90, %eq3A_479 : i1
      %get3A_481 = arith.constant 9 : index
      %get3A_482 = memref.load %arg1[%get3A_481] : memref<48xi32, #tpu.memory_space<smem>>
      %select_n3A_483 = arith.select %and3A_480, %get3A_482, %select_n3A_476 : i32
      %or3A_484 = arith.ori %or3A_477, %and3A_480 : i1
      %eq3A_485 = arith.constant 0 : i32
      %eq3A_486 = arith.cmpi eq, %add3A_102, %eq3A_485 : i32
      %and3A_487 = arith.andi %and3A_100, %eq3A_486 : i1
      %get3A_488 = arith.constant 10 : index
      %get3A_489 = memref.load %arg1[%get3A_488] : memref<48xi32, #tpu.memory_space<smem>>
      %select_n3A_490 = arith.select %and3A_487, %get3A_489, %select_n3A_483 : i32
      %or3A_491 = arith.ori %or3A_484, %and3A_487 : i1
      %eq3A_492 = arith.constant 0 : i32
      %eq3A_493 = arith.cmpi eq, %add3A_112, %eq3A_492 : i32
      %and3A_494 = arith.andi %and3A_110, %eq3A_493 : i1
      %get3A_495 = arith.constant 11 : index
      %get3A_496 = memref.load %arg1[%get3A_495] : memref<48xi32, #tpu.memory_space<smem>>
      %select_n3A_497 = arith.select %and3A_494, %get3A_496, %select_n3A_490 : i32
      %or3A_498 = arith.ori %or3A_491, %and3A_494 : i1
      %eq3A_499 = arith.constant 0 : i32
      %eq3A_500 = arith.cmpi eq, %add3A_122, %eq3A_499 : i32
      %and3A_501 = arith.andi %and3A_120, %eq3A_500 : i1
      %get3A_502 = arith.constant 12 : index
      %get3A_503 = memref.load %arg1[%get3A_502] : memref<48xi32, #tpu.memory_space<smem>>
      %select_n3A_504 = arith.select %and3A_501, %get3A_503, %select_n3A_497 : i32
      %or3A_505 = arith.ori %or3A_498, %and3A_501 : i1
      %eq3A_506 = arith.constant 0 : i32
      %eq3A_507 = arith.cmpi eq, %add3A_132, %eq3A_506 : i32
      %and3A_508 = arith.andi %and3A_130, %eq3A_507 : i1
      %get3A_509 = arith.constant 13 : index
      %get3A_510 = memref.load %arg1[%get3A_509] : memref<48xi32, #tpu.memory_space<smem>>
      %select_n3A_511 = arith.select %and3A_508, %get3A_510, %select_n3A_504 : i32
      %or3A_512 = arith.ori %or3A_505, %and3A_508 : i1
      %eq3A_513 = arith.constant 0 : i32
      %eq3A_514 = arith.cmpi eq, %add3A_142, %eq3A_513 : i32
      %and3A_515 = arith.andi %and3A_140, %eq3A_514 : i1
      %get3A_516 = arith.constant 14 : index
      %get3A_517 = memref.load %arg1[%get3A_516] : memref<48xi32, #tpu.memory_space<smem>>
      %select_n3A_518 = arith.select %and3A_515, %get3A_517, %select_n3A_511 : i32
      %or3A_519 = arith.ori %or3A_512, %and3A_515 : i1
      %eq3A_520 = arith.constant 0 : i32
      %eq3A_521 = arith.cmpi eq, %add3A_152, %eq3A_520 : i32
      %and3A_522 = arith.andi %and3A_150, %eq3A_521 : i1
      %get3A_523 = arith.constant 15 : index
      %get3A_524 = memref.load %arg1[%get3A_523] : memref<48xi32, #tpu.memory_space<smem>>
      %select_n3A_525 = arith.select %and3A_522, %get3A_524, %select_n3A_518 : i32
      %or3A_526 = arith.ori %or3A_519, %and3A_522 : i1
      %eq3A_527 = arith.constant 0 : i32
      %eq3A_528 = arith.cmpi eq, %add3A_162, %eq3A_527 : i32
      %and3A_529 = arith.andi %and3A_160, %eq3A_528 : i1
      %get3A_530 = arith.constant 16 : index
      %get3A_531 = memref.load %arg1[%get3A_530] : memref<48xi32, #tpu.memory_space<smem>>
      %select_n3A_532 = arith.select %and3A_529, %get3A_531, %select_n3A_525 : i32
      %or3A_533 = arith.ori %or3A_526, %and3A_529 : i1
      %eq3A_534 = arith.constant 0 : i32
      %eq3A_535 = arith.cmpi eq, %add3A_172, %eq3A_534 : i32
      %and3A_536 = arith.andi %and3A_170, %eq3A_535 : i1
      %get3A_537 = arith.constant 17 : index
      %get3A_538 = memref.load %arg1[%get3A_537] : memref<48xi32, #tpu.memory_space<smem>>
      %select_n3A_539 = arith.select %and3A_536, %get3A_538, %select_n3A_532 : i32
      %or3A_540 = arith.ori %or3A_533, %and3A_536 : i1
      %eq3A_541 = arith.constant 0 : i32
      %eq3A_542 = arith.cmpi eq, %add3A_182, %eq3A_541 : i32
      %and3A_543 = arith.andi %and3A_180, %eq3A_542 : i1
      %get3A_544 = arith.constant 18 : index
      %get3A_545 = memref.load %arg1[%get3A_544] : memref<48xi32, #tpu.memory_space<smem>>
      %select_n3A_546 = arith.select %and3A_543, %get3A_545, %select_n3A_539 : i32
      %or3A_547 = arith.ori %or3A_540, %and3A_543 : i1
      %eq3A_548 = arith.constant 0 : i32
      %eq3A_549 = arith.cmpi eq, %add3A_192, %eq3A_548 : i32
      %and3A_550 = arith.andi %and3A_190, %eq3A_549 : i1
      %get3A_551 = arith.constant 19 : index
      %get3A_552 = memref.load %arg1[%get3A_551] : memref<48xi32, #tpu.memory_space<smem>>
      %select_n3A_553 = arith.select %and3A_550, %get3A_552, %select_n3A_546 : i32
      %or3A_554 = arith.ori %or3A_547, %and3A_550 : i1
      %eq3A_555 = arith.constant 0 : i32
      %eq3A_556 = arith.cmpi eq, %add3A_202, %eq3A_555 : i32
      %and3A_557 = arith.andi %and3A_200, %eq3A_556 : i1
      %get3A_558 = arith.constant 20 : index
      %get3A_559 = memref.load %arg1[%get3A_558] : memref<48xi32, #tpu.memory_space<smem>>
      %select_n3A_560 = arith.select %and3A_557, %get3A_559, %select_n3A_553 : i32
      %or3A_561 = arith.ori %or3A_554, %and3A_557 : i1
      %eq3A_562 = arith.constant 0 : i32
      %eq3A_563 = arith.cmpi eq, %add3A_212, %eq3A_562 : i32
      %and3A_564 = arith.andi %and3A_210, %eq3A_563 : i1
      %get3A_565 = arith.constant 21 : index
      %get3A_566 = memref.load %arg1[%get3A_565] : memref<48xi32, #tpu.memory_space<smem>>
      %select_n3A_567 = arith.select %and3A_564, %get3A_566, %select_n3A_560 : i32
      %or3A_568 = arith.ori %or3A_561, %and3A_564 : i1
      %eq3A_569 = arith.constant 0 : i32
      %eq3A_570 = arith.cmpi eq, %add3A_222, %eq3A_569 : i32
      %and3A_571 = arith.andi %and3A_220, %eq3A_570 : i1
      %get3A_572 = arith.constant 22 : index
      %get3A_573 = memref.load %arg1[%get3A_572] : memref<48xi32, #tpu.memory_space<smem>>
      %select_n3A_574 = arith.select %and3A_571, %get3A_573, %select_n3A_567 : i32
      %or3A_575 = arith.ori %or3A_568, %and3A_571 : i1
      %eq3A_576 = arith.constant 0 : i32
      %eq3A_577 = arith.cmpi eq, %add3A_232, %eq3A_576 : i32
      %and3A_578 = arith.andi %and3A_230, %eq3A_577 : i1
      %get3A_579 = arith.constant 23 : index
      %get3A_580 = memref.load %arg1[%get3A_579] : memref<48xi32, #tpu.memory_space<smem>>
      %select_n3A_581 = arith.select %and3A_578, %get3A_580, %select_n3A_574 : i32
      %or3A_582 = arith.ori %or3A_575, %and3A_578 : i1
      %convert_element_type3A_583 = arith.extui %or3A_582 : i1 to i32
      %cond3A_584 = arith.constant 0 : i32
      %cond3A_585 = arith.constant 0 : i32
      %cond3A_586 = arith.cmpi ne, %convert_element_type3A_583, %cond3A_585 : i32
      scf.if %cond3A_586 {
        %dma_start3A = tpu.memref_slice %arg13[%cond3A_584] : memref<2x!tpu.dma_semaphore, #tpu.memory_space<semaphore_mem>> -> memref<1x!tpu.dma_semaphore, #tpu.memory_space<semaphore_mem>>
        %dma_start3A_761 = tpu.memref_squeeze %dma_start3A : memref<1x!tpu.dma_semaphore, #tpu.memory_space<semaphore_mem>> -> memref<!tpu.dma_semaphore, #tpu.memory_space<semaphore_mem>>
        %dma_start3A_762 = arith.constant 0 : i32
        %dma_start3A_763 = arith.constant 0 : i32
        %dma_start3A_764 = tpu.memref_slice %arg9[%cond3A_584, %dma_start3A_762, %dma_start3A_763] : memref<2x768x1536xf32, #tpu.memory_space<vmem>> -> memref<1x768x1536xf32, #tpu.memory_space<vmem>>
        %dma_start3A_765 = tpu.memref_squeeze %dma_start3A_764 : memref<1x768x1536xf32, #tpu.memory_space<vmem>> -> memref<768x1536xf32, #tpu.memory_space<vmem>>
        %dma_start3A_766 = arith.constant 0 : i32
        %dma_start3A_767 = arith.constant 0 : i32
        %dma_start3A_768 = tpu.memref_slice %arg3[%select_n3A_581, %dma_start3A_766, %dma_start3A_767] : memref<8x768x1536xf32, #tpu.memory_space<any>> -> memref<1x768x1536xf32, #tpu.memory_space<any>>
        %dma_start3A_769 = tpu.memref_squeeze %dma_start3A_768 : memref<1x768x1536xf32, #tpu.memory_space<any>> -> memref<768x1536xf32, #tpu.memory_space<any>>
        tpu.enqueue_dma source(%dma_start3A_769 : memref<768x1536xf32, #tpu.memory_space<any>>) target(%dma_start3A_765 : memref<768x1536xf32, #tpu.memory_space<vmem>>) target_semaphore(%dma_start3A_761 : memref<!tpu.dma_semaphore, #tpu.memory_space<semaphore_mem>>)
        %dma_start3A_770 = tpu.memref_slice %arg13[%cond3A_584] : memref<2x!tpu.dma_semaphore, #tpu.memory_space<semaphore_mem>> -> memref<1x!tpu.dma_semaphore, #tpu.memory_space<semaphore_mem>>
        %dma_start3A_771 = tpu.memref_squeeze %dma_start3A_770 : memref<1x!tpu.dma_semaphore, #tpu.memory_space<semaphore_mem>> -> memref<!tpu.dma_semaphore, #tpu.memory_space<semaphore_mem>>
        %dma_start3A_772 = arith.constant 0 : i32
        %dma_start3A_773 = arith.constant 0 : i32
        %dma_start3A_774 = tpu.memref_slice %arg10[%cond3A_584, %dma_start3A_772, %dma_start3A_773] : memref<2x1536x768xf32, #tpu.memory_space<vmem>> -> memref<1x1536x768xf32, #tpu.memory_space<vmem>>
        %dma_start3A_775 = tpu.memref_squeeze %dma_start3A_774 : memref<1x1536x768xf32, #tpu.memory_space<vmem>> -> memref<1536x768xf32, #tpu.memory_space<vmem>>
        %dma_start3A_776 = arith.constant 0 : i32
        %dma_start3A_777 = arith.constant 0 : i32
        %dma_start3A_778 = tpu.memref_slice %arg5[%select_n3A_581, %dma_start3A_776, %dma_start3A_777] : memref<8x1536x768xf32, #tpu.memory_space<any>> -> memref<1x1536x768xf32, #tpu.memory_space<any>>
        %dma_start3A_779 = tpu.memref_squeeze %dma_start3A_778 : memref<1x1536x768xf32, #tpu.memory_space<any>> -> memref<1536x768xf32, #tpu.memory_space<any>>
        tpu.enqueue_dma source(%dma_start3A_779 : memref<1536x768xf32, #tpu.memory_space<any>>) target(%dma_start3A_775 : memref<1536x768xf32, #tpu.memory_space<vmem>>) target_semaphore(%dma_start3A_771 : memref<!tpu.dma_semaphore, #tpu.memory_space<semaphore_mem>>)
      } else {
      }
      %eq3A_587 = arith.constant 1 : i32
      %eq3A_588 = arith.cmpi eq, %add3A_3, %eq3A_587 : i32
      %and3A_589 = arith.andi %and3A_2, %eq3A_588 : i1
      %get3A_590 = arith.constant 0 : index
      %get3A_591 = memref.load %arg1[%get3A_590] : memref<48xi32, #tpu.memory_space<smem>>
      %jit3A_592 = arith.constant 0 : i32
      %select_n3A_593 = arith.select %and3A_589, %get3A_591, %jit3A_592 : i32
      %or3A_594 = arith.constant false
      %or3A_595 = arith.ori %or3A_594, %and3A_589 : i1
      %eq3A_596 = arith.constant 1 : i32
      %eq3A_597 = arith.cmpi eq, %add3A_12, %eq3A_596 : i32
      %and3A_598 = arith.andi %and3A_10, %eq3A_597 : i1
      %get3A_599 = arith.constant 1 : index
      %get3A_600 = memref.load %arg1[%get3A_599] : memref<48xi32, #tpu.memory_space<smem>>
      %select_n3A_601 = arith.select %and3A_598, %get3A_600, %select_n3A_593 : i32
      %or3A_602 = arith.ori %or3A_595, %and3A_598 : i1
      %eq3A_603 = arith.constant 1 : i32
      %eq3A_604 = arith.cmpi eq, %add3A_22, %eq3A_603 : i32
      %and3A_605 = arith.andi %and3A_20, %eq3A_604 : i1
      %get3A_606 = arith.constant 2 : index
      %get3A_607 = memref.load %arg1[%get3A_606] : memref<48xi32, #tpu.memory_space<smem>>
      %select_n3A_608 = arith.select %and3A_605, %get3A_607, %select_n3A_601 : i32
      %or3A_609 = arith.ori %or3A_602, %and3A_605 : i1
      %eq3A_610 = arith.constant 1 : i32
      %eq3A_611 = arith.cmpi eq, %add3A_32, %eq3A_610 : i32
      %and3A_612 = arith.andi %and3A_30, %eq3A_611 : i1
      %get3A_613 = arith.constant 3 : index
      %get3A_614 = memref.load %arg1[%get3A_613] : memref<48xi32, #tpu.memory_space<smem>>
      %select_n3A_615 = arith.select %and3A_612, %get3A_614, %select_n3A_608 : i32
      %or3A_616 = arith.ori %or3A_609, %and3A_612 : i1
      %eq3A_617 = arith.constant 1 : i32
      %eq3A_618 = arith.cmpi eq, %add3A_42, %eq3A_617 : i32
      %and3A_619 = arith.andi %and3A_40, %eq3A_618 : i1
      %get3A_620 = arith.constant 4 : index
      %get3A_621 = memref.load %arg1[%get3A_620] : memref<48xi32, #tpu.memory_space<smem>>
      %select_n3A_622 = arith.select %and3A_619, %get3A_621, %select_n3A_615 : i32
      %or3A_623 = arith.ori %or3A_616, %and3A_619 : i1
      %eq3A_624 = arith.constant 1 : i32
      %eq3A_625 = arith.cmpi eq, %add3A_52, %eq3A_624 : i32
      %and3A_626 = arith.andi %and3A_50, %eq3A_625 : i1
      %get3A_627 = arith.constant 5 : index
      %get3A_628 = memref.load %arg1[%get3A_627] : memref<48xi32, #tpu.memory_space<smem>>
      %select_n3A_629 = arith.select %and3A_626, %get3A_628, %select_n3A_622 : i32
      %or3A_630 = arith.ori %or3A_623, %and3A_626 : i1
      %eq3A_631 = arith.constant 1 : i32
      %eq3A_632 = arith.cmpi eq, %add3A_62, %eq3A_631 : i32
      %and3A_633 = arith.andi %and3A_60, %eq3A_632 : i1
      %get3A_634 = arith.constant 6 : index
      %get3A_635 = memref.load %arg1[%get3A_634] : memref<48xi32, #tpu.memory_space<smem>>
      %select_n3A_636 = arith.select %and3A_633, %get3A_635, %select_n3A_629 : i32
      %or3A_637 = arith.ori %or3A_630, %and3A_633 : i1
      %eq3A_638 = arith.constant 1 : i32
      %eq3A_639 = arith.cmpi eq, %add3A_72, %eq3A_638 : i32
      %and3A_640 = arith.andi %and3A_70, %eq3A_639 : i1
      %get3A_641 = arith.constant 7 : index
      %get3A_642 = memref.load %arg1[%get3A_641] : memref<48xi32, #tpu.memory_space<smem>>
      %select_n3A_643 = arith.select %and3A_640, %get3A_642, %select_n3A_636 : i32
      %or3A_644 = arith.ori %or3A_637, %and3A_640 : i1
      %eq3A_645 = arith.constant 1 : i32
      %eq3A_646 = arith.cmpi eq, %add3A_82, %eq3A_645 : i32
      %and3A_647 = arith.andi %and3A_80, %eq3A_646 : i1
      %get3A_648 = arith.constant 8 : index
      %get3A_649 = memref.load %arg1[%get3A_648] : memref<48xi32, #tpu.memory_space<smem>>
      %select_n3A_650 = arith.select %and3A_647, %get3A_649, %select_n3A_643 : i32
      %or3A_651 = arith.ori %or3A_644, %and3A_647 : i1
      %eq3A_652 = arith.constant 1 : i32
      %eq3A_653 = arith.cmpi eq, %add3A_92, %eq3A_652 : i32
      %and3A_654 = arith.andi %and3A_90, %eq3A_653 : i1
      %get3A_655 = arith.constant 9 : index
      %get3A_656 = memref.load %arg1[%get3A_655] : memref<48xi32, #tpu.memory_space<smem>>
      %select_n3A_657 = arith.select %and3A_654, %get3A_656, %select_n3A_650 : i32
      %or3A_658 = arith.ori %or3A_651, %and3A_654 : i1
      %eq3A_659 = arith.constant 1 : i32
      %eq3A_660 = arith.cmpi eq, %add3A_102, %eq3A_659 : i32
      %and3A_661 = arith.andi %and3A_100, %eq3A_660 : i1
      %get3A_662 = arith.constant 10 : index
      %get3A_663 = memref.load %arg1[%get3A_662] : memref<48xi32, #tpu.memory_space<smem>>
      %select_n3A_664 = arith.select %and3A_661, %get3A_663, %select_n3A_657 : i32
      %or3A_665 = arith.ori %or3A_658, %and3A_661 : i1
      %eq3A_666 = arith.constant 1 : i32
      %eq3A_667 = arith.cmpi eq, %add3A_112, %eq3A_666 : i32
      %and3A_668 = arith.andi %and3A_110, %eq3A_667 : i1
      %get3A_669 = arith.constant 11 : index
      %get3A_670 = memref.load %arg1[%get3A_669] : memref<48xi32, #tpu.memory_space<smem>>
      %select_n3A_671 = arith.select %and3A_668, %get3A_670, %select_n3A_664 : i32
      %or3A_672 = arith.ori %or3A_665, %and3A_668 : i1
      %eq3A_673 = arith.constant 1 : i32
      %eq3A_674 = arith.cmpi eq, %add3A_122, %eq3A_673 : i32
      %and3A_675 = arith.andi %and3A_120, %eq3A_674 : i1
      %get3A_676 = arith.constant 12 : index
      %get3A_677 = memref.load %arg1[%get3A_676] : memref<48xi32, #tpu.memory_space<smem>>
      %select_n3A_678 = arith.select %and3A_675, %get3A_677, %select_n3A_671 : i32
      %or3A_679 = arith.ori %or3A_672, %and3A_675 : i1
      %eq3A_680 = arith.constant 1 : i32
      %eq3A_681 = arith.cmpi eq, %add3A_132, %eq3A_680 : i32
      %and3A_682 = arith.andi %and3A_130, %eq3A_681 : i1
      %get3A_683 = arith.constant 13 : index
      %get3A_684 = memref.load %arg1[%get3A_683] : memref<48xi32, #tpu.memory_space<smem>>
      %select_n3A_685 = arith.select %and3A_682, %get3A_684, %select_n3A_678 : i32
      %or3A_686 = arith.ori %or3A_679, %and3A_682 : i1
      %eq3A_687 = arith.constant 1 : i32
      %eq3A_688 = arith.cmpi eq, %add3A_142, %eq3A_687 : i32
      %and3A_689 = arith.andi %and3A_140, %eq3A_688 : i1
      %get3A_690 = arith.constant 14 : index
      %get3A_691 = memref.load %arg1[%get3A_690] : memref<48xi32, #tpu.memory_space<smem>>
      %select_n3A_692 = arith.select %and3A_689, %get3A_691, %select_n3A_685 : i32
      %or3A_693 = arith.ori %or3A_686, %and3A_689 : i1
      %eq3A_694 = arith.constant 1 : i32
      %eq3A_695 = arith.cmpi eq, %add3A_152, %eq3A_694 : i32
      %and3A_696 = arith.andi %and3A_150, %eq3A_695 : i1
      %get3A_697 = arith.constant 15 : index
      %get3A_698 = memref.load %arg1[%get3A_697] : memref<48xi32, #tpu.memory_space<smem>>
      %select_n3A_699 = arith.select %and3A_696, %get3A_698, %select_n3A_692 : i32
      %or3A_700 = arith.ori %or3A_693, %and3A_696 : i1
      %eq3A_701 = arith.constant 1 : i32
      %eq3A_702 = arith.cmpi eq, %add3A_162, %eq3A_701 : i32
      %and3A_703 = arith.andi %and3A_160, %eq3A_702 : i1
      %get3A_704 = arith.constant 16 : index
      %get3A_705 = memref.load %arg1[%get3A_704] : memref<48xi32, #tpu.memory_space<smem>>
      %select_n3A_706 = arith.select %and3A_703, %get3A_705, %select_n3A_699 : i32
      %or3A_707 = arith.ori %or3A_700, %and3A_703 : i1
      %eq3A_708 = arith.constant 1 : i32
      %eq3A_709 = arith.cmpi eq, %add3A_172, %eq3A_708 : i32
      %and3A_710 = arith.andi %and3A_170, %eq3A_709 : i1
      %get3A_711 = arith.constant 17 : index
      %get3A_712 = memref.load %arg1[%get3A_711] : memref<48xi32, #tpu.memory_space<smem>>
      %select_n3A_713 = arith.select %and3A_710, %get3A_712, %select_n3A_706 : i32
      %or3A_714 = arith.ori %or3A_707, %and3A_710 : i1
      %eq3A_715 = arith.constant 1 : i32
      %eq3A_716 = arith.cmpi eq, %add3A_182, %eq3A_715 : i32
      %and3A_717 = arith.andi %and3A_180, %eq3A_716 : i1
      %get3A_718 = arith.constant 18 : index
      %get3A_719 = memref.load %arg1[%get3A_718] : memref<48xi32, #tpu.memory_space<smem>>
      %select_n3A_720 = arith.select %and3A_717, %get3A_719, %select_n3A_713 : i32
      %or3A_721 = arith.ori %or3A_714, %and3A_717 : i1
      %eq3A_722 = arith.constant 1 : i32
      %eq3A_723 = arith.cmpi eq, %add3A_192, %eq3A_722 : i32
      %and3A_724 = arith.andi %and3A_190, %eq3A_723 : i1
      %get3A_725 = arith.constant 19 : index
      %get3A_726 = memref.load %arg1[%get3A_725] : memref<48xi32, #tpu.memory_space<smem>>
      %select_n3A_727 = arith.select %and3A_724, %get3A_726, %select_n3A_720 : i32
      %or3A_728 = arith.ori %or3A_721, %and3A_724 : i1
      %eq3A_729 = arith.constant 1 : i32
      %eq3A_730 = arith.cmpi eq, %add3A_202, %eq3A_729 : i32
      %and3A_731 = arith.andi %and3A_200, %eq3A_730 : i1
      %get3A_732 = arith.constant 20 : index
      %get3A_733 = memref.load %arg1[%get3A_732] : memref<48xi32, #tpu.memory_space<smem>>
      %select_n3A_734 = arith.select %and3A_731, %get3A_733, %select_n3A_727 : i32
      %or3A_735 = arith.ori %or3A_728, %and3A_731 : i1
      %eq3A_736 = arith.constant 1 : i32
      %eq3A_737 = arith.cmpi eq, %add3A_212, %eq3A_736 : i32
      %and3A_738 = arith.andi %and3A_210, %eq3A_737 : i1
      %get3A_739 = arith.constant 21 : index
      %get3A_740 = memref.load %arg1[%get3A_739] : memref<48xi32, #tpu.memory_space<smem>>
      %select_n3A_741 = arith.select %and3A_738, %get3A_740, %select_n3A_734 : i32
      %or3A_742 = arith.ori %or3A_735, %and3A_738 : i1
      %eq3A_743 = arith.constant 1 : i32
      %eq3A_744 = arith.cmpi eq, %add3A_222, %eq3A_743 : i32
      %and3A_745 = arith.andi %and3A_220, %eq3A_744 : i1
      %get3A_746 = arith.constant 22 : index
      %get3A_747 = memref.load %arg1[%get3A_746] : memref<48xi32, #tpu.memory_space<smem>>
      %select_n3A_748 = arith.select %and3A_745, %get3A_747, %select_n3A_741 : i32
      %or3A_749 = arith.ori %or3A_742, %and3A_745 : i1
      %eq3A_750 = arith.constant 1 : i32
      %eq3A_751 = arith.cmpi eq, %add3A_232, %eq3A_750 : i32
      %and3A_752 = arith.andi %and3A_230, %eq3A_751 : i1
      %get3A_753 = arith.constant 23 : index
      %get3A_754 = memref.load %arg1[%get3A_753] : memref<48xi32, #tpu.memory_space<smem>>
      %select_n3A_755 = arith.select %and3A_752, %get3A_754, %select_n3A_748 : i32
      %or3A_756 = arith.ori %or3A_749, %and3A_752 : i1
      %convert_element_type3A_757 = arith.extui %or3A_756 : i1 to i32
      %cond3A_758 = arith.constant 1 : i32
      %cond3A_759 = arith.constant 0 : i32
      %cond3A_760 = arith.cmpi ne, %convert_element_type3A_757, %cond3A_759 : i32
      scf.if %cond3A_760 {
        %dma_start3A = tpu.memref_slice %arg13[%cond3A_758] : memref<2x!tpu.dma_semaphore, #tpu.memory_space<semaphore_mem>> -> memref<1x!tpu.dma_semaphore, #tpu.memory_space<semaphore_mem>>
        %dma_start3A_761 = tpu.memref_squeeze %dma_start3A : memref<1x!tpu.dma_semaphore, #tpu.memory_space<semaphore_mem>> -> memref<!tpu.dma_semaphore, #tpu.memory_space<semaphore_mem>>
        %dma_start3A_762 = arith.constant 0 : i32
        %dma_start3A_763 = arith.constant 0 : i32
        %dma_start3A_764 = tpu.memref_slice %arg9[%cond3A_758, %dma_start3A_762, %dma_start3A_763] : memref<2x768x1536xf32, #tpu.memory_space<vmem>> -> memref<1x768x1536xf32, #tpu.memory_space<vmem>>
        %dma_start3A_765 = tpu.memref_squeeze %dma_start3A_764 : memref<1x768x1536xf32, #tpu.memory_space<vmem>> -> memref<768x1536xf32, #tpu.memory_space<vmem>>
        %dma_start3A_766 = arith.constant 0 : i32
        %dma_start3A_767 = arith.constant 0 : i32
        %dma_start3A_768 = tpu.memref_slice %arg3[%select_n3A_755, %dma_start3A_766, %dma_start3A_767] : memref<8x768x1536xf32, #tpu.memory_space<any>> -> memref<1x768x1536xf32, #tpu.memory_space<any>>
        %dma_start3A_769 = tpu.memref_squeeze %dma_start3A_768 : memref<1x768x1536xf32, #tpu.memory_space<any>> -> memref<768x1536xf32, #tpu.memory_space<any>>
        tpu.enqueue_dma source(%dma_start3A_769 : memref<768x1536xf32, #tpu.memory_space<any>>) target(%dma_start3A_765 : memref<768x1536xf32, #tpu.memory_space<vmem>>) target_semaphore(%dma_start3A_761 : memref<!tpu.dma_semaphore, #tpu.memory_space<semaphore_mem>>)
        %dma_start3A_770 = tpu.memref_slice %arg13[%cond3A_758] : memref<2x!tpu.dma_semaphore, #tpu.memory_space<semaphore_mem>> -> memref<1x!tpu.dma_semaphore, #tpu.memory_space<semaphore_mem>>
        %dma_start3A_771 = tpu.memref_squeeze %dma_start3A_770 : memref<1x!tpu.dma_semaphore, #tpu.memory_space<semaphore_mem>> -> memref<!tpu.dma_semaphore, #tpu.memory_space<semaphore_mem>>
        %dma_start3A_772 = arith.constant 0 : i32
        %dma_start3A_773 = arith.constant 0 : i32
        %dma_start3A_774 = tpu.memref_slice %arg10[%cond3A_758, %dma_start3A_772, %dma_start3A_773] : memref<2x1536x768xf32, #tpu.memory_space<vmem>> -> memref<1x1536x768xf32, #tpu.memory_space<vmem>>
        %dma_start3A_775 = tpu.memref_squeeze %dma_start3A_774 : memref<1x1536x768xf32, #tpu.memory_space<vmem>> -> memref<1536x768xf32, #tpu.memory_space<vmem>>
        %dma_start3A_776 = arith.constant 0 : i32
        %dma_start3A_777 = arith.constant 0 : i32
        %dma_start3A_778 = tpu.memref_slice %arg5[%select_n3A_755, %dma_start3A_776, %dma_start3A_777] : memref<8x1536x768xf32, #tpu.memory_space<any>> -> memref<1x1536x768xf32, #tpu.memory_space<any>>
        %dma_start3A_779 = tpu.memref_squeeze %dma_start3A_778 : memref<1x1536x768xf32, #tpu.memory_space<any>> -> memref<1536x768xf32, #tpu.memory_space<any>>
        tpu.enqueue_dma source(%dma_start3A_779 : memref<1536x768xf32, #tpu.memory_space<any>>) target(%dma_start3A_775 : memref<1536x768xf32, #tpu.memory_space<vmem>>) target_semaphore(%dma_start3A_771 : memref<!tpu.dma_semaphore, #tpu.memory_space<semaphore_mem>>)
      } else {
      }
    } else {
    }
    %lt3A = arith.cmpi slt, %arg0, %get3A_0 : i32
    %and3A_406 = arith.andi %lt3A, %gt3A_401 : i1
    %convert_element_type3A_407 = arith.extui %and3A_406 : i1 to i32
    %cond3A_408 = arith.constant 0 : i32
    %cond3A_409 = arith.cmpi ne, %convert_element_type3A_407, %cond3A_408 : i32
    scf.if %cond3A_409 {
      %jit3A_414 = arith.constant 2 : i32
      %eq3A_415 = arith.constant 0 : i32
      %eq3A_416 = arith.cmpi eq, %jit3A_414, %eq3A_415 : i32
      %jit3A_417 = arith.constant 1 : i32
      %select_n3A_418 = arith.select %eq3A_416, %jit3A_417, %jit3A_414 : i32
      %rem3A = arith.remsi %select_n3A_302, %select_n3A_418 : i32
      %ne3A_419 = arith.constant 0 : i32
      %ne3A_420 = arith.cmpi ne, %rem3A, %ne3A_419 : i32
      %lt3A_421 = arith.constant 0 : i32
      %lt3A_422 = arith.cmpi slt, %rem3A, %lt3A_421 : i32
      %lt3A_423 = arith.constant 0 : i32
      %lt3A_424 = arith.cmpi slt, %select_n3A_418, %lt3A_423 : i32
      %ne3A_425 = arith.xori %lt3A_422, %lt3A_424 : i1
      %and3A_426 = arith.andi %ne3A_425, %ne3A_420 : i1
      %add3A_427 = arith.addi %rem3A, %select_n3A_418 : i32
      %select_n3A_428 = arith.select %and3A_426, %add3A_427, %rem3A : i32
      %get3A_429 = arith.index_cast %arg0 : i32 to index
      %get3A_430 = memref.load %arg1[%get3A_429] : memref<48xi32, #tpu.memory_space<smem>>
      %dma_wait3A = tpu.memref_slice %arg13[%select_n3A_428] : memref<2x!tpu.dma_semaphore, #tpu.memory_space<semaphore_mem>> -> memref<1x!tpu.dma_semaphore, #tpu.memory_space<semaphore_mem>>
      %dma_wait3A_431 = tpu.memref_squeeze %dma_wait3A : memref<1x!tpu.dma_semaphore, #tpu.memory_space<semaphore_mem>> -> memref<!tpu.dma_semaphore, #tpu.memory_space<semaphore_mem>>
      %dma_wait3A_432 = arith.constant 0 : i32
      %dma_wait3A_433 = arith.constant 0 : i32
      %dma_wait3A_434 = tpu.memref_slice %arg9[%select_n3A_428, %dma_wait3A_432, %dma_wait3A_433] : memref<2x768x1536xf32, #tpu.memory_space<vmem>> -> memref<1x768x1536xf32, #tpu.memory_space<vmem>>
      %dma_wait3A_435 = tpu.memref_squeeze %dma_wait3A_434 : memref<1x768x1536xf32, #tpu.memory_space<vmem>> -> memref<768x1536xf32, #tpu.memory_space<vmem>>
      %dma_wait3A_436 = arith.constant 0 : i32
      %dma_wait3A_437 = arith.constant 0 : i32
      %dma_wait3A_438 = tpu.memref_slice %arg3[%get3A_430, %dma_wait3A_436, %dma_wait3A_437] : memref<8x768x1536xf32, #tpu.memory_space<any>> -> memref<1x768x1536xf32, #tpu.memory_space<any>>
      %dma_wait3A_439 = tpu.memref_squeeze %dma_wait3A_438 : memref<1x768x1536xf32, #tpu.memory_space<any>> -> memref<768x1536xf32, #tpu.memory_space<any>>
      tpu.wait_dma2 semaphore(%dma_wait3A_431 : memref<!tpu.dma_semaphore, #tpu.memory_space<semaphore_mem>>) src(%dma_wait3A_439 : memref<768x1536xf32, #tpu.memory_space<any>>) dst(%dma_wait3A_435 : memref<768x1536xf32, #tpu.memory_space<vmem>>)
      %dma_wait3A_440 = tpu.memref_slice %arg13[%select_n3A_428] : memref<2x!tpu.dma_semaphore, #tpu.memory_space<semaphore_mem>> -> memref<1x!tpu.dma_semaphore, #tpu.memory_space<semaphore_mem>>
      %dma_wait3A_441 = tpu.memref_squeeze %dma_wait3A_440 : memref<1x!tpu.dma_semaphore, #tpu.memory_space<semaphore_mem>> -> memref<!tpu.dma_semaphore, #tpu.memory_space<semaphore_mem>>
      %dma_wait3A_442 = arith.constant 0 : i32
      %dma_wait3A_443 = arith.constant 0 : i32
      %dma_wait3A_444 = tpu.memref_slice %arg10[%select_n3A_428, %dma_wait3A_442, %dma_wait3A_443] : memref<2x1536x768xf32, #tpu.memory_space<vmem>> -> memref<1x1536x768xf32, #tpu.memory_space<vmem>>
      %dma_wait3A_445 = tpu.memref_squeeze %dma_wait3A_444 : memref<1x1536x768xf32, #tpu.memory_space<vmem>> -> memref<1536x768xf32, #tpu.memory_space<vmem>>
      %dma_wait3A_446 = arith.constant 0 : i32
      %dma_wait3A_447 = arith.constant 0 : i32
      %dma_wait3A_448 = tpu.memref_slice %arg5[%get3A_430, %dma_wait3A_446, %dma_wait3A_447] : memref<8x1536x768xf32, #tpu.memory_space<any>> -> memref<1x1536x768xf32, #tpu.memory_space<any>>
      %dma_wait3A_449 = tpu.memref_squeeze %dma_wait3A_448 : memref<1x1536x768xf32, #tpu.memory_space<any>> -> memref<1536x768xf32, #tpu.memory_space<any>>
      tpu.wait_dma2 semaphore(%dma_wait3A_441 : memref<!tpu.dma_semaphore, #tpu.memory_space<semaphore_mem>>) src(%dma_wait3A_449 : memref<1536x768xf32, #tpu.memory_space<any>>) dst(%dma_wait3A_445 : memref<1536x768xf32, #tpu.memory_space<vmem>>)
      %get3A_450 = arith.index_cast %select_n3A_428 : i32 to index
      %get3A_451 = arith.constant 0 : index
      %get3A_452 = arith.constant 0 : index
      %get3A_453 = vector.load %arg9[%get3A_450, %get3A_451, %get3A_452] : memref<2x768x1536xf32, #tpu.memory_space<vmem>>, vector<1x768x1536xf32>
      %get3A_454 = vector.shape_cast %get3A_453 : vector<1x768x1536xf32> to vector<768x1536xf32>
      %convert_element_type3A_455 = arith.truncf %get3A_454 : vector<768x1536xf32> to vector<768x1536xbf16>
      %swap3A = arith.constant 0 : index
      %swap3A_456 = arith.constant 0 : index
      %swap3A_457 = vector.load %arg11[%swap3A, %swap3A_456] : memref<768x1536xbf16, #tpu.memory_space<vmem>>, vector<768x1536xbf16>
      tpu.vector_store %arg11[%swap3A, %swap3A_456], %convert_element_type3A_455 {strides = array<i32>} : memref<768x1536xbf16, #tpu.memory_space<vmem>>, vector<768x1536xbf16>,
      %get3A_458 = arith.index_cast %select_n3A_428 : i32 to index
      %get3A_459 = arith.constant 0 : index
      %get3A_460 = arith.constant 0 : index
      %get3A_461 = vector.load %arg10[%get3A_458, %get3A_459, %get3A_460] : memref<2x1536x768xf32, #tpu.memory_space<vmem>>, vector<1x1536x768xf32>
      %get3A_462 = vector.shape_cast %get3A_461 : vector<1x1536x768xf32> to vector<1536x768xf32>
      %convert_element_type3A_463 = arith.truncf %get3A_462 : vector<1536x768xf32> to vector<1536x768xbf16>
      %swap3A_464 = arith.constant 0 : index
      %swap3A_465 = arith.constant 0 : index
      %swap3A_466 = vector.load %arg12[%swap3A_464, %swap3A_465] : memref<1536x768xbf16, #tpu.memory_space<vmem>>, vector<1536x768xbf16>
      tpu.vector_store %arg12[%swap3A_464, %swap3A_465], %convert_element_type3A_463 {strides = array<i32>} : memref<1536x768xbf16, #tpu.memory_space<vmem>>, vector<1536x768xbf16>,
      %add3A_467 = arith.constant 2 : i32
      %add3A_468 = arith.addi %select_n3A_302, %add3A_467 : i32
      %eq3A_469 = arith.cmpi eq, %add3A_3, %add3A_468 : i32
      %and3A_470 = arith.andi %and3A_2, %eq3A_469 : i1
      %get3A_471 = arith.constant 0 : index
      %get3A_472 = memref.load %arg1[%get3A_471] : memref<48xi32, #tpu.memory_space<smem>>
      %jit3A_473 = arith.constant 0 : i32
      %select_n3A_474 = arith.select %and3A_470, %get3A_472, %jit3A_473 : i32
      %or3A = arith.constant false
      %or3A_475 = arith.ori %or3A, %and3A_470 : i1
      %eq3A_476 = arith.cmpi eq, %add3A_12, %add3A_468 : i32
      %and3A_477 = arith.andi %and3A_10, %eq3A_476 : i1
      %get3A_478 = arith.constant 1 : index
      %get3A_479 = memref.load %arg1[%get3A_478] : memref<48xi32, #tpu.memory_space<smem>>
      %select_n3A_480 = arith.select %and3A_477, %get3A_479, %select_n3A_474 : i32
      %or3A_481 = arith.ori %or3A_475, %and3A_477 : i1
      %eq3A_482 = arith.cmpi eq, %add3A_22, %add3A_468 : i32
      %and3A_483 = arith.andi %and3A_20, %eq3A_482 : i1
      %get3A_484 = arith.constant 2 : index
      %get3A_485 = memref.load %arg1[%get3A_484] : memref<48xi32, #tpu.memory_space<smem>>
      %select_n3A_486 = arith.select %and3A_483, %get3A_485, %select_n3A_480 : i32
      %or3A_487 = arith.ori %or3A_481, %and3A_483 : i1
      %eq3A_488 = arith.cmpi eq, %add3A_32, %add3A_468 : i32
      %and3A_489 = arith.andi %and3A_30, %eq3A_488 : i1
      %get3A_490 = arith.constant 3 : index
      %get3A_491 = memref.load %arg1[%get3A_490] : memref<48xi32, #tpu.memory_space<smem>>
      %select_n3A_492 = arith.select %and3A_489, %get3A_491, %select_n3A_486 : i32
      %or3A_493 = arith.ori %or3A_487, %and3A_489 : i1
      %eq3A_494 = arith.cmpi eq, %add3A_42, %add3A_468 : i32
      %and3A_495 = arith.andi %and3A_40, %eq3A_494 : i1
      %get3A_496 = arith.constant 4 : index
      %get3A_497 = memref.load %arg1[%get3A_496] : memref<48xi32, #tpu.memory_space<smem>>
      %select_n3A_498 = arith.select %and3A_495, %get3A_497, %select_n3A_492 : i32
      %or3A_499 = arith.ori %or3A_493, %and3A_495 : i1
      %eq3A_500 = arith.cmpi eq, %add3A_52, %add3A_468 : i32
      %and3A_501 = arith.andi %and3A_50, %eq3A_500 : i1
      %get3A_502 = arith.constant 5 : index
      %get3A_503 = memref.load %arg1[%get3A_502] : memref<48xi32, #tpu.memory_space<smem>>
      %select_n3A_504 = arith.select %and3A_501, %get3A_503, %select_n3A_498 : i32
      %or3A_505 = arith.ori %or3A_499, %and3A_501 : i1
      %eq3A_506 = arith.cmpi eq, %add3A_62, %add3A_468 : i32
      %and3A_507 = arith.andi %and3A_60, %eq3A_506 : i1
      %get3A_508 = arith.constant 6 : index
      %get3A_509 = memref.load %arg1[%get3A_508] : memref<48xi32, #tpu.memory_space<smem>>
      %select_n3A_510 = arith.select %and3A_507, %get3A_509, %select_n3A_504 : i32
      %or3A_511 = arith.ori %or3A_505, %and3A_507 : i1
      %eq3A_512 = arith.cmpi eq, %add3A_72, %add3A_468 : i32
      %and3A_513 = arith.andi %and3A_70, %eq3A_512 : i1
      %get3A_514 = arith.constant 7 : index
      %get3A_515 = memref.load %arg1[%get3A_514] : memref<48xi32, #tpu.memory_space<smem>>
      %select_n3A_516 = arith.select %and3A_513, %get3A_515, %select_n3A_510 : i32
      %or3A_517 = arith.ori %or3A_511, %and3A_513 : i1
      %eq3A_518 = arith.cmpi eq, %add3A_82, %add3A_468 : i32
      %and3A_519 = arith.andi %and3A_80, %eq3A_518 : i1
      %get3A_520 = arith.constant 8 : index
      %get3A_521 = memref.load %arg1[%get3A_520] : memref<48xi32, #tpu.memory_space<smem>>
      %select_n3A_522 = arith.select %and3A_519, %get3A_521, %select_n3A_516 : i32
      %or3A_523 = arith.ori %or3A_517, %and3A_519 : i1
      %eq3A_524 = arith.cmpi eq, %add3A_92, %add3A_468 : i32
      %and3A_525 = arith.andi %and3A_90, %eq3A_524 : i1
      %get3A_526 = arith.constant 9 : index
      %get3A_527 = memref.load %arg1[%get3A_526] : memref<48xi32, #tpu.memory_space<smem>>
      %select_n3A_528 = arith.select %and3A_525, %get3A_527, %select_n3A_522 : i32
      %or3A_529 = arith.ori %or3A_523, %and3A_525 : i1
      %eq3A_530 = arith.cmpi eq, %add3A_102, %add3A_468 : i32
      %and3A_531 = arith.andi %and3A_100, %eq3A_530 : i1
      %get3A_532 = arith.constant 10 : index
      %get3A_533 = memref.load %arg1[%get3A_532] : memref<48xi32, #tpu.memory_space<smem>>
      %select_n3A_534 = arith.select %and3A_531, %get3A_533, %select_n3A_528 : i32
      %or3A_535 = arith.ori %or3A_529, %and3A_531 : i1
      %eq3A_536 = arith.cmpi eq, %add3A_112, %add3A_468 : i32
      %and3A_537 = arith.andi %and3A_110, %eq3A_536 : i1
      %get3A_538 = arith.constant 11 : index
      %get3A_539 = memref.load %arg1[%get3A_538] : memref<48xi32, #tpu.memory_space<smem>>
      %select_n3A_540 = arith.select %and3A_537, %get3A_539, %select_n3A_534 : i32
      %or3A_541 = arith.ori %or3A_535, %and3A_537 : i1
      %eq3A_542 = arith.cmpi eq, %add3A_122, %add3A_468 : i32
      %and3A_543 = arith.andi %and3A_120, %eq3A_542 : i1
      %get3A_544 = arith.constant 12 : index
      %get3A_545 = memref.load %arg1[%get3A_544] : memref<48xi32, #tpu.memory_space<smem>>
      %select_n3A_546 = arith.select %and3A_543, %get3A_545, %select_n3A_540 : i32
      %or3A_547 = arith.ori %or3A_541, %and3A_543 : i1
      %eq3A_548 = arith.cmpi eq, %add3A_132, %add3A_468 : i32
      %and3A_549 = arith.andi %and3A_130, %eq3A_548 : i1
      %get3A_550 = arith.constant 13 : index
      %get3A_551 = memref.load %arg1[%get3A_550] : memref<48xi32, #tpu.memory_space<smem>>
      %select_n3A_552 = arith.select %and3A_549, %get3A_551, %select_n3A_546 : i32
      %or3A_553 = arith.ori %or3A_547, %and3A_549 : i1
      %eq3A_554 = arith.cmpi eq, %add3A_142, %add3A_468 : i32
      %and3A_555 = arith.andi %and3A_140, %eq3A_554 : i1
      %get3A_556 = arith.constant 14 : index
      %get3A_557 = memref.load %arg1[%get3A_556] : memref<48xi32, #tpu.memory_space<smem>>
      %select_n3A_558 = arith.select %and3A_555, %get3A_557, %select_n3A_552 : i32
      %or3A_559 = arith.ori %or3A_553, %and3A_555 : i1
      %eq3A_560 = arith.cmpi eq, %add3A_152, %add3A_468 : i32
      %and3A_561 = arith.andi %and3A_150, %eq3A_560 : i1
      %get3A_562 = arith.constant 15 : index
      %get3A_563 = memref.load %arg1[%get3A_562] : memref<48xi32, #tpu.memory_space<smem>>
      %select_n3A_564 = arith.select %and3A_561, %get3A_563, %select_n3A_558 : i32
      %or3A_565 = arith.ori %or3A_559, %and3A_561 : i1
      %eq3A_566 = arith.cmpi eq, %add3A_162, %add3A_468 : i32
      %and3A_567 = arith.andi %and3A_160, %eq3A_566 : i1
      %get3A_568 = arith.constant 16 : index
      %get3A_569 = memref.load %arg1[%get3A_568] : memref<48xi32, #tpu.memory_space<smem>>
      %select_n3A_570 = arith.select %and3A_567, %get3A_569, %select_n3A_564 : i32
      %or3A_571 = arith.ori %or3A_565, %and3A_567 : i1
      %eq3A_572 = arith.cmpi eq, %add3A_172, %add3A_468 : i32
      %and3A_573 = arith.andi %and3A_170, %eq3A_572 : i1
      %get3A_574 = arith.constant 17 : index
      %get3A_575 = memref.load %arg1[%get3A_574] : memref<48xi32, #tpu.memory_space<smem>>
      %select_n3A_576 = arith.select %and3A_573, %get3A_575, %select_n3A_570 : i32
      %or3A_577 = arith.ori %or3A_571, %and3A_573 : i1
      %eq3A_578 = arith.cmpi eq, %add3A_182, %add3A_468 : i32
      %and3A_579 = arith.andi %and3A_180, %eq3A_578 : i1
      %get3A_580 = arith.constant 18 : index
      %get3A_581 = memref.load %arg1[%get3A_580] : memref<48xi32, #tpu.memory_space<smem>>
      %select_n3A_582 = arith.select %and3A_579, %get3A_581, %select_n3A_576 : i32
      %or3A_583 = arith.ori %or3A_577, %and3A_579 : i1
      %eq3A_584 = arith.cmpi eq, %add3A_192, %add3A_468 : i32
      %and3A_585 = arith.andi %and3A_190, %eq3A_584 : i1
      %get3A_586 = arith.constant 19 : index
      %get3A_587 = memref.load %arg1[%get3A_586] : memref<48xi32, #tpu.memory_space<smem>>
      %select_n3A_588 = arith.select %and3A_585, %get3A_587, %select_n3A_582 : i32
      %or3A_589 = arith.ori %or3A_583, %and3A_585 : i1
      %eq3A_590 = arith.cmpi eq, %add3A_202, %add3A_468 : i32
      %and3A_591 = arith.andi %and3A_200, %eq3A_590 : i1
      %get3A_592 = arith.constant 20 : index
      %get3A_593 = memref.load %arg1[%get3A_592] : memref<48xi32, #tpu.memory_space<smem>>
      %select_n3A_594 = arith.select %and3A_591, %get3A_593, %select_n3A_588 : i32
      %or3A_595 = arith.ori %or3A_589, %and3A_591 : i1
      %eq3A_596 = arith.cmpi eq, %add3A_212, %add3A_468 : i32
      %and3A_597 = arith.andi %and3A_210, %eq3A_596 : i1
      %get3A_598 = arith.constant 21 : index
      %get3A_599 = memref.load %arg1[%get3A_598] : memref<48xi32, #tpu.memory_space<smem>>
      %select_n3A_600 = arith.select %and3A_597, %get3A_599, %select_n3A_594 : i32
      %or3A_601 = arith.ori %or3A_595, %and3A_597 : i1
      %eq3A_602 = arith.cmpi eq, %add3A_222, %add3A_468 : i32
      %and3A_603 = arith.andi %and3A_220, %eq3A_602 : i1
      %get3A_604 = arith.constant 22 : index
      %get3A_605 = memref.load %arg1[%get3A_604] : memref<48xi32, #tpu.memory_space<smem>>
      %select_n3A_606 = arith.select %and3A_603, %get3A_605, %select_n3A_600 : i32
      %or3A_607 = arith.ori %or3A_601, %and3A_603 : i1
      %eq3A_608 = arith.cmpi eq, %add3A_232, %add3A_468 : i32
      %and3A_609 = arith.andi %and3A_230, %eq3A_608 : i1
      %get3A_610 = arith.constant 23 : index
      %get3A_611 = memref.load %arg1[%get3A_610] : memref<48xi32, #tpu.memory_space<smem>>
      %select_n3A_612 = arith.select %and3A_609, %get3A_611, %select_n3A_606 : i32
      %or3A_613 = arith.ori %or3A_607, %and3A_609 : i1
      %convert_element_type3A_614 = arith.extui %or3A_613 : i1 to i32
      %cond3A_615 = arith.constant 0 : i32
      %cond3A_616 = arith.cmpi ne, %convert_element_type3A_614, %cond3A_615 : i32
      scf.if %cond3A_616 {
        %dma_start3A = tpu.memref_slice %arg13[%select_n3A_428] : memref<2x!tpu.dma_semaphore, #tpu.memory_space<semaphore_mem>> -> memref<1x!tpu.dma_semaphore, #tpu.memory_space<semaphore_mem>>
        %dma_start3A_617 = tpu.memref_squeeze %dma_start3A : memref<1x!tpu.dma_semaphore, #tpu.memory_space<semaphore_mem>> -> memref<!tpu.dma_semaphore, #tpu.memory_space<semaphore_mem>>
        %dma_start3A_618 = arith.constant 0 : i32
        %dma_start3A_619 = arith.constant 0 : i32
        %dma_start3A_620 = tpu.memref_slice %arg9[%select_n3A_428, %dma_start3A_618, %dma_start3A_619] : memref<2x768x1536xf32, #tpu.memory_space<vmem>> -> memref<1x768x1536xf32, #tpu.memory_space<vmem>>
        %dma_start3A_621 = tpu.memref_squeeze %dma_start3A_620 : memref<1x768x1536xf32, #tpu.memory_space<vmem>> -> memref<768x1536xf32, #tpu.memory_space<vmem>>
        %dma_start3A_622 = arith.constant 0 : i32
        %dma_start3A_623 = arith.constant 0 : i32
        %dma_start3A_624 = tpu.memref_slice %arg3[%select_n3A_612, %dma_start3A_622, %dma_start3A_623] : memref<8x768x1536xf32, #tpu.memory_space<any>> -> memref<1x768x1536xf32, #tpu.memory_space<any>>
        %dma_start3A_625 = tpu.memref_squeeze %dma_start3A_624 : memref<1x768x1536xf32, #tpu.memory_space<any>> -> memref<768x1536xf32, #tpu.memory_space<any>>
        tpu.enqueue_dma source(%dma_start3A_625 : memref<768x1536xf32, #tpu.memory_space<any>>) target(%dma_start3A_621 : memref<768x1536xf32, #tpu.memory_space<vmem>>) target_semaphore(%dma_start3A_617 : memref<!tpu.dma_semaphore, #tpu.memory_space<semaphore_mem>>)
        %dma_start3A_626 = tpu.memref_slice %arg13[%select_n3A_428] : memref<2x!tpu.dma_semaphore, #tpu.memory_space<semaphore_mem>> -> memref<1x!tpu.dma_semaphore, #tpu.memory_space<semaphore_mem>>
        %dma_start3A_627 = tpu.memref_squeeze %dma_start3A_626 : memref<1x!tpu.dma_semaphore, #tpu.memory_space<semaphore_mem>> -> memref<!tpu.dma_semaphore, #tpu.memory_space<semaphore_mem>>
        %dma_start3A_628 = arith.constant 0 : i32
        %dma_start3A_629 = arith.constant 0 : i32
        %dma_start3A_630 = tpu.memref_slice %arg10[%select_n3A_428, %dma_start3A_628, %dma_start3A_629] : memref<2x1536x768xf32, #tpu.memory_space<vmem>> -> memref<1x1536x768xf32, #tpu.memory_space<vmem>>
        %dma_start3A_631 = tpu.memref_squeeze %dma_start3A_630 : memref<1x1536x768xf32, #tpu.memory_space<vmem>> -> memref<1536x768xf32, #tpu.memory_space<vmem>>
        %dma_start3A_632 = arith.constant 0 : i32
        %dma_start3A_633 = arith.constant 0 : i32
        %dma_start3A_634 = tpu.memref_slice %arg5[%select_n3A_612, %dma_start3A_632, %dma_start3A_633] : memref<8x1536x768xf32, #tpu.memory_space<any>> -> memref<1x1536x768xf32, #tpu.memory_space<any>>
        %dma_start3A_635 = tpu.memref_squeeze %dma_start3A_634 : memref<1x1536x768xf32, #tpu.memory_space<any>> -> memref<1536x768xf32, #tpu.memory_space<any>>
        tpu.enqueue_dma source(%dma_start3A_635 : memref<1536x768xf32, #tpu.memory_space<any>>) target(%dma_start3A_631 : memref<1536x768xf32, #tpu.memory_space<vmem>>) target_semaphore(%dma_start3A_627 : memref<!tpu.dma_semaphore, #tpu.memory_space<semaphore_mem>>)
      } else {
      }
    } else {
    }
    %lt3A_410 = arith.cmpi slt, %arg0, %get3A_0 : i32
    %convert_element_type3A_411 = arith.extui %lt3A_410 : i1 to i32
    %cond3A_412 = arith.constant 0 : i32
    %cond3A_413 = arith.cmpi ne, %convert_element_type3A_411, %cond3A_412 : i32
    scf.if %cond3A_413 {
      %get3A_414 = arith.constant 0 : index
      %get3A_415 = arith.constant 0 : index
      %get3A_416 = vector.load %arg2[%get3A_414, %get3A_415] : memref<256x768xf32, #tpu.memory_space<vmem>>, vector<256x768xf32>
      %convert_element_type3A_417 = arith.truncf %get3A_416 : vector<256x768xf32> to vector<256x768xbf16>
      %get3A_418 = arith.constant 0 : index
      %get3A_419 = arith.constant 0 : index
      %get3A_420 = vector.load %arg11[%get3A_418, %get3A_419] : memref<768x1536xbf16, #tpu.memory_space<vmem>>, vector<768x1536xbf16>
      %dot_general3A = arith.constant dense<0.000000e+00> : vector<256x1536xf32>
      %dot_general3A_421 = tpu.matmul %convert_element_type3A_417, %get3A_420, %dot_general3A {dimension_numbers = #tpu.dot_dimension_numbers<[1], [0], [0], [1], [0, 0, 1, 1], [], []>, transpose_lhs_hint = false} : vector<256x768xbf16>, vector<768x1536xbf16>, vector<256x1536xf32> -> vector<256x1536xf32>
      %get3A_422 = arith.constant 0 : index
      %get3A_423 = arith.constant 0 : index
      %get3A_424 = arith.constant 0 : index
      %get3A_425 = vector.load %arg4[%get3A_422, %get3A_423, %get3A_424] : memref<1x1x1536xf32, #tpu.memory_space<vmem>>, vector<1x1x1536xf32>
      %get3A_426 = vector.shape_cast %get3A_425 : vector<1x1x1536xf32> to vector<1x1536xf32>
      %add3A_427 = vector.broadcast %get3A_426 : vector<1x1536xf32> to vector<256x1536xf32>
      %add3A_428 = arith.addf %dot_general3A_421, %add3A_427 : vector<256x1536xf32>
      %mul3A = arith.constant 5.000000e-01 : f32
      %mul3A_429 = vector.broadcast %mul3A : f32 to vector<256x1536xf32>
      %mul3A_430 = arith.mulf %mul3A_429, %add3A_428 : vector<256x1536xf32>
      %mul3A_431 = arith.constant 0.707106769 : f32
      %mul3A_432 = vector.broadcast %mul3A_431 : f32 to vector<256x1536xf32>
      %mul3A_433 = arith.mulf %add3A_428, %mul3A_432 : vector<256x1536xf32>
      %erf3A = math.erf %mul3A_433 : vector<256x1536xf32>
      %add3A_434 = arith.constant 1.000000e+00 : f32
      %add3A_435 = vector.broadcast %add3A_434 : f32 to vector<256x1536xf32>
      %add3A_436 = arith.addf %add3A_435, %erf3A : vector<256x1536xf32>
      %mul3A_437 = arith.mulf %mul3A_430, %add3A_436 : vector<256x1536xf32>
      %convert_element_type3A_438 = arith.truncf %mul3A_437 : vector<256x1536xf32> to vector<256x1536xbf16>
      %get3A_439 = arith.constant 0 : index
      %get3A_440 = arith.constant 0 : index
      %get3A_441 = vector.load %arg12[%get3A_439, %get3A_440] : memref<1536x768xbf16, #tpu.memory_space<vmem>>, vector<1536x768xbf16>
      %dot_general3A_442 = arith.constant dense<0.000000e+00> : vector<256x768xf32>
      %dot_general3A_443 = tpu.matmul %convert_element_type3A_438, %get3A_441, %dot_general3A_442 {dimension_numbers = #tpu.dot_dimension_numbers<[1], [0], [0], [1], [0, 0, 1, 1], [], []>, transpose_lhs_hint = false} : vector<256x1536xbf16>, vector<1536x768xbf16>, vector<256x768xf32> -> vector<256x768xf32>
      %get3A_444 = arith.constant 0 : index
      %get3A_445 = arith.constant 0 : index
      %get3A_446 = arith.constant 0 : index
      %get3A_447 = vector.load %arg6[%get3A_444, %get3A_445, %get3A_446] : memref<1x1x768xf32, #tpu.memory_space<vmem>>, vector<1x1x768xf32>
      %get3A_448 = vector.shape_cast %get3A_447 : vector<1x1x768xf32> to vector<1x768xf32>
      %add3A_449 = vector.broadcast %get3A_448 : vector<1x768xf32> to vector<256x768xf32>
      %add3A_450 = arith.addf %dot_general3A_443, %add3A_449 : vector<256x768xf32>
      %get3A_451 = arith.constant 0 : index
      %get3A_452 = arith.constant 0 : index
      %get3A_453 = vector.load %arg7[%get3A_451, %get3A_452] : memref<256x1xf32, #tpu.memory_space<vmem>>, vector<256x1xf32>
      %mul3A_454 = vector.broadcast %get3A_453 : vector<256x1xf32> to vector<256x768xf32>
      %mul3A_455 = arith.mulf %mul3A_454, %add3A_450 : vector<256x768xf32>
      %swap3A = arith.constant 0 : index
      %swap3A_456 = arith.constant 0 : index
      %swap3A_457 = vector.load %arg8[%swap3A, %swap3A_456] : memref<256x768xf32, #tpu.memory_space<vmem>>, vector<256x768xf32>
      tpu.vector_store %arg8[%swap3A, %swap3A_456], %mul3A_455 {strides = array<i32>} : memref<256x768xf32, #tpu.memory_space<vmem>>, vector<256x768xf32>,
    } else {
    }
    return
  }
  func.func @transform_0(%arg0: i32, %arg1: memref<48xi32, #tpu.memory_space<smem>>) -> (i32, i32) {
    %c0_i32 = arith.constant 0 : i32
    %c0_i32_0 = arith.constant 0 : i32
    return %arg0, %c0_i32 : i32, i32
  }
  func.func @transform_2(%arg0: i32, %arg1: memref<48xi32, #tpu.memory_space<smem>>) -> (i32, i32, i32) {
    %get3A = arith.index_cast %arg0 : i32 to index
    %get3A_0 = memref.load %arg1[%get3A] : memref<48xi32, #tpu.memory_space<smem>>
    %c0_i32 = arith.constant 0 : i32
    %c0_i32_1 = arith.constant 0 : i32
    %c0_i32_2 = arith.constant 0 : i32
    return %get3A_0, %c0_i32, %c0_i32_1 : i32, i32, i32
  }
  func.func @transform_4(%arg0: i32, %arg1: memref<48xi32, #tpu.memory_space<smem>>) -> (i32, i32, i32) {
    %get3A = arith.index_cast %arg0 : i32 to index
    %get3A_0 = memref.load %arg1[%get3A] : memref<48xi32, #tpu.memory_space<smem>>
    %c0_i32 = arith.constant 0 : i32
    %c0_i32_1 = arith.constant 0 : i32
    %c0_i32_2 = arith.constant 0 : i32
    return %get3A_0, %c0_i32, %c0_i32_1 : i32, i32, i32
  }
  func.func @transform_5(%arg0: i32, %arg1: memref<48xi32, #tpu.memory_space<smem>>) -> (i32, i32) {
    %c0_i32 = arith.constant 0 : i32
    %c0_i32_0 = arith.constant 0 : i32
    return %arg0, %c0_i32 : i32, i32
  }
  func.func @transform_6(%arg0: i32, %arg1: memref<48xi32, #tpu.memory_space<smem>>) -> (i32, i32) {
    %c0_i32 = arith.constant 0 : i32
    %c0_i32_0 = arith.constant 0 : i32
    return %arg0, %c0_i32 : i32, i32
  }
}

</mosaic_0001>

<sc_bundles>
// kernel: kernel.10.cloned.1.call-start
scs
__scs_entry_jumppad:
0x0: {  	(pc) =	sbr.rel $0x88, $3  }
0x1: {  	(tag) =	ssettag $0x0;
	lr =	simm.s32 $0x1  }
0x2: {  	[smem:$0x3F9A] =	sst lr;
	_ =	strace $0xD0000000  }
0x3: {  	_ = 	snop  }
0x4: {  	_ = 	snop  }
0x5: {  	_ = 	snop  }
0x6: {  	_ = 	snop  }
0x7: {  	_ = 	snop  }
__scs_overlays_trampoline_lowered:
0x8: {  	[smem:$0x3FA9] =	sst s0  }
0x9: {  	[smem:$0x3FAA] =	sst s1  }
0xa: {  	[smem:$0x3FAB] =	sst s2  }
0xb: {  	[smem:$0x3FAC] =	sst s3  }
0xc: {  	[smem:$0x3FAD] =	sst s4  }
0xd: {  	[smem:$0x3FAE] =	sst s5  }
0xe: {  	[smem:$0x3FAF] =	sst s6  }
0xf: {  	[smem:$0x3FB0] =	sst s7  }
0x10: {  	[smem:$0x3FB1] =	sst s8  }
0x11: {  	[smem:$0x3FB2] =	sst s9;
	s0 =	simm.s32 @!p0 $0x0  }
0x12: {  	s1 =	sld [smem:$0x3F98];
	s0 =	simm.s32 @p0 $0x1  }
0x13: {  	[smem:$0x3FB3] =	sst s0;
	s0 =	simm.s32 @!p1 $0x0  }
0x14: {  	s2 =	sld [smem:$0x3F97];
	s0 =	simm.s32 @p1 $0x1  }
0x15: {  	[smem:$0x3FB4] =	sst s0;
	s0 =	simm.s32 @!p2 $0x0  }
0x16: {  	s3 =	sld [smem:$0x3FDB];
	s0 =	simm.s32 @p2 $0x1  }
0x17: {  	s4 =	simm.s32 $0x1BF5;
	[smem:$0x3FB6] =	sst s0  }
0x18: {  	s0 =	sld [smem:$0x3F99];
	_ =	swait.ge [sflag:s4], $0x0  }
0x19: {  	s7 =	sld [smem:$0x3F9A]  }
0x1a: {  	s8 =	sadd.s32 $0xFFFFE003, lr  }
0x1b: {  	s9 =	sadd.s32 $0xFFFFFEF7, lr;
	s5 =	simm.s32 $0xFFFFFFFF;
	p2 =	slt.u32 s8, $0xFFFFF086  }
0x1c: {  	p1 =	slt.u32 s9, $0xF7A;
	s5 =	simm.s32 @!p2 $0x0  }
0x1d: {  	s5 =	simm.s32 @p1 $0x1;
	p0 =	seq.s32 s7, s2  }
0x1e: {  	s7 =	smul.u32 @!p0 $0xF7A, s2;
	p2 =	seq.s32 @!p0 s5, $0x0  }
0x1f: {  	s9 =	smul.u32 $0xF7A, s1;
	s8 =	simm.s32 @!p0 $0x1BF5;
	p2 =	por !p2, p0  }
0x20: {  	[sflag:s8] =	ssyncset.s32 @!p0 $0xFFFFF086;
	s6 =	sadd.s32 @!p0 s3, s7;
	s7 =	simm.s32 @!p0 $0x108  }
0x21: {  	s3 =	sadd.s32 s3, s9;
	s6 =	sadd.s32 @!p0 $0x88, s6;
	s7 =	simm.s32 @p2 $0x1082  }
0x22: {  	[simem:s7], [sflag:s8] =	dma.local @!p0 [hbm:s6], $0xF7A  }
0x23: {  	s9 =	sor.u32 $0xD0000000, s2;
	s6 =	simm.s32 $0x108;
	_ =	swait.ge @!p0 [sflag:s8], $0x0  }
0x24: {  	s3 =	sadd.s32 $0x88, s3;
	s6 =	simm.s32 @!p1 $0x1082;
	[sflag:s4] =	ssyncset.s32 $0xFFFFF086  }
0x25: {  	[simem:s6], [sflag:s4] =	dma.local [hbm:s3], $0xF7A  }
0x26: {  	[smem:$0x3F9A] =	sst s1;
	(tag) =	ssettag s2;
	_ =	strace s9  }
0x27: {  	s1 =	sld [smem:$0x3FAA]  }
0x28: {  	s2 =	sld [smem:$0x3FAB]  }
0x29: {  	s4 =	sld [smem:$0x3FAD]  }
0x2a: {  	p0 =	seq.s32 s5, $0x0;
	s5 =	sld [smem:$0x3FAE]  }
0x2b: {  	s6 =	sld [smem:$0x3FAF]  }
0x2c: {  	s7 =	sld [smem:$0x3FB0]  }
0x2d: {  	s3 =	simm.s32 $0x108;
	s8 =	sld [smem:$0x3FB1]  }
0x2e: {  	s3 =	simm.s32 @!p0 $0x1082;
	s9 =	sld [smem:$0x3FB2]  }
0x2f: {  	lr =	sadd.s32 s0, s3;
	s0 =	sld [smem:$0x3FA9]  }
0x30: {  	s3 =	sld [smem:$0x3FAC]  }
0x31: {  	[smem:$0x3FB5] =	sst s10  }
0x32: {  	s10 =	sld [smem:$0x3FB3];
	_ =	sdelay $0x3  }
0x33: {  	p0 =	seq.s32 s10, $0x1;
	s10 =	sld [smem:$0x3FB5];
	_ =	sdelay $0x3  }
0x34: {  	[smem:$0x3FB5] =	sst s10  }
0x35: {  	s10 =	sld [smem:$0x3FB4];
	_ =	sdelay $0x3  }
0x36: {  	p1 =	seq.s32 s10, $0x1;
	s10 =	sld [smem:$0x3FB5];
	_ =	sdelay $0x3  }
0x37: {  	[smem:$0x3FB5] =	sst s10  }
0x38: {  	s10 =	sld [smem:$0x3FB6]  }
0x39: {  	_ = 	snop;
	(pc) =	sbr.ind lr, $3  }
0x3a: {  	_ = 	snop  }
0x3b: {  	_ = 	snop  }
0x3c: {  	p2 =	seq.s32 s10, $0x1;
	s10 =	sld [smem:$0x3FB5]  }
0x3d: {  	_ =	shalt  }
0x3e: {  	_ =	shalt  }
0x3f: {  	_ =	shalt  }
0x40: {  	_ =	shalt  }
0x41: {  	_ =	shalt  }
0x42: {  	_ =	shalt  }
0x43: {  	_ =	shalt  }
0x44: {  	_ =	shalt  }
0x45: {  	_ =	shalt  }
0x46: {  	_ =	shalt  }
0x47: {  	_ =	shalt  }
0x48: {  	_ =	shalt  }
0x49: {  	_ =	shalt  }
0x4a: {  	_ =	shalt  }
0x4b: {  	_ =	shalt  }
0x4c: {  	_ =	shalt  }
0x4d: {  	_ =	shalt  }
0x4e: {  	_ =	shalt  }
0x4f: {  	_ =	shalt  }
0x50: {  	_ =	shalt  }
0x51: {  	_ =	shalt  }
0x52: {  	_ =	shalt  }
0x53: {  	_ =	shalt  }
0x54: {  	_ =	shalt  }
0x55: {  	_ =	shalt  }
0x56: {  	_ =	shalt  }
0x57: {  	_ =	shalt  }
0x58: {  	_ =	shalt  }
0x59: {  	_ =	shalt  }
0x5a: {  	_ =	shalt  }
0x5b: {  	_ =	shalt  }
0x5c: {  	_ =	shalt  }
0x5d: {  	_ =	shalt  }
0x5e: {  	_ =	shalt  }
0x5f: {  	_ =	shalt  }
0x60: {  	_ =	shalt  }
0x61: {  	_ =	shalt  }
0x62: {  	_ =	shalt  }
0x63: {  	_ =	shalt  }
0x64: {  	_ =	shalt  }
0x65: {  	_ =	shalt  }
0x66: {  	_ =	shalt  }
0x67: {  	_ =	shalt  }
0x68: {  	_ =	shalt  }
0x69: {  	_ =	shalt  }
0x6a: {  	_ =	shalt  }
0x6b: {  	_ =	shalt  }
0x6c: {  	_ =	shalt  }
0x6d: {  	_ =	shalt  }
0x6e: {  	_ =	shalt  }
0x6f: {  	_ =	shalt  }
0x70: {  	_ =	shalt  }
0x71: {  	_ =	shalt  }
0x72: {  	_ =	shalt  }
0x73: {  	_ =	shalt  }
0x74: {  	_ =	shalt  }
0x75: {  	_ =	shalt  }
0x76: {  	_ =	shalt  }
0x77: {  	_ =	shalt  }
0x78: {  	_ =	shalt  }
0x79: {  	_ =	shalt  }
0x7a: {  	_ =	shalt  }
0x7b: {  	_ =	shalt  }
0x7c: {  	_ =	shalt  }
0x7d: {  	_ =	shalt  }
0x7e: {  	_ =	shalt  }
0x7f: {  	_ =	shalt  }
0x80: {  	_ =	shalt  }
0x81: {  	_ =	shalt  }
0x82: {  	_ =	shalt  }
0x83: {  	_ =	shalt  }
0x84: {  	_ =	shalt  }
0x85: {  	_ =	shalt  }
0x86: {  	_ =	shalt  }
0x87: {  	_ =	shalt  }
.Lfunc_end0:
.L_simem_size_0:
called_computation.1_lowered:
.L_overlay_start_0:
0x88: {  	s2 =	sld [smem:$0x3FD9]  }
0x89: {  	s3 =	sld [smem:$0x3FFE];
	_ =	sdelay $0x1  }
0x8a: {  	s1 =	srdreg.scid  }
0x8b: {  	s0 =	sand.u32 $0x1, s1  }
0x8c: {  	s17 =	sshll.u32 s0, $0xA;
	s2 =	sadd.s32 s3, s2  }
0x8d: {  	s2 =	sadd.s32 s2, s17  }
0x8e: {  	[smem:$0x3FC1] =	sst s2  }
0x8f: {  	_ = 	snop  }
0x90: {  	s2 =	sld [smem:$0x3FC9]  }
0x91: {  	s18 =	sld [smem:$0x3FD0];
	(tm) =	ssettm $0x1  }
0x92: {  	s4 =	sld [smem:$0x3FFB];
	_ =	sdelay $0x3  }
0x93: {  	_ =	strace s4  }
0x94: {  	s4 =	sld [smem:$0x3FFC];
	_ =	sdelay $0x3  }
0x95: {  	_ =	strace s4  }
0x96: {  	s4 =	sld [smem:$0x3FFD];
	_ =	sdelay $0x3  }
0x97: {  	_ =	strace s4  }
0x98: {  	_ =	strace $0x8FFFFFFF  }
0x99: {  	s19 =	sld [smem:$0x3FDB];
	_ =	sdelay $0x1  }
0x9a: {  	s5 =	simm.s32 $_scs_section_size  }
0x9b: {  	s6 =	simm.s32 $_size__tile_overlayer_lowered;
	s7 =	simm.s32 $_tile_overlayer_lowered  }
0x9c: {  	s22 =	simm.s32 $0x1BFF;
	s21 =	sshll.u32 s7, $0x1;
	s4 =	sadd.s32 s5, s19  }
0x9d: {  	s8 =	simm.s32 $0x0;
	s20 =	sshll.u32 s6, $0x1;
	s6 =	sadd.s32 s21, s4  }
0x9e: {  	[timem:s8], [sflag:s22] =	dma.local [hbm:s6], s20  }
0x9f: {  	_ =	swait.ge [sflag:s22], s20  }
0xa0: {  	s5 =	ssub.s32 $0x0, s20;
	[sflag:s22] =	ssyncset.done $0x0  }
0xa1: {  	[sflag:s22] =	ssyncadd.s32 s5;
	_ =	sdelay $0x1  }
0xa2: {  	s23 =	simm.s32 $0x1B8B  }
0xa3: {  	_ =	swait.ge [sflag:s23], $0x1  }
0xa4: {  	[sflag:s23] =	ssyncset.done $0x0  }
0xa5: {  	s25 =	simm.s32 $0x1B8E;
	s24 =	sld [smem:$0x3FFE];
	[sflag:s23] =	ssyncadd.s32 $0xFFFFFFFF  }
0xa6: {  	s26 =	simm.s32 $execute0_lowered;
	[smem:$0x3FD2] =	sst s25  }
0xa7: {  	s6 =	sshll.u32 s26, $0x1;
	_ =	strace $0x80000049;
	[dreg:$0x1] =	wrdreg $0xFFFFFFFF  }
0xa8: {  	s28 =	simm.s32 $_size_execute0_lowered;
	s4 =	sadd.s32 s4, s6;
	[dreg:$0x0] =	wrdreg $0x0  }
0xa9: {  	s6 =	sshll.u32 s28, $0x1;
	[dreg:$0x2] =	wrdreg s4  }
0xaa: {  	[dreg:$0x3] =	wrdreg s6  }
0xab: {  	[dreg:$0x4] =	wrdreg $0xC0  }
0xac: {  	_ =	task [dreg:s8], $0x5FFFF  }
0xad: {  	[dreg:$0x1] =	wrdreg $0xFFFFFFFF  }
0xae: {  	[dreg:$0x0] =	wrdreg $0x60  }
0xaf: {  	[dreg:$0x2] =	wrdreg s24  }
0xb0: {  	[dreg:$0x3] =	wrdreg s2  }
0xb1: {  	[dreg:$0x4] =	wrdreg s18  }
0xb2: {  	[dreg:$0x5] =	wrdreg $0x9  }
0xb3: {  	_ =	task.clear_ibuf [dreg:s8], $0x6FFFF;
	_ =	strace $0x90000049  }
0xb4: {  	s29 =	simm.s32 $0x9;
	_ =	strace $0x8000004B  }
0xb5: {  	_ =	swait.ge [sflag:s29], $0x1  }
0xb6: {  	[sflag:s29] =	ssyncadd.s32 $0xFFFFFFFF  }
0xb7: {  	_ =	strace $0x9000004B  }
0xb8: {  	_ =	sfence  }
0xb9: {  	s30 =	sld [smem:$0x0];
	_ =	sdelay $0x2  }
0xba: {  	s31 =	sshll.u32 s1, $0xD;
	s1 =	sshrl.u32 s1, $0x2  }
0xbb: {  	s3 =	sand.u32 $0x4000, s31;
	s1 =	sadd.s32 s1, s30  }
0xbc: {  	s0 =	sor.u32 s3, s0;
	s1 =	sshll.u32 s1, $0x11  }
0xbd: {  	s0 =	sor.u32 s1, s0  }
0xbe: {  	s0 =	sadd.s32 $0x8F2B, s0  }
0xbf: {  	[sflag:s0] =	ssyncadd.remote.s32 $0x1  }
0xc0: {  	_ =	sfence.sel $0xFFFF  }
0xc1: {  	[dreg:$0x0] =	wrdreg $0xFFFFFFFF;
	(pc) =	sbr.abs _section_cstart, $3  }
0xc2: {  	[dreg:$0x1] =	wrdreg $0xFFFFFFFF  }
0xc3: {  	_ =	task.clear_ibuf [dreg:s8], $0x2FFFF;
	_ =	strace $0x9FFFFFFF  }
0xc4: {  	(tm) =	ssettm $0x7FFFFFFF  }
0xc5: {  	_ =	shalt  }
tec
execute0_lowered:
.L_overlay_start_1:
0x0: {  	(tag) =	ssettag $0x1  }
0x1: {  	s2 =	srdreg.scid;
	s4 =	stileid.u32  }
0x2: {  	s2 =	sand.u32 $0x1, s2;
	s4 =	sshll.u32 s4, $0x1  }
0x3: {  	s6 =	sor.u32 s2, s4  }
0x4: {  	v5 =	vmov s6  }
0x5: {  	s0 =	rddreg [dreg:$0x0];
	s3 =	simm.s32 $0x0;
	v0 =	vimm.s32 $0x0;
	vm0 =	veq.s32 v5, $0x1F  }
0x6: {  	[smem:$0x7FF] =	sst s3;
	v0 =	vsel vm0, $0xFFFFFFFF, v0  }
0x7: {  	s1 =	rddreg [dreg:$0x1];
	_ =	strace $0x8000004A;
	vm6 =	vgt.u32 v5, $0x1D;
	[tilespmem:$0x1FE50] =	vst v0;
	v0 =	vimm.s32 $0x0  }
0x8: {  	v0 =	vsel vm6, $0xFFFFFFFF, v0  }
0x9: {  	vm7 =	vgt.u32 v5, $0x1C;
	[tilespmem:$0x1FE60] =	vst v0;
	v0 =	vimm.s32 $0x0  }
0xa: {  	v0 =	vsel vm7, $0xFFFFFFFF, v0  }
0xb: {  	vm4 =	vgt.u32 v5, $0x1B;
	[tilespmem:$0x1FE70] =	vst v0;
	v0 =	vimm.s32 $0x0  }
0xc: {  	v0 =	vsel vm4, $0xFFFFFFFF, v0  }
0xd: {  	vm5 =	vgt.u32 v5, $0x1A;
	[tilespmem:$0x1FE80] =	vst v0;
	v0 =	vimm.s32 $0x0  }
0xe: {  	v0 =	vsel vm5, $0xFFFFFFFF, v0  }
0xf: {  	vm6 =	vgt.u32 v5, $0x19;
	[tilespmem:$0x1FE90] =	vst v0;
	v0 =	vimm.s32 $0x0  }
0x10: {  	v0 =	vsel vm6, $0xFFFFFFFF, v0  }
0x11: {  	vm7 =	vgt.u32 v5, $0x18;
	[tilespmem:$0x1FEA0] =	vst v0;
	v0 =	vimm.s32 $0x0  }
0x12: {  	v0 =	vsel vm7, $0xFFFFFFFF, v0  }
0x13: {  	vm4 =	vgt.u32 v5, $0x17;
	[tilespmem:$0x1FEB0] =	vst v0;
	v0 =	vimm.s32 $0x0  }
0x14: {  	v0 =	vsel vm4, $0xFFFFFFFF, v0  }
0x15: {  	vm5 =	vgt.u32 v5, $0x16;
	[tilespmem:$0x1FEC0] =	vst v0;
	v0 =	vimm.s32 $0x0  }
0x16: {  	v0 =	vsel vm5, $0xFFFFFFFF, v0  }
0x17: {  	vm6 =	vgt.u32 v5, $0x15;
	[tilespmem:$0x1FED0] =	vst v0;
	v0 =	vimm.s32 $0x0  }
0x18: {  	v0 =	vsel vm6, $0xFFFFFFFF, v0  }
0x19: {  	vm7 =	vgt.u32 v5, $0x14;
	[tilespmem:$0x1FEE0] =	vst v0;
	v0 =	vimm.s32 $0x0  }
0x1a: {  	v0 =	vsel vm7, $0xFFFFFFFF, v0  }
0x1b: {  	vm4 =	vgt.u32 v5, $0x13;
	[tilespmem:$0x1FEF0] =	vst v0;
	v0 =	vimm.s32 $0x0  }
0x1c: {  	v0 =	vsel vm4, $0xFFFFFFFF, v0  }
0x1d: {  	vm5 =	vgt.u32 v5, $0x12;
	[tilespmem:$0x1FF00] =	vst v0;
	v0 =	vimm.s32 $0x0  }
0x1e: {  	v6 =	vimm.s32 $0x0;
	v0 =	vsel vm5, $0xFFFFFFFF, v0;
	vm5 =	vgt.u32 v5, $0xE  }
0x1f: {  	vm6 =	vgt.u32 v5, $0x11;
	[tilespmem:$0x1FF10] =	vst v0;
	v0 =	vimm.s32 $0x0;
	v6 =	vsel vm5, $0xFFFFFFFF, v6  }
0x20: {  	v0 =	vsel vm6, $0xFFFFFFFF, v0;
	[tilespmem:$0x1FF50] =	vst v6;
	vm6 =	vgt.u32 v5, $0xD;
	v6 =	vimm.s32 $0x0  }
0x21: {  	v1 =	vimm.s32 $0x0;
	vm7 =	vgt.u32 v5, $0x10;
	v6 =	vsel vm6, $0xFFFFFFFF, v6  }
0x22: {  	v1 =	vsel vm7, $0xFFFFFFFF, v1;
	vm7 =	vgt.u32 v5, $0xC;
	[tilespmem:$0x1FF60] =	vst v6;
	v6 =	vimm.s32 $0x0  }
0x23: {  	[tilespmem:$0x1FF30] =	vst v1;
	vm4 =	vgt.u32 v5, $0xF;
	v1 =	vimm.s32 $0x0;
	v6 =	vsel vm7, $0xFFFFFFFF, v6  }
0x24: {  	v1 =	vsel vm4, $0xFFFFFFFF, v1;
	vm4 =	vgt.u32 v5, $0xB;
	[tilespmem:$0x1FF70] =	vst v6;
	v6 =	vimm.s32 $0x0  }
0x25: {  	v6 =	vsel vm4, $0xFFFFFFFF, v6  }
0x26: {  	vm5 =	vgt.u32 v5, $0xA;
	[tilespmem:$0x1FF80] =	vst v6;
	v6 =	vimm.s32 $0x0  }
0x27: {  	s14 =	simm.s32 $0x1180;
	v6 =	vsel vm5, $0xFFFFFFFF, v6  }
0x28: {  	s16 =	simm.s32 $0x1080;
	s17 =	simm.s32 $0x2;
	s18 =	simm.s32 $0x3;
	vm6 =	vgt.u32 v5, $0x9;
	[tilespmem:$0x1FF90] =	vst v6;
	v6 =	vimm.s32 $0x0  }
0x29: {  	s19 =	simm.s32 $0x4;
	s20 =	simm.s32 $0x1;
	s28 =	simm.s32 $0x13980;
	v6 =	vsel vm6, $0xFFFFFFFF, v6  }
0x2a: {  	s29 =	simm.s32 $0x14180;
	s30 =	simm.s32 $0x14980;
	s31 =	simm.s32 $0x15180;
	vm7 =	vgt.u32 v5, $0x8;
	[tilespmem:$0x1FFA0] =	vst v6;
	v6 =	vimm.s32 $0x0  }
0x2b: {  	s15 =	simm.s32 $0x17980;
	s21 =	simm.s32 $0x18180;
	s22 =	simm.s32 $0x18980;
	v6 =	vsel vm7, $0xFFFFFFFF, v6  }
0x2c: {  	s23 =	simm.s32 $0x80;
	s24 =	simm.s32 $0x1100;
	s25 =	simm.s32 $0x5;
	vm4 =	vgt.u32 v5, $0x7;
	[tilespmem:$0x1FFB0] =	vst v6;
	v6 =	vimm.s32 $0x0  }
0x2d: {  	s5 =	sadd.s32 $0x2600, s0;
	s26 =	sadd.s32 $0x2400, s0;
	s10 =	sadd.s32 $0x2700, s0;
	v6 =	vsel vm4, $0xFFFFFFFF, v6  }
0x2e: {  	s11 =	sadd.s32 $0x2800, s0;
	s4 =	sadd.s32 $0x2000, s0;
	s2 =	ssub.s32 $0x2, s2;
	vm5 =	vgt.u32 v5, $0x6;
	[tilespmem:$0x1FFC0] =	vst v6;
	v6 =	vimm.s32 $0x0  }
0x2f: {  	vm15 =	vmmov $0xffff;
	[dreg:$0x4] =	wrdreg s26;
	s7 =	sshll.u32 s6, $0x4;
	s9 =	sshrl.u32 s2, $0x1;
	vm11 =	vgt.u32 v5, $0x3;
	v6 =	vsel vm5, $0xFFFFFFFF, v6  }
.Ltmp0:
0x30: {  	p0 =	sne.s32 s6, $0x0;
	s8 =	sand.u32 $0xF0, s7;
	vm12 =	vgt.u32 v5, $0x2;
	vm6 =	vgt.u32 v5, $0x5;
	[tilespmem:$0x1FFD0] =	vst v6;
	v6 =	vimm.s32 $0x0;
	(pc) =	sbr.rel .LBB2_1-.Ltmp0, $4  }
0x31: {  	s6 =	simm.s32 $0x16980;
	s12 =	sadd.s32 s7, s0;
	vm13 =	vgt.u32 v5, $0x1;
	vm14 =	veq.s32 v5, $0x0;
	s8 =	smul.u32 $0x300, s8;
	[tilespmem:$0x1FF20] =	vst v0;
	v6 =	vsel vm6, $0xFFFFFFFF, v6  }
0x32: {  	s2 =	ssub.s32 s2, s9;
	s0 =	simm.s32 $0x15980;
	s9 =	sadd.s32 $0x2200, s12;
	v0 =	vlaneseq.u32;
	vm7 =	vgt.u32 v5, $0x4;
	[tilespmem:$0x1FFE0] =	vst v6;
	v6 =	vimm.s32 $0x0  }
0x33: {  	s13 =	smax.u32 s2, $0x1;
	s2 =	simm.s32 $0x17180;
	s7 =	sadd.s32 s1, s8;
	[tilespmem:$0x1FF40] =	vst v1;
	v1 =	vimm.s32 $0x0;
	v3 =	vshrl.u32 v0, $0x3;
	v6 =	vsel vm7, $0xFFFFFFFF, v6  }
0x34: {  	s8 =	sadd.s32 $0x1E00, s12;
	s12 =	sadd.s32 $0x92600, s12;
	s1 =	simm.s32 $0x16180;
	v2 =	vand.u32 $0x7, v0;
	v4 =	vor.u32 $0x8, v0;
	v3 =	vmul.u32 $0x8, v3;
	[tilespmem:$0x1FFF0] =	vst v6  }
.LBB2_3:
0x35: {  	s13 =	sadd.s32 $0xFFFFFFFF, s13  }
0x36: {  	p1 =	sne.s32 s13, $0x0  }
.Ltmp1:
0x37: {  	_ = 	snop;
	(pc) =	sbr.rel @!p1 .LBB2_4-.Ltmp1, $1  }
0x38: {  	_ =	sdelay $0x3  }
.LBB2_1:
0x39: {  	[tilespmem:s14], [sflag:$0x1] =	stream.linear.gather [hbm4b:s7+s3], $0x18000, $0x38;
	[tilespmem:$0x19200] =	vst v63  }
0x3a: {  	_ = 	snop  }
0x3b: {  	[tilespmem:s3], [sflag:$0x2] =	stream.linear.gather [hbm4b:s4+s3], $0x1000, $0x38;
	[tilespmem:$0x19200] =	vst v63  }
0x3c: {  	s26 =	simm.s32 $0x1000  }
0x3d: {  	[tilespmem:s26], [sflag:$0x3] =	stream.linear.gather [hbm4b:s8+s3], $0x80, $0x38;
	[tilespmem:$0x19200] =	vst v63  }
0x3e: {  	_ = 	snop  }
0x3f: {  	[tilespmem:s16], [sflag:$0x4] =	stream.linear.gather [hbm4b:s9+s3], $0x80, $0x38;
	[tilespmem:$0x19200] =	vst v63  }
0x40: {  	_ =	swait.ge [sflag:s17], $0x1000  }
0x41: {  	[sflag:s17] =	ssyncset.done $0x0  }
0x42: {  	[sflag:s17] =	ssyncadd.s32 $0xFFFFF000  }
0x43: {  	_ =	swait.ge [sflag:s18], $0x80  }
0x44: {  	[sflag:s18] =	ssyncset.done $0x0  }
0x45: {  	[sflag:s18] =	ssyncadd.s32 $0xFFFFFF80  }
0x46: {  	_ =	swait.ge [sflag:s19], $0x80  }
0x47: {  	[sflag:s19] =	ssyncset.done $0x0  }
0x48: {  	[sflag:s19] =	ssyncadd.s32 $0xFFFFFF80  }
0x49: {  	v5 =	vld [tilespmem:$0x0]  }
0x4a: {  	v6 =	vld [tilespmem:$0x80]  }
0x4b: {  	v7 =	vld [tilespmem:$0x100]  }
0x4c: {  	v8 =	vld [tilespmem:$0x180];
	_ =	sdelay $0x2  }
0x4d: {  	v12 =	vadd.s32 v6, v5;
	v5 =	vsel vm14, $0x0, v5;
	v6 =	vnsel vm13, $0x0, v6  }
0x4e: {  	v5 =	vadd.s32 v5, v6;
	v6 =	vnsel vm12, $0x0, v7  }
0x4f: {  	v5 =	vadd.s32 v6, v5;
	v6 =	vnsel vm11, $0x0, v8  }
0x50: {  	v5 =	vadd.s32 v6, v5;
	v6 =	vld [tilespmem:$0x1FFF0]  }
0x51: {  	v9 =	vld [tilespmem:$0x200];
	_ =	sdelay $0x3  }
0x52: {  	vm0 =	vnez.u8 v6  }
0x53: {  	v6 =	vnsel vm0, $0x0, v9  }
0x54: {  	v5 =	vadd.s32 v6, v5;
	v6 =	vld [tilespmem:$0x1FFE0]  }
0x55: {  	v10 =	vld [tilespmem:$0x280];
	_ =	sdelay $0x3  }
0x56: {  	vm0 =	vnez.u8 v6  }
0x57: {  	v6 =	vnsel vm0, $0x0, v10  }
0x58: {  	v5 =	vadd.s32 v6, v5;
	v6 =	vld [tilespmem:$0x1FFD0]  }
0x59: {  	v11 =	vld [tilespmem:$0x300];
	_ =	sdelay $0x3  }
0x5a: {  	vm0 =	vnez.u8 v6  }
0x5b: {  	v6 =	vnsel vm0, $0x0, v11  }
0x5c: {  	v5 =	vadd.s32 v6, v5;
	v6 =	vld [tilespmem:$0x1FFC0]  }
0x5d: {  	v13 =	vld [tilespmem:$0x380];
	_ =	sdelay $0x3  }
0x5e: {  	vm0 =	vnez.u8 v6  }
0x5f: {  	v6 =	vnsel vm0, $0x0, v13  }
0x60: {  	v5 =	vadd.s32 v6, v5;
	v6 =	vld [tilespmem:$0x1FFB0]  }
0x61: {  	v14 =	vld [tilespmem:$0x400];
	_ =	sdelay $0x3  }
0x62: {  	vm0 =	vnez.u8 v6  }
0x63: {  	v6 =	vnsel vm0, $0x0, v14  }
0x64: {  	v5 =	vadd.s32 v6, v5;
	v6 =	vld [tilespmem:$0x1FFA0]  }
0x65: {  	v15 =	vld [tilespmem:$0x480];
	_ =	sdelay $0x3  }
0x66: {  	vm0 =	vnez.u8 v6  }
0x67: {  	v6 =	vnsel vm0, $0x0, v15  }
0x68: {  	v5 =	vadd.s32 v6, v5;
	v6 =	vld [tilespmem:$0x1FF90]  }
0x69: {  	v16 =	vld [tilespmem:$0x500];
	_ =	sdelay $0x3  }
0x6a: {  	vm0 =	vnez.u8 v6  }
0x6b: {  	v6 =	vnsel vm0, $0x0, v16  }
0x6c: {  	v5 =	vadd.s32 v6, v5;
	v6 =	vld [tilespmem:$0x1FF80]  }
0x6d: {  	v17 =	vld [tilespmem:$0x580];
	_ =	sdelay $0x3  }
0x6e: {  	vm0 =	vnez.u8 v6  }
0x6f: {  	v6 =	vnsel vm0, $0x0, v17  }
0x70: {  	v5 =	vadd.s32 v6, v5;
	v6 =	vld [tilespmem:$0x1FF70]  }
0x71: {  	v18 =	vld [tilespmem:$0x600];
	_ =	sdelay $0x3  }
0x72: {  	vm0 =	vnez.u8 v6  }
0x73: {  	v6 =	vnsel vm0, $0x0, v18  }
0x74: {  	v5 =	vadd.s32 v6, v5;
	v6 =	vld [tilespmem:$0x1FF60]  }
0x75: {  	v19 =	vld [tilespmem:$0x680];
	_ =	sdelay $0x3  }
0x76: {  	vm0 =	vnez.u8 v6  }
0x77: {  	v6 =	vnsel vm0, $0x0, v19  }
0x78: {  	v5 =	vadd.s32 v6, v5;
	v6 =	vld [tilespmem:$0x1FF50]  }
0x79: {  	v20 =	vld [tilespmem:$0x700];
	_ =	sdelay $0x3  }
0x7a: {  	vm0 =	vnez.u8 v6  }
0x7b: {  	v6 =	vnsel vm0, $0x0, v20  }
0x7c: {  	v5 =	vadd.s32 v6, v5;
	v6 =	vld [tilespmem:$0x1FF40]  }
0x7d: {  	v21 =	vld [tilespmem:$0x780];
	_ =	sdelay $0x3  }
0x7e: {  	v12 =	vadd.s32 v7, v12;
	vm0 =	vnez.u8 v6  }
0x7f: {  	v12 =	vadd.s32 v8, v12;
	v6 =	vnsel vm0, $0x0, v21  }
0x80: {  	v12 =	vadd.s32 v9, v12;
	v5 =	vadd.s32 v6, v5;
	v6 =	vld [tilespmem:$0x1FF30]  }
0x81: {  	v22 =	vld [tilespmem:$0x800];
	v12 =	vadd.s32 v10, v12  }
0x82: {  	v12 =	vadd.s32 v11, v12  }
0x83: {  	v12 =	vadd.s32 v13, v12  }
0x84: {  	v12 =	vadd.s32 v14, v12  }
0x85: {  	v23 =	vld [tilespmem:$0x880];
	v12 =	vadd.s32 v15, v12;
	vm0 =	vnez.u8 v6  }
0x86: {  	v24 =	vld [tilespmem:$0x900];
	v12 =	vadd.s32 v16, v12;
	v6 =	vnsel vm0, $0x0, v22  }
0x87: {  	v12 =	vadd.s32 v17, v12;
	v5 =	vadd.s32 v6, v5;
	v6 =	vld [tilespmem:$0x1FF20]  }
0x88: {  	v40 =	vld [tilespmem:$0xA00];
	v12 =	vadd.s32 v18, v12  }
0x89: {  	v41 =	vld [tilespmem:$0xA80];
	v12 =	vadd.s32 v19, v12  }
0x8a: {  	v7 =	vld [tilespmem:$0x980];
	v12 =	vadd.s32 v20, v12  }
0x8b: {  	v42 =	vld [tilespmem:$0xB00];
	v12 =	vadd.s32 v21, v12  }
0x8c: {  	v43 =	vld [tilespmem:$0xB80];
	v12 =	vadd.s32 v22, v12;
	vm0 =	vnez.u8 v6  }
0x8d: {  	v44 =	vld [tilespmem:$0xC00];
	v12 =	vadd.s32 v23, v12;
	v6 =	vnsel vm0, $0x0, v23  }
0x8e: {  	v12 =	vadd.s32 v24, v12;
	v5 =	vadd.s32 v6, v5;
	v6 =	vld [tilespmem:$0x1FF10]  }
0x8f: {  	v45 =	vld [tilespmem:$0xC80];
	v12 =	vadd.s32 v7, v12  }
0x90: {  	v46 =	vld [tilespmem:$0xD00];
	v12 =	vadd.s32 v40, v12  }
0x91: {  	v47 =	vld [tilespmem:$0xD80];
	v12 =	vadd.s32 v41, v12  }
0x92: {  	v48 =	vld [tilespmem:$0xE00];
	v12 =	vadd.s32 v42, v12  }
0x93: {  	v49 =	vld [tilespmem:$0xE80];
	v12 =	vadd.s32 v43, v12;
	vm0 =	vnez.u8 v6  }
0x94: {  	v50 =	vld [tilespmem:$0xF00];
	v12 =	vadd.s32 v44, v12;
	v6 =	vnsel vm0, $0x0, v24  }
0x95: {  	v12 =	vadd.s32 v45, v12;
	v5 =	vadd.s32 v6, v5;
	v6 =	vld [tilespmem:$0x1FF00]  }
0x96: {  	v51 =	vld [tilespmem:$0xF80];
	v12 =	vadd.s32 v46, v12  }
0x97: {  	v12 =	vadd.s32 v47, v12  }
0x98: {  	v12 =	vadd.s32 v48, v12  }
0x99: {  	v12 =	vadd.s32 v49, v12  }
0x9a: {  	v12 =	vadd.s32 v50, v12;
	vm0 =	vnez.u8 v6  }
0x9b: {  	v6 =	vnsel vm0, $0x0, v7;
	v7 =	vadd.s32 v51, v12  }
0x9c: {  	v5 =	vadd.s32 v6, v5;
	v6 =	vadd.s32 $0xFF, v7;
	v7 =	vld [tilespmem:$0x1FEF0];
	_ =	sdelay $0x4  }
0x9d: {  	vm0 =	vnez.u8 v7  }
0x9e: {  	v7 =	vnsel vm0, $0x0, v40  }
0x9f: {  	v5 =	vadd.s32 v7, v5;
	v7 =	vld [tilespmem:$0x1FEE0];
	_ =	sdelay $0x2  }
0xa0: {  	v53 =	vand.u32 $0xFF, v6  }
0xa1: {  	vm1 =	vne.s32 v53, $0x0;
	vm0 =	vlt.s32 v6, $0x1  }
0xa2: {  	vm0 =	vmand vm0, vm1;
	vm1 =	vnez.u8 v7  }
0xa3: {  	v7 =	vnsel vm1, $0x0, v41  }
0xa4: {  	v5 =	vadd.s32 v7, v5;
	v7 =	vld [tilespmem:$0x1FED0];
	_ =	sdelay $0x4  }
0xa5: {  	v54 =	vsel vm0, $0xFFFFFFFF, v1;
	vm0 =	vnez.u8 v7  }
0xa6: {  	v7 =	vnsel vm0, $0x0, v42  }
0xa7: {  	v5 =	vadd.s32 v7, v5;
	v7 =	vld [tilespmem:$0x1FEC0];
	_ =	sdelay $0x4  }
0xa8: {  	vm0 =	vnez.u8 v7  }
0xa9: {  	v7 =	vnsel vm0, $0x0, v43  }
0xaa: {  	v5 =	vadd.s32 v7, v5;
	v7 =	vld [tilespmem:$0x1FEB0];
	_ =	sdelay $0x4  }
0xab: {  	vm0 =	vnez.u8 v7  }
0xac: {  	v7 =	vnsel vm0, $0x0, v44  }
0xad: {  	v5 =	vadd.s32 v7, v5;
	v7 =	vld [tilespmem:$0x1FEA0];
	_ =	sdelay $0x4  }
0xae: {  	vm0 =	vnez.u8 v7  }
0xaf: {  	v7 =	vnsel vm0, $0x0, v45  }
0xb0: {  	v5 =	vadd.s32 v7, v5;
	v7 =	vld [tilespmem:$0x1FE90];
	_ =	sdelay $0x4  }
0xb1: {  	vm0 =	vnez.u8 v7  }
0xb2: {  	v7 =	vnsel vm0, $0x0, v46  }
0xb3: {  	v5 =	vadd.s32 v7, v5;
	v7 =	vld [tilespmem:$0x1FE80];
	_ =	sdelay $0x4  }
0xb4: {  	vm0 =	vnez.u8 v7  }
0xb5: {  	v7 =	vnsel vm0, $0x0, v47  }
0xb6: {  	v5 =	vadd.s32 v7, v5;
	v7 =	vld [tilespmem:$0x1FE70];
	_ =	sdelay $0x4  }
0xb7: {  	vm0 =	vnez.u8 v7  }
0xb8: {  	v7 =	vnsel vm0, $0x0, v48  }
0xb9: {  	v5 =	vadd.s32 v7, v5;
	v7 =	vld [tilespmem:$0x1FE60]  }
0xba: {  	v52 =	vshra.s32 v6, $0x1F  }
0xbb: {  	v8 =	vshrl.u32 v52, $0x18  }
0xbc: {  	v6 =	vadd.s32 v8, v6  }
0xbd: {  	v6 =	vshrl.u32 v6, $0x8  }
0xbe: {  	v6 =	vadd.s32 v54, v6;
	vm0 =	vnez.u8 v7  }
0xbf: {  	v6 =	vshll.u32 v6, $0x8;
	v7 =	vnsel vm0, $0x0, v49  }
0xc0: {  	(xrf0) =	vadd.scan.msk.s32 $0xffff, v6;
	v7 =	vadd.s32 v7, v5;
	v5 =	vld [tilespmem:$0x1FE50];
	_ =	sdelay $0x4  }
0xc1: {  	vm0 =	vnez.u8 v5  }
0xc2: {  	v5, _, _ =	vpop (xrf0);
	v55 =	vnsel vm0, $0x0, v50  }
0xc3: {  	v6 =	vsub.s32 v5, v6;
	v7 =	vadd.s32 v55, v7  }
0xc4: {  	vm0 =	vmmov $0x1;
	v6 =	vadd.s32 v6, v7  }
0xc5: {  	vm1 =	vcmask $0x308;
	v7 =	vnsel vm0, $0x0, v6  }
0xc6: {  	(xrf0) =	vadd.scan.msk.s32 $0xffff, v7;
	v7 =	vsel vm1, $0x0, v6;
	vm1 =	vcmask $0x70C  }
0xc7: {  	(xrf0) =	vadd.scan.msk.s32 $0xffff, v7;
	v7 =	vsel vm1, $0x0, v6;
	vm1 =	vcmask $0xB10  }
0xc8: {  	v56 =	vld [tilespmem:$0x1000];
	(xrf0) =	vadd.scan.msk.s32 $0xffff, v7;
	v7 =	vsel vm1, $0x0, v6;
	vm1 =	vcmask $0xF14  }
0xc9: {  	(xrf0) =	vadd.scan.msk.s32 $0xffff, v7;
	v7 =	vsel vm1, $0x0, v6;
	vm1 =	vcmask $0x1318  }
0xca: {  	(xrf0) =	vadd.scan.msk.s32 $0xffff, v7;
	v7 =	vsel vm1, $0x0, v6;
	vm1 =	vcmask $0x171C  }
0xcb: {  	v30 =	vld [tilespmem:$0x1010];
	(xrf0) =	vadd.scan.msk.s32 $0xffff, v7;
	v7 =	vsel vm1, $0x0, v6  }
0xcc: {  	vm1 =	vcmask $0x1B20  }
0xcd: {  	v57, _, _ =	vpop (xrf0);
	(xrf0) =	vadd.scan.msk.s32 $0xffff, v7;
	v6 =	vsel vm1, $0x0, v6;
	vm1 =	veq.s32 v56, $0x0  }
0xce: {  	v7, _, _ =	vpop (xrf0);
	(xrf0) =	vadd.scan.msk.s32 $0xffff, v6;
	v6 =	vsel vm1, $0x1, v1  }
0xcf: {  	vm5 =	veq.s32 v56, $0x1;
	vm2 =	veq.s32 v56, $0x2;
	vm3 =	veq.s32 v56, $0x3  }
0xd0: {  	vm4 =	veq.s32 v56, $0x4;
	vm6 =	veq.s32 v30, $0x2;
	vm7 =	veq.s32 v30, $0x5;
	v58, _, _ =	vpop (xrf0);
	(xrf0) =	vadd.scan.msk.s32 $0xffff, v6  }
0xd1: {  	v60 =	vsel vm5, $0x1, v1;
	v29 =	vmpcnt.ones.xlane vm5;
	v34 =	vmpcnt.ones.xlane vm2;
	v6, _, _ =	vpop (xrf0)  }
0xd2: {  	v62 =	vsel vm2, $0x1, v1;
	v36 =	vmpcnt.ones.xlane vm3;
	v41 =	vmpcnt.ones.xlane vm4;
	v59, _, _ =	vpop (xrf0);
	(xrf0) =	vadd.scan.msk.s32 $0xffff, v60  }
0xd3: {  	v25 =	vsel vm4, $0x1, v1;
	v9 =	vbroadcast v57, $0xF;
	v23 =	vmpcnt.ones.xlane vm1;
	v60 =	vld [tilespmem:$0x1020];
	v61, _, _ =	vpop (xrf0)  }
0xd4: {  	v22 =	vsel vm3, $0x1, v1;
	v7 =	vbroadcast v7, $0xF;
	v10 =	vbroadcast v58, $0xF;
	(xrf0) =	vadd.scan.msk.s32 $0xffff, v62;
	v63, _, _ =	vpop (xrf0)  }
0xd5: {  	v48 =	vsel vm6, $0x1, v1;
	v6 =	vbroadcast v6, $0xF;
	v11 =	vbroadcast v59, $0xF;
	v20, _, _ =	vpop (xrf0)  }
0xd6: {  	v58 =	vsel vm7, $0x1, v1;
	v13 =	vbroadcast v61, $0xF;
	v61 =	vmpcnt.ones.xlane vm6;
	v21, _, _ =	vpop (xrf0)  }
0xd7: {  	v14 =	vbroadcast v63, $0xF;
	v12 =	vbroadcast v20, $0xF;
	(xrf0) =	vadd.scan.msk.s32 $0xffff, v22;
	v15 =	vadd.s32 v9, v21  }
0xd8: {  	v9 =	vadd.s32 v23, v9;
	vm8 =	veq.s32 v60, $0x0;
	v15 =	vadd.s32 $0xFFFFFFFF, v15;
	v24, _, _ =	vpop (xrf0)  }
0xd9: {  	v15 =	vnsel vm1, $0x0, v15;
	vm1 =	veq.s32 v56, $0x5;
	v26 =	vadd.s32 v7, v24  }
0xda: {  	(xrf0) =	vadd.scan.msk.s32 $0xffff, v25;
	v27, _, _ =	vpop (xrf0);
	v7 =	vadd.s32 v29, v7;
	v28 =	vsel vm1, $0x1, v1;
	v16 =	vadd.s32 $0xFFFFFFFF, v26  }
0xdb: {  	v17 =	vadd.s32 v10, v27;
	v10 =	vadd.s32 v34, v10;
	v45 =	vmpcnt.ones.xlane vm1  }
0xdc: {  	(xrf0) =	vadd.scan.msk.s32 $0xffff, v28;
	v15 =	vsel vm5, v16, v15;
	v31 =	vadd.s32 $0xFFFFFFFF, v17;
	vm5 =	veq.s32 v56, $0x6  }
0xdd: {  	v15 =	vsel vm2, v31, v15;
	v32, _, _ =	vpop (xrf0);
	v33 =	vsel vm5, $0x1, v1;
	vm2 =	veq.s32 v56, $0x7  }
0xde: {  	v46 =	vmpcnt.ones.xlane vm5;
	v16 =	vadd.s32 v6, v32;
	(xrf0) =	vadd.scan.msk.s32 $0xffff, v33;
	v37 =	vsel vm2, $0x1, v1  }
0xdf: {  	v51 =	vmpcnt.ones.xlane vm2;
	v32 =	vmpcnt.ones.xlane vm7;
	v35 =	vadd.s32 $0xFFFFFFFF, v16  }
0xe0: {  	v33 =	vsel vm8, $0x1, v1;
	v38, _, _ =	vpop (xrf0);
	(xrf0) =	vadd.scan.msk.s32 $0xffff, v37;
	v16 =	vadd.s32 v36, v6;
	v8 =	vsel vm3, v35, v15  }
0xe1: {  	vm3 =	veq.s32 v30, $0x0;
	v6 =	vadd.s32 v11, v38;
	v11 =	vadd.s32 v41, v11  }
0xe2: {  	v40 =	vsel vm3, $0x1, v1;
	v6 =	vadd.s32 $0xFFFFFFFF, v6;
	v56 =	vmpcnt.ones.xlane vm3;
	v39, _, _ =	vpop (xrf0)  }
0xe3: {  	v6 =	vsel vm4, v6, v8;
	vm4 =	veq.s32 v30, $0x1;
	v15 =	vadd.s32 v13, v39  }
0xe4: {  	(xrf0) =	vadd.scan.msk.s32 $0xffff, v40;
	v44 =	vsel vm4, $0x1, v1;
	v57 =	vmpcnt.ones.xlane vm4;
	v42 =	vadd.s32 $0xFFFFFFFF, v15;
	v43, _, _ =	vpop (xrf0)  }
0xe5: {  	v13 =	vadd.s32 v45, v13;
	v6 =	vsel vm1, v42, v6;
	v8 =	vadd.s32 v14, v43  }
0xe6: {  	v47, _, _ =	vpop (xrf0);
	v14 =	vadd.s32 v46, v14;
	vm1 =	veq.s32 v30, $0x4;
	v17 =	vadd.s32 v57, v7  }
0xe7: {  	(xrf0) =	vadd.scan.msk.s32 $0xffff, v44;
	v46 =	vmpcnt.ones.xlane vm8;
	v8 =	vadd.s32 $0xFFFFFFFF, v8;
	v49 =	vadd.s32 v12, v47  }
0xe8: {  	(xrf0) =	vadd.scan.msk.s32 $0xffff, v48;
	v12 =	vadd.s32 v51, v12;
	v55 =	vsel vm1, $0x1, v1;
	v17 =	vadd.s32 $0xFFFFFFFF, v17  }
0xe9: {  	v6 =	vsel vm5, v8, v6;
	v8 =	vadd.s32 $0xFFFFFFFF, v49;
	vm5 =	veq.s32 v30, $0x3  }
0xea: {  	v50, _, _ =	vpop (xrf0);
	v52 =	vsel vm5, $0x1, v1;
	v6 =	vsel vm2, v8, v6;
	vm2 =	veq.s32 v30, $0x6  }
0xeb: {  	v24 =	vmpcnt.ones.xlane vm5;
	v15 =	vadd.s32 v9, v50;
	v9 =	vadd.s32 v56, v9  }
0xec: {  	(xrf0) =	vadd.scan.msk.s32 $0xffff, v52;
	v63 =	vsel vm2, $0x1, v1;
	v37 =	vmpcnt.ones.xlane vm2;
	v53 =	vadd.s32 $0xFFFFFFFF, v15  }
0xed: {  	v54, _, _ =	vpop (xrf0);
	v28 =	vadd.s32 v24, v16;
	v9 =	vadd.s32 $0xFFFFFFFF, v9;
	v8 =	vnsel vm3, $0x0, v53  }
0xee: {  	(xrf0) =	vadd.scan.msk.s32 $0xffff, v55;
	v15 =	vadd.s32 v7, v54;
	v20, _, _ =	vpop (xrf0);
	vm3 =	veq.s32 v30, $0x7;
	v30 =	vmpcnt.ones.xlane vm1  }
0xef: {  	(xrf0) =	vadd.scan.msk.s32 $0xffff, v58;
	v15 =	vadd.s32 $0xFFFFFFFF, v15;
	v59 =	vadd.s32 v10, v20;
	v27 =	vsel vm3, $0x1, v1  }
0xf0: {  	v42 =	vmpcnt.ones.xlane vm3;
	v8 =	vsel vm4, v15, v8;
	v7 =	vadd.s32 $0xFFFFFFFF, v59  }
0xf1: {  	vm4 =	veq.s32 v60, $0x2;
	v7 =	vsel vm6, v7, v8;
	v8 =	vadd.s32 v61, v10  }
0xf2: {  	vm6 =	veq.s32 v60, $0x1;
	v39 =	vsel vm4, $0x1, v1;
	v10 =	vadd.s32 $0xFFFFFFFF, v28;
	v62, _, _ =	vpop (xrf0)  }
0xf3: {  	v57 =	vmpcnt.ones.xlane vm4;
	v36 =	vsel vm6, $0x1, v1;
	v19 =	vadd.s32 v16, v62  }
0xf4: {  	(xrf0) =	vadd.scan.msk.s32 $0xffff, v63;
	v51 =	vadd.s32 $0xFFFFFFFF, v8;
	v55 =	vmpcnt.ones.xlane vm6;
	v26, _, _ =	vpop (xrf0);
	v25 =	vadd.s32 $0xFFFFFFFF, v19  }
0xf5: {  	v49 =	vld [tilespmem:$0x1030];
	(xrf0) =	vadd.scan.msk.s32 $0xffff, v27;
	v29 =	vadd.s32 v11, v26;
	v31, _, _ =	vpop (xrf0);
	v11 =	vadd.s32 v30, v11;
	v7 =	vsel vm5, v25, v7  }
0xf6: {  	v16 =	vadd.s32 $0xFFFFFFFF, v29;
	v19 =	vadd.s32 v13, v31;
	v13 =	vadd.s32 v32, v13  }
0xf7: {  	(xrf0) =	vadd.scan.msk.s32 $0xffff, v33;
	vm5 =	veq.s32 v60, $0x4;
	v11 =	vadd.s32 $0xFFFFFFFF, v11;
	v7 =	vsel vm1, v16, v7  }
0xf8: {  	v34 =	vadd.s32 $0xFFFFFFFF, v19;
	v45 =	vsel vm5, $0x1, v1;
	vm1 =	veq.s32 v60, $0x5  }
0xf9: {  	(xrf0) =	vadd.scan.msk.s32 $0xffff, v36;
	v13 =	vadd.s32 $0xFFFFFFFF, v13;
	v63 =	vmpcnt.ones.xlane vm5;
	v7 =	vsel vm7, v34, v7  }
0xfa: {  	v48 =	vsel vm1, $0x1, v1;
	vm7 =	veq.s32 v49, $0x0;
	v32 =	vmpcnt.ones.xlane vm1;
	v35, _, _ =	vpop (xrf0)  }
0xfb: {  	v16 =	vadd.s32 v14, v35;
	v38, _, _ =	vpop (xrf0);
	v14 =	vadd.s32 v14, v37;
	v37 =	vmpcnt.ones.xlane vm7  }
0xfc: {  	(xrf0) =	vadd.scan.msk.s32 $0xffff, v39;
	v16 =	vadd.s32 $0xFFFFFFFF, v16;
	v40 =	vadd.s32 v12, v38;
	v12 =	vadd.s32 v12, v42  }
0xfd: {  	v43, _, _ =	vpop (xrf0);
	v14 =	vadd.s32 $0xFFFFFFFF, v14;
	v7 =	vsel vm2, v16, v7;
	vm2 =	veq.s32 v60, $0x3  }
0xfe: {  	v16 =	vadd.s32 $0xFFFFFFFF, v40;
	v44 =	vadd.s32 v43, v9;
	v41 =	vsel vm2, $0x1, v1  }
0xff: {  	v47, _, _ =	vpop (xrf0);
	v12 =	vadd.s32 $0xFFFFFFFF, v12;
	v9 =	vadd.s32 v46, v9;
	v7 =	vsel vm3, v16, v7;
	(xrf0) =	vadd.scan.msk.s32 $0xffff, v41  }
0x100: {  	v16 =	vnsel vm8, $0x0, v44;
	v19 =	vadd.s32 v47, v17;
	vm8 =	veq.s32 v60, $0x6  }
0x101: {  	v61 =	vmpcnt.ones.xlane vm2;
	vm3 =	veq.s32 v49, $0x2;
	v17 =	vadd.s32 v55, v17;
	(xrf0) =	vadd.scan.msk.s32 $0xffff, v45  }
0x102: {  	v52 =	vsel vm6, v19, v16;
	v54 =	vsel vm8, $0x1, v1;
	vm6 =	veq.s32 v60, $0x7;
	v50, _, _ =	vpop (xrf0);
	(xrf0) =	vadd.scan.msk.s32 $0xffff, v48  }
0x103: {  	v60 =	vsel vm7, $0x1, v1;
	v31 =	vsel vm3, $0x1, v1;
	v33 =	vmpcnt.ones.xlane vm8  }
0x104: {  	v19 =	vadd.s32 v57, v51;
	v44 =	vmpcnt.ones.xlane vm3;
	v53 =	vadd.s32 v50, v51;
	(xrf0) =	vadd.scan.msk.s32 $0xffff, v54  }
0x105: {  	v59 =	vsel vm6, $0x1, v1;
	v8 =	vsel vm4, v53, v52;
	vm4 =	veq.s32 v49, $0x1;
	v56, _, _ =	vpop (xrf0)  }
0x106: {  	v36 =	vmpcnt.ones.xlane vm6;
	v25 =	vsel vm4, $0x1, v1;
	v16 =	vadd.s32 v56, v10  }
0x107: {  	v42 =	vmpcnt.ones.xlane vm4;
	v58, _, _ =	vpop (xrf0);
	(xrf0) =	vadd.scan.msk.s32 $0xffff, v59;
	v10 =	vadd.s32 v61, v10;
	v8 =	vsel vm2, v16, v8  }
0x108: {  	v15 =	vadd.s32 v58, v11;
	v62, _, _ =	vpop (xrf0);
	(xrf0) =	vadd.scan.msk.s32 $0xffff, v60;
	vm2 =	veq.s32 v49, $0x5;
	v11 =	vadd.s32 v63, v11  }
0x109: {  	v8 =	vsel vm5, v15, v8;
	v15 =	vadd.s32 v62, v13;
	vm5 =	veq.s32 v49, $0x4  }
0x10a: {  	v29, _, _ =	vpop (xrf0);
	(xrf0) =	vadd.scan.msk.s32 $0xffff, v25;
	v39 =	vsel vm2, $0x1, v1;
	v13 =	vadd.s32 v32, v13;
	v55 =	vmpcnt.ones.xlane vm2  }
0x10b: {  	v28 =	vld [tilespmem:$0x1040];
	v8 =	vsel vm1, v15, v8;
	v30 =	vadd.s32 v29, v14;
	vm1 =	veq.s32 v49, $0x3  }
0x10c: {  	(xrf0) =	vadd.scan.msk.s32 $0xffff, v31;
	v35 =	vsel vm5, $0x1, v1;
	v51 =	vmpcnt.ones.xlane vm5;
	v14 =	vadd.s32 v33, v14  }
0x10d: {  	v8 =	vsel vm8, v30, v8;
	v26 =	vsel vm1, $0x1, v1;
	vm8 =	veq.s32 v49, $0x6;
	v34, _, _ =	vpop (xrf0)  }
0x10e: {  	v41 =	vsel vm8, $0x1, v1;
	v56 =	vmpcnt.ones.xlane vm8;
	v24 =	vadd.s32 v34, v12;
	v27, _, _ =	vpop (xrf0)  }
0x10f: {  	(xrf0) =	vadd.scan.msk.s32 $0xffff, v26;
	v12 =	vadd.s32 v36, v12;
	v8 =	vsel vm6, v24, v8;
	v18 =	vadd.s32 v27, v9  }
0x110: {  	v38, _, _ =	vpop (xrf0);
	vm6 =	veq.s32 v28, $0x1;
	v24 =	vadd.s32 v37, v9;
	v18 =	vnsel vm7, $0x0, v18  }
0x111: {  	(xrf0) =	vadd.scan.msk.s32 $0xffff, v35;
	v27 =	vadd.s32 v38, v17;
	vm7 =	veq.s32 v28, $0x0;
	v52 =	vsel vm6, $0x1, v1  }
0x112: {  	v29, _, _ =	vpop (xrf0);
	v17 =	vadd.s32 v42, v17;
	v35 =	vmpcnt.ones.xlane vm6;
	v18 =	vsel vm4, v27, v18  }
0x113: {  	(xrf0) =	vadd.scan.msk.s32 $0xffff, v39;
	v40 =	vadd.s32 v29, v19;
	vm4 =	veq.s32 v49, $0x7;
	v48 =	vsel vm7, $0x1, v1  }
0x114: {  	v49 =	vmpcnt.ones.xlane vm1;
	v63 =	vmpcnt.ones.xlane vm7;
	v19 =	vadd.s32 v44, v19  }
0x115: {  	v18 =	vsel vm3, v40, v18;
	v46 =	vsel vm4, $0x1, v1;
	vm3 =	veq.s32 v28, $0x2;
	v43, _, _ =	vpop (xrf0);
	(xrf0) =	vadd.scan.msk.s32 $0xffff, v41  }
0x116: {  	v62 =	vmpcnt.ones.xlane vm4;
	v54 =	vsel vm3, $0x1, v1;
	v20 =	vadd.s32 v43, v10;
	(xrf0) =	vadd.scan.msk.s32 $0xffff, v46  }
0x117: {  	v21 =	vadd.s32 v49, v10;
	v37 =	vmpcnt.ones.xlane vm3;
	v45, _, _ =	vpop (xrf0);
	v18 =	vsel vm1, v20, v18  }
0x118: {  	v47 =	vadd.s32 v45, v11;
	(xrf0) =	vadd.scan.msk.s32 $0xffff, v48;
	vm1 =	veq.s32 v28, $0x3;
	v11 =	vadd.s32 v51, v11  }
0x119: {  	v18 =	vsel vm5, v47, v18;
	v50, _, _ =	vpop (xrf0);
	(xrf0) =	vadd.scan.msk.s32 $0xffff, v52;
	v58 =	vsel vm1, $0x1, v1;
	vm5 =	veq.s32 v28, $0x5  }
0x11a: {  	v42 =	vmpcnt.ones.xlane vm1;
	v20 =	vadd.s32 v50, v13;
	v33 =	vsel vm5, $0x1, v1  }
0x11b: {  	v13 =	vadd.s32 v55, v13;
	v18 =	vsel vm2, v20, v18;
	vm2 =	veq.s32 v28, $0x4;
	v23, _, _ =	vpop (xrf0)  }
0x11c: {  	v29 =	vld [tilespmem:$0x1050];
	v49 =	vmpcnt.ones.xlane vm5;
	(xrf0) =	vadd.scan.msk.s32 $0xffff, v54;
	v61 =	vsel vm2, $0x1, v1;
	v53 =	vadd.s32 v23, v14;
	v57, _, _ =	vpop (xrf0)  }
0x11d: {  	v44 =	vmpcnt.ones.xlane vm2;
	v18 =	vsel vm8, v53, v18;
	v20 =	vadd.s32 v57, v12  }
0x11e: {  	v14 =	vadd.s32 v56, v14;
	v59, _, _ =	vpop (xrf0);
	(xrf0) =	vadd.scan.msk.s32 $0xffff, v58;
	v12 =	vadd.s32 v62, v12;
	v9 =	vsel vm4, v20, v18  }
0x11f: {  	v60 =	vadd.s32 v59, v24;
	v32, _, _ =	vpop (xrf0);
	vm4 =	veq.s32 v28, $0x6;
	v20 =	vadd.s32 v63, v24  }
0x120: {  	(xrf0) =	vadd.scan.msk.s32 $0xffff, v61;
	v63 =	vld [tilespmem:$0x1060];
	v18 =	vnsel vm7, $0x0, v60;
	v26 =	vadd.s32 v32, v17;
	v34 =	vsel vm4, $0x1, v1  }
0x121: {  	vm7 =	veq.s32 v29, $0x4;
	v54 =	vmpcnt.ones.xlane vm4;
	v17 =	vadd.s32 v35, v17  }
0x122: {  	v18 =	vsel vm6, v26, v18;
	vm6 =	veq.s32 v28, $0x7;
	v53 =	vsel vm7, $0x1, v1;
	v30, _, _ =	vpop (xrf0)  }
0x123: {  	(xrf0) =	vadd.scan.msk.s32 $0xffff, v33;
	v39 =	vsel vm6, $0x1, v1;
	v56 =	vmpcnt.ones.xlane vm6;
	v22 =	vadd.s32 v30, v19  }
0x124: {  	v19 =	vadd.s32 v37, v19;
	v18 =	vsel vm3, v22, v18;
	v36, _, _ =	vpop (xrf0);
	vm3 =	veq.s32 v29, $0x0  }
0x125: {  	(xrf0) =	vadd.scan.msk.s32 $0xffff, v34;
	vm8 =	veq.s32 v63, $0x1;
	v10 =	vadd.s32 v36, v21;
	v41 =	vsel vm3, $0x1, v1  }
0x126: {  	v30 =	vld [tilespmem:$0x1070];
	v38, _, _ =	vpop (xrf0);
	v61 =	vmpcnt.ones.xlane vm3;
	v21 =	vadd.s32 v42, v21;
	v10 =	vsel vm1, v10, v18  }
0x127: {  	(xrf0) =	vadd.scan.msk.s32 $0xffff, v39;
	v40 =	vadd.s32 v38, v11;
	vm1 =	veq.s32 v29, $0x1;
	v11 =	vadd.s32 v44, v11  }
0x128: {  	v10 =	vsel vm2, v40, v10;
	v46 =	vsel vm1, $0x1, v1;
	vm2 =	veq.s32 v29, $0x2  }
0x129: {  	(xrf0) =	vadd.scan.msk.s32 $0xffff, v41;
	v36 =	vmpcnt.ones.xlane vm1;
	v40 =	vmpcnt.ones.xlane vm7;
	v43, _, _ =	vpop (xrf0);
	v48 =	vsel vm2, $0x1, v1  }
0x12a: {  	(xrf0) =	vadd.scan.msk.s32 $0xffff, v46;
	v38 =	vmpcnt.ones.xlane vm2;
	v46 =	vsel vm8, $0x1, v1;
	v18 =	vadd.s32 v43, v13  }
0x12b: {  	vm9 =	veq.s32 v30, $0x0;
	v45, _, _ =	vpop (xrf0);
	v10 =	vsel vm5, v18, v10;
	(xrf0) =	vadd.scan.msk.s32 $0xffff, v48;
	vm5 =	veq.s32 v29, $0x3  }
0x12c: {  	vm10 =	veq.s32 v30, $0x4;
	v13 =	vadd.s32 v49, v13;
	v51 =	vsel vm5, $0x1, v1  }
0x12d: {  	v16 =	vadd.s32 v38, v19;
	v47 =	vadd.s32 v45, v14;
	v50, _, _ =	vpop (xrf0);
	v39 =	vmpcnt.ones.xlane vm5;
	(xrf0) =	vadd.scan.msk.s32 $0xffff, v51  }
0x12e: {  	v10 =	vsel vm4, v47, v10;
	v15 =	vadd.s32 v50, v12;
	vm4 =	veq.s32 v29, $0x5;
	(xrf0) =	vadd.scan.msk.s32 $0xffff, v53  }
0x12f: {  	v52, _, _ =	vpop (xrf0);
	v10 =	vsel vm6, v15, v10;
	v58 =	vsel vm4, $0x1, v1;
	vm6 =	veq.s32 v29, $0x6  }
0x130: {  	v14 =	vadd.s32 v54, v14;
	v12 =	vadd.s32 v56, v12;
	v57, _, _ =	vpop (xrf0);
	(xrf0) =	vadd.scan.msk.s32 $0xffff, v58;
	v60 =	vsel vm6, $0x1, v1  }
0x131: {  	v55 =	vadd.s32 v52, v20;
	v45 =	vmpcnt.ones.xlane vm4;
	v20 =	vadd.s32 v61, v20;
	v59, _, _ =	vpop (xrf0);
	(xrf0) =	vadd.scan.msk.s32 $0xffff, v60  }
0x132: {  	v15 =	vnsel vm3, $0x0, v55;
	vm3 =	veq.s32 v29, $0x7;
	v25 =	vadd.s32 v57, v17  }
0x133: {  	v35 =	vsel vm3, $0x1, v1;
	v15 =	vsel vm1, v25, v15;
	v62 =	vadd.s32 v59, v19;
	v33, _, _ =	vpop (xrf0)  }
0x134: {  	v29 =	vmpcnt.ones.xlane vm6;
	v15 =	vsel vm2, v62, v15;
	v22 =	vadd.s32 v33, v21;
	v34, _, _ =	vpop (xrf0);
	(xrf0) =	vadd.scan.msk.s32 $0xffff, v35  }
0x135: {  	v55 =	vsel vm9, $0x1, v1;
	v15 =	vsel vm5, v22, v15;
	v37 =	vadd.s32 v34, v11  }
0x136: {  	v17 =	vadd.s32 v36, v17;
	v41, _, _ =	vpop (xrf0);
	v15 =	vsel vm7, v37, v15;
	vm7 =	veq.s32 v63, $0x0  }
0x137: {  	vm1 =	veq.s32 v63, $0x7;
	v23 =	vadd.s32 v41, v13;
	v42, _, _ =	vpop (xrf0);
	v43 =	vsel vm7, $0x1, v1  }
0x138: {  	v54 =	vsel vm1, $0x1, v1;
	v15 =	vsel vm4, v23, v15;
	v44 =	vadd.s32 v42, v14;
	(xrf0) =	vadd.scan.msk.s32 $0xffff, v43  }
0x139: {  	vm5 =	veq.s32 v63, $0x3;
	v15 =	vsel vm6, v44, v15;
	vm6 =	veq.s32 v63, $0x2  }
0x13a: {  	vm2 =	veq.s32 v63, $0x6;
	v49 =	vsel vm5, $0x1, v1;
	(xrf0) =	vadd.scan.msk.s32 $0xffff, v46;
	v47, _, _ =	vpop (xrf0);
	v48 =	vsel vm6, $0x1, v1  }
0x13b: {  	vm4 =	veq.s32 v63, $0x4;
	v23 =	vmpcnt.ones.xlane vm3;
	v18 =	vadd.s32 v47, v12;
	(xrf0) =	vadd.scan.msk.s32 $0xffff, v48  }
0x13c: {  	v50 =	vsel vm4, $0x1, v1;
	v15 =	vsel vm3, v18, v15;
	(xrf0) =	vadd.scan.msk.s32 $0xffff, v49;
	vm3 =	veq.s32 v63, $0x5  }
0x13d: {  	v59 =	vmpcnt.ones.xlane vm8;
	v52 =	vsel vm2, $0x1, v1;
	(xrf0) =	vadd.scan.msk.s32 $0xffff, v50;
	v51 =	vsel vm3, $0x1, v1  }
0x13e: {  	v21 =	vadd.s32 v39, v21;
	v11 =	vadd.s32 v40, v11;
	v37 =	vmpcnt.ones.xlane vm5;
	v31, _, _ =	vpop (xrf0);
	(xrf0) =	vadd.scan.msk.s32 $0xffff, v51  }
0x13f: {  	v41 =	vsel vm10, $0x1, v1;
	v13 =	vadd.s32 v45, v13;
	v56 =	vmpcnt.ones.xlane vm7;
	(xrf0) =	vadd.scan.msk.s32 $0xffff, v52  }
0x140: {  	v42 =	vmpcnt.ones.xlane vm4;
	v14 =	vadd.s32 v29, v14;
	v32 =	vmpcnt.ones.xlane vm6;
	v53, _, _ =	vpop (xrf0);
	(xrf0) =	vadd.scan.msk.s32 $0xffff, v54  }
0x141: {  	v49 =	vadd.s32 v37, v21;
	v47 =	vmpcnt.ones.xlane vm3;
	v27 =	vadd.s32 v31, v20;
	v57, _, _ =	vpop (xrf0);
	(xrf0) =	vadd.scan.msk.s32 $0xffff, v55  }
0x142: {  	v20 =	vadd.s32 v56, v20;
	v27 =	vnsel vm7, $0x0, v27;
	v26 =	vadd.s32 v53, v17;
	v58, _, _ =	vpop (xrf0)  }
0x143: {  	v56 =	vmpcnt.ones.xlane vm2;
	vm7 =	veq.s32 v30, $0x1;
	v26 =	vsel vm8, v26, v27;
	v60, _, _ =	vpop (xrf0)  }
0x144: {  	[tilespmem:$0x1100] =	vst v6;
	v61 =	vsel vm7, $0x1, v1;
	vm8 =	veq.s32 v30, $0x2;
	v27 =	vadd.s32 v57, v16;
	v62, _, _ =	vpop (xrf0)  }
0x145: {  	v63 =	vsel vm8, $0x1, v1;
	v26 =	vsel vm6, v27, v26;
	(xrf0) =	vadd.scan.msk.s32 $0xffff, v61;
	vm6 =	veq.s32 v30, $0x3;
	v36, _, _ =	vpop (xrf0)  }
0x146: {  	v17 =	vadd.s32 v59, v17;
	v55 =	vshrl.u32 v6, $0x3;
	v40 =	vsel vm6, $0x1, v1;
	(xrf0) =	vadd.scan.msk.s32 $0xffff, v63;
	v39, _, _ =	vpop (xrf0)  }
0x147: {  	v6 =	vand.u32 $0x7, v6;
	v16 =	vadd.s32 v32, v16;
	v18 =	vadd.s32 v58, v21;
	v33, _, _ =	vpop (xrf0);
	(xrf0) =	vadd.scan.msk.s32 $0xffff, v40  }
0x148: {  	[tilespmem:$0x1110] =	vst v7;
	v7 =	vmul.u32 $0x30, v55;
	v18 =	vsel vm5, v18, v26;
	v38 =	vadd.s32 v60, v11  }
0x149: {  	vm5 =	veq.s32 v30, $0x5;
	v18 =	vsel vm4, v38, v18;
	v46 =	vadd.s32 v62, v13  }
0x14a: {  	v44 =	vsel vm5, $0x1, v1;
	v18 =	vsel vm3, v46, v18;
	vm3 =	veq.s32 v30, $0x6;
	(xrf0) =	vadd.scan.msk.s32 $0xffff, v41  }
0x14b: {  	v57 =	vadd.s32 v23, v12;
	vm4 =	veq.s32 v30, $0x7;
	v50 =	vsel vm3, $0x1, v1;
	v43, _, _ =	vpop (xrf0);
	(xrf0) =	vadd.scan.msk.s32 $0xffff, v44  }
0x14c: {  	v58 =	vmpcnt.ones.xlane vm1;
	v11 =	vadd.s32 v42, v11;
	v52 =	vsel vm4, $0x1, v1;
	v45, _, _ =	vpop (xrf0);
	(xrf0) =	vadd.scan.msk.s32 $0xffff, v50  }
0x14d: {  	v6 =	vor.u32 v6, v7;
	v13 =	vadd.s32 v47, v13;
	v20 =	vadd.s32 v33, v20;
	v48, _, _ =	vpop (xrf0);
	(xrf0) =	vadd.scan.msk.s32 $0xffff, v52  }
0x14e: {  	[tilespmem:$0x1120] =	vst v8;
	v8 =	vadd.s32 v58, v57;
	v20 =	vnsel vm9, $0x0, v20;
	v17 =	vadd.s32 v43, v17  }
0x14f: {  	v62 =	vperm.xlane v6, v2;
	v17 =	vsel vm7, v17, v20;
	v16 =	vadd.s32 v45, v16  }
0x150: {  	v54 =	vadd.s32 v36, v14;
	v16 =	vsel vm8, v16, v17;
	v17 =	vadd.s32 v48, v49;
	v51, _, _ =	vpop (xrf0)  }
0x151: {  	v14 =	vadd.s32 v56, v14;
	v16 =	vsel vm6, v17, v16;
	v11 =	vadd.s32 v51, v11;
	v53, _, _ =	vpop (xrf0)  }
0x152: {  	[tilespmem:$0x1130] =	vst v9;
	v60 =	vadd.s32 v39, v57;
	v11 =	vsel vm10, v11, v16;
	v13 =	vadd.s32 v53, v13;
	v59, _, _ =	vpop (xrf0)  }
0x153: {  	[tilespmem:$0x1140] =	vst v10;
	v17 =	vsel vm2, v54, v18;
	v11 =	vsel vm5, v13, v11;
	v7 =	vadd.s32 v59, v14;
	v61, _, _ =	vpop (xrf0)  }
0x154: {  	[tilespmem:$0x1150] =	vst v15;
	v9 =	vsel vm1, v60, v17;
	v7 =	vsel vm3, v7, v11;
	v8 =	vadd.s32 v61, v8  }
0x155: {  	v63 =	vadd.s32 v3, v62;
	[tilespmem:$0x1160] =	vst v9;
	v7 =	vsel vm4, v8, v7  }
0x156: {  	[tilespmem:$0x1170] =	vst v7  }
0x157: {  	_ =	swait.ge [sflag:s20], $0x18000  }
0x158: {  	[sflag:s20] =	ssyncset.done $0x0  }
0x159: {  	v6 =	vperm.xlane v6, v4;
	[sflag:s20] =	ssyncadd.s32 $0xFFFE8000  }
0x15a: {  	[hbm4b:s5+s3] =	stream.indirect_vreg.scatter [tilespmem:s14], [sflag:$0x1], $0x80, v63, vm15, $0xb8;
	[tilespmem:$0x19200] =	vst v63  }
0x15b: {  	s26 =	simm.s32 $0x1980;
	v6 =	vadd.s32 v3, v6  }
0x15c: {  	[hbm4b:s10+s3] =	stream.indirect_vreg.scatter [tilespmem:s26], [sflag:$0x1], $0x80, v63, vm15, $0xb8;
	[tilespmem:$0x19200] =	vst v63  }
0x15d: {  	s26 =	simm.s32 $0x2180  }
0x15e: {  	[hbm4b:s11+s3] =	stream.indirect_vreg.scatter [tilespmem:s26], [sflag:$0x1], $0x80, v63, vm15, $0xb8;
	[tilespmem:$0x19200] =	vst v63  }
0x15f: {  	s26 =	simm.s32 $0x2980  }
0x160: {  	[hbm4b:s5+s3] =	stream.indirect_vreg.scatter [tilespmem:s26], [sflag:$0x1], $0x80, v6, vm15, $0xb8;
	[tilespmem:$0x19200] =	vst v63  }
0x161: {  	s26 =	simm.s32 $0x3180  }
0x162: {  	[hbm4b:s10+s3] =	stream.indirect_vreg.scatter [tilespmem:s26], [sflag:$0x1], $0x80, v6, vm15, $0xb8;
	[tilespmem:$0x19200] =	vst v63  }
0x163: {  	s26 =	simm.s32 $0x3980  }
0x164: {  	[hbm4b:s11+s3] =	stream.indirect_vreg.scatter [tilespmem:s26], [sflag:$0x1], $0x80, v6, vm15, $0xb8;
	[tilespmem:$0x19200] =	vst v63  }
0x165: {  	v6 =	vld [tilespmem:$0x1110];
	_ =	sdelay $0x4  }
0x166: {  	v7 =	vshrl.u32 v6, $0x3  }
0x167: {  	v7 =	vmul.u32 $0x30, v7  }
0x168: {  	v6 =	vand.u32 $0x7, v6  }
0x169: {  	v6 =	vor.u32 v6, v7  }
0x16a: {  	v7 =	vperm.xlane v6, v2;
	_ =	sdelay $0x1  }
0x16b: {  	v7 =	vadd.s32 v3, v7;
	_ =	sdelay $0x3  }
0x16c: {  	s26 =	simm.s32 $0x4180;
	v6 =	vperm.xlane v6, v4  }
0x16d: {  	[hbm4b:s5+s3] =	stream.indirect_vreg.scatter [tilespmem:s26], [sflag:$0x1], $0x80, v7, vm15, $0xb8;
	[tilespmem:$0x19200] =	vst v63  }
0x16e: {  	v6 =	vadd.s32 v3, v6;
	s26 =	simm.s32 $0x4980  }
0x16f: {  	[hbm4b:s10+s3] =	stream.indirect_vreg.scatter [tilespmem:s26], [sflag:$0x1], $0x80, v7, vm15, $0xb8;
	[tilespmem:$0x19200] =	vst v63  }
0x170: {  	s26 =	simm.s32 $0x5180  }
0x171: {  	[hbm4b:s11+s3] =	stream.indirect_vreg.scatter [tilespmem:s26], [sflag:$0x1], $0x80, v7, vm15, $0xb8;
	[tilespmem:$0x19200] =	vst v63  }
0x172: {  	s26 =	simm.s32 $0x5980  }
0x173: {  	[hbm4b:s5+s3] =	stream.indirect_vreg.scatter [tilespmem:s26], [sflag:$0x1], $0x80, v6, vm15, $0xb8;
	[tilespmem:$0x19200] =	vst v63  }
0x174: {  	s26 =	simm.s32 $0x6180  }
0x175: {  	[hbm4b:s10+s3] =	stream.indirect_vreg.scatter [tilespmem:s26], [sflag:$0x1], $0x80, v6, vm15, $0xb8;
	[tilespmem:$0x19200] =	vst v63  }
0x176: {  	s26 =	simm.s32 $0x6980  }
0x177: {  	[hbm4b:s11+s3] =	stream.indirect_vreg.scatter [tilespmem:s26], [sflag:$0x1], $0x80, v6, vm15, $0xb8;
	[tilespmem:$0x19200] =	vst v63  }
0x178: {  	v6 =	vld [tilespmem:$0x1120];
	_ =	sdelay $0x4  }
0x179: {  	v7 =	vshrl.u32 v6, $0x3  }
0x17a: {  	v7 =	vmul.u32 $0x30, v7  }
0x17b: {  	v6 =	vand.u32 $0x7, v6  }
0x17c: {  	v6 =	vor.u32 v6, v7  }
0x17d: {  	v7 =	vperm.xlane v6, v2;
	_ =	sdelay $0x1  }
0x17e: {  	v7 =	vadd.s32 v3, v7;
	_ =	sdelay $0x3  }
0x17f: {  	s26 =	simm.s32 $0x7180;
	v6 =	vperm.xlane v6, v4  }
0x180: {  	[hbm4b:s5+s3] =	stream.indirect_vreg.scatter [tilespmem:s26], [sflag:$0x1], $0x80, v7, vm15, $0xb8;
	[tilespmem:$0x19200] =	vst v63  }
0x181: {  	v6 =	vadd.s32 v3, v6;
	s26 =	simm.s32 $0x7980  }
0x182: {  	[hbm4b:s10+s3] =	stream.indirect_vreg.scatter [tilespmem:s26], [sflag:$0x1], $0x80, v7, vm15, $0xb8;
	[tilespmem:$0x19200] =	vst v63  }
0x183: {  	s26 =	simm.s32 $0x8180  }
0x184: {  	[hbm4b:s11+s3] =	stream.indirect_vreg.scatter [tilespmem:s26], [sflag:$0x1], $0x80, v7, vm15, $0xb8;
	[tilespmem:$0x19200] =	vst v63  }
0x185: {  	s26 =	simm.s32 $0x8980  }
0x186: {  	[hbm4b:s5+s3] =	stream.indirect_vreg.scatter [tilespmem:s26], [sflag:$0x1], $0x80, v6, vm15, $0xb8;
	[tilespmem:$0x19200] =	vst v63  }
0x187: {  	s26 =	simm.s32 $0x9180  }
0x188: {  	[hbm4b:s10+s3] =	stream.indirect_vreg.scatter [tilespmem:s26], [sflag:$0x1], $0x80, v6, vm15, $0xb8;
	[tilespmem:$0x19200] =	vst v63  }
0x189: {  	s26 =	simm.s32 $0x9980  }
0x18a: {  	[hbm4b:s11+s3] =	stream.indirect_vreg.scatter [tilespmem:s26], [sflag:$0x1], $0x80, v6, vm15, $0xb8;
	[tilespmem:$0x19200] =	vst v63  }
0x18b: {  	v6 =	vld [tilespmem:$0x1130];
	_ =	sdelay $0x4  }
0x18c: {  	v7 =	vshrl.u32 v6, $0x3  }
0x18d: {  	v7 =	vmul.u32 $0x30, v7  }
0x18e: {  	v6 =	vand.u32 $0x7, v6  }
0x18f: {  	v6 =	vor.u32 v6, v7  }
0x190: {  	v7 =	vperm.xlane v6, v2;
	_ =	sdelay $0x1  }
0x191: {  	v7 =	vadd.s32 v3, v7;
	_ =	sdelay $0x3  }
0x192: {  	s26 =	simm.s32 $0xA180;
	v6 =	vperm.xlane v6, v4  }
0x193: {  	[hbm4b:s5+s3] =	stream.indirect_vreg.scatter [tilespmem:s26], [sflag:$0x1], $0x80, v7, vm15, $0xb8;
	[tilespmem:$0x19200] =	vst v63  }
0x194: {  	v6 =	vadd.s32 v3, v6;
	s26 =	simm.s32 $0xA980  }
0x195: {  	[hbm4b:s10+s3] =	stream.indirect_vreg.scatter [tilespmem:s26], [sflag:$0x1], $0x80, v7, vm15, $0xb8;
	[tilespmem:$0x19200] =	vst v63  }
0x196: {  	s26 =	simm.s32 $0xB180  }
0x197: {  	[hbm4b:s11+s3] =	stream.indirect_vreg.scatter [tilespmem:s26], [sflag:$0x1], $0x80, v7, vm15, $0xb8;
	[tilespmem:$0x19200] =	vst v63  }
0x198: {  	s26 =	simm.s32 $0xB980  }
0x199: {  	[hbm4b:s5+s3] =	stream.indirect_vreg.scatter [tilespmem:s26], [sflag:$0x1], $0x80, v6, vm15, $0xb8;
	[tilespmem:$0x19200] =	vst v63  }
0x19a: {  	s26 =	simm.s32 $0xC180  }
0x19b: {  	[hbm4b:s10+s3] =	stream.indirect_vreg.scatter [tilespmem:s26], [sflag:$0x1], $0x80, v6, vm15, $0xb8;
	[tilespmem:$0x19200] =	vst v63  }
0x19c: {  	s26 =	simm.s32 $0xC980  }
0x19d: {  	[hbm4b:s11+s3] =	stream.indirect_vreg.scatter [tilespmem:s26], [sflag:$0x1], $0x80, v6, vm15, $0xb8;
	[tilespmem:$0x19200] =	vst v63  }
0x19e: {  	v6 =	vld [tilespmem:$0x1140];
	_ =	sdelay $0x4  }
0x19f: {  	v7 =	vshrl.u32 v6, $0x3  }
0x1a0: {  	v7 =	vmul.u32 $0x30, v7  }
0x1a1: {  	v6 =	vand.u32 $0x7, v6  }
0x1a2: {  	v6 =	vor.u32 v6, v7  }
0x1a3: {  	v7 =	vperm.xlane v6, v2;
	_ =	sdelay $0x1  }
0x1a4: {  	v7 =	vadd.s32 v3, v7;
	_ =	sdelay $0x3  }
0x1a5: {  	s26 =	simm.s32 $0xD180;
	v6 =	vperm.xlane v6, v4  }
0x1a6: {  	[hbm4b:s5+s3] =	stream.indirect_vreg.scatter [tilespmem:s26], [sflag:$0x1], $0x80, v7, vm15, $0xb8;
	[tilespmem:$0x19200] =	vst v63  }
0x1a7: {  	v6 =	vadd.s32 v3, v6;
	s26 =	simm.s32 $0xD980  }
0x1a8: {  	[hbm4b:s10+s3] =	stream.indirect_vreg.scatter [tilespmem:s26], [sflag:$0x1], $0x80, v7, vm15, $0xb8;
	[tilespmem:$0x19200] =	vst v63  }
0x1a9: {  	s26 =	simm.s32 $0xE180  }
0x1aa: {  	[hbm4b:s11+s3] =	stream.indirect_vreg.scatter [tilespmem:s26], [sflag:$0x1], $0x80, v7, vm15, $0xb8;
	[tilespmem:$0x19200] =	vst v63  }
0x1ab: {  	s26 =	simm.s32 $0xE980  }
0x1ac: {  	[hbm4b:s5+s3] =	stream.indirect_vreg.scatter [tilespmem:s26], [sflag:$0x1], $0x80, v6, vm15, $0xb8;
	[tilespmem:$0x19200] =	vst v63  }
0x1ad: {  	s26 =	simm.s32 $0xF180  }
0x1ae: {  	[hbm4b:s10+s3] =	stream.indirect_vreg.scatter [tilespmem:s26], [sflag:$0x1], $0x80, v6, vm15, $0xb8;
	[tilespmem:$0x19200] =	vst v63  }
0x1af: {  	s26 =	simm.s32 $0xF980  }
0x1b0: {  	[hbm4b:s11+s3] =	stream.indirect_vreg.scatter [tilespmem:s26], [sflag:$0x1], $0x80, v6, vm15, $0xb8;
	[tilespmem:$0x19200] =	vst v63  }
0x1b1: {  	v6 =	vld [tilespmem:$0x1150];
	_ =	sdelay $0x4  }
0x1b2: {  	v7 =	vshrl.u32 v6, $0x3  }
0x1b3: {  	v7 =	vmul.u32 $0x30, v7  }
0x1b4: {  	v6 =	vand.u32 $0x7, v6  }
0x1b5: {  	v6 =	vor.u32 v6, v7  }
0x1b6: {  	v7 =	vperm.xlane v6, v2;
	_ =	sdelay $0x1  }
0x1b7: {  	v7 =	vadd.s32 v3, v7;
	_ =	sdelay $0x3  }
0x1b8: {  	s26 =	simm.s32 $0x10180;
	v6 =	vperm.xlane v6, v4  }
0x1b9: {  	[hbm4b:s5+s3] =	stream.indirect_vreg.scatter [tilespmem:s26], [sflag:$0x1], $0x80, v7, vm15, $0xb8;
	[tilespmem:$0x19200] =	vst v63  }
0x1ba: {  	v6 =	vadd.s32 v3, v6;
	s26 =	simm.s32 $0x10980  }
0x1bb: {  	[hbm4b:s10+s3] =	stream.indirect_vreg.scatter [tilespmem:s26], [sflag:$0x1], $0x80, v7, vm15, $0xb8;
	[tilespmem:$0x19200] =	vst v63  }
0x1bc: {  	s26 =	simm.s32 $0x11180  }
0x1bd: {  	[hbm4b:s11+s3] =	stream.indirect_vreg.scatter [tilespmem:s26], [sflag:$0x1], $0x80, v7, vm15, $0xb8;
	[tilespmem:$0x19200] =	vst v63  }
0x1be: {  	s26 =	simm.s32 $0x11980  }
0x1bf: {  	[hbm4b:s5+s3] =	stream.indirect_vreg.scatter [tilespmem:s26], [sflag:$0x1], $0x80, v6, vm15, $0xb8;
	[tilespmem:$0x19200] =	vst v63  }
0x1c0: {  	s26 =	simm.s32 $0x12180  }
0x1c1: {  	[hbm4b:s10+s3] =	stream.indirect_vreg.scatter [tilespmem:s26], [sflag:$0x1], $0x80, v6, vm15, $0xb8;
	[tilespmem:$0x19200] =	vst v63  }
0x1c2: {  	s26 =	simm.s32 $0x12980  }
0x1c3: {  	[hbm4b:s11+s3] =	stream.indirect_vreg.scatter [tilespmem:s26], [sflag:$0x1], $0x80, v6, vm15, $0xb8;
	[tilespmem:$0x19200] =	vst v63  }
0x1c4: {  	v6 =	vld [tilespmem:$0x1160];
	_ =	sdelay $0x4  }
0x1c5: {  	v7 =	vshrl.u32 v6, $0x3  }
0x1c6: {  	v7 =	vmul.u32 $0x30, v7  }
0x1c7: {  	v6 =	vand.u32 $0x7, v6  }
0x1c8: {  	v6 =	vor.u32 v6, v7  }
0x1c9: {  	v7 =	vperm.xlane v6, v2;
	_ =	sdelay $0x1  }
0x1ca: {  	v7 =	vadd.s32 v3, v7;
	_ =	sdelay $0x3  }
0x1cb: {  	s26 =	simm.s32 $0x13180;
	v6 =	vperm.xlane v6, v4  }
0x1cc: {  	[hbm4b:s5+s3] =	stream.indirect_vreg.scatter [tilespmem:s26], [sflag:$0x1], $0x80, v7, vm15, $0xb8;
	[tilespmem:$0x19200] =	vst v63  }
0x1cd: {  	v6 =	vadd.s32 v3, v6  }
0x1ce: {  	[hbm4b:s10+s3] =	stream.indirect_vreg.scatter [tilespmem:s28], [sflag:$0x1], $0x80, v7, vm15, $0xb8;
	[tilespmem:$0x19200] =	vst v63  }
0x1cf: {  	_ = 	snop  }
0x1d0: {  	[hbm4b:s11+s3] =	stream.indirect_vreg.scatter [tilespmem:s29], [sflag:$0x1], $0x80, v7, vm15, $0xb8;
	[tilespmem:$0x19200] =	vst v63  }
0x1d1: {  	_ = 	snop  }
0x1d2: {  	[hbm4b:s5+s3] =	stream.indirect_vreg.scatter [tilespmem:s30], [sflag:$0x1], $0x80, v6, vm15, $0xb8;
	[tilespmem:$0x19200] =	vst v63  }
0x1d3: {  	_ = 	snop  }
0x1d4: {  	[hbm4b:s10+s3] =	stream.indirect_vreg.scatter [tilespmem:s31], [sflag:$0x1], $0x80, v6, vm15, $0xb8;
	[tilespmem:$0x19200] =	vst v63  }
0x1d5: {  	_ = 	snop  }
0x1d6: {  	[hbm4b:s11+s3] =	stream.indirect_vreg.scatter [tilespmem:s0], [sflag:$0x1], $0x80, v6, vm15, $0xb8;
	[tilespmem:$0x19200] =	vst v63  }
0x1d7: {  	v6 =	vld [tilespmem:$0x1170];
	_ =	sdelay $0x4  }
0x1d8: {  	v7 =	vshrl.u32 v6, $0x3  }
0x1d9: {  	v7 =	vmul.u32 $0x30, v7  }
0x1da: {  	v6 =	vand.u32 $0x7, v6  }
0x1db: {  	v6 =	vor.u32 v6, v7  }
0x1dc: {  	v7 =	vperm.xlane v6, v2;
	_ =	sdelay $0x1  }
0x1dd: {  	v7 =	vadd.s32 v3, v7;
	_ =	sdelay $0x3  }
0x1de: {  	v6 =	vperm.xlane v6, v4  }
0x1df: {  	[hbm4b:s5+s3] =	stream.indirect_vreg.scatter [tilespmem:s1], [sflag:$0x1], $0x80, v7, vm15, $0xb8;
	[tilespmem:$0x19200] =	vst v63  }
0x1e0: {  	v6 =	vadd.s32 v3, v6  }
0x1e1: {  	[hbm4b:s10+s3] =	stream.indirect_vreg.scatter [tilespmem:s6], [sflag:$0x1], $0x80, v7, vm15, $0xb8;
	[tilespmem:$0x19200] =	vst v63  }
0x1e2: {  	_ = 	snop  }
0x1e3: {  	[hbm4b:s11+s3] =	stream.indirect_vreg.scatter [tilespmem:s2], [sflag:$0x1], $0x80, v7, vm15, $0xb8;
	[tilespmem:$0x19200] =	vst v63  }
0x1e4: {  	_ = 	snop  }
0x1e5: {  	[hbm4b:s5+s3] =	stream.indirect_vreg.scatter [tilespmem:s15], [sflag:$0x1], $0x80, v6, vm15, $0xb8;
	[tilespmem:$0x19200] =	vst v63  }
0x1e6: {  	_ = 	snop  }
0x1e7: {  	[hbm4b:s10+s3] =	stream.indirect_vreg.scatter [tilespmem:s21], [sflag:$0x1], $0x80, v6, vm15, $0xb8;
	[tilespmem:$0x19200] =	vst v63  }
0x1e8: {  	_ = 	snop  }
0x1e9: {  	[hbm4b:s11+s3] =	stream.indirect_vreg.scatter [tilespmem:s22], [sflag:$0x1], $0x80, v6, vm15, $0xb8;
	[tilespmem:$0x19200] =	vst v63  }
0x1ea: {  	s26 =	rddreg [dreg:$0x2]  }
0x1eb: {  	[hbm4b:s26+s23] =	stream.indirect.scatter [tilespmem:s16], [sflag:$0x2], $0x1, s24, s23, $0xb8;
	[tilespmem:$0x19200] =	vst v63  }
0x1ec: {  	_ = 	snop  }
0x1ed: {  	[hbm4b:s12+s3] =	stream.linear.scatter [tilespmem:s24], [sflag:$0x3], $0x80, $0x38;
	[tilespmem:$0x19200] =	vst v63  }
0x1ee: {  	_ =	swait.ge [sflag:s20], $0x18000  }
0x1ef: {  	[sflag:s20] =	ssyncset.done $0x0  }
0x1f0: {  	[sflag:s20] =	ssyncadd.s32 $0xFFFE8000  }
0x1f1: {  	_ =	swait.ge [sflag:s17], $0x80  }
.Ltmp2:
0x1f2: {  	[sflag:s17] =	ssyncset.done $0x0;
	(pc) =	sbr.rel @p0 .LBB2_3-.Ltmp2, $4  }
0x1f3: {  	[sflag:s17] =	ssyncadd.s32 $0xFFFFFF80  }
0x1f4: {  	_ =	swait.ge [sflag:s18], $0x80  }
0x1f5: {  	[sflag:s18] =	ssyncset.done $0x0  }
0x1f6: {  	[sflag:s18] =	ssyncadd.s32 $0xFFFFFF80  }
0x1f7: {  	vm1 =	vcmask $0x1B20  }
0x1f8: {  	v6 =	vsel vm1, $0x0, v5  }
0x1f9: {  	(xrf0) =	vadd.scan.msk.s32 $0xffff, v6;
	_ =	sdelay $0x1  }
0x1fa: {  	vm5 =	vcmask $0x308;
	v6 =	vnsel vm0, $0x0, v5  }
0x1fb: {  	(xrf0) =	vadd.scan.msk.s32 $0xffff, v6;
	v6 =	vsel vm5, $0x0, v5  }
0x1fc: {  	vm6 =	vcmask $0x70C  }
0x1fd: {  	vm7 =	vcmask $0xB10;
	v7 =	vsel vm6, $0x0, v5;
	(xrf0) =	vadd.scan.msk.s32 $0xffff, v6  }
0x1fe: {  	vm4 =	vcmask $0xF14;
	v48 =	vmul.u32 $0x100, v0;
	v6, _, _ =	vpop (xrf0);
	(xrf0) =	vadd.scan.msk.s32 $0xffff, v7;
	v7 =	vsel vm7, $0x0, v5  }
0x1ff: {  	vm5 =	vcmask $0x1318;
	v6 =	vbroadcast v6, $0xF;
	(xrf0) =	vadd.scan.msk.s32 $0xffff, v7;
	v7 =	vsel vm4, $0x0, v5  }
0x200: {  	v11 =	vor.u32 $0x1, v48;
	vm4 =	vcmask $0x171C;
	(xrf0) =	vadd.scan.msk.s32 $0xffff, v7;
	v7 =	vsel vm5, $0x0, v5  }
0x201: {  	v54 =	vor.u32 $0x1001, v48;
	v5 =	vsel vm4, $0x0, v5;
	v8 =	vshra.s32 v6, $0x1F  }
0x202: {  	v47, _, _ =	vpop (xrf0);
	v9 =	vand.u32 $0xFF, v6;
	vm6 =	vlt.s32 v6, $0x1;
	v8 =	vshrl.u32 v8, $0x18  }
0x203: {  	(xrf0) =	vadd.scan.msk.s32 $0xffff, v7;
	vm7 =	vne.s32 v9, $0x0;
	v9 =	vbroadcast v47, $0xF;
	v7, _, _ =	vpop (xrf0);
	v6 =	vadd.s32 v8, v6  }
0x204: {  	vm0 =	vmand vm6, vm7;
	v8 =	vor.u32 $0x2001, v48;
	v7 =	vbroadcast v7, $0xF  }
0x205: {  	v6 =	vshra.s32 v6, $0x8;
	v10 =	vsel vm0, $0xFFFFFFFF, v1;
	v12, _, _ =	vpop (xrf0);
	vm5 =	vlt.s32 v9, v11  }
0x206: {  	(xrf0) =	vadd.scan.msk.s32 $0xffff, v5;
	v5, _, _ =	vpop (xrf0);
	v12 =	vbroadcast v12, $0xF;
	v14 =	vsel vm5, $0x1, v1;
	v6 =	vadd.s32 v10, v6  }
0x207: {  	vm6 =	vlt.s32 v7, v11;
	v13, _, _ =	vpop (xrf0);
	v5 =	vbroadcast v5, $0xF;
	vm2 =	vlt.s32 v7, v54  }
0x208: {  	v15 =	vsel vm6, $0x1, v1;
	vm7 =	vlt.s32 v12, v11;
	v13 =	vbroadcast v13, $0xF  }
0x209: {  	v16, _, _ =	vpop (xrf0);
	v56 =	vsel vm2, $0x1, v1;
	v14 =	vadd.s32 v15, v14;
	v49 =	vsel vm7, $0x1, v1  }
0x20a: {  	vm4 =	vlt.s32 v5, v11;
	v16 =	vbroadcast v16, $0xF;
	vm7 =	vlt.s32 v9, v54  }
0x20b: {  	v14 =	vadd.s32 v49, v14;
	v50 =	vsel vm4, $0x1, v1;
	vm5 =	vlt.s32 v13, v11  }
0x20c: {  	v55 =	vsel vm7, $0x1, v1;
	vm4 =	vlt.s32 v12, v54;
	v14 =	vadd.s32 v50, v14  }
0x20d: {  	v51 =	vsel vm5, $0x1, v1;
	vm6 =	vlt.s32 v16, v11;
	v57 =	vsel vm4, $0x1, v1  }
0x20e: {  	v17, _, _ =	vpop (xrf0);
	vm5 =	vlt.s32 v5, v54;
	vm7 =	vlt.s32 v16, v54;
	vm4 =	vlt.s32 v9, v8  }
0x20f: {  	v14 =	vadd.s32 v51, v14;
	v52 =	vsel vm6, $0x1, v1;
	v17 =	vbroadcast v17, $0xF  }
0x210: {  	v58 =	vsel vm5, $0x1, v1;
	vm6 =	vlt.s32 v13, v54;
	v18 =	vsel vm7, $0x1, v1  }
0x211: {  	vm5 =	vlt.s32 v7, v8;
	v7 =	vsel vm4, $0x1, v1;
	vm7 =	vlt.s32 v5, v8  }
0x212: {  	vm4 =	vlt.s32 v13, v8;
	v53 =	vadd.s32 v52, v14;
	v59 =	vsel vm6, $0x1, v1  }
0x213: {  	v61 =	vsel vm5, $0x1, v1;
	vm6 =	vlt.s32 v12, v8;
	vm5 =	vlt.s32 v16, v8  }
0x214: {  	vm0 =	vlt.s32 v17, v11;
	v11 =	vadd.s32 v56, v55;
	v7 =	vadd.s32 v61, v7  }
0x215: {  	v62 =	vsel vm6, $0x1, v1;
	vm6 =	vlt.s32 v17, v8;
	v11 =	vadd.s32 v57, v11  }
0x216: {  	v60 =	vsel vm0, $0x1, v1;
	vm0 =	vlt.s32 v17, v54;
	v5 =	vadd.s32 v62, v7  }
0x217: {  	v7 =	vsel vm7, $0x1, v1;
	v11 =	vadd.s32 v58, v11;
	v10 =	vadd.s32 v60, v53  }
0x218: {  	v5 =	vadd.s32 v7, v5;
	v7 =	vsel vm4, $0x1, v1;
	v63 =	vsel vm0, $0x1, v1  }
0x219: {  	v11 =	vadd.s32 v59, v11;
	v5 =	vadd.s32 v7, v5;
	v7 =	vsel vm5, $0x1, v1  }
0x21a: {  	v11 =	vadd.s32 v18, v11;
	v5 =	vadd.s32 v7, v5;
	v7 =	vsel vm6, $0x1, v1  }
0x21b: {  	vm7 =	vmmov $0x7fff;
	[tilespmem:$0x19180] =	vst v10;
	v8 =	vadd.s32 v63, v11;
	v5 =	vadd.s32 v7, v5  }
0x21c: {  	[tilespmem:$0x19190] =	vst v8;
	v5 =	vsel vm7, v5, v6  }
.Ltmp3:
0x21d: {  	s26 =	rddreg [dreg:$0x4];
	s28 =	simm.s32 $0x19180;
	[tilespmem:$0x191A0] =	vst v5;
	(pc) =	sbr.rel .LBB2_3-.Ltmp3, $4  }
0x21e: {  	[hbm4b:s26+s3] =	stream.linear.scatter [tilespmem:s28], [sflag:$0x5], $0x80, $0x38;
	[tilespmem:$0x19200] =	vst v63  }
0x21f: {  	_ =	swait.ge [sflag:s25], $0x80  }
0x220: {  	[sflag:s25] =	ssyncset.done $0x0  }
0x221: {  	s28 =	simm.s32 $0x13980;
	[sflag:s25] =	ssyncadd.s32 $0xFFFFFF80  }
.LBB2_4:
0x222: {  	_ =	sfence.sel $0x180000  }
0x223: {  	[bflag:$0x0] =	sbarrier.arrive $0xFFFF  }
0x224: {  	_ =	strace $0x9000004A  }
0x225: {  	s0 =	stileid.u32;
	[bflag:$0x2] =	sbarrier.arrive $0xFFFF  }
0x226: {  	p0 =	sne.s32 s0, $0x0;
	s0 =	rddreg [dreg:$0x3]  }
0x227: {  	s0 =	sadd.s32 @!p0 $0x100000, s0  }
0x228: {  	[sflag:s0] =	ssyncadd.tile.s32 @!p0 $0x1;
	_ =	shalt  }
.Lfunc_end2:
_tile_overlayer_lowered:
.L_overlay_start_2:
0x229: {  	(tag) =	ssettag $0x2  }
0x22a: {  	s0 =	rddreg [dreg:$0x0];
	s2 =	stileid.u32  }
0x22b: {  	s1 =	rddreg [dreg:$0x1];
	p0 =	sne.s32 s2, $0x0  }
0x22c: {  	s3 =	rddreg [dreg:$0x2];
	[bflag:$0x3] =	sbarrier.arrive $0xFFFF;
	s2 =	simm.s32 @!p0 $0x1C05  }
0x22d: {  	[timem:s3], [sflag:s2] =	dma.local @!p0 [hbm:s0], s1  }
0x22e: {  	s0 =	simm.s32 @!p0 $0x5  }
0x22f: {  	_ =	swait.ge @!p0 [sflag:s0], s1  }
0x230: {  	s1 =	ssub.s32 @!p0 $0x0, s1;
	[sflag:s0] =	ssyncset.done @!p0 $0x0  }
0x231: {  	[sflag:s0] =	ssyncadd.s32 @!p0 s1  }
0x232: {  	[bflag:$0x3] =	sbarrier.arrive $0xFFFF  }
0x233: {  	_ =	shalt  }

// kernel: kernel.13.cloned.1.call-start
scs
__scs_entry_jumppad:
0x0: {  	(pc) =	sbr.rel $0x88, $3  }
0x1: {  	(tag) =	ssettag $0x0;
	lr =	simm.s32 $0x1  }
0x2: {  	[smem:$0x3F9A] =	sst lr;
	_ =	strace $0xD0000000  }
0x3: {  	_ = 	snop  }
0x4: {  	_ = 	snop  }
0x5: {  	_ = 	snop  }
0x6: {  	_ = 	snop  }
0x7: {  	_ = 	snop  }
__scs_overlays_trampoline_lowered:
0x8: {  	[smem:$0x3FA9] =	sst s0  }
0x9: {  	[smem:$0x3FAA] =	sst s1  }
0xa: {  	[smem:$0x3FAB] =	sst s2  }
0xb: {  	[smem:$0x3FAC] =	sst s3  }
0xc: {  	[smem:$0x3FAD] =	sst s4  }
0xd: {  	[smem:$0x3FAE] =	sst s5  }
0xe: {  	[smem:$0x3FAF] =	sst s6  }
0xf: {  	[smem:$0x3FB0] =	sst s7  }
0x10: {  	[smem:$0x3FB1] =	sst s8  }
0x11: {  	[smem:$0x3FB2] =	sst s9;
	s0 =	simm.s32 @!p0 $0x0  }
0x12: {  	s1 =	sld [smem:$0x3F98];
	s0 =	simm.s32 @p0 $0x1  }
0x13: {  	[smem:$0x3FB3] =	sst s0;
	s0 =	simm.s32 @!p1 $0x0  }
0x14: {  	s2 =	sld [smem:$0x3F97];
	s0 =	simm.s32 @p1 $0x1  }
0x15: {  	[smem:$0x3FB4] =	sst s0;
	s0 =	simm.s32 @!p2 $0x0  }
0x16: {  	s3 =	sld [smem:$0x3FDB];
	s0 =	simm.s32 @p2 $0x1  }
0x17: {  	s4 =	simm.s32 $0x1BF5;
	[smem:$0x3FB6] =	sst s0  }
0x18: {  	s0 =	sld [smem:$0x3F99];
	_ =	swait.ge [sflag:s4], $0x0  }
0x19: {  	s7 =	sld [smem:$0x3F9A]  }
0x1a: {  	s8 =	sadd.s32 $0xFFFFE003, lr  }
0x1b: {  	s9 =	sadd.s32 $0xFFFFFEF7, lr;
	s5 =	simm.s32 $0xFFFFFFFF;
	p2 =	slt.u32 s8, $0xFFFFF086  }
0x1c: {  	p1 =	slt.u32 s9, $0xF7A;
	s5 =	simm.s32 @!p2 $0x0  }
0x1d: {  	s5 =	simm.s32 @p1 $0x1;
	p0 =	seq.s32 s7, s2  }
0x1e: {  	s7 =	smul.u32 @!p0 $0xF7A, s2;
	p2 =	seq.s32 @!p0 s5, $0x0  }
0x1f: {  	s9 =	smul.u32 $0xF7A, s1;
	s8 =	simm.s32 @!p0 $0x1BF5;
	p2 =	por !p2, p0  }
0x20: {  	[sflag:s8] =	ssyncset.s32 @!p0 $0xFFFFF086;
	s6 =	sadd.s32 @!p0 s3, s7;
	s7 =	simm.s32 @!p0 $0x108  }
0x21: {  	s3 =	sadd.s32 s3, s9;
	s6 =	sadd.s32 @!p0 $0x88, s6;
	s7 =	simm.s32 @p2 $0x1082  }
0x22: {  	[simem:s7], [sflag:s8] =	dma.local @!p0 [hbm:s6], $0xF7A  }
0x23: {  	s9 =	sor.u32 $0xD0000000, s2;
	s6 =	simm.s32 $0x108;
	_ =	swait.ge @!p0 [sflag:s8], $0x0  }
0x24: {  	s3 =	sadd.s32 $0x88, s3;
	s6 =	simm.s32 @!p1 $0x1082;
	[sflag:s4] =	ssyncset.s32 $0xFFFFF086  }
0x25: {  	[simem:s6], [sflag:s4] =	dma.local [hbm:s3], $0xF7A  }
0x26: {  	[smem:$0x3F9A] =	sst s1;
	(tag) =	ssettag s2;
	_ =	strace s9  }
0x27: {  	s1 =	sld [smem:$0x3FAA]  }
0x28: {  	s2 =	sld [smem:$0x3FAB]  }
0x29: {  	s4 =	sld [smem:$0x3FAD]  }
0x2a: {  	p0 =	seq.s32 s5, $0x0;
	s5 =	sld [smem:$0x3FAE]  }
0x2b: {  	s6 =	sld [smem:$0x3FAF]  }
0x2c: {  	s7 =	sld [smem:$0x3FB0]  }
0x2d: {  	s3 =	simm.s32 $0x108;
	s8 =	sld [smem:$0x3FB1]  }
0x2e: {  	s3 =	simm.s32 @!p0 $0x1082;
	s9 =	sld [smem:$0x3FB2]  }
0x2f: {  	lr =	sadd.s32 s0, s3;
	s0 =	sld [smem:$0x3FA9]  }
0x30: {  	s3 =	sld [smem:$0x3FAC]  }
0x31: {  	[smem:$0x3FB5] =	sst s10  }
0x32: {  	s10 =	sld [smem:$0x3FB3];
	_ =	sdelay $0x3  }
0x33: {  	p0 =	seq.s32 s10, $0x1;
	s10 =	sld [smem:$0x3FB5];
	_ =	sdelay $0x3  }
0x34: {  	[smem:$0x3FB5] =	sst s10  }
0x35: {  	s10 =	sld [smem:$0x3FB4];
	_ =	sdelay $0x3  }
0x36: {  	p1 =	seq.s32 s10, $0x1;
	s10 =	sld [smem:$0x3FB5];
	_ =	sdelay $0x3  }
0x37: {  	[smem:$0x3FB5] =	sst s10  }
0x38: {  	s10 =	sld [smem:$0x3FB6]  }
0x39: {  	_ = 	snop;
	(pc) =	sbr.ind lr, $3  }
0x3a: {  	_ = 	snop  }
0x3b: {  	_ = 	snop  }
0x3c: {  	p2 =	seq.s32 s10, $0x1;
	s10 =	sld [smem:$0x3FB5]  }
0x3d: {  	_ =	shalt  }
0x3e: {  	_ =	shalt  }
0x3f: {  	_ =	shalt  }
0x40: {  	_ =	shalt  }
0x41: {  	_ =	shalt  }
0x42: {  	_ =	shalt  }
0x43: {  	_ =	shalt  }
0x44: {  	_ =	shalt  }
0x45: {  	_ =	shalt  }
0x46: {  	_ =	shalt  }
0x47: {  	_ =	shalt  }
0x48: {  	_ =	shalt  }
0x49: {  	_ =	shalt  }
0x4a: {  	_ =	shalt  }
0x4b: {  	_ =	shalt  }
0x4c: {  	_ =	shalt  }
0x4d: {  	_ =	shalt  }
0x4e: {  	_ =	shalt  }
0x4f: {  	_ =	shalt  }
0x50: {  	_ =	shalt  }
0x51: {  	_ =	shalt  }
0x52: {  	_ =	shalt  }
0x53: {  	_ =	shalt  }
0x54: {  	_ =	shalt  }
0x55: {  	_ =	shalt  }
0x56: {  	_ =	shalt  }
0x57: {  	_ =	shalt  }
0x58: {  	_ =	shalt  }
0x59: {  	_ =	shalt  }
0x5a: {  	_ =	shalt  }
0x5b: {  	_ =	shalt  }
0x5c: {  	_ =	shalt  }
0x5d: {  	_ =	shalt  }
0x5e: {  	_ =	shalt  }
0x5f: {  	_ =	shalt  }
0x60: {  	_ =	shalt  }
0x61: {  	_ =	shalt  }
0x62: {  	_ =	shalt  }
0x63: {  	_ =	shalt  }
0x64: {  	_ =	shalt  }
0x65: {  	_ =	shalt  }
0x66: {  	_ =	shalt  }
0x67: {  	_ =	shalt  }
0x68: {  	_ =	shalt  }
0x69: {  	_ =	shalt  }
0x6a: {  	_ =	shalt  }
0x6b: {  	_ =	shalt  }
0x6c: {  	_ =	shalt  }
0x6d: {  	_ =	shalt  }
0x6e: {  	_ =	shalt  }
0x6f: {  	_ =	shalt  }
0x70: {  	_ =	shalt  }
0x71: {  	_ =	shalt  }
0x72: {  	_ =	shalt  }
0x73: {  	_ =	shalt  }
0x74: {  	_ =	shalt  }
0x75: {  	_ =	shalt  }
0x76: {  	_ =	shalt  }
0x77: {  	_ =	shalt  }
0x78: {  	_ =	shalt  }
0x79: {  	_ =	shalt  }
0x7a: {  	_ =	shalt  }
0x7b: {  	_ =	shalt  }
0x7c: {  	_ =	shalt  }
0x7d: {  	_ =	shalt  }
0x7e: {  	_ =	shalt  }
0x7f: {  	_ =	shalt  }
0x80: {  	_ =	shalt  }
0x81: {  	_ =	shalt  }
0x82: {  	_ =	shalt  }
0x83: {  	_ =	shalt  }
0x84: {  	_ =	shalt  }
0x85: {  	_ =	shalt  }
0x86: {  	_ =	shalt  }
0x87: {  	_ =	shalt  }
.Lfunc_end0:
.L_simem_size_0:
called_computation.2_lowered:
.L_overlay_start_0:
0x88: {  	s2 =	sld [smem:$0x3FD9]  }
0x89: {  	s3 =	sld [smem:$0x3FFE];
	_ =	sdelay $0x1  }
0x8a: {  	s1 =	srdreg.scid  }
0x8b: {  	s0 =	sand.u32 $0x1, s1  }
0x8c: {  	s17 =	sshll.u32 s0, $0xA;
	s2 =	sadd.s32 s3, s2  }
0x8d: {  	s2 =	sadd.s32 s2, s17  }
0x8e: {  	[smem:$0x3FC1] =	sst s2  }
0x8f: {  	_ = 	snop  }
0x90: {  	s2 =	sld [smem:$0x3FD0];
	(tm) =	ssettm $0x1  }
0x91: {  	s18 =	sld [smem:$0x3FFB];
	_ =	sdelay $0x3  }
0x92: {  	_ =	strace s18  }
0x93: {  	s3 =	sld [smem:$0x3FFC];
	_ =	sdelay $0x3  }
0x94: {  	_ =	strace s3  }
0x95: {  	s3 =	sld [smem:$0x3FFD];
	_ =	sdelay $0x3  }
0x96: {  	_ =	strace s3  }
0x97: {  	_ =	strace $0x8FFFFFFF  }
0x98: {  	s19 =	sld [smem:$0x3FDB];
	_ =	sdelay $0x1  }
0x99: {  	s4 =	simm.s32 $_scs_section_size  }
0x9a: {  	s5 =	simm.s32 $_size__tile_overlayer_lowered;
	s6 =	simm.s32 $_tile_overlayer_lowered  }
0x9b: {  	s22 =	simm.s32 $0x1BFF;
	s21 =	sshll.u32 s6, $0x1;
	s3 =	sadd.s32 s4, s19  }
0x9c: {  	s7 =	simm.s32 $0x0;
	s20 =	sshll.u32 s5, $0x1;
	s5 =	sadd.s32 s21, s3  }
0x9d: {  	[timem:s7], [sflag:s22] =	dma.local [hbm:s5], s20  }
0x9e: {  	_ =	swait.ge [sflag:s22], s20  }
0x9f: {  	s4 =	ssub.s32 $0x0, s20;
	[sflag:s22] =	ssyncset.done $0x0  }
0xa0: {  	[sflag:s22] =	ssyncadd.s32 s4;
	_ =	sdelay $0x1  }
0xa1: {  	s23 =	simm.s32 $0x1B8B  }
0xa2: {  	_ =	swait.ge [sflag:s23], $0x1  }
0xa3: {  	[sflag:s23] =	ssyncset.done $0x0  }
0xa4: {  	s25 =	simm.s32 $0x1B8E;
	s24 =	sld [smem:$0x3FFE];
	[sflag:s23] =	ssyncadd.s32 $0xFFFFFFFF  }
0xa5: {  	s26 =	simm.s32 $execute0_lowered;
	[smem:$0x3FD2] =	sst s25  }
0xa6: {  	s5 =	sshll.u32 s26, $0x1;
	_ =	strace $0x8000004C;
	[dreg:$0x1] =	wrdreg $0xFFFFFFFF  }
0xa7: {  	s28 =	simm.s32 $_size_execute0_lowered;
	s3 =	sadd.s32 s3, s5;
	[dreg:$0x0] =	wrdreg $0x0  }
0xa8: {  	s5 =	sshll.u32 s28, $0x1;
	[dreg:$0x2] =	wrdreg s3  }
0xa9: {  	[dreg:$0x3] =	wrdreg s5  }
0xaa: {  	[dreg:$0x4] =	wrdreg $0xC0  }
0xab: {  	_ =	task [dreg:s7], $0x5FFFF  }
0xac: {  	[dreg:$0x1] =	wrdreg $0xFFFFFFFF  }
0xad: {  	[dreg:$0x0] =	wrdreg $0x60  }
0xae: {  	[dreg:$0x2] =	wrdreg s24  }
0xaf: {  	[dreg:$0x3] =	wrdreg s2  }
0xb0: {  	[dreg:$0x4] =	wrdreg $0x9  }
0xb1: {  	_ =	task.clear_ibuf [dreg:s7], $0x5FFFF;
	_ =	strace $0x9000004C  }
0xb2: {  	s29 =	simm.s32 $0x9;
	_ =	strace $0x8000004E  }
0xb3: {  	_ =	swait.ge [sflag:s29], $0x1  }
0xb4: {  	[sflag:s29] =	ssyncadd.s32 $0xFFFFFFFF  }
0xb5: {  	_ =	strace $0x9000004E  }
0xb6: {  	_ =	sfence  }
0xb7: {  	s30 =	sld [smem:$0x0];
	_ =	sdelay $0x2  }
0xb8: {  	s31 =	sshll.u32 s1, $0xD;
	s1 =	sshrl.u32 s1, $0x2  }
0xb9: {  	s3 =	sand.u32 $0x4000, s31;
	s1 =	sadd.s32 s1, s30  }
0xba: {  	s0 =	sor.u32 s3, s0;
	s1 =	sshll.u32 s1, $0x11  }
0xbb: {  	s0 =	sor.u32 s1, s0  }
0xbc: {  	s0 =	sadd.s32 $0x8F2B, s0  }
0xbd: {  	[sflag:s0] =	ssyncadd.remote.s32 $0x1  }
0xbe: {  	_ =	sfence.sel $0xFFFF  }
0xbf: {  	[dreg:$0x0] =	wrdreg $0xFFFFFFFF;
	(pc) =	sbr.abs _section_cstart, $3  }
0xc0: {  	[dreg:$0x1] =	wrdreg $0xFFFFFFFF  }
0xc1: {  	_ =	task.clear_ibuf [dreg:s7], $0x2FFFF;
	_ =	strace $0x9FFFFFFF  }
0xc2: {  	(tm) =	ssettm $0x7FFFFFFF  }
0xc3: {  	_ =	shalt  }
tec
execute0_lowered:
.L_overlay_start_1:
0x0: {  	(tag) =	ssettag $0x1  }
0x1: {  	s0 =	rddreg [dreg:$0x0]  }
0x2: {  	s1 =	rddreg [dreg:$0x1]  }
0x3: {  	s2 =	simm.s32 $0x0;
	s3 =	srdreg.scid;
	s5 =	stileid.u32  }
0x4: {  	s11 =	simm.s32 $0x1;
	s12 =	simm.s32 $0x2;
	s13 =	simm.s32 $0x100  }
0x5: {  	s29 =	simm.s32 $0x11900;
	s30 =	simm.s32 $0x12100;
	s31 =	simm.s32 $0x12900  }
0x6: {  	s10 =	simm.s32 $0x14100;
	s14 =	simm.s32 $0x14900;
	s15 =	simm.s32 $0x15100  }
0x7: {  	s16 =	simm.s32 $0x15900;
	s17 =	simm.s32 $0x16100;
	s18 =	simm.s32 $0x16900  }
0x8: {  	s19 =	simm.s32 $0x17100;
	s20 =	simm.s32 $0x17900;
	s21 =	simm.s32 $0x3  }
0x9: {  	s22 =	simm.s32 $0x0;
	[smem:$0x7FF] =	sst s2;
	s4 =	sand.u32 $0x1, s3  }
0xa: {  	s5 =	sshll.u32 s5, $0x4;
	s3 =	sadd.s32 $0x1E00, s0;
	s6 =	sshll.u32 s4, $0x3  }
0xb: {  	_ =	strace $0x8000004D;
	s4 =	ssub.s32 $0x2, s4;
	s5 =	sor.u32 s6, s5  }
0xc: {  	s7 =	sshrl.u32 s4, $0x1;
	s6 =	sadd.s32 s5, s0;
	s8 =	smul.u32 $0x300, s5  }
0xd: {  	v2 =	vlaneseq.u32;
	s9 =	ssub.s32 s4, s7;
	s7 =	sadd.s32 $0x2000, s0;
	s4 =	sadd.s32 $0x92600, s6  }
0xe: {  	vm0 =	vmmov $0xffff;
	v1 =	vshrl.u32 v2, $0x3;
	s5 =	sadd.s32 $0x92700, s6;
	s6 =	sadd.s32 $0x1F00, s0;
	s9 =	smax.u32 s9, $0x1  }
0xf: {  	v0 =	vand.u32 $0x7, v2;
	v2 =	vor.u32 $0x8, v2;
	v1 =	vmul.u32 $0x8, v1;
	s0 =	simm.s32 $0x13100;
	s8 =	sadd.s32 s1, s8;
	s1 =	simm.s32 $0x13900  }
.LBB2_1:
0x10: {  	[tilespmem:s2], [sflag:$0x1] =	stream.linear.gather [hbm4b:s4+s2], $0x40, $0x38;
	[tilespmem:$0x18100] =	vst v63  }
0x11: {  	s23 =	simm.s32 $0x80  }
0x12: {  	[tilespmem:s23], [sflag:$0x2] =	stream.linear.gather [hbm4b:s5+s2], $0x40, $0x38;
	[tilespmem:$0x18100] =	vst v63  }
0x13: {  	_ =	swait.ge [sflag:s11], $0x40  }
0x14: {  	[sflag:s11] =	ssyncset.done $0x0  }
0x15: {  	[sflag:s11] =	ssyncadd.s32 $0xFFFFFFC0  }
0x16: {  	_ =	swait.ge [sflag:s12], $0x40  }
0x17: {  	[sflag:s12] =	ssyncset.done $0x0  }
0x18: {  	[sflag:s12] =	ssyncadd.s32 $0xFFFFFFC0  }
0x19: {  	v3 =	vld [tilespmem:$0x0];
	_ =	sdelay $0x4  }
0x1a: {  	v4 =	vshrl.u32 v3, $0x3  }
0x1b: {  	v4 =	vmul.u32 $0x30, v4  }
0x1c: {  	v3 =	vand.u32 $0x7, v3  }
0x1d: {  	v3 =	vor.u32 v3, v4  }
0x1e: {  	v4 =	vperm.xlane v3, v0;
	_ =	sdelay $0x1  }
0x1f: {  	v4 =	vadd.s32 v1, v4;
	_ =	sdelay $0x3  }
0x20: {  	v3 =	vperm.xlane v3, v2  }
0x21: {  	[tilespmem:s13], [sflag:$0x1] =	stream.indirect_vreg.gather [hbm4b:s3+s2], $0x80, v4, vm0, $0xb8;
	[tilespmem:$0x18100] =	vst v63  }
0x22: {  	s25 =	simm.s32 $0x900;
	v3 =	vadd.s32 v1, v3  }
0x23: {  	[tilespmem:s25], [sflag:$0x1] =	stream.indirect_vreg.gather [hbm4b:s6+s2], $0x80, v4, vm0, $0xb8;
	[tilespmem:$0x18100] =	vst v63  }
0x24: {  	s26 =	simm.s32 $0x1100  }
0x25: {  	[tilespmem:s26], [sflag:$0x1] =	stream.indirect_vreg.gather [hbm4b:s7+s2], $0x80, v4, vm0, $0xb8;
	[tilespmem:$0x18100] =	vst v63  }
0x26: {  	s28 =	simm.s32 $0x1900  }
0x27: {  	[tilespmem:s28], [sflag:$0x1] =	stream.indirect_vreg.gather [hbm4b:s3+s2], $0x80, v3, vm0, $0xb8;
	[tilespmem:$0x18100] =	vst v63  }
0x28: {  	s24 =	simm.s32 $0x2100  }
0x29: {  	[tilespmem:s24], [sflag:$0x1] =	stream.indirect_vreg.gather [hbm4b:s6+s2], $0x80, v3, vm0, $0xb8;
	[tilespmem:$0x18100] =	vst v63  }
0x2a: {  	s25 =	simm.s32 $0x2900  }
0x2b: {  	[tilespmem:s25], [sflag:$0x1] =	stream.indirect_vreg.gather [hbm4b:s7+s2], $0x80, v3, vm0, $0xb8;
	[tilespmem:$0x18100] =	vst v63  }
0x2c: {  	v3 =	vld [tilespmem:$0x10];
	_ =	sdelay $0x4  }
0x2d: {  	v4 =	vshrl.u32 v3, $0x3  }
0x2e: {  	v4 =	vmul.u32 $0x30, v4  }
0x2f: {  	v3 =	vand.u32 $0x7, v3  }
0x30: {  	v3 =	vor.u32 v3, v4  }
0x31: {  	v4 =	vperm.xlane v3, v0;
	_ =	sdelay $0x1  }
0x32: {  	v4 =	vadd.s32 v1, v4;
	_ =	sdelay $0x3  }
0x33: {  	s26 =	simm.s32 $0x3100;
	v3 =	vperm.xlane v3, v2  }
0x34: {  	[tilespmem:s26], [sflag:$0x1] =	stream.indirect_vreg.gather [hbm4b:s3+s2], $0x80, v4, vm0, $0xb8;
	[tilespmem:$0x18100] =	vst v63  }
0x35: {  	s28 =	simm.s32 $0x3900;
	v3 =	vadd.s32 v1, v3  }
0x36: {  	[tilespmem:s28], [sflag:$0x1] =	stream.indirect_vreg.gather [hbm4b:s6+s2], $0x80, v4, vm0, $0xb8;
	[tilespmem:$0x18100] =	vst v63  }
0x37: {  	s24 =	simm.s32 $0x4100  }
0x38: {  	[tilespmem:s24], [sflag:$0x1] =	stream.indirect_vreg.gather [hbm4b:s7+s2], $0x80, v4, vm0, $0xb8;
	[tilespmem:$0x18100] =	vst v63  }
0x39: {  	s25 =	simm.s32 $0x4900  }
0x3a: {  	[tilespmem:s25], [sflag:$0x1] =	stream.indirect_vreg.gather [hbm4b:s3+s2], $0x80, v3, vm0, $0xb8;
	[tilespmem:$0x18100] =	vst v63  }
0x3b: {  	s26 =	simm.s32 $0x5100  }
0x3c: {  	[tilespmem:s26], [sflag:$0x1] =	stream.indirect_vreg.gather [hbm4b:s6+s2], $0x80, v3, vm0, $0xb8;
	[tilespmem:$0x18100] =	vst v63  }
0x3d: {  	s28 =	simm.s32 $0x5900  }
0x3e: {  	[tilespmem:s28], [sflag:$0x1] =	stream.indirect_vreg.gather [hbm4b:s7+s2], $0x80, v3, vm0, $0xb8;
	[tilespmem:$0x18100] =	vst v63  }
0x3f: {  	v3 =	vld [tilespmem:$0x20];
	_ =	sdelay $0x4  }
0x40: {  	v4 =	vshrl.u32 v3, $0x3  }
0x41: {  	v4 =	vmul.u32 $0x30, v4  }
0x42: {  	v3 =	vand.u32 $0x7, v3  }
0x43: {  	v3 =	vor.u32 v3, v4  }
0x44: {  	v4 =	vperm.xlane v3, v0;
	_ =	sdelay $0x1  }
0x45: {  	v4 =	vadd.s32 v1, v4;
	_ =	sdelay $0x3  }
0x46: {  	s24 =	simm.s32 $0x6100;
	v3 =	vperm.xlane v3, v2  }
0x47: {  	[tilespmem:s24], [sflag:$0x1] =	stream.indirect_vreg.gather [hbm4b:s3+s2], $0x80, v4, vm0, $0xb8;
	[tilespmem:$0x18100] =	vst v63  }
0x48: {  	s25 =	simm.s32 $0x6900;
	v3 =	vadd.s32 v1, v3  }
0x49: {  	[tilespmem:s25], [sflag:$0x1] =	stream.indirect_vreg.gather [hbm4b:s6+s2], $0x80, v4, vm0, $0xb8;
	[tilespmem:$0x18100] =	vst v63  }
0x4a: {  	s26 =	simm.s32 $0x7100  }
0x4b: {  	[tilespmem:s26], [sflag:$0x1] =	stream.indirect_vreg.gather [hbm4b:s7+s2], $0x80, v4, vm0, $0xb8;
	[tilespmem:$0x18100] =	vst v63  }
0x4c: {  	s28 =	simm.s32 $0x7900  }
0x4d: {  	[tilespmem:s28], [sflag:$0x1] =	stream.indirect_vreg.gather [hbm4b:s3+s2], $0x80, v3, vm0, $0xb8;
	[tilespmem:$0x18100] =	vst v63  }
0x4e: {  	s24 =	simm.s32 $0x8100  }
0x4f: {  	[tilespmem:s24], [sflag:$0x1] =	stream.indirect_vreg.gather [hbm4b:s6+s2], $0x80, v3, vm0, $0xb8;
	[tilespmem:$0x18100] =	vst v63  }
0x50: {  	s25 =	simm.s32 $0x8900  }
0x51: {  	[tilespmem:s25], [sflag:$0x1] =	stream.indirect_vreg.gather [hbm4b:s7+s2], $0x80, v3, vm0, $0xb8;
	[tilespmem:$0x18100] =	vst v63  }
0x52: {  	v3 =	vld [tilespmem:$0x30];
	_ =	sdelay $0x4  }
0x53: {  	v4 =	vshrl.u32 v3, $0x3  }
0x54: {  	v4 =	vmul.u32 $0x30, v4  }
0x55: {  	v3 =	vand.u32 $0x7, v3  }
0x56: {  	v3 =	vor.u32 v3, v4  }
0x57: {  	v4 =	vperm.xlane v3, v0;
	_ =	sdelay $0x1  }
0x58: {  	v4 =	vadd.s32 v1, v4;
	_ =	sdelay $0x3  }
0x59: {  	s26 =	simm.s32 $0x9100;
	v3 =	vperm.xlane v3, v2  }
0x5a: {  	[tilespmem:s26], [sflag:$0x1] =	stream.indirect_vreg.gather [hbm4b:s3+s2], $0x80, v4, vm0, $0xb8;
	[tilespmem:$0x18100] =	vst v63  }
0x5b: {  	s28 =	simm.s32 $0x9900;
	v3 =	vadd.s32 v1, v3  }
0x5c: {  	[tilespmem:s28], [sflag:$0x1] =	stream.indirect_vreg.gather [hbm4b:s6+s2], $0x80, v4, vm0, $0xb8;
	[tilespmem:$0x18100] =	vst v63  }
0x5d: {  	s24 =	simm.s32 $0xA100  }
0x5e: {  	[tilespmem:s24], [sflag:$0x1] =	stream.indirect_vreg.gather [hbm4b:s7+s2], $0x80, v4, vm0, $0xb8;
	[tilespmem:$0x18100] =	vst v63  }
0x5f: {  	s25 =	simm.s32 $0xA900  }
0x60: {  	[tilespmem:s25], [sflag:$0x1] =	stream.indirect_vreg.gather [hbm4b:s3+s2], $0x80, v3, vm0, $0xb8;
	[tilespmem:$0x18100] =	vst v63  }
0x61: {  	s26 =	simm.s32 $0xB100  }
0x62: {  	[tilespmem:s26], [sflag:$0x1] =	stream.indirect_vreg.gather [hbm4b:s6+s2], $0x80, v3, vm0, $0xb8;
	[tilespmem:$0x18100] =	vst v63  }
0x63: {  	s28 =	simm.s32 $0xB900  }
0x64: {  	[tilespmem:s28], [sflag:$0x1] =	stream.indirect_vreg.gather [hbm4b:s7+s2], $0x80, v3, vm0, $0xb8;
	[tilespmem:$0x18100] =	vst v63  }
0x65: {  	v3 =	vld [tilespmem:$0x80];
	_ =	sdelay $0x4  }
0x66: {  	v4 =	vshrl.u32 v3, $0x3  }
0x67: {  	v4 =	vmul.u32 $0x30, v4  }
0x68: {  	v3 =	vand.u32 $0x7, v3  }
0x69: {  	v3 =	vor.u32 v3, v4  }
0x6a: {  	v4 =	vperm.xlane v3, v0;
	_ =	sdelay $0x1  }
0x6b: {  	v4 =	vadd.s32 v1, v4;
	_ =	sdelay $0x3  }
0x6c: {  	s24 =	simm.s32 $0xC100;
	v3 =	vperm.xlane v3, v2  }
0x6d: {  	[tilespmem:s24], [sflag:$0x2] =	stream.indirect_vreg.gather [hbm4b:s3+s2], $0x80, v4, vm0, $0xb8;
	[tilespmem:$0x18100] =	vst v63  }
0x6e: {  	s25 =	simm.s32 $0xC900;
	v3 =	vadd.s32 v1, v3  }
0x6f: {  	[tilespmem:s25], [sflag:$0x2] =	stream.indirect_vreg.gather [hbm4b:s6+s2], $0x80, v4, vm0, $0xb8;
	[tilespmem:$0x18100] =	vst v63  }
0x70: {  	s26 =	simm.s32 $0xD100  }
0x71: {  	[tilespmem:s26], [sflag:$0x2] =	stream.indirect_vreg.gather [hbm4b:s7+s2], $0x80, v4, vm0, $0xb8;
	[tilespmem:$0x18100] =	vst v63  }
0x72: {  	s28 =	simm.s32 $0xD900  }
0x73: {  	[tilespmem:s28], [sflag:$0x2] =	stream.indirect_vreg.gather [hbm4b:s3+s2], $0x80, v3, vm0, $0xb8;
	[tilespmem:$0x18100] =	vst v63  }
0x74: {  	s24 =	simm.s32 $0xE100  }
0x75: {  	[tilespmem:s24], [sflag:$0x2] =	stream.indirect_vreg.gather [hbm4b:s6+s2], $0x80, v3, vm0, $0xb8;
	[tilespmem:$0x18100] =	vst v63  }
0x76: {  	s25 =	simm.s32 $0xE900  }
0x77: {  	[tilespmem:s25], [sflag:$0x2] =	stream.indirect_vreg.gather [hbm4b:s7+s2], $0x80, v3, vm0, $0xb8;
	[tilespmem:$0x18100] =	vst v63  }
0x78: {  	v3 =	vld [tilespmem:$0x90];
	_ =	sdelay $0x4  }
0x79: {  	v4 =	vshrl.u32 v3, $0x3  }
0x7a: {  	v4 =	vmul.u32 $0x30, v4  }
0x7b: {  	v3 =	vand.u32 $0x7, v3  }
0x7c: {  	v3 =	vor.u32 v3, v4  }
0x7d: {  	v4 =	vperm.xlane v3, v0;
	_ =	sdelay $0x1  }
0x7e: {  	v4 =	vadd.s32 v1, v4;
	_ =	sdelay $0x3  }
0x7f: {  	s26 =	simm.s32 $0xF100;
	v3 =	vperm.xlane v3, v2  }
0x80: {  	[tilespmem:s26], [sflag:$0x2] =	stream.indirect_vreg.gather [hbm4b:s3+s2], $0x80, v4, vm0, $0xb8;
	[tilespmem:$0x18100] =	vst v63  }
0x81: {  	s28 =	simm.s32 $0xF900;
	v3 =	vadd.s32 v1, v3  }
0x82: {  	[tilespmem:s28], [sflag:$0x2] =	stream.indirect_vreg.gather [hbm4b:s6+s2], $0x80, v4, vm0, $0xb8;
	[tilespmem:$0x18100] =	vst v63  }
0x83: {  	s24 =	simm.s32 $0x10100  }
0x84: {  	[tilespmem:s24], [sflag:$0x2] =	stream.indirect_vreg.gather [hbm4b:s7+s2], $0x80, v4, vm0, $0xb8;
	[tilespmem:$0x18100] =	vst v63  }
0x85: {  	s25 =	simm.s32 $0x10900  }
0x86: {  	[tilespmem:s25], [sflag:$0x2] =	stream.indirect_vreg.gather [hbm4b:s3+s2], $0x80, v3, vm0, $0xb8;
	[tilespmem:$0x18100] =	vst v63  }
0x87: {  	s26 =	simm.s32 $0x11100  }
0x88: {  	[tilespmem:s26], [sflag:$0x2] =	stream.indirect_vreg.gather [hbm4b:s6+s2], $0x80, v3, vm0, $0xb8;
	[tilespmem:$0x18100] =	vst v63  }
0x89: {  	_ = 	snop  }
0x8a: {  	[tilespmem:s29], [sflag:$0x2] =	stream.indirect_vreg.gather [hbm4b:s7+s2], $0x80, v3, vm0, $0xb8;
	[tilespmem:$0x18100] =	vst v63  }
0x8b: {  	v3 =	vld [tilespmem:$0xA0];
	_ =	sdelay $0x4  }
0x8c: {  	v4 =	vshrl.u32 v3, $0x3  }
0x8d: {  	v4 =	vmul.u32 $0x30, v4  }
0x8e: {  	v3 =	vand.u32 $0x7, v3  }
0x8f: {  	v3 =	vor.u32 v3, v4  }
0x90: {  	v4 =	vperm.xlane v3, v0;
	_ =	sdelay $0x1  }
0x91: {  	v4 =	vadd.s32 v1, v4;
	_ =	sdelay $0x3  }
0x92: {  	v3 =	vperm.xlane v3, v2  }
0x93: {  	[tilespmem:s30], [sflag:$0x2] =	stream.indirect_vreg.gather [hbm4b:s3+s2], $0x80, v4, vm0, $0xb8;
	[tilespmem:$0x18100] =	vst v63  }
0x94: {  	v3 =	vadd.s32 v1, v3  }
0x95: {  	[tilespmem:s31], [sflag:$0x2] =	stream.indirect_vreg.gather [hbm4b:s6+s2], $0x80, v4, vm0, $0xb8;
	[tilespmem:$0x18100] =	vst v63  }
0x96: {  	_ = 	snop  }
0x97: {  	[tilespmem:s0], [sflag:$0x2] =	stream.indirect_vreg.gather [hbm4b:s7+s2], $0x80, v4, vm0, $0xb8;
	[tilespmem:$0x18100] =	vst v63  }
0x98: {  	_ = 	snop  }
0x99: {  	[tilespmem:s1], [sflag:$0x2] =	stream.indirect_vreg.gather [hbm4b:s3+s2], $0x80, v3, vm0, $0xb8;
	[tilespmem:$0x18100] =	vst v63  }
0x9a: {  	_ = 	snop  }
0x9b: {  	[tilespmem:s10], [sflag:$0x2] =	stream.indirect_vreg.gather [hbm4b:s6+s2], $0x80, v3, vm0, $0xb8;
	[tilespmem:$0x18100] =	vst v63  }
0x9c: {  	_ = 	snop  }
0x9d: {  	[tilespmem:s14], [sflag:$0x2] =	stream.indirect_vreg.gather [hbm4b:s7+s2], $0x80, v3, vm0, $0xb8;
	[tilespmem:$0x18100] =	vst v63  }
0x9e: {  	v3 =	vld [tilespmem:$0xB0];
	_ =	sdelay $0x4  }
0x9f: {  	v4 =	vshrl.u32 v3, $0x3  }
0xa0: {  	v4 =	vmul.u32 $0x30, v4  }
0xa1: {  	v3 =	vand.u32 $0x7, v3  }
0xa2: {  	v3 =	vor.u32 v3, v4  }
0xa3: {  	v4 =	vperm.xlane v3, v0;
	_ =	sdelay $0x1  }
0xa4: {  	v4 =	vadd.s32 v1, v4;
	_ =	sdelay $0x3  }
0xa5: {  	v3 =	vperm.xlane v3, v2  }
0xa6: {  	[tilespmem:s15], [sflag:$0x2] =	stream.indirect_vreg.gather [hbm4b:s3+s2], $0x80, v4, vm0, $0xb8;
	[tilespmem:$0x18100] =	vst v63  }
0xa7: {  	v3 =	vadd.s32 v1, v3  }
0xa8: {  	[tilespmem:s16], [sflag:$0x2] =	stream.indirect_vreg.gather [hbm4b:s6+s2], $0x80, v4, vm0, $0xb8;
	[tilespmem:$0x18100] =	vst v63  }
0xa9: {  	_ = 	snop  }
0xaa: {  	[tilespmem:s17], [sflag:$0x2] =	stream.indirect_vreg.gather [hbm4b:s7+s2], $0x80, v4, vm0, $0xb8;
	[tilespmem:$0x18100] =	vst v63  }
0xab: {  	_ = 	snop  }
0xac: {  	[tilespmem:s18], [sflag:$0x2] =	stream.indirect_vreg.gather [hbm4b:s3+s2], $0x80, v3, vm0, $0xb8;
	[tilespmem:$0x18100] =	vst v63  }
0xad: {  	_ = 	snop  }
0xae: {  	[tilespmem:s19], [sflag:$0x2] =	stream.indirect_vreg.gather [hbm4b:s6+s2], $0x80, v3, vm0, $0xb8;
	[tilespmem:$0x18100] =	vst v63  }
0xaf: {  	_ = 	snop  }
0xb0: {  	[tilespmem:s20], [sflag:$0x2] =	stream.indirect_vreg.gather [hbm4b:s7+s2], $0x80, v3, vm0, $0xb8;
	[tilespmem:$0x18100] =	vst v63  }
0xb1: {  	_ =	swait.ge [sflag:s11], $0xC000  }
0xb2: {  	[sflag:s11] =	ssyncset.done $0x0  }
0xb3: {  	s28 =	simm.s32 $0x0;
	[sflag:s11] =	ssyncadd.s32 $0xFFFF4000  }
0xb4: {  	s23 =	smul.u32 $0x1800, s28;
	_ =	swait.ge [sflag:s12], $0xC000  }
0xb5: {  	s24 =	sand.u32 $0x380, s2;
	[sflag:s12] =	ssyncset.done $0x0  }
0xb6: {  	s23 =	sor.u32 s24, s23;
	[sflag:s12] =	ssyncadd.s32 $0xFFFF4000  }
0xb7: {  	v12 =	vld [tilespmem:s23+$0xC100]  }
0xb8: {  	v13 =	vld [tilespmem:s23+$0xC110]  }
0xb9: {  	v14 =	vld [tilespmem:s23+$0xC120]  }
0xba: {  	v15 =	vld [tilespmem:s23+$0xC130]  }
0xbb: {  	v16 =	vld [tilespmem:s23+$0xC140]  }
0xbc: {  	v17 =	vld [tilespmem:s23+$0xC150]  }
0xbd: {  	v18 =	vld [tilespmem:s23+$0xC160]  }
0xbe: {  	v19 =	vld [tilespmem:s23+$0xC170]  }
0xbf: {  	v20 =	vld [tilespmem:s23+$0xC500]  }
0xc0: {  	v21 =	vld [tilespmem:s23+$0xC510]  }
0xc1: {  	v22 =	vld [tilespmem:s23+$0xC520]  }
0xc2: {  	v23 =	vld [tilespmem:s23+$0xC530]  }
0xc3: {  	v24 =	vld [tilespmem:s23+$0xC540]  }
0xc4: {  	v25 =	vld [tilespmem:s23+$0xC550]  }
0xc5: {  	v26 =	vld [tilespmem:s23+$0xC560]  }
0xc6: {  	v27 =	vld [tilespmem:s23+$0xC570]  }
0xc7: {  	v28 =	vld [tilespmem:s23+$0xC900]  }
0xc8: {  	v29 =	vld [tilespmem:s23+$0xC910]  }
0xc9: {  	v30 =	vld [tilespmem:s23+$0xC920]  }
0xca: {  	v31 =	vld [tilespmem:s23+$0xC930]  }
0xcb: {  	v32 =	vld [tilespmem:s23+$0xC940]  }
0xcc: {  	v33 =	vld [tilespmem:s23+$0xC950]  }
0xcd: {  	v34 =	vld [tilespmem:s23+$0xC960]  }
0xce: {  	v35 =	vld [tilespmem:s23+$0xC970]  }
0xcf: {  	v36 =	vld [tilespmem:s23+$0xCD00]  }
0xd0: {  	v37 =	vld [tilespmem:s23+$0xCD10]  }
0xd1: {  	v38 =	vld [tilespmem:s23+$0xCD20]  }
0xd2: {  	v39 =	vld [tilespmem:s23+$0xCD30]  }
0xd3: {  	v40 =	vld [tilespmem:s23+$0xCD40]  }
0xd4: {  	v41 =	vld [tilespmem:s23+$0xCD50]  }
0xd5: {  	v42 =	vld [tilespmem:s23+$0xCD60]  }
0xd6: {  	v43 =	vld [tilespmem:s23+$0xCD70]  }
0xd7: {  	v44 =	vld [tilespmem:s23+$0xD100]  }
0xd8: {  	v45 =	vld [tilespmem:s23+$0xD110]  }
0xd9: {  	v46 =	vld [tilespmem:s23+$0xD120]  }
0xda: {  	v47 =	vld [tilespmem:s23+$0xD130]  }
0xdb: {  	v48 =	vld [tilespmem:s23+$0xD140]  }
0xdc: {  	v49 =	vld [tilespmem:s23+$0xD150]  }
0xdd: {  	v50 =	vld [tilespmem:s23+$0xD160]  }
0xde: {  	v11 =	vld [tilespmem:s23+$0xD170]  }
0xdf: {  	v10 =	vld [tilespmem:s23+$0xD500]  }
0xe0: {  	v9 =	vld [tilespmem:s23+$0xD510]  }
0xe1: {  	v8 =	vld [tilespmem:s23+$0xD520]  }
0xe2: {  	v7 =	vld [tilespmem:s23+$0xD530]  }
0xe3: {  	v6 =	vld [tilespmem:s23+$0xD540]  }
0xe4: {  	v51 =	vld [tilespmem:s23+$0x100]  }
0xe5: {  	v52 =	vld [tilespmem:s23+$0x110]  }
0xe6: {  	v53 =	vld [tilespmem:s23+$0x120]  }
0xe7: {  	v54 =	vld [tilespmem:s23+$0x130]  }
0xe8: {  	v55 =	vld [tilespmem:s23+$0x140]  }
0xe9: {  	v62 =	vld [tilespmem:s23+$0x150];
	v12 =	vadd.f32 v12, v51  }
0xea: {  	v63 =	vld [tilespmem:s23+$0x160];
	v13 =	vadd.f32 v13, v52  }
0xeb: {  	[tilespmem:s23+$0x100] =	vst v12;
	v12 =	vadd.f32 v14, v53;
	v14 =	vld [tilespmem:s23+$0x170]  }
0xec: {  	[tilespmem:s23+$0x110] =	vst v13;
	v13 =	vadd.f32 v15, v54;
	v15 =	vld [tilespmem:s23+$0x500]  }
0xed: {  	[tilespmem:s23+$0x120] =	vst v12;
	v12 =	vadd.f32 v16, v55;
	v16 =	vld [tilespmem:s23+$0x510]  }
0xee: {  	[tilespmem:s23+$0x130] =	vst v13;
	v13 =	vadd.f32 v17, v62;
	v17 =	vld [tilespmem:s23+$0x520]  }
0xef: {  	v5 =	vld [tilespmem:s23+$0xD550]  }
0xf0: {  	[tilespmem:s23+$0x140] =	vst v12;
	v12 =	vadd.f32 v18, v63;
	v18 =	vld [tilespmem:s23+$0x570]  }
0xf1: {  	[tilespmem:s23+$0x150] =	vst v13;
	v13 =	vadd.f32 v19, v14;
	v14 =	vld [tilespmem:s23+$0x530]  }
0xf2: {  	[tilespmem:s23+$0x160] =	vst v12;
	v12 =	vadd.f32 v20, v15;
	v15 =	vld [tilespmem:s23+$0x540]  }
0xf3: {  	[tilespmem:s23+$0x170] =	vst v13;
	v13 =	vadd.f32 v21, v16;
	v16 =	vadd.f32 v22, v17;
	v17 =	vld [tilespmem:s23+$0x560]  }
0xf4: {  	[tilespmem:s23+$0x500] =	vst v12;
	v12 =	vld [tilespmem:s23+$0x550]  }
0xf5: {  	[tilespmem:s23+$0x510] =	vst v13;
	v13 =	vld [tilespmem:s23+$0x900];
	v18 =	vadd.f32 v27, v18  }
0xf6: {  	[tilespmem:s23+$0x520] =	vst v16;
	v16 =	vld [tilespmem:s23+$0x910];
	v14 =	vadd.f32 v23, v14  }
0xf7: {  	v4 =	vld [tilespmem:s23+$0xD560];
	v15 =	vadd.f32 v24, v15;
	[tilespmem:s23+$0x570] =	vst v18  }
0xf8: {  	[tilespmem:s23+$0x530] =	vst v14;
	v14 =	vld [tilespmem:s23+$0x920];
	v17 =	vadd.f32 v26, v17  }
0xf9: {  	v12 =	vadd.f32 v25, v12;
	[tilespmem:s23+$0x540] =	vst v15;
	v15 =	vld [tilespmem:s23+$0x930]  }
0xfa: {  	v18 =	vld [tilespmem:s23+$0x970];
	[tilespmem:s23+$0x560] =	vst v17;
	v13 =	vadd.f32 v28, v13  }
0xfb: {  	v16 =	vadd.f32 v29, v16;
	[tilespmem:s23+$0x550] =	vst v12;
	v12 =	vld [tilespmem:s23+$0x940]  }
0xfc: {  	v17 =	vld [tilespmem:s23+$0x950];
	[tilespmem:s23+$0x900] =	vst v13  }
0xfd: {  	[tilespmem:s23+$0x910] =	vst v16;
	v16 =	vld [tilespmem:s23+$0x960];
	v13 =	vadd.f32 v30, v14  }
0xfe: {  	v14 =	vld [tilespmem:s23+$0xD00];
	v15 =	vadd.f32 v31, v15  }
0xff: {  	[tilespmem:s23+$0x920] =	vst v13;
	v13 =	vld [tilespmem:s23+$0xD10]  }
0x100: {  	v12 =	vadd.f32 v32, v12;
	[tilespmem:s23+$0x930] =	vst v15;
	v15 =	vld [tilespmem:s23+$0xD20]  }
0x101: {  	v3 =	vld [tilespmem:s23+$0xD570];
	v17 =	vadd.f32 v33, v17  }
0x102: {  	v16 =	vadd.f32 v34, v16;
	[tilespmem:s23+$0x940] =	vst v12;
	v12 =	vld [tilespmem:s23+$0xD30]  }
0x103: {  	[tilespmem:s23+$0x950] =	vst v17;
	v17 =	vld [tilespmem:s23+$0xD40];
	v14 =	vadd.f32 v36, v14  }
0x104: {  	v18 =	vadd.f32 v35, v18;
	[tilespmem:s23+$0x960] =	vst v16;
	v16 =	vld [tilespmem:s23+$0xD50]  }
0x105: {  	v13 =	vadd.f32 v37, v13;
	[tilespmem:s23+$0xD00] =	vst v14;
	v14 =	vadd.f32 v38, v15;
	v15 =	vld [tilespmem:s23+$0xD60]  }
0x106: {  	[tilespmem:s23+$0x970] =	vst v18;
	v18 =	vld [tilespmem:s23+$0xD70]  }
0x107: {  	[tilespmem:s23+$0xD10] =	vst v13;
	v13 =	vld [tilespmem:s23+$0x1100];
	v12 =	vadd.f32 v39, v12  }
0x108: {  	v17 =	vadd.f32 v40, v17;
	[tilespmem:s23+$0xD20] =	vst v14;
	v14 =	vld [tilespmem:s23+$0x1110]  }
0x109: {  	v16 =	vadd.f32 v41, v16;
	[tilespmem:s23+$0xD30] =	vst v12;
	v12 =	vld [tilespmem:s23+$0x1120]  }
0x10a: {  	[tilespmem:s23+$0xD40] =	vst v17;
	v17 =	vld [tilespmem:s23+$0x1130];
	v15 =	vadd.f32 v42, v15  }
0x10b: {  	v19 =	vld [tilespmem:s23+$0x1140];
	[tilespmem:s23+$0xD50] =	vst v16;
	v16 =	vadd.f32 v43, v18  }
0x10c: {  	v18 =	vld [tilespmem:s23+$0x1150];
	v13 =	vadd.f32 v44, v13;
	[tilespmem:s23+$0xD60] =	vst v15  }
0x10d: {  	v20 =	vld [tilespmem:s23+$0x1160];
	[tilespmem:s23+$0xD70] =	vst v16;
	v14 =	vadd.f32 v45, v14  }
0x10e: {  	v16 =	vld [tilespmem:s23+$0x1170];
	[tilespmem:s23+$0x1100] =	vst v13;
	v12 =	vadd.f32 v46, v12  }
0x10f: {  	v15 =	vld [tilespmem:s23+$0x1500];
	v13 =	vadd.f32 v47, v17;
	[tilespmem:s23+$0x1110] =	vst v14  }
0x110: {  	v14 =	vld [tilespmem:s23+$0x1510];
	[tilespmem:s23+$0x1120] =	vst v12;
	v12 =	vadd.f32 v48, v19  }
0x111: {  	[tilespmem:s23+$0x1130] =	vst v13;
	v13 =	vld [tilespmem:s23+$0x1520];
	v18 =	vadd.f32 v49, v18  }
0x112: {  	s24 =	simm.s32 $0x1;
	s25 =	simm.s32 $0x0;
	v17 =	vadd.f32 v50, v20;
	[tilespmem:s23+$0x1140] =	vst v12;
	v12 =	vld [tilespmem:s23+$0x1530]  }
.LBB2_2:
0x113: {  	s26 =	sshrl.u32 s24, $0x3;
	p0 =	sne.s32 s24, $0x3F;
	[tilespmem:s23+$0x1150] =	vst v18;
	v11 =	vadd.f32 v11, v16;
	v16 =	vld [tilespmem:s23+$0x1540]  }
0x114: {  	s25 =	sadd.s32 $0x80, s25;
	s26 =	smul.u32 $0x1800, s26;
	[tilespmem:s23+$0x1160] =	vst v17;
	v10 =	vadd.f32 v10, v15;
	v15 =	vld [tilespmem:s23+$0x1550]  }
0x115: {  	s28 =	sand.u32 $0x380, s25;
	[tilespmem:s23+$0x1170] =	vst v11;
	v9 =	vadd.f32 v9, v14;
	v11 =	vld [tilespmem:s23+$0x1560]  }
0x116: {  	s26 =	sor.u32 s28, s26;
	[tilespmem:s23+$0x1500] =	vst v10;
	v8 =	vadd.f32 v8, v13;
	v10 =	vld [tilespmem:s23+$0x1570]  }
0x117: {  	v39 =	vld [tilespmem:s26+$0xC100];
	[tilespmem:s23+$0x1510] =	vst v9;
	v7 =	vadd.f32 v7, v12  }
0x118: {  	v40 =	vld [tilespmem:s26+$0xC110];
	[tilespmem:s23+$0x1520] =	vst v8;
	v6 =	vadd.f32 v6, v16  }
0x119: {  	v41 =	vld [tilespmem:s26+$0xC120];
	[tilespmem:s23+$0x1530] =	vst v7;
	v5 =	vadd.f32 v5, v15  }
0x11a: {  	v42 =	vld [tilespmem:s26+$0xC130];
	[tilespmem:s23+$0x1540] =	vst v6;
	v4 =	vadd.f32 v4, v11  }
0x11b: {  	v43 =	vld [tilespmem:s26+$0xC140];
	[tilespmem:s23+$0x1550] =	vst v5;
	v3 =	vadd.f32 v3, v10  }
0x11c: {  	v44 =	vld [tilespmem:s26+$0xC150];
	[tilespmem:s23+$0x1560] =	vst v4  }
0x11d: {  	v45 =	vld [tilespmem:s26+$0xC160];
	[tilespmem:s23+$0x1570] =	vst v3;
	s23 =	smov.u32 s26  }
0x11e: {  	v46 =	vld [tilespmem:s23+$0xC170]  }
0x11f: {  	v47 =	vld [tilespmem:s23+$0xC500]  }
0x120: {  	v48 =	vld [tilespmem:s23+$0xC510]  }
0x121: {  	v49 =	vld [tilespmem:s23+$0xC520]  }
0x122: {  	v50 =	vld [tilespmem:s23+$0xC530]  }
0x123: {  	v38 =	vld [tilespmem:s23+$0xC540]  }
0x124: {  	v37 =	vld [tilespmem:s23+$0xC550]  }
0x125: {  	v36 =	vld [tilespmem:s23+$0xC560]  }
0x126: {  	v35 =	vld [tilespmem:s23+$0xC570]  }
0x127: {  	v34 =	vld [tilespmem:s23+$0xC900]  }
0x128: {  	v33 =	vld [tilespmem:s23+$0xC910]  }
0x129: {  	v32 =	vld [tilespmem:s23+$0xC920]  }
0x12a: {  	v31 =	vld [tilespmem:s23+$0xC930]  }
0x12b: {  	v30 =	vld [tilespmem:s23+$0xC940]  }
0x12c: {  	v29 =	vld [tilespmem:s23+$0xC950]  }
0x12d: {  	v28 =	vld [tilespmem:s23+$0xC960]  }
0x12e: {  	v27 =	vld [tilespmem:s23+$0xC970]  }
0x12f: {  	v26 =	vld [tilespmem:s23+$0xCD00]  }
0x130: {  	v25 =	vld [tilespmem:s23+$0xCD10]  }
0x131: {  	v24 =	vld [tilespmem:s23+$0xCD20]  }
0x132: {  	v23 =	vld [tilespmem:s23+$0xCD30]  }
0x133: {  	v22 =	vld [tilespmem:s23+$0xCD40]  }
0x134: {  	v21 =	vld [tilespmem:s23+$0xCD50]  }
0x135: {  	v20 =	vld [tilespmem:s23+$0xCD60]  }
0x136: {  	v19 =	vld [tilespmem:s23+$0xCD70]  }
0x137: {  	v18 =	vld [tilespmem:s23+$0xD100]  }
0x138: {  	v17 =	vld [tilespmem:s23+$0xD110]  }
0x139: {  	v16 =	vld [tilespmem:s23+$0xD120]  }
0x13a: {  	v15 =	vld [tilespmem:s23+$0xD130]  }
0x13b: {  	v14 =	vld [tilespmem:s23+$0xD140]  }
0x13c: {  	v13 =	vld [tilespmem:s23+$0xD150]  }
0x13d: {  	v12 =	vld [tilespmem:s23+$0xD160]  }
0x13e: {  	v11 =	vld [tilespmem:s23+$0xD170]  }
0x13f: {  	v10 =	vld [tilespmem:s23+$0xD500]  }
0x140: {  	v9 =	vld [tilespmem:s23+$0xD510]  }
0x141: {  	v8 =	vld [tilespmem:s23+$0xD520]  }
0x142: {  	v7 =	vld [tilespmem:s23+$0xD530]  }
0x143: {  	v6 =	vld [tilespmem:s23+$0xD540]  }
0x144: {  	v5 =	vld [tilespmem:s23+$0xD550]  }
0x145: {  	v4 =	vld [tilespmem:s23+$0xD560]  }
0x146: {  	v3 =	vld [tilespmem:s23+$0xD570]  }
0x147: {  	v51 =	vld [tilespmem:s23+$0x100]  }
0x148: {  	v52 =	vld [tilespmem:s23+$0x110]  }
0x149: {  	v53 =	vld [tilespmem:s23+$0x120]  }
0x14a: {  	v54 =	vld [tilespmem:s23+$0x130]  }
0x14b: {  	v55 =	vld [tilespmem:s23+$0x140]  }
0x14c: {  	v39 =	vadd.f32 v39, v51;
	v51 =	vld [tilespmem:s23+$0x150]  }
0x14d: {  	v40 =	vadd.f32 v40, v52;
	v52 =	vld [tilespmem:s23+$0x160]  }
0x14e: {  	[tilespmem:s23+$0x100] =	vst v39;
	v39 =	vadd.f32 v41, v53;
	v41 =	vld [tilespmem:s23+$0x170]  }
0x14f: {  	[tilespmem:s23+$0x110] =	vst v40;
	v40 =	vadd.f32 v42, v54;
	v42 =	vld [tilespmem:s23+$0x500]  }
0x150: {  	[tilespmem:s23+$0x120] =	vst v39;
	v39 =	vadd.f32 v43, v55;
	v43 =	vld [tilespmem:s23+$0x510]  }
0x151: {  	[tilespmem:s23+$0x130] =	vst v40;
	v40 =	vadd.f32 v44, v51;
	v44 =	vld [tilespmem:s23+$0x520]  }
0x152: {  	[tilespmem:s23+$0x140] =	vst v39;
	v39 =	vadd.f32 v45, v52;
	v45 =	vld [tilespmem:s23+$0x530]  }
0x153: {  	[tilespmem:s23+$0x150] =	vst v40;
	v40 =	vadd.f32 v46, v41;
	v41 =	vld [tilespmem:s23+$0x540]  }
0x154: {  	[tilespmem:s23+$0x160] =	vst v39;
	v39 =	vadd.f32 v47, v42;
	v42 =	vld [tilespmem:s23+$0x550]  }
0x155: {  	[tilespmem:s23+$0x170] =	vst v40;
	v40 =	vadd.f32 v48, v43;
	v43 =	vld [tilespmem:s23+$0x560]  }
0x156: {  	[tilespmem:s23+$0x500] =	vst v39;
	v39 =	vadd.f32 v49, v44;
	v44 =	vld [tilespmem:s23+$0x570]  }
0x157: {  	[tilespmem:s23+$0x510] =	vst v40;
	v40 =	vadd.f32 v50, v45;
	v45 =	vld [tilespmem:s23+$0x900]  }
0x158: {  	[tilespmem:s23+$0x520] =	vst v39;
	v38 =	vadd.f32 v38, v41;
	v39 =	vld [tilespmem:s23+$0x910]  }
0x159: {  	[tilespmem:s23+$0x530] =	vst v40;
	v37 =	vadd.f32 v37, v42;
	v40 =	vld [tilespmem:s23+$0x920]  }
0x15a: {  	[tilespmem:s23+$0x540] =	vst v38;
	v36 =	vadd.f32 v36, v43;
	v38 =	vld [tilespmem:s23+$0x930]  }
0x15b: {  	[tilespmem:s23+$0x550] =	vst v37;
	v35 =	vadd.f32 v35, v44;
	v37 =	vld [tilespmem:s23+$0x940]  }
0x15c: {  	[tilespmem:s23+$0x560] =	vst v36;
	v34 =	vadd.f32 v34, v45;
	v36 =	vld [tilespmem:s23+$0x950]  }
0x15d: {  	[tilespmem:s23+$0x570] =	vst v35;
	v33 =	vadd.f32 v33, v39;
	v35 =	vld [tilespmem:s23+$0x960]  }
0x15e: {  	[tilespmem:s23+$0x900] =	vst v34;
	v32 =	vadd.f32 v32, v40;
	v34 =	vld [tilespmem:s23+$0x970]  }
0x15f: {  	[tilespmem:s23+$0x910] =	vst v33;
	v31 =	vadd.f32 v31, v38;
	v33 =	vld [tilespmem:s23+$0xD00]  }
0x160: {  	[tilespmem:s23+$0x920] =	vst v32;
	v30 =	vadd.f32 v30, v37;
	v32 =	vld [tilespmem:s23+$0xD10]  }
0x161: {  	[tilespmem:s23+$0x930] =	vst v31;
	v29 =	vadd.f32 v29, v36;
	v31 =	vld [tilespmem:s23+$0xD20]  }
0x162: {  	[tilespmem:s23+$0x940] =	vst v30;
	v28 =	vadd.f32 v28, v35;
	v30 =	vld [tilespmem:s23+$0xD30]  }
0x163: {  	[tilespmem:s23+$0x950] =	vst v29;
	v27 =	vadd.f32 v27, v34;
	v29 =	vld [tilespmem:s23+$0xD40]  }
0x164: {  	[tilespmem:s23+$0x960] =	vst v28;
	v26 =	vadd.f32 v26, v33;
	v28 =	vld [tilespmem:s23+$0xD50]  }
0x165: {  	[tilespmem:s23+$0x970] =	vst v27;
	v25 =	vadd.f32 v25, v32;
	v27 =	vld [tilespmem:s23+$0xD60]  }
0x166: {  	[tilespmem:s23+$0xD00] =	vst v26;
	v24 =	vadd.f32 v24, v31;
	v26 =	vld [tilespmem:s23+$0xD70]  }
0x167: {  	[tilespmem:s23+$0xD10] =	vst v25;
	v23 =	vadd.f32 v23, v30;
	v25 =	vld [tilespmem:s23+$0x1100]  }
0x168: {  	[tilespmem:s23+$0xD20] =	vst v24;
	v22 =	vadd.f32 v22, v29;
	v24 =	vld [tilespmem:s23+$0x1110]  }
0x169: {  	[tilespmem:s23+$0xD30] =	vst v23;
	v21 =	vadd.f32 v21, v28;
	v23 =	vld [tilespmem:s23+$0x1120]  }
0x16a: {  	[tilespmem:s23+$0xD40] =	vst v22;
	v20 =	vadd.f32 v20, v27;
	v22 =	vld [tilespmem:s23+$0x1130]  }
0x16b: {  	[tilespmem:s23+$0xD50] =	vst v21;
	v19 =	vadd.f32 v19, v26;
	v21 =	vld [tilespmem:s23+$0x1140]  }
0x16c: {  	[tilespmem:s23+$0xD60] =	vst v20;
	v18 =	vadd.f32 v18, v25;
	v20 =	vld [tilespmem:s23+$0x1150]  }
0x16d: {  	[tilespmem:s23+$0xD70] =	vst v19;
	v17 =	vadd.f32 v17, v24;
	v19 =	vld [tilespmem:s23+$0x1160]  }
.Ltmp0:
0x16e: {  	[tilespmem:s23+$0x1100] =	vst v18;
	v18 =	vadd.f32 v16, v23;
	v16 =	vld [tilespmem:s23+$0x1170];
	(pc) =	sbr.rel @p0 .LBB2_2-.Ltmp0, $4  }
0x16f: {  	[tilespmem:s23+$0x1110] =	vst v17;
	v17 =	vadd.f32 v15, v22;
	v15 =	vld [tilespmem:s23+$0x1500]  }
0x170: {  	[tilespmem:s23+$0x1120] =	vst v18;
	v21 =	vadd.f32 v14, v21;
	v14 =	vld [tilespmem:s23+$0x1510]  }
0x171: {  	[tilespmem:s23+$0x1130] =	vst v17;
	v18 =	vadd.f32 v13, v20;
	v13 =	vld [tilespmem:s23+$0x1520]  }
0x172: {  	s24 =	sadd.s32 $0x1, s24;
	[tilespmem:s23+$0x1140] =	vst v21;
	v17 =	vadd.f32 v12, v19;
	v12 =	vld [tilespmem:s23+$0x1530]  }
0x173: {  	[tilespmem:s23+$0x1150] =	vst v18;
	v60 =	vld [tilespmem:s23+$0x1540];
	v11 =	vadd.f32 v11, v16  }
0x174: {  	v61 =	vld [tilespmem:s23+$0x1550];
	[tilespmem:s23+$0x1160] =	vst v17;
	v10 =	vadd.f32 v10, v15  }
0x175: {  	v62 =	vld [tilespmem:s23+$0x1560];
	[tilespmem:s23+$0x1170] =	vst v11;
	v9 =	vadd.f32 v9, v14  }
0x176: {  	v63 =	vld [tilespmem:s23+$0x1570];
	[tilespmem:s23+$0x1500] =	vst v10;
	v8 =	vadd.f32 v8, v13  }
0x177: {  	[tilespmem:s23+$0x1510] =	vst v9;
	v7 =	vadd.f32 v7, v12  }
0x178: {  	[tilespmem:s23+$0x1520] =	vst v8;
	v6 =	vadd.f32 v6, v60  }
0x179: {  	v5 =	vadd.f32 v5, v61;
	[tilespmem:s23+$0x1530] =	vst v7  }
0x17a: {  	v4 =	vadd.f32 v4, v62;
	[tilespmem:s23+$0x1540] =	vst v6  }
0x17b: {  	s22 =	sadd.s32 $0x1, s22;
	v3 =	vadd.f32 v3, v63;
	[tilespmem:s23+$0x1550] =	vst v5  }
0x17c: {  	p0 =	sne.s32 s22, s9;
	[tilespmem:s23+$0x1560] =	vst v4  }
.Ltmp1:
0x17d: {  	[tilespmem:s23+$0x1570] =	vst v3;
	(pc) =	sbr.rel @p0 .LBB2_1-.Ltmp1, $4  }
0x17e: {  	[hbm4b:s8+s2] =	stream.linear.scatter [tilespmem:s13], [sflag:$0x3], $0xC000, $0x38;
	[tilespmem:$0x18100] =	vst v63  }
0x17f: {  	_ =	swait.ge [sflag:s21], $0xC000  }
0x180: {  	[sflag:s21] =	ssyncset.done $0x0  }
0x181: {  	[sflag:s21] =	ssyncadd.s32 $0xFFFF4000  }
0x182: {  	_ =	sfence.sel $0x180000  }
0x183: {  	[bflag:$0x0] =	sbarrier.arrive $0xFFFF  }
0x184: {  	_ =	strace $0x9000004D  }
0x185: {  	s0 =	stileid.u32;
	[bflag:$0x2] =	sbarrier.arrive $0xFFFF  }
0x186: {  	p0 =	sne.s32 s0, $0x0;
	s0 =	rddreg [dreg:$0x2]  }
0x187: {  	s0 =	sadd.s32 @!p0 $0x100000, s0  }
0x188: {  	[sflag:s0] =	ssyncadd.tile.s32 @!p0 $0x1;
	_ =	shalt  }
.Lfunc_end2:
_tile_overlayer_lowered:
.L_overlay_start_2:
0x189: {  	(tag) =	ssettag $0x2  }
0x18a: {  	s0 =	rddreg [dreg:$0x0];
	s2 =	stileid.u32  }
0x18b: {  	s1 =	rddreg [dreg:$0x1];
	p0 =	sne.s32 s2, $0x0  }
0x18c: {  	s3 =	rddreg [dreg:$0x2];
	[bflag:$0x3] =	sbarrier.arrive $0xFFFF;
	s2 =	simm.s32 @!p0 $0x1C03  }
0x18d: {  	[timem:s3], [sflag:s2] =	dma.local @!p0 [hbm:s0], s1  }
0x18e: {  	s0 =	simm.s32 @!p0 $0x3  }
0x18f: {  	_ =	swait.ge @!p0 [sflag:s0], s1  }
0x190: {  	s1 =	ssub.s32 @!p0 $0x0, s1;
	[sflag:s0] =	ssyncset.done @!p0 $0x0  }
0x191: {  	[sflag:s0] =	ssyncadd.s32 @!p0 s1  }
0x192: {  	[bflag:$0x3] =	sbarrier.arrive $0xFFFF  }
0x193: {  	_ =	shalt  }

// kernel: kernel.7.cloned.1.call-start
scs
__scs_entry_jumppad:
0x0: {  	(pc) =	sbr.rel $0x88, $3  }
0x1: {  	(tag) =	ssettag $0x0;
	lr =	simm.s32 $0x1  }
0x2: {  	[smem:$0x3F9A] =	sst lr;
	_ =	strace $0xD0000000  }
0x3: {  	_ = 	snop  }
0x4: {  	_ = 	snop  }
0x5: {  	_ = 	snop  }
0x6: {  	_ = 	snop  }
0x7: {  	_ = 	snop  }
__scs_overlays_trampoline_lowered:
0x8: {  	[smem:$0x3FA9] =	sst s0  }
0x9: {  	[smem:$0x3FAA] =	sst s1  }
0xa: {  	[smem:$0x3FAB] =	sst s2  }
0xb: {  	[smem:$0x3FAC] =	sst s3  }
0xc: {  	[smem:$0x3FAD] =	sst s4  }
0xd: {  	[smem:$0x3FAE] =	sst s5  }
0xe: {  	[smem:$0x3FAF] =	sst s6  }
0xf: {  	[smem:$0x3FB0] =	sst s7  }
0x10: {  	[smem:$0x3FB1] =	sst s8  }
0x11: {  	[smem:$0x3FB2] =	sst s9;
	s0 =	simm.s32 @!p0 $0x0  }
0x12: {  	s1 =	sld [smem:$0x3F98];
	s0 =	simm.s32 @p0 $0x1  }
0x13: {  	[smem:$0x3FB3] =	sst s0;
	s0 =	simm.s32 @!p1 $0x0  }
0x14: {  	s2 =	sld [smem:$0x3F97];
	s0 =	simm.s32 @p1 $0x1  }
0x15: {  	[smem:$0x3FB4] =	sst s0;
	s0 =	simm.s32 @!p2 $0x0  }
0x16: {  	s3 =	sld [smem:$0x3FDB];
	s0 =	simm.s32 @p2 $0x1  }
0x17: {  	s4 =	simm.s32 $0x1BF5;
	[smem:$0x3FB6] =	sst s0  }
0x18: {  	s0 =	sld [smem:$0x3F99];
	_ =	swait.ge [sflag:s4], $0x0  }
0x19: {  	s7 =	sld [smem:$0x3F9A]  }
0x1a: {  	s8 =	sadd.s32 $0xFFFFE003, lr  }
0x1b: {  	s9 =	sadd.s32 $0xFFFFFEF7, lr;
	s5 =	simm.s32 $0xFFFFFFFF;
	p2 =	slt.u32 s8, $0xFFFFF086  }
0x1c: {  	p1 =	slt.u32 s9, $0xF7A;
	s5 =	simm.s32 @!p2 $0x0  }
0x1d: {  	s5 =	simm.s32 @p1 $0x1;
	p0 =	seq.s32 s7, s2  }
0x1e: {  	s7 =	smul.u32 @!p0 $0xF7A, s2;
	p2 =	seq.s32 @!p0 s5, $0x0  }
0x1f: {  	s9 =	smul.u32 $0xF7A, s1;
	s8 =	simm.s32 @!p0 $0x1BF5;
	p2 =	por !p2, p0  }
0x20: {  	[sflag:s8] =	ssyncset.s32 @!p0 $0xFFFFF086;
	s6 =	sadd.s32 @!p0 s3, s7;
	s7 =	simm.s32 @!p0 $0x108  }
0x21: {  	s3 =	sadd.s32 s3, s9;
	s6 =	sadd.s32 @!p0 $0x88, s6;
	s7 =	simm.s32 @p2 $0x1082  }
0x22: {  	[simem:s7], [sflag:s8] =	dma.local @!p0 [hbm:s6], $0xF7A  }
0x23: {  	s9 =	sor.u32 $0xD0000000, s2;
	s6 =	simm.s32 $0x108;
	_ =	swait.ge @!p0 [sflag:s8], $0x0  }
0x24: {  	s3 =	sadd.s32 $0x88, s3;
	s6 =	simm.s32 @!p1 $0x1082;
	[sflag:s4] =	ssyncset.s32 $0xFFFFF086  }
0x25: {  	[simem:s6], [sflag:s4] =	dma.local [hbm:s3], $0xF7A  }
0x26: {  	[smem:$0x3F9A] =	sst s1;
	(tag) =	ssettag s2;
	_ =	strace s9  }
0x27: {  	s1 =	sld [smem:$0x3FAA]  }
0x28: {  	s2 =	sld [smem:$0x3FAB]  }
0x29: {  	s4 =	sld [smem:$0x3FAD]  }
0x2a: {  	p0 =	seq.s32 s5, $0x0;
	s5 =	sld [smem:$0x3FAE]  }
0x2b: {  	s6 =	sld [smem:$0x3FAF]  }
0x2c: {  	s7 =	sld [smem:$0x3FB0]  }
0x2d: {  	s3 =	simm.s32 $0x108;
	s8 =	sld [smem:$0x3FB1]  }
0x2e: {  	s3 =	simm.s32 @!p0 $0x1082;
	s9 =	sld [smem:$0x3FB2]  }
0x2f: {  	lr =	sadd.s32 s0, s3;
	s0 =	sld [smem:$0x3FA9]  }
0x30: {  	s3 =	sld [smem:$0x3FAC]  }
0x31: {  	[smem:$0x3FB5] =	sst s10  }
0x32: {  	s10 =	sld [smem:$0x3FB3];
	_ =	sdelay $0x3  }
0x33: {  	p0 =	seq.s32 s10, $0x1;
	s10 =	sld [smem:$0x3FB5];
	_ =	sdelay $0x3  }
0x34: {  	[smem:$0x3FB5] =	sst s10  }
0x35: {  	s10 =	sld [smem:$0x3FB4];
	_ =	sdelay $0x3  }
0x36: {  	p1 =	seq.s32 s10, $0x1;
	s10 =	sld [smem:$0x3FB5];
	_ =	sdelay $0x3  }
0x37: {  	[smem:$0x3FB5] =	sst s10  }
0x38: {  	s10 =	sld [smem:$0x3FB6]  }
0x39: {  	_ = 	snop;
	(pc) =	sbr.ind lr, $3  }
0x3a: {  	_ = 	snop  }
0x3b: {  	_ = 	snop  }
0x3c: {  	p2 =	seq.s32 s10, $0x1;
	s10 =	sld [smem:$0x3FB5]  }
0x3d: {  	_ =	shalt  }
0x3e: {  	_ =	shalt  }
0x3f: {  	_ =	shalt  }
0x40: {  	_ =	shalt  }
0x41: {  	_ =	shalt  }
0x42: {  	_ =	shalt  }
0x43: {  	_ =	shalt  }
0x44: {  	_ =	shalt  }
0x45: {  	_ =	shalt  }
0x46: {  	_ =	shalt  }
0x47: {  	_ =	shalt  }
0x48: {  	_ =	shalt  }
0x49: {  	_ =	shalt  }
0x4a: {  	_ =	shalt  }
0x4b: {  	_ =	shalt  }
0x4c: {  	_ =	shalt  }
0x4d: {  	_ =	shalt  }
0x4e: {  	_ =	shalt  }
0x4f: {  	_ =	shalt  }
0x50: {  	_ =	shalt  }
0x51: {  	_ =	shalt  }
0x52: {  	_ =	shalt  }
0x53: {  	_ =	shalt  }
0x54: {  	_ =	shalt  }
0x55: {  	_ =	shalt  }
0x56: {  	_ =	shalt  }
0x57: {  	_ =	shalt  }
0x58: {  	_ =	shalt  }
0x59: {  	_ =	shalt  }
0x5a: {  	_ =	shalt  }
0x5b: {  	_ =	shalt  }
0x5c: {  	_ =	shalt  }
0x5d: {  	_ =	shalt  }
0x5e: {  	_ =	shalt  }
0x5f: {  	_ =	shalt  }
0x60: {  	_ =	shalt  }
0x61: {  	_ =	shalt  }
0x62: {  	_ =	shalt  }
0x63: {  	_ =	shalt  }
0x64: {  	_ =	shalt  }
0x65: {  	_ =	shalt  }
0x66: {  	_ =	shalt  }
0x67: {  	_ =	shalt  }
0x68: {  	_ =	shalt  }
0x69: {  	_ =	shalt  }
0x6a: {  	_ =	shalt  }
0x6b: {  	_ =	shalt  }
0x6c: {  	_ =	shalt  }
0x6d: {  	_ =	shalt  }
0x6e: {  	_ =	shalt  }
0x6f: {  	_ =	shalt  }
0x70: {  	_ =	shalt  }
0x71: {  	_ =	shalt  }
0x72: {  	_ =	shalt  }
0x73: {  	_ =	shalt  }
0x74: {  	_ =	shalt  }
0x75: {  	_ =	shalt  }
0x76: {  	_ =	shalt  }
0x77: {  	_ =	shalt  }
0x78: {  	_ =	shalt  }
0x79: {  	_ =	shalt  }
0x7a: {  	_ =	shalt  }
0x7b: {  	_ =	shalt  }
0x7c: {  	_ =	shalt  }
0x7d: {  	_ =	shalt  }
0x7e: {  	_ =	shalt  }
0x7f: {  	_ =	shalt  }
0x80: {  	_ =	shalt  }
0x81: {  	_ =	shalt  }
0x82: {  	_ =	shalt  }
0x83: {  	_ =	shalt  }
0x84: {  	_ =	shalt  }
0x85: {  	_ =	shalt  }
0x86: {  	_ =	shalt  }
0x87: {  	_ =	shalt  }
.Lfunc_end0:
.L_simem_size_0:
called_computation_lowered:
.L_overlay_start_0:
0x88: {  	s2 =	sld [smem:$0x3FD9]  }
0x89: {  	s3 =	sld [smem:$0x3FFE];
	_ =	sdelay $0x1  }
0x8a: {  	s1 =	srdreg.scid  }
0x8b: {  	s0 =	sand.u32 $0x1, s1  }
0x8c: {  	s16 =	sshll.u32 s0, $0xA;
	s2 =	sadd.s32 s3, s2  }
0x8d: {  	s2 =	sadd.s32 s2, s16  }
0x8e: {  	[smem:$0x3FC1] =	sst s2  }
0x8f: {  	_ = 	snop  }
0x90: {  	(tm) =	ssettm $0x1  }
0x91: {  	s17 =	sld [smem:$0x3FFB];
	_ =	sdelay $0x3  }
0x92: {  	_ =	strace s17  }
0x93: {  	s2 =	sld [smem:$0x3FFC];
	_ =	sdelay $0x3  }
0x94: {  	_ =	strace s2  }
0x95: {  	s2 =	sld [smem:$0x3FFD];
	_ =	sdelay $0x3  }
0x96: {  	_ =	strace s2  }
0x97: {  	_ =	strace $0x8FFFFFFF  }
0x98: {  	s18 =	sld [smem:$0x3FDB];
	_ =	sdelay $0x1  }
0x99: {  	s19 =	simm.s32 $_scs_section_size  }
0x9a: {  	s4 =	simm.s32 $_size__tile_overlayer_lowered;
	s5 =	simm.s32 $_tile_overlayer_lowered  }
0x9b: {  	s22 =	simm.s32 $0x1BFF;
	s21 =	sshll.u32 s5, $0x1;
	s2 =	sadd.s32 s19, s18  }
0x9c: {  	s6 =	simm.s32 $0x0;
	s20 =	sshll.u32 s4, $0x1;
	s4 =	sadd.s32 s21, s2  }
0x9d: {  	[timem:s6], [sflag:s22] =	dma.local [hbm:s4], s20  }
0x9e: {  	_ =	swait.ge [sflag:s22], s20  }
0x9f: {  	s3 =	ssub.s32 $0x0, s20;
	[sflag:s22] =	ssyncset.done $0x0  }
0xa0: {  	[sflag:s22] =	ssyncadd.s32 s3;
	_ =	sdelay $0x1  }
0xa1: {  	s23 =	simm.s32 $0x1B8B  }
0xa2: {  	_ =	swait.ge [sflag:s23], $0x1  }
0xa3: {  	[sflag:s23] =	ssyncset.done $0x0  }
0xa4: {  	s25 =	simm.s32 $0x1B8E;
	s24 =	sld [smem:$0x3FFE];
	[sflag:s23] =	ssyncadd.s32 $0xFFFFFFFF  }
0xa5: {  	s26 =	simm.s32 $execute0_lowered;
	[smem:$0x3FD2] =	sst s25  }
0xa6: {  	s4 =	sshll.u32 s26, $0x1;
	_ =	strace $0x80000046;
	[dreg:$0x1] =	wrdreg $0xFFFFFFFF  }
0xa7: {  	s28 =	simm.s32 $_size_execute0_lowered;
	s2 =	sadd.s32 s2, s4;
	[dreg:$0x0] =	wrdreg $0x0  }
0xa8: {  	s4 =	sshll.u32 s28, $0x1;
	[dreg:$0x2] =	wrdreg s2  }
0xa9: {  	[dreg:$0x3] =	wrdreg s4  }
0xaa: {  	[dreg:$0x4] =	wrdreg $0xC0  }
0xab: {  	_ =	task [dreg:s6], $0x5FFFF  }
0xac: {  	[dreg:$0x1] =	wrdreg $0xFFFFFFFF  }
0xad: {  	[dreg:$0x0] =	wrdreg $0x60  }
0xae: {  	[dreg:$0x2] =	wrdreg s24  }
0xaf: {  	[dreg:$0x3] =	wrdreg $0x9  }
0xb0: {  	_ =	task.clear_ibuf [dreg:s6], $0x4FFFF;
	_ =	strace $0x90000046  }
0xb1: {  	s29 =	simm.s32 $0x9;
	_ =	strace $0x80000048  }
0xb2: {  	_ =	swait.ge [sflag:s29], $0x1  }
0xb3: {  	[sflag:s29] =	ssyncadd.s32 $0xFFFFFFFF  }
0xb4: {  	_ =	strace $0x90000048  }
0xb5: {  	_ =	sfence  }
0xb6: {  	s30 =	sld [smem:$0x0];
	_ =	sdelay $0x2  }
0xb7: {  	s31 =	sshll.u32 s1, $0xD;
	s1 =	sshrl.u32 s1, $0x2  }
0xb8: {  	s3 =	sand.u32 $0x4000, s31;
	s1 =	sadd.s32 s1, s30  }
0xb9: {  	s0 =	sor.u32 s3, s0;
	s1 =	sshll.u32 s1, $0x11  }
0xba: {  	s0 =	sor.u32 s1, s0  }
0xbb: {  	s0 =	sadd.s32 $0x8F2B, s0  }
0xbc: {  	[sflag:s0] =	ssyncadd.remote.s32 $0x1  }
0xbd: {  	_ =	sfence.sel $0xFFFF  }
0xbe: {  	[dreg:$0x0] =	wrdreg $0xFFFFFFFF;
	(pc) =	sbr.abs _section_cstart, $3  }
0xbf: {  	[dreg:$0x1] =	wrdreg $0xFFFFFFFF  }
0xc0: {  	_ =	task.clear_ibuf [dreg:s6], $0x2FFFF;
	_ =	strace $0x9FFFFFFF  }
0xc1: {  	(tm) =	ssettm $0x7FFFFFFF  }
tec
execute0_lowered:
.L_overlay_start_1:
0x0: {  	(tag) =	ssettag $0x1  }
0x1: {  	s3 =	rddreg [dreg:$0x0];
	s2 =	srdreg.scid  }
0x2: {  	s0 =	rddreg [dreg:$0x1];
	s1 =	stileid.u32;
	s7 =	simm.s32 $0x80  }
0x3: {  	s4 =	sand.u32 $0x1, s2;
	s2 =	simm.s32 $0x0;
	s5 =	sshll.u32 s1, $0x5  }
0x4: {  	s6 =	sshll.u32 s4, $0x4;
	[smem:$0x7FF] =	sst s2;
	s4 =	ssub.s32 $0x2, s4  }
0x5: {  	vm0 =	vmmov $0x1;
	vm1 =	vcmask $0x320;
	s5 =	sor.u32 s6, s5;
	_ =	strace $0x80000047;
	s30 =	sshrl.u32 s4, $0x1  }
0x6: {  	vm2 =	vcmask $0x720;
	vm3 =	vcmask $0xB20;
	vm4 =	vcmask $0xF20;
	s6 =	simm.s32 $0x1;
	s5 =	sadd.s32 s5, s3;
	s31 =	ssub.s32 s4, s30  }
0x7: {  	vm5 =	vcmask $0x1320;
	vm6 =	vcmask $0x1720;
	vm7 =	vcmask $0x1B20;
	s3 =	sadd.s32 $0x1E00, s5;
	s4 =	sadd.s32 $0x2000, s5;
	s5 =	smax.u32 s31, $0x1  }
.LBB2_1:
0x8: {  	[tilespmem:s2], [sflag:$0x1] =	stream.linear.gather [hbm4b:s3+s2], $0x80, $0x38;
	[tilespmem:$0x100] =	vst v63  }
0x9: {  	_ =	swait.ge [sflag:s6], $0x80  }
0xa: {  	[sflag:s6] =	ssyncset.done $0x0  }
0xb: {  	[sflag:s6] =	ssyncadd.s32 $0xFFFFFF80  }
0xc: {  	v0 =	vld [tilespmem:$0x0]  }
0xd: {  	v2 =	vld [tilespmem:$0x10];
	_ =	sdelay $0x3  }
0xe: {  	vm8 =	veq.s32 v0, $0x0;
	vm9 =	veq.s32 v0, $0x3;
	vm13 =	veq.s32 v0, $0x6  }
0xf: {  	vm14 =	veq.s32 v2, $0x1;
	v1 =	vmpcnt.ones.xlane vm8;
	vm8 =	veq.s32 v0, $0x1  }
0x10: {  	vm15 =	veq.s32 v2, $0x4;
	v3 =	vmpcnt.ones.xlane vm8;
	vm8 =	veq.s32 v0, $0x2  }
0x11: {  	v5 =	vmpcnt.ones.xlane vm9;
	v4 =	vmpcnt.ones.xlane vm8;
	vm8 =	veq.s32 v0, $0x4  }
0x12: {  	v8 =	vmpcnt.ones.xlane vm13;
	v6 =	vmpcnt.ones.xlane vm8;
	vm8 =	veq.s32 v0, $0x5  }
0x13: {  	v10 =	vmpcnt.ones.xlane vm14;
	v7 =	vmpcnt.ones.xlane vm8;
	vm8 =	veq.s32 v0, $0x7  }
0x14: {  	v14 =	vmpcnt.ones.xlane vm15;
	v0 =	vmpcnt.ones.xlane vm8;
	vm8 =	veq.s32 v2, $0x0  }
0x15: {  	v11 =	vld [tilespmem:$0x20];
	v3 =	vadd.s32 v3, v10;
	v9 =	vmpcnt.ones.xlane vm8;
	vm8 =	veq.s32 v2, $0x2  }
0x16: {  	v6 =	vadd.s32 v6, v14;
	v12 =	vmpcnt.ones.xlane vm8;
	vm8 =	veq.s32 v2, $0x3  }
0x17: {  	v13 =	vmpcnt.ones.xlane vm8;
	vm8 =	veq.s32 v2, $0x5;
	v1 =	vadd.s32 v1, v9  }
0x18: {  	v55 =	vmpcnt.ones.xlane vm8;
	vm8 =	veq.s32 v2, $0x6;
	v57 =	vadd.s32 v4, v12  }
0x19: {  	v56 =	vmpcnt.ones.xlane vm8;
	vm8 =	veq.s32 v2, $0x7;
	v5 =	vadd.s32 v5, v13  }
0x1a: {  	v58 =	vmpcnt.ones.xlane vm8;
	vm8 =	veq.s32 v11, $0x0;
	v7 =	vadd.s32 v7, v55  }
0x1b: {  	v59 =	vmpcnt.ones.xlane vm8;
	vm8 =	veq.s32 v11, $0x1;
	v8 =	vadd.s32 v8, v56  }
0x1c: {  	v60 =	vmpcnt.ones.xlane vm8;
	vm8 =	veq.s32 v11, $0x2;
	v0 =	vadd.s32 v0, v58  }
0x1d: {  	v62 =	vld [tilespmem:$0x30];
	v61 =	vmpcnt.ones.xlane vm8;
	vm8 =	veq.s32 v11, $0x3;
	v1 =	vadd.s32 v59, v1  }
0x1e: {  	v63 =	vmpcnt.ones.xlane vm8;
	vm8 =	veq.s32 v11, $0x4;
	v3 =	vadd.s32 v60, v3  }
0x1f: {  	v16 =	vmpcnt.ones.xlane vm8;
	vm8 =	veq.s32 v11, $0x5;
	v2 =	vadd.s32 v61, v57  }
0x20: {  	v17 =	vmpcnt.ones.xlane vm8;
	vm8 =	veq.s32 v11, $0x6;
	v5 =	vadd.s32 v63, v5  }
0x21: {  	v18 =	vmpcnt.ones.xlane vm8;
	vm8 =	veq.s32 v11, $0x7;
	v4 =	vadd.s32 v16, v6  }
0x22: {  	v19 =	vmpcnt.ones.xlane vm8;
	vm8 =	veq.s32 v62, $0x0;
	v7 =	vadd.s32 v17, v7  }
0x23: {  	v20 =	vmpcnt.ones.xlane vm8;
	vm8 =	veq.s32 v62, $0x1;
	v8 =	vadd.s32 v18, v8  }
0x24: {  	v21 =	vmpcnt.ones.xlane vm8;
	vm8 =	veq.s32 v62, $0x2;
	v0 =	vadd.s32 v19, v0  }
0x25: {  	v23 =	vld [tilespmem:$0x40];
	v22 =	vmpcnt.ones.xlane vm8;
	vm8 =	veq.s32 v62, $0x3;
	v1 =	vadd.s32 v20, v1  }
0x26: {  	v24 =	vmpcnt.ones.xlane vm8;
	vm8 =	veq.s32 v62, $0x4;
	v3 =	vadd.s32 v21, v3  }
0x27: {  	v25 =	vmpcnt.ones.xlane vm8;
	vm8 =	veq.s32 v62, $0x5;
	v2 =	vadd.s32 v22, v2  }
0x28: {  	v26 =	vmpcnt.ones.xlane vm8;
	vm8 =	veq.s32 v62, $0x6;
	v5 =	vadd.s32 v24, v5  }
0x29: {  	v27 =	vmpcnt.ones.xlane vm8;
	vm8 =	veq.s32 v62, $0x7;
	v4 =	vadd.s32 v25, v4  }
0x2a: {  	v28 =	vmpcnt.ones.xlane vm8;
	vm8 =	veq.s32 v23, $0x0;
	v7 =	vadd.s32 v26, v7  }
0x2b: {  	v29 =	vmpcnt.ones.xlane vm8;
	vm8 =	veq.s32 v23, $0x1;
	v6 =	vadd.s32 v27, v8  }
0x2c: {  	v30 =	vmpcnt.ones.xlane vm8;
	vm8 =	veq.s32 v23, $0x2;
	v0 =	vadd.s32 v28, v0  }
0x2d: {  	v32 =	vld [tilespmem:$0x50];
	v31 =	vmpcnt.ones.xlane vm8;
	vm8 =	veq.s32 v23, $0x3;
	v1 =	vadd.s32 v29, v1  }
0x2e: {  	v33 =	vmpcnt.ones.xlane vm8;
	vm8 =	veq.s32 v23, $0x4;
	v3 =	vadd.s32 v30, v3  }
0x2f: {  	v34 =	vmpcnt.ones.xlane vm8;
	vm8 =	veq.s32 v23, $0x5;
	v2 =	vadd.s32 v31, v2  }
0x30: {  	v35 =	vmpcnt.ones.xlane vm8;
	vm8 =	veq.s32 v23, $0x6;
	v5 =	vadd.s32 v33, v5  }
0x31: {  	v36 =	vmpcnt.ones.xlane vm8;
	vm8 =	veq.s32 v23, $0x7;
	v4 =	vadd.s32 v34, v4  }
0x32: {  	v37 =	vmpcnt.ones.xlane vm8;
	vm8 =	veq.s32 v32, $0x0;
	v7 =	vadd.s32 v35, v7  }
0x33: {  	v38 =	vmpcnt.ones.xlane vm8;
	vm8 =	veq.s32 v32, $0x1;
	v6 =	vadd.s32 v36, v6  }
0x34: {  	v39 =	vmpcnt.ones.xlane vm8;
	vm8 =	veq.s32 v32, $0x2;
	v0 =	vadd.s32 v37, v0  }
0x35: {  	v41 =	vld [tilespmem:$0x60];
	v40 =	vmpcnt.ones.xlane vm8;
	vm8 =	veq.s32 v32, $0x3;
	v1 =	vadd.s32 v38, v1  }
0x36: {  	v42 =	vmpcnt.ones.xlane vm8;
	vm8 =	veq.s32 v32, $0x4;
	v3 =	vadd.s32 v39, v3  }
0x37: {  	v43 =	vmpcnt.ones.xlane vm8;
	vm8 =	veq.s32 v32, $0x5;
	v2 =	vadd.s32 v40, v2  }
0x38: {  	v44 =	vmpcnt.ones.xlane vm8;
	vm8 =	veq.s32 v32, $0x6;
	v5 =	vadd.s32 v42, v5  }
0x39: {  	v45 =	vmpcnt.ones.xlane vm8;
	vm8 =	veq.s32 v32, $0x7;
	v4 =	vadd.s32 v43, v4  }
0x3a: {  	v46 =	vmpcnt.ones.xlane vm8;
	vm8 =	veq.s32 v41, $0x0;
	v7 =	vadd.s32 v44, v7  }
0x3b: {  	v47 =	vmpcnt.ones.xlane vm8;
	vm8 =	veq.s32 v41, $0x1;
	v6 =	vadd.s32 v45, v6  }
0x3c: {  	v49 =	vld [tilespmem:$0x70];
	v48 =	vmpcnt.ones.xlane vm8;
	vm8 =	veq.s32 v41, $0x2;
	v0 =	vadd.s32 v46, v0  }
0x3d: {  	v50 =	vmpcnt.ones.xlane vm8;
	vm8 =	veq.s32 v41, $0x3;
	v1 =	vadd.s32 v47, v1  }
0x3e: {  	v51 =	vmpcnt.ones.xlane vm8;
	vm8 =	veq.s32 v41, $0x4;
	v3 =	vadd.s32 v48, v3  }
0x3f: {  	v52 =	vmpcnt.ones.xlane vm8;
	vm8 =	veq.s32 v41, $0x5;
	v2 =	vadd.s32 v50, v2  }
0x40: {  	v53 =	vmpcnt.ones.xlane vm8;
	vm8 =	veq.s32 v41, $0x6;
	v5 =	vadd.s32 v51, v5  }
0x41: {  	v54 =	vmpcnt.ones.xlane vm8;
	vm8 =	veq.s32 v49, $0x0;
	v4 =	vadd.s32 v52, v4  }
0x42: {  	v55 =	vmpcnt.ones.xlane vm8;
	vm8 =	veq.s32 v49, $0x1;
	v7 =	vadd.s32 v53, v7  }
0x43: {  	v56 =	vmpcnt.ones.xlane vm8;
	vm8 =	veq.s32 v49, $0x2;
	v6 =	vadd.s32 v54, v6  }
0x44: {  	v57 =	vmpcnt.ones.xlane vm8;
	vm8 =	veq.s32 v49, $0x3;
	v1 =	vadd.s32 v55, v1  }
0x45: {  	v58 =	vmpcnt.ones.xlane vm8;
	vm8 =	veq.s32 v49, $0x4;
	v3 =	vadd.s32 v56, v3  }
0x46: {  	v1 =	vnsel vm0, $0x0, v1;
	v59 =	vmpcnt.ones.xlane vm8;
	v2 =	vadd.s32 v57, v2  }
0x47: {  	vm8 =	veq.s32 v41, $0x7;
	v1 =	vsel vm1, v1, v3;
	v5 =	vadd.s32 v58, v5  }
0x48: {  	v60 =	vmpcnt.ones.xlane vm8;
	vm8 =	veq.s32 v49, $0x5;
	v1 =	vsel vm2, v1, v2  }
0x49: {  	v4 =	vadd.s32 v59, v4;
	v61 =	vmpcnt.ones.xlane vm8;
	vm8 =	veq.s32 v49, $0x6  }
0x4a: {  	v1 =	vsel vm3, v1, v5;
	v62 =	vmpcnt.ones.xlane vm8;
	vm8 =	veq.s32 v49, $0x7  }
0x4b: {  	v1 =	vsel vm4, v1, v4;
	v3 =	vadd.s32 v61, v7;
	v63 =	vmpcnt.ones.xlane vm8  }
0x4c: {  	v0 =	vadd.s32 v60, v0;
	v2 =	vadd.s32 v62, v6;
	v1 =	vsel vm5, v1, v3  }
0x4d: {  	v0 =	vadd.s32 v63, v0;
	v1 =	vsel vm6, v1, v2  }
0x4e: {  	p0 =	sne.s32 s5, $0x1;
	v0 =	vsel vm7, v1, v0  }
.Ltmp0:
0x4f: {  	[tilespmem:$0x80] =	vst v0;
	(pc) =	sbr.rel @p0 .LBB2_1-.Ltmp0, $4  }
0x50: {  	[hbm4b:s4+s2] =	stream.linear.scatter [tilespmem:s7], [sflag:$0x1], $0x80, $0x38;
	[tilespmem:$0x100] =	vst v63  }
0x51: {  	_ =	swait.ge [sflag:s6], $0x80  }
0x52: {  	[sflag:s6] =	ssyncset.done $0x0  }
0x53: {  	s5 =	sadd.s32 $0xFFFFFFFF, s5;
	[sflag:s6] =	ssyncadd.s32 $0xFFFFFF80  }
0x54: {  	_ =	sfence.sel $0x180000  }
0x55: {  	[bflag:$0x0] =	sbarrier.arrive $0xFFFF  }
0x56: {  	p0 =	sne.s32 s1, $0x0;
	_ =	strace $0x90000047  }
0x57: {  	s0 =	sadd.s32 @!p0 $0x100000, s0;
	[bflag:$0x2] =	sbarrier.arrive $0xFFFF  }
0x58: {  	[sflag:s0] =	ssyncadd.tile.s32 @!p0 $0x1;
	_ =	shalt  }
.Lfunc_end2:
_tile_overlayer_lowered:
.L_overlay_start_2:
0x59: {  	(tag) =	ssettag $0x2  }
0x5a: {  	s0 =	rddreg [dreg:$0x0];
	s2 =	stileid.u32  }
0x5b: {  	s1 =	rddreg [dreg:$0x1];
	p0 =	sne.s32 s2, $0x0  }
0x5c: {  	s3 =	rddreg [dreg:$0x2];
	[bflag:$0x3] =	sbarrier.arrive $0xFFFF;
	s2 =	simm.s32 @!p0 $0x1C01  }
0x5d: {  	[timem:s3], [sflag:s2] =	dma.local @!p0 [hbm:s0], s1  }
0x5e: {  	s0 =	simm.s32 @!p0 $0x1  }
0x5f: {  	_ =	swait.ge @!p0 [sflag:s0], s1  }
0x60: {  	s1 =	ssub.s32 @!p0 $0x0, s1;
	[sflag:s0] =	ssyncset.done @!p0 $0x0  }
0x61: {  	[sflag:s0] =	ssyncadd.s32 @!p0 s1  }
0x62: {  	[bflag:$0x3] =	sbarrier.arrive $0xFFFF  }
0x63: {  	_ =	shalt  }

</sc_bundles>
